<compile_context>
chip_gen: v7x
topology: tpu7x:2x2x1
jax: 0.10.2.dev20260603
libtpu: 0.0.44.dev20260713+nightly
codegen_flags: <defaults>
</compile_context>

<pallas_src>
import functools

import jax
import jax.numpy as jnp
from jax import lax
from jax.experimental import pallas as pl
from jax.experimental.pallas import tpu as pltpu
from jax.experimental.pallas import tpu_sc as plsc

N = 10000
E = 160000
D = 256
DH = 128
EPS = 1e-5

NC = 2
NS = 16
RQ = 624
EPSC = E // NS
CH = 128
EPW = E // (NC * NS)
NFULL_D = EPW // CH
TAIL_D = EPW - NFULL_D * CH
DEGW = 128

@functools.cache
def _get_mesh():
    return plsc.VectorSubcoreMesh(
        core_axis_name="c", subcore_axis_name="s", num_cores=NC, num_subcores=NS
    )


@functools.cache
def _deg_pass_built():
    return pl.kernel(
        _deg_body,
        mesh=_get_mesh(),
        out_type=jax.ShapeDtypeStruct((2 * N, DEGW), jnp.float32),
        scratch_types=[
            pltpu.VMEM((CH,), jnp.int32),
            pltpu.VMEM((CH,), jnp.int32),
            pltpu.VMEM((TAIL_D,), jnp.int32),
            pltpu.VMEM((CH, DEGW), jnp.float32),
            pltpu.VMEM((TAIL_D, DEGW), jnp.float32),
            pltpu.VMEM((16, DEGW), jnp.float32),
            pltpu.VMEM_SHARED((N, DEGW), jnp.float32),
            pltpu.SemaphoreType.DMA,
            pltpu.SemaphoreType.DMA,
            pltpu.SemaphoreType.DMA,
            pltpu.SemaphoreType.DMA,
        ],
    )


def _deg_body(dst_hbm, out_hbm, dst_pa, dst_pb, dst_t, ones_v, ones_t, zbuf, acc,
              sem_da, sem_db, sem_sa, sem_sb):
    c = lax.axis_index("c")
    s = lax.axis_index("s")

    def zfill(r, carry):
        for j in range(DEGW // 16):
            zbuf[r, pl.ds(j * 16, 16)] = jnp.zeros((16,), jnp.float32)
        return carry

    lax.fori_loop(0, 16, zfill, 0)

    def ofill(r, carry):
        for j in range(DEGW // 16):
            ones_v[r, pl.ds(j * 16, 16)] = jnp.full((16,), 1.0, jnp.float32)
        return carry

    lax.fori_loop(0, CH, ofill, 0)
    for r in range(TAIL_D):
        for j in range(DEGW // 16):
            ones_t[r, pl.ds(j * 16, 16)] = jnp.full((16,), 1.0, jnp.float32)

    row0 = pl.multiple_of(s * RQ, 8)
    nsteps = jnp.where(s == NS - 1, (N - (NS - 1) * RQ) // 16, RQ // 16)

    def zstep(t, carry):
        pltpu.sync_copy(zbuf, acc.at[pl.ds(row0 + t * 16, 16)])
        return carry

    lax.fori_loop(0, nsteps, zstep, 0)
    plsc.subcore_barrier()

    base0 = (s * NC + c) * EPW

    def dma_d(t, dstb, semd, issue):
        base = pl.multiple_of(base0 + t * CH, 8)
        if issue:
            pltpu.async_copy(dst_hbm.at[pl.ds(base, CH)], dstb, semd)
        else:
            pltpu.make_async_copy(dst_hbm.at[pl.ds(base, CH)], dstb, semd).wait()

    def dma_s(dstb, sems, issue):
        if issue:
            pltpu.async_copy(ones_v, acc.at[dstb], sems, add=True)
        else:
            pltpu.make_async_copy(ones_v, acc.at[dstb], sems).wait()

    dma_d(0, dst_pa, sem_da, True)
    dma_d(0, dst_pa, sem_da, False)
    dma_s(dst_pa, sem_sa, True)
    dma_d(1, dst_pb, sem_db, True)

    def pair(k, carry):
        tb = 2 * k + 1
        ta = 2 * k + 2
        dma_d(tb, dst_pb, sem_db, False)
        dma_s(dst_pa, sem_sa, False)
        dma_s(dst_pb, sem_sb, True)

        @pl.when(ta < NFULL_D)
        def _():
            dma_d(ta, dst_pa, sem_da, True)
            dma_d(ta, dst_pa, sem_da, False)

        dma_s(dst_pb, sem_sb, False)

        @pl.when(ta < NFULL_D)
        def _():
            dma_s(dst_pa, sem_sa, True)

            @pl.when(ta + 1 < NFULL_D)
            def _():
                dma_d(ta + 1, dst_pb, sem_db, True)

        return carry

    lax.fori_loop(0, NFULL_D // 2, pair, 0)
    dma_s(dst_pa, sem_sa, False)

    base = pl.multiple_of(base0 + NFULL_D * CH, 8)
    pltpu.sync_copy(dst_hbm.at[pl.ds(base, TAIL_D)], dst_t)
    pltpu.sync_copy(ones_t, acc.at[dst_t], add=True)
    plsc.subcore_barrier()
    pltpu.sync_copy(acc.at[pl.ds(row0, RQ)], out_hbm.at[pl.ds(c * N + row0, RQ)])

    @pl.when(s == NS - 1)
    def _():
        extra = NS * RQ
        nex = N - extra
        pltpu.sync_copy(acc.at[pl.ds(extra, nex)],
                        out_hbm.at[pl.ds(c * N + extra, nex)])


CHK = 80
NCHS = EPSC // CHK
NTRI = (NCHS - 2) // 3


@functools.cache
def _row_pass_built():
    return pl.kernel(
        _row_body,
        mesh=_get_mesh(),
        out_type=[
            jax.ShapeDtypeStruct((N, DH), jnp.float32),
            jax.ShapeDtypeStruct((N, DH), jnp.float32),
        ],
        scratch_types=[
            pltpu.VMEM((EPSC,), jnp.int32),
            pltpu.VMEM((CHK,), jnp.int32),
            pltpu.VMEM((CHK,), jnp.int32),
            pltpu.VMEM((CHK,), jnp.int32),
            pltpu.VMEM((CHK, DH), jnp.float32),
            pltpu.VMEM((CHK, DH), jnp.float32),
            pltpu.VMEM((CHK, DH), jnp.float32),
            pltpu.VMEM((16, DH), jnp.float32),
            pltpu.VMEM_SHARED((N, DH), jnp.float32),
            pltpu.SemaphoreType.DMA,
            pltpu.SemaphoreType.DMA,
            pltpu.SemaphoreType.DMA,
            pltpu.SemaphoreType.DMA,
            pltpu.SemaphoreType.DMA,
            pltpu.SemaphoreType.DMA,
        ],
    )


def _row_body(hws_a, hws_b, src_hbm, dst_hbm, out_a, out_b,
              src_v, dst_p0, dst_p1, dst_p2, rows_p0, rows_p1, rows_p2,
              zbuf, acc,
              sem_g0, sem_g1, sem_g2, sem_s0, sem_s1, sem_s2):
    c = lax.axis_index("c")
    s = lax.axis_index("s")

    def zfill(r, carry):
        for j in range(DH // 16):
            zbuf[r, pl.ds(j * 16, 16)] = jnp.zeros((16,), jnp.float32)
        return carry

    lax.fori_loop(0, 16, zfill, 0)
    row0 = pl.multiple_of(s * RQ, 8)
    nsteps = jnp.where(s == NS - 1, (N - (NS - 1) * RQ) // 16, RQ // 16)

    def zstep(t, carry):
        pltpu.sync_copy(zbuf, acc.at[pl.ds(row0 + t * 16, 16)])
        return carry

    lax.fori_loop(0, nsteps, zstep, 0)

    base_e = pl.multiple_of(s * EPSC, 8)
    pltpu.sync_copy(src_hbm.at[pl.ds(base_e, EPSC)], src_v)
    plsc.subcore_barrier()

    def run(hws_hbm, out_hbm):
        def dma_g(t, dstb, rows, semg, issue):
            off = pl.multiple_of(base_e + t * CHK, 8)
            idx = src_v.at[pl.ds(pl.multiple_of(t * CHK, 8), CHK)]
            if issue:
                pltpu.async_copy(dst_hbm.at[pl.ds(off, CHK)], dstb, semg)
                pltpu.async_copy(hws_hbm.at[idx], rows, semg)
            else:
                pltpu.make_async_copy(dst_hbm.at[pl.ds(off, CHK)], dstb, semg).wait()
                pltpu.make_async_copy(hws_hbm.at[idx], rows, semg).wait()

        def dma_s(dstb, rows, sems, issue):
            if issue:
                pltpu.async_copy(rows, acc.at[dstb], sems, add=True)
            else:
                pltpu.make_async_copy(rows, acc.at[dstb], sems).wait()

        bufs = ((dst_p0, rows_p0, sem_g0, sem_s0),
                (dst_p1, rows_p1, sem_g1, sem_s1),
                (dst_p2, rows_p2, sem_g2, sem_s2))

        def step(t, b, bprev):
            dma_g(t, b[0], b[1], b[2], False)
            dma_s(bprev[0], bprev[1], bprev[3], False)
            dma_s(b[0], b[1], b[3], True)

            @pl.when(t + 2 < NCHS)
            def _():
                dma_g(t + 2, bprev[0], bprev[1], bprev[2], True)

        dma_g(0, dst_p0, rows_p0, sem_g0, True)
        dma_g(1, dst_p1, rows_p1, sem_g1, True)
        dma_g(0, dst_p0, rows_p0, sem_g0, False)
        dma_s(dst_p0, rows_p0, sem_s0, True)
        dma_g(2, dst_p2, rows_p2, sem_g2, True)
        step(1, bufs[1], bufs[0])

        def tri(k, carry):
            t = 3 * k + 2
            step(t, bufs[2], bufs[1])
            step(t + 1, bufs[0], bufs[2])
            step(t + 2, bufs[1], bufs[0])
            return carry

        lax.fori_loop(0, NTRI, tri, 0)
        dma_s(dst_p1, rows_p1, sem_s1, False)
        plsc.subcore_barrier()
        pltpu.sync_copy(acc.at[pl.ds(row0, RQ)], out_hbm.at[pl.ds(row0, RQ)])

        @pl.when(s == NS - 1)
        def _():
            extra = NS * RQ
            nex = N - extra
            pltpu.sync_copy(acc.at[pl.ds(extra, nex)],
                            out_hbm.at[pl.ds(extra, nex)])

    @pl.when(c == 0)
    def _():
        run(hws_a, out_a)

    @pl.when(c == 1)
    def _():
        run(hws_b, out_b)


BN = 1000
GRID = N // BN
_CONTRACT = (((1,), (1,)), ((), ()))


def _mm(x, w):
    return lax.dot_general(x, w, _CONTRACT, preferred_element_type=jnp.float32)


def _tc_h0_body(x_ref, win_ref, bin_ref, h0_ref):
    h0_ref[...] = jnp.maximum(_mm(x_ref[...], win_ref[...]) + bin_ref[...], 0.0)


_tc_h0 = pl.pallas_call(
    _tc_h0_body,
    grid=(GRID,),
    in_specs=[
        pl.BlockSpec((BN, D), lambda i: (i, 0)),
        pl.BlockSpec((D, D), lambda i: (0, 0)),
        pl.BlockSpec((1, D), lambda i: (0, 0)),
    ],
    out_specs=pl.BlockSpec((BN, D), lambda i: (i, 0)),
    out_shape=jax.ShapeDtypeStruct((N, D), jnp.float32),
)


def _tc_scale_body(h0_ref, w1_ref, degp_ref, dinv_ref, hwsa_ref, hwsb_ref):
    dp = degp_ref[...]
    deg = dp[0][:, :1] + dp[1][:, :1] + 1.0
    dinv = lax.rsqrt(deg)
    hw = _mm(h0_ref[...], w1_ref[...])
    hws = hw * dinv
    dinv_ref[...] = jnp.broadcast_to(dinv, (BN, DH))
    hwsa_ref[...] = hws[:, :DH]
    hwsb_ref[...] = hws[:, DH:]


_tc_scale = pl.pallas_call(
    _tc_scale_body,
    grid=(GRID,),
    in_specs=[
        pl.BlockSpec((BN, D), lambda i: (i, 0)),
        pl.BlockSpec((D, D), lambda i: (0, 0)),
        pl.BlockSpec((2, BN, DEGW), lambda i: (0, i, 0)),
    ],
    out_specs=[
        pl.BlockSpec((BN, DH), lambda i: (i, 0)),
        pl.BlockSpec((BN, DH), lambda i: (i, 0)),
        pl.BlockSpec((BN, DH), lambda i: (i, 0)),
    ],
    out_shape=[
        jax.ShapeDtypeStruct((N, DH), jnp.float32),
        jax.ShapeDtypeStruct((N, DH), jnp.float32),
        jax.ShapeDtypeStruct((N, DH), jnp.float32),
    ],
)


def _layer_tail(sa, sb, hwsa, hwsb, dinv, hprev, bc, g, bl):
    conv = jnp.concatenate([sa + hwsa, sb + hwsb], axis=1) * dinv + bc
    t = hprev + jnp.maximum(conv, 0.0)
    mu = jnp.mean(t, axis=1, keepdims=True)
    var = jnp.mean((t - mu) ** 2, axis=1, keepdims=True)
    return (t - mu) * lax.rsqrt(var + EPS) * g + bl


def _tc_mid_body(sa_ref, sb_ref, hwsa_ref, hwsb_ref, dinv_ref, hprev_ref,
                 bc_ref, g_ref, bl_ref, w2_ref,
                 h1_ref, h2a_ref, h2b_ref):
    dinv = dinv_ref[...][:, :1]
    h1 = _layer_tail(sa_ref[...], sb_ref[...], hwsa_ref[...], hwsb_ref[...],
                     dinv, hprev_ref[...], bc_ref[...], g_ref[...], bl_ref[...])
    h1_ref[...] = h1
    hw2 = _mm(h1, w2_ref[...])
    hws2 = hw2 * dinv
    h2a_ref[...] = hws2[:, :DH]
    h2b_ref[...] = hws2[:, DH:]


_tc_mid = pl.pallas_call(
    _tc_mid_body,
    grid=(GRID,),
    in_specs=[
        pl.BlockSpec((BN, DH), lambda i: (i, 0)),
        pl.BlockSpec((BN, DH), lambda i: (i, 0)),
        pl.BlockSpec((BN, DH), lambda i: (i, 0)),
        pl.BlockSpec((BN, DH), lambda i: (i, 0)),
        pl.BlockSpec((BN, DH), lambda i: (i, 0)),
        pl.BlockSpec((BN, D), lambda i: (i, 0)),
        pl.BlockSpec((1, D), lambda i: (0, 0)),
        pl.BlockSpec((1, D), lambda i: (0, 0)),
        pl.BlockSpec((1, D), lambda i: (0, 0)),
        pl.BlockSpec((D, D), lambda i: (0, 0)),
    ],
    out_specs=[
        pl.BlockSpec((BN, D), lambda i: (i, 0)),
        pl.BlockSpec((BN, DH), lambda i: (i, 0)),
        pl.BlockSpec((BN, DH), lambda i: (i, 0)),
    ],
    out_shape=[
        jax.ShapeDtypeStruct((N, D), jnp.float32),
        jax.ShapeDtypeStruct((N, DH), jnp.float32),
        jax.ShapeDtypeStruct((N, DH), jnp.float32),
    ],
)


def _tc_fin_body(sa_ref, sb_ref, hwsa_ref, hwsb_ref, dinv_ref, hprev_ref,
                 bc_ref, g_ref, bl_ref, wo_ref, bo_ref, out_ref):
    dinv = dinv_ref[...][:, :1]
    h2 = _layer_tail(sa_ref[...], sb_ref[...], hwsa_ref[...], hwsb_ref[...],
                     dinv, hprev_ref[...], bc_ref[...], g_ref[...], bl_ref[...])
    out_ref[...] = _mm(h2, wo_ref[...]) + bo_ref[...]


_tc_fin = pl.pallas_call(
    _tc_fin_body,
    grid=(GRID,),
    in_specs=[
        pl.BlockSpec((BN, DH), lambda i: (i, 0)),
        pl.BlockSpec((BN, DH), lambda i: (i, 0)),
        pl.BlockSpec((BN, DH), lambda i: (i, 0)),
        pl.BlockSpec((BN, DH), lambda i: (i, 0)),
        pl.BlockSpec((BN, DH), lambda i: (i, 0)),
        pl.BlockSpec((BN, D), lambda i: (i, 0)),
        pl.BlockSpec((1, D), lambda i: (0, 0)),
        pl.BlockSpec((1, D), lambda i: (0, 0)),
        pl.BlockSpec((1, D), lambda i: (0, 0)),
        pl.BlockSpec((D, D), lambda i: (0, 0)),
        pl.BlockSpec((1, D), lambda i: (0, 0)),
    ],
    out_specs=pl.BlockSpec((BN, D), lambda i: (i, 0)),
    out_shape=jax.ShapeDtypeStruct((N, D), jnp.float32),
)


def kernel(x, edge_index, W_in, b_in, W_c1, b_c1, g_ln1, b_ln1,
           W_c2, b_c2, g_ln2, b_ln2, W_out, b_out):
    src = edge_index[0]
    dst = edge_index[1]

    degp = _deg_pass_built()(dst).reshape(2, N, DEGW)
    h0 = _tc_h0(x, W_in, b_in.reshape(1, D))
    dinv, hws1a, hws1b = _tc_scale(h0, W_c1, degp)
    s1a, s1b = _row_pass_built()(hws1a, hws1b, src, dst)
    h1, hws2a, hws2b = _tc_mid(
        s1a, s1b, hws1a, hws1b, dinv, h0,
        b_c1.reshape(1, D), g_ln1.reshape(1, D), b_ln1.reshape(1, D), W_c2)
    s2a, s2b = _row_pass_built()(hws2a, hws2b, src, dst)
    out = _tc_fin(
        s2a, s2b, hws2a, hws2b, dinv, h1,
        b_c2.reshape(1, D), g_ln2.reshape(1, D), b_ln2.reshape(1, D),
        W_out, b_out.reshape(1, D))
    return out

# --- scband reference (transcript-rebuilt; emitter-appended) ---
"""Pipeline reference for scband-gnnencoder-33062658245464 (READ-ONLY COPY).

The authoritative reference and input builder live on the scoring server;
editing this copy changes nothing except your own understanding.
"""

import jax, jax.numpy as jnp
import numpy as np

N = 10000
E = 160000
D_IN = 256
D_H = 256
D_OUT = 256
NUM_LAYERS = 2
EPS = 1e-5


def setup_inputs(seed: int = 0) -> dict:
    key = jax.random.key(seed)
    ks = jax.random.split(key, 16)
    x = jax.random.normal(ks[0], (N, D_IN), dtype=jnp.float32)
    edge_index = jax.random.randint(ks[1], (2, E), 0, N, dtype=jnp.int32)
    s_in = 1.0 / np.sqrt(D_IN)
    s_h = 1.0 / np.sqrt(D_H)
    inp = {
        "x": x,
        "edge_index": edge_index,
        "W_in": jax.random.uniform(ks[2], (D_H, D_IN), jnp.float32, -s_in, s_in),
        "b_in": jax.random.uniform(ks[3], (D_H,), jnp.float32, -s_in, s_in),
        "W_c1": jax.random.uniform(ks[4], (D_H, D_H), jnp.float32, -s_h, s_h),
        "b_c1": jax.random.uniform(ks[5], (D_H,), jnp.float32, -s_h, s_h),
        "g_ln1": jnp.ones((D_H,), jnp.float32),
        "b_ln1": jnp.zeros((D_H,), jnp.float32),
        "W_c2": jax.random.uniform(ks[6], (D_H, D_H), jnp.float32, -s_h, s_h),
        "b_c2": jax.random.uniform(ks[7], (D_H,), jnp.float32, -s_h, s_h),
        "g_ln2": jnp.ones((D_H,), jnp.float32),
        "b_ln2": jnp.zeros((D_H,), jnp.float32),
        "W_out": jax.random.uniform(ks[8], (D_OUT, D_H), jnp.float32, -s_h, s_h),
        "b_out": jax.random.uniform(ks[9], (D_OUT,), jnp.float32, -s_h, s_h),
    }
    return inp


def _gcn_conv(h, src, dst, W, b):
    # PyG-style GCNConv: add self-loops, symmetric deg^-1/2 normalization
    loop = jnp.arange(N, dtype=src.dtype)
    src_f = jnp.concatenate([src, loop])
    dst_f = jnp.concatenate([dst, loop])
    deg = jax.ops.segment_sum(jnp.ones_like(dst_f, dtype=jnp.float32), dst_f, num_segments=N)
    dinv = jnp.where(deg > 0, 1.0 / jnp.sqrt(jnp.maximum(deg, 1e-12)), 0.0)
    norm = dinv[src_f] * dinv[dst_f]
    hw = h @ W.T
    msg = hw[src_f] * norm[:, None]
    out = jax.ops.segment_sum(msg, dst_f, num_segments=N)
    return out + b


def _layer_norm(h, g, b):
    mu = jnp.mean(h, axis=-1, keepdims=True)
    var = jnp.mean((h - mu) ** 2, axis=-1, keepdims=True)
    return (h - mu) / jnp.sqrt(var + EPS) * g + b


def reference(x, edge_index, W_in, b_in, W_c1, b_c1, g_ln1, b_ln1, W_c2, b_c2, g_ln2, b_ln2, W_out, b_out):
    src = edge_index[0]
    dst = edge_index[1]
    h = jax.nn.relu(x @ W_in.T + b_in)
    # layer 1
    hc = jax.nn.relu(_gcn_conv(h, src, dst, W_c1, b_c1))
    h = h + hc
    h = _layer_norm(h, g_ln1, b_ln1)
    # layer 2
    hc = jax.nn.relu(_gcn_conv(h, src, dst, W_c2, b_c2))
    h = h + hc
    h = _layer_norm(h, g_ln2, b_ln2)
    out = h @ W_out.T + b_out
    return out

if __name__ == "__main__":
    import jax
    _d = setup_inputs()
    print(jax.jit(kernel)(*tuple(_d.values())))

</pallas_src>

<mosaic_0001>
#map = affine_map<(d0, d1) -> (0)>
#map1 = affine_map<(d0, d1) -> (0, 0)>
module attributes {stable_mosaic.version = 14 : i64} {
  func.func @_deg_body(%arg0: i32, %arg1: i32, %arg2: memref<160000xi32, #tpu.memory_space<hbm>>, %arg3: memref<20000x128xf32, #tpu.memory_space<hbm>>, %arg4: memref<128xi32, #tpu.memory_space<vmem>>, %arg5: memref<128xi32, #tpu.memory_space<vmem>>, %arg6: memref<8xi32, #tpu.memory_space<vmem>>, %arg7: memref<128x128xf32, #tpu.memory_space<vmem>>, %arg8: memref<8x128xf32, #tpu.memory_space<vmem>>, %arg9: memref<16x128xf32, #tpu.memory_space<vmem>>, %arg10: memref<10000x128xf32, #tpu.memory_space<vmem_shared>>, %arg11: memref<!tpu.dma_semaphore, #tpu.memory_space<semaphore_mem>>, %arg12: memref<!tpu.dma_semaphore, #tpu.memory_space<semaphore_mem>>, %arg13: memref<!tpu.dma_semaphore, #tpu.memory_space<semaphore_mem>>, %arg14: memref<!tpu.dma_semaphore, #tpu.memory_space<semaphore_mem>>) attributes {dimension_semantics = [#tpu.dimension_semantics<core_parallel>, #tpu.dimension_semantics<subcore_parallel>], iteration_bounds = array<i64: 2, 16>, scalar_prefetch = 0 : i64, scratch_operands = 11 : i64, tpu.core_type = #tpu.core_type<sc_vector_subcore>, window_params = [{transform_indices = #map}, {transform_indices = #map1}]} {
    %scan3A = arith.constant 0 : i32
    %scan3A_0 = arith.constant 0 : i32
    %scan3A_1 = arith.constant 16 : i32
    %scan3A_2 = arith.addi %scan3A_0, %scan3A_1 : i32
    %scan3A_3 = arith.constant 1 : i32
    scf.for %scan3A_572 = %scan3A_0 to %scan3A_2 step %scan3A_3  : i32 {
      %broadcast_in_dim3A_573 = arith.constant 0.000000e+00 : f32
      %broadcast_in_dim3A_574 = vector.broadcast %broadcast_in_dim3A_573 : f32 to vector<16xf32>
      %swap3A_575 = arith.index_cast %scan3A_572 : i32 to index
      %swap3A_576 = arith.constant 0 : index
      %swap3A_577 = tpu.vector_load %arg9[%swap3A_575, %swap3A_576] {strides = array<i32>} : memref<16x128xf32, #tpu.memory_space<vmem>>, vector<1x16xf32>,
      %swap3A_578 = vector.shape_cast %swap3A_577 : vector<1x16xf32> to vector<16xf32>
      %swap3A_579 = vector.shape_cast %broadcast_in_dim3A_574 : vector<16xf32> to vector<1x16xf32>
      tpu.vector_store %arg9[%swap3A_575, %swap3A_576], %swap3A_579 {strides = array<i32>} : memref<16x128xf32, #tpu.memory_space<vmem>>, vector<1x16xf32>,
      %broadcast_in_dim3A_580 = arith.constant 0.000000e+00 : f32
      %broadcast_in_dim3A_581 = vector.broadcast %broadcast_in_dim3A_580 : f32 to vector<16xf32>
      %swap3A_582 = arith.index_cast %scan3A_572 : i32 to index
      %swap3A_583 = arith.constant 16 : index
      %swap3A_584 = tpu.vector_load %arg9[%swap3A_582, %swap3A_583] {strides = array<i32>} : memref<16x128xf32, #tpu.memory_space<vmem>>, vector<1x16xf32>,
      %swap3A_585 = vector.shape_cast %swap3A_584 : vector<1x16xf32> to vector<16xf32>
      %swap3A_586 = vector.shape_cast %broadcast_in_dim3A_581 : vector<16xf32> to vector<1x16xf32>
      tpu.vector_store %arg9[%swap3A_582, %swap3A_583], %swap3A_586 {strides = array<i32>} : memref<16x128xf32, #tpu.memory_space<vmem>>, vector<1x16xf32>,
      %broadcast_in_dim3A_587 = arith.constant 0.000000e+00 : f32
      %broadcast_in_dim3A_588 = vector.broadcast %broadcast_in_dim3A_587 : f32 to vector<16xf32>
      %swap3A_589 = arith.index_cast %scan3A_572 : i32 to index
      %swap3A_590 = arith.constant 32 : index
      %swap3A_591 = tpu.vector_load %arg9[%swap3A_589, %swap3A_590] {strides = array<i32>} : memref<16x128xf32, #tpu.memory_space<vmem>>, vector<1x16xf32>,
      %swap3A_592 = vector.shape_cast %swap3A_591 : vector<1x16xf32> to vector<16xf32>
      %swap3A_593 = vector.shape_cast %broadcast_in_dim3A_588 : vector<16xf32> to vector<1x16xf32>
      tpu.vector_store %arg9[%swap3A_589, %swap3A_590], %swap3A_593 {strides = array<i32>} : memref<16x128xf32, #tpu.memory_space<vmem>>, vector<1x16xf32>,
      %broadcast_in_dim3A_594 = arith.constant 0.000000e+00 : f32
      %broadcast_in_dim3A_595 = vector.broadcast %broadcast_in_dim3A_594 : f32 to vector<16xf32>
      %swap3A_596 = arith.index_cast %scan3A_572 : i32 to index
      %swap3A_597 = arith.constant 48 : index
      %swap3A_598 = tpu.vector_load %arg9[%swap3A_596, %swap3A_597] {strides = array<i32>} : memref<16x128xf32, #tpu.memory_space<vmem>>, vector<1x16xf32>,
      %swap3A_599 = vector.shape_cast %swap3A_598 : vector<1x16xf32> to vector<16xf32>
      %swap3A_600 = vector.shape_cast %broadcast_in_dim3A_595 : vector<16xf32> to vector<1x16xf32>
      tpu.vector_store %arg9[%swap3A_596, %swap3A_597], %swap3A_600 {strides = array<i32>} : memref<16x128xf32, #tpu.memory_space<vmem>>, vector<1x16xf32>,
      %broadcast_in_dim3A_601 = arith.constant 0.000000e+00 : f32
      %broadcast_in_dim3A_602 = vector.broadcast %broadcast_in_dim3A_601 : f32 to vector<16xf32>
      %swap3A_603 = arith.index_cast %scan3A_572 : i32 to index
      %swap3A_604 = arith.constant 64 : index
      %swap3A_605 = tpu.vector_load %arg9[%swap3A_603, %swap3A_604] {strides = array<i32>} : memref<16x128xf32, #tpu.memory_space<vmem>>, vector<1x16xf32>,
      %swap3A_606 = vector.shape_cast %swap3A_605 : vector<1x16xf32> to vector<16xf32>
      %swap3A_607 = vector.shape_cast %broadcast_in_dim3A_602 : vector<16xf32> to vector<1x16xf32>
      tpu.vector_store %arg9[%swap3A_603, %swap3A_604], %swap3A_607 {strides = array<i32>} : memref<16x128xf32, #tpu.memory_space<vmem>>, vector<1x16xf32>,
      %broadcast_in_dim3A_608 = arith.constant 0.000000e+00 : f32
      %broadcast_in_dim3A_609 = vector.broadcast %broadcast_in_dim3A_608 : f32 to vector<16xf32>
      %swap3A_610 = arith.index_cast %scan3A_572 : i32 to index
      %swap3A_611 = arith.constant 80 : index
      %swap3A_612 = tpu.vector_load %arg9[%swap3A_610, %swap3A_611] {strides = array<i32>} : memref<16x128xf32, #tpu.memory_space<vmem>>, vector<1x16xf32>,
      %swap3A_613 = vector.shape_cast %swap3A_612 : vector<1x16xf32> to vector<16xf32>
      %swap3A_614 = vector.shape_cast %broadcast_in_dim3A_609 : vector<16xf32> to vector<1x16xf32>
      tpu.vector_store %arg9[%swap3A_610, %swap3A_611], %swap3A_614 {strides = array<i32>} : memref<16x128xf32, #tpu.memory_space<vmem>>, vector<1x16xf32>,
      %broadcast_in_dim3A_615 = arith.constant 0.000000e+00 : f32
      %broadcast_in_dim3A_616 = vector.broadcast %broadcast_in_dim3A_615 : f32 to vector<16xf32>
      %swap3A_617 = arith.index_cast %scan3A_572 : i32 to index
      %swap3A_618 = arith.constant 96 : index
      %swap3A_619 = tpu.vector_load %arg9[%swap3A_617, %swap3A_618] {strides = array<i32>} : memref<16x128xf32, #tpu.memory_space<vmem>>, vector<1x16xf32>,
      %swap3A_620 = vector.shape_cast %swap3A_619 : vector<1x16xf32> to vector<16xf32>
      %swap3A_621 = vector.shape_cast %broadcast_in_dim3A_616 : vector<16xf32> to vector<1x16xf32>
      tpu.vector_store %arg9[%swap3A_617, %swap3A_618], %swap3A_621 {strides = array<i32>} : memref<16x128xf32, #tpu.memory_space<vmem>>, vector<1x16xf32>,
      %broadcast_in_dim3A_622 = arith.constant 0.000000e+00 : f32
      %broadcast_in_dim3A_623 = vector.broadcast %broadcast_in_dim3A_622 : f32 to vector<16xf32>
      %swap3A_624 = arith.index_cast %scan3A_572 : i32 to index
      %swap3A_625 = arith.constant 112 : index
      %swap3A_626 = tpu.vector_load %arg9[%swap3A_624, %swap3A_625] {strides = array<i32>} : memref<16x128xf32, #tpu.memory_space<vmem>>, vector<1x16xf32>,
      %swap3A_627 = vector.shape_cast %swap3A_626 : vector<1x16xf32> to vector<16xf32>
      %swap3A_628 = vector.shape_cast %broadcast_in_dim3A_623 : vector<16xf32> to vector<1x16xf32>
      tpu.vector_store %arg9[%swap3A_624, %swap3A_625], %swap3A_628 {strides = array<i32>} : memref<16x128xf32, #tpu.memory_space<vmem>>, vector<1x16xf32>,
    }
    %scan3A_4 = arith.constant 16 : i32
    %scan3A_5 = arith.constant 0 : i32
    %scan3A_6 = arith.constant 0 : i32
    %scan3A_7 = arith.constant 128 : i32
    %scan3A_8 = arith.addi %scan3A_6, %scan3A_7 : i32
    %scan3A_9 = arith.constant 1 : i32
    scf.for %scan3A_572 = %scan3A_6 to %scan3A_8 step %scan3A_9  : i32 {
      %broadcast_in_dim3A_573 = arith.constant 1.000000e+00 : f32
      %broadcast_in_dim3A_574 = vector.broadcast %broadcast_in_dim3A_573 : f32 to vector<16xf32>
      %swap3A_575 = arith.index_cast %scan3A_572 : i32 to index
      %swap3A_576 = arith.constant 0 : index
      %swap3A_577 = tpu.vector_load %arg7[%swap3A_575, %swap3A_576] {strides = array<i32>} : memref<128x128xf32, #tpu.memory_space<vmem>>, vector<1x16xf32>,
      %swap3A_578 = vector.shape_cast %swap3A_577 : vector<1x16xf32> to vector<16xf32>
      %swap3A_579 = vector.shape_cast %broadcast_in_dim3A_574 : vector<16xf32> to vector<1x16xf32>
      tpu.vector_store %arg7[%swap3A_575, %swap3A_576], %swap3A_579 {strides = array<i32>} : memref<128x128xf32, #tpu.memory_space<vmem>>, vector<1x16xf32>,
      %broadcast_in_dim3A_580 = arith.constant 1.000000e+00 : f32
      %broadcast_in_dim3A_581 = vector.broadcast %broadcast_in_dim3A_580 : f32 to vector<16xf32>
      %swap3A_582 = arith.index_cast %scan3A_572 : i32 to index
      %swap3A_583 = arith.constant 16 : index
      %swap3A_584 = tpu.vector_load %arg7[%swap3A_582, %swap3A_583] {strides = array<i32>} : memref<128x128xf32, #tpu.memory_space<vmem>>, vector<1x16xf32>,
      %swap3A_585 = vector.shape_cast %swap3A_584 : vector<1x16xf32> to vector<16xf32>
      %swap3A_586 = vector.shape_cast %broadcast_in_dim3A_581 : vector<16xf32> to vector<1x16xf32>
      tpu.vector_store %arg7[%swap3A_582, %swap3A_583], %swap3A_586 {strides = array<i32>} : memref<128x128xf32, #tpu.memory_space<vmem>>, vector<1x16xf32>,
      %broadcast_in_dim3A_587 = arith.constant 1.000000e+00 : f32
      %broadcast_in_dim3A_588 = vector.broadcast %broadcast_in_dim3A_587 : f32 to vector<16xf32>
      %swap3A_589 = arith.index_cast %scan3A_572 : i32 to index
      %swap3A_590 = arith.constant 32 : index
      %swap3A_591 = tpu.vector_load %arg7[%swap3A_589, %swap3A_590] {strides = array<i32>} : memref<128x128xf32, #tpu.memory_space<vmem>>, vector<1x16xf32>,
      %swap3A_592 = vector.shape_cast %swap3A_591 : vector<1x16xf32> to vector<16xf32>
      %swap3A_593 = vector.shape_cast %broadcast_in_dim3A_588 : vector<16xf32> to vector<1x16xf32>
      tpu.vector_store %arg7[%swap3A_589, %swap3A_590], %swap3A_593 {strides = array<i32>} : memref<128x128xf32, #tpu.memory_space<vmem>>, vector<1x16xf32>,
      %broadcast_in_dim3A_594 = arith.constant 1.000000e+00 : f32
      %broadcast_in_dim3A_595 = vector.broadcast %broadcast_in_dim3A_594 : f32 to vector<16xf32>
      %swap3A_596 = arith.index_cast %scan3A_572 : i32 to index
      %swap3A_597 = arith.constant 48 : index
      %swap3A_598 = tpu.vector_load %arg7[%swap3A_596, %swap3A_597] {strides = array<i32>} : memref<128x128xf32, #tpu.memory_space<vmem>>, vector<1x16xf32>,
      %swap3A_599 = vector.shape_cast %swap3A_598 : vector<1x16xf32> to vector<16xf32>
      %swap3A_600 = vector.shape_cast %broadcast_in_dim3A_595 : vector<16xf32> to vector<1x16xf32>
      tpu.vector_store %arg7[%swap3A_596, %swap3A_597], %swap3A_600 {strides = array<i32>} : memref<128x128xf32, #tpu.memory_space<vmem>>, vector<1x16xf32>,
      %broadcast_in_dim3A_601 = arith.constant 1.000000e+00 : f32
      %broadcast_in_dim3A_602 = vector.broadcast %broadcast_in_dim3A_601 : f32 to vector<16xf32>
      %swap3A_603 = arith.index_cast %scan3A_572 : i32 to index
      %swap3A_604 = arith.constant 64 : index
      %swap3A_605 = tpu.vector_load %arg7[%swap3A_603, %swap3A_604] {strides = array<i32>} : memref<128x128xf32, #tpu.memory_space<vmem>>, vector<1x16xf32>,
      %swap3A_606 = vector.shape_cast %swap3A_605 : vector<1x16xf32> to vector<16xf32>
      %swap3A_607 = vector.shape_cast %broadcast_in_dim3A_602 : vector<16xf32> to vector<1x16xf32>
      tpu.vector_store %arg7[%swap3A_603, %swap3A_604], %swap3A_607 {strides = array<i32>} : memref<128x128xf32, #tpu.memory_space<vmem>>, vector<1x16xf32>,
      %broadcast_in_dim3A_608 = arith.constant 1.000000e+00 : f32
      %broadcast_in_dim3A_609 = vector.broadcast %broadcast_in_dim3A_608 : f32 to vector<16xf32>
      %swap3A_610 = arith.index_cast %scan3A_572 : i32 to index
      %swap3A_611 = arith.constant 80 : index
      %swap3A_612 = tpu.vector_load %arg7[%swap3A_610, %swap3A_611] {strides = array<i32>} : memref<128x128xf32, #tpu.memory_space<vmem>>, vector<1x16xf32>,
      %swap3A_613 = vector.shape_cast %swap3A_612 : vector<1x16xf32> to vector<16xf32>
      %swap3A_614 = vector.shape_cast %broadcast_in_dim3A_609 : vector<16xf32> to vector<1x16xf32>
      tpu.vector_store %arg7[%swap3A_610, %swap3A_611], %swap3A_614 {strides = array<i32>} : memref<128x128xf32, #tpu.memory_space<vmem>>, vector<1x16xf32>,
      %broadcast_in_dim3A_615 = arith.constant 1.000000e+00 : f32
      %broadcast_in_dim3A_616 = vector.broadcast %broadcast_in_dim3A_615 : f32 to vector<16xf32>
      %swap3A_617 = arith.index_cast %scan3A_572 : i32 to index
      %swap3A_618 = arith.constant 96 : index
      %swap3A_619 = tpu.vector_load %arg7[%swap3A_617, %swap3A_618] {strides = array<i32>} : memref<128x128xf32, #tpu.memory_space<vmem>>, vector<1x16xf32>,
      %swap3A_620 = vector.shape_cast %swap3A_619 : vector<1x16xf32> to vector<16xf32>
      %swap3A_621 = vector.shape_cast %broadcast_in_dim3A_616 : vector<16xf32> to vector<1x16xf32>
      tpu.vector_store %arg7[%swap3A_617, %swap3A_618], %swap3A_621 {strides = array<i32>} : memref<128x128xf32, #tpu.memory_space<vmem>>, vector<1x16xf32>,
      %broadcast_in_dim3A_622 = arith.constant 1.000000e+00 : f32
      %broadcast_in_dim3A_623 = vector.broadcast %broadcast_in_dim3A_622 : f32 to vector<16xf32>
      %swap3A_624 = arith.index_cast %scan3A_572 : i32 to index
      %swap3A_625 = arith.constant 112 : index
      %swap3A_626 = tpu.vector_load %arg7[%swap3A_624, %swap3A_625] {strides = array<i32>} : memref<128x128xf32, #tpu.memory_space<vmem>>, vector<1x16xf32>,
      %swap3A_627 = vector.shape_cast %swap3A_626 : vector<1x16xf32> to vector<16xf32>
      %swap3A_628 = vector.shape_cast %broadcast_in_dim3A_623 : vector<16xf32> to vector<1x16xf32>
      tpu.vector_store %arg7[%swap3A_624, %swap3A_625], %swap3A_628 {strides = array<i32>} : memref<128x128xf32, #tpu.memory_space<vmem>>, vector<1x16xf32>,
    }
    %scan3A_10 = arith.constant 128 : i32
    %broadcast_in_dim3A = arith.constant 1.000000e+00 : f32
    %broadcast_in_dim3A_11 = vector.broadcast %broadcast_in_dim3A : f32 to vector<16xf32>
    %swap3A = arith.constant 0 : i32
    %swap3A_12 = arith.index_cast %swap3A : i32 to index
    %swap3A_13 = arith.constant 0 : index
    %swap3A_14 = tpu.vector_load %arg8[%swap3A_12, %swap3A_13] {strides = array<i32>} : memref<8x128xf32, #tpu.memory_space<vmem>>, vector<1x16xf32>,
    %swap3A_15 = vector.shape_cast %swap3A_14 : vector<1x16xf32> to vector<16xf32>
    %swap3A_16 = vector.shape_cast %broadcast_in_dim3A_11 : vector<16xf32> to vector<1x16xf32>
    tpu.vector_store %arg8[%swap3A_12, %swap3A_13], %swap3A_16 {strides = array<i32>} : memref<8x128xf32, #tpu.memory_space<vmem>>, vector<1x16xf32>,
    %broadcast_in_dim3A_17 = arith.constant 1.000000e+00 : f32
    %broadcast_in_dim3A_18 = vector.broadcast %broadcast_in_dim3A_17 : f32 to vector<16xf32>
    %swap3A_19 = arith.constant 0 : i32
    %swap3A_20 = arith.index_cast %swap3A_19 : i32 to index
    %swap3A_21 = arith.constant 16 : index
    %swap3A_22 = tpu.vector_load %arg8[%swap3A_20, %swap3A_21] {strides = array<i32>} : memref<8x128xf32, #tpu.memory_space<vmem>>, vector<1x16xf32>,
    %swap3A_23 = vector.shape_cast %swap3A_22 : vector<1x16xf32> to vector<16xf32>
    %swap3A_24 = vector.shape_cast %broadcast_in_dim3A_18 : vector<16xf32> to vector<1x16xf32>
    tpu.vector_store %arg8[%swap3A_20, %swap3A_21], %swap3A_24 {strides = array<i32>} : memref<8x128xf32, #tpu.memory_space<vmem>>, vector<1x16xf32>,
    %broadcast_in_dim3A_25 = arith.constant 1.000000e+00 : f32
    %broadcast_in_dim3A_26 = vector.broadcast %broadcast_in_dim3A_25 : f32 to vector<16xf32>
    %swap3A_27 = arith.constant 0 : i32
    %swap3A_28 = arith.index_cast %swap3A_27 : i32 to index
    %swap3A_29 = arith.constant 32 : index
    %swap3A_30 = tpu.vector_load %arg8[%swap3A_28, %swap3A_29] {strides = array<i32>} : memref<8x128xf32, #tpu.memory_space<vmem>>, vector<1x16xf32>,
    %swap3A_31 = vector.shape_cast %swap3A_30 : vector<1x16xf32> to vector<16xf32>
    %swap3A_32 = vector.shape_cast %broadcast_in_dim3A_26 : vector<16xf32> to vector<1x16xf32>
    tpu.vector_store %arg8[%swap3A_28, %swap3A_29], %swap3A_32 {strides = array<i32>} : memref<8x128xf32, #tpu.memory_space<vmem>>, vector<1x16xf32>,
    %broadcast_in_dim3A_33 = arith.constant 1.000000e+00 : f32
    %broadcast_in_dim3A_34 = vector.broadcast %broadcast_in_dim3A_33 : f32 to vector<16xf32>
    %swap3A_35 = arith.constant 0 : i32
    %swap3A_36 = arith.index_cast %swap3A_35 : i32 to index
    %swap3A_37 = arith.constant 48 : index
    %swap3A_38 = tpu.vector_load %arg8[%swap3A_36, %swap3A_37] {strides = array<i32>} : memref<8x128xf32, #tpu.memory_space<vmem>>, vector<1x16xf32>,
    %swap3A_39 = vector.shape_cast %swap3A_38 : vector<1x16xf32> to vector<16xf32>
    %swap3A_40 = vector.shape_cast %broadcast_in_dim3A_34 : vector<16xf32> to vector<1x16xf32>
    tpu.vector_store %arg8[%swap3A_36, %swap3A_37], %swap3A_40 {strides = array<i32>} : memref<8x128xf32, #tpu.memory_space<vmem>>, vector<1x16xf32>,
    %broadcast_in_dim3A_41 = arith.constant 1.000000e+00 : f32
    %broadcast_in_dim3A_42 = vector.broadcast %broadcast_in_dim3A_41 : f32 to vector<16xf32>
    %swap3A_43 = arith.constant 0 : i32
    %swap3A_44 = arith.index_cast %swap3A_43 : i32 to index
    %swap3A_45 = arith.constant 64 : index
    %swap3A_46 = tpu.vector_load %arg8[%swap3A_44, %swap3A_45] {strides = array<i32>} : memref<8x128xf32, #tpu.memory_space<vmem>>, vector<1x16xf32>,
    %swap3A_47 = vector.shape_cast %swap3A_46 : vector<1x16xf32> to vector<16xf32>
    %swap3A_48 = vector.shape_cast %broadcast_in_dim3A_42 : vector<16xf32> to vector<1x16xf32>
    tpu.vector_store %arg8[%swap3A_44, %swap3A_45], %swap3A_48 {strides = array<i32>} : memref<8x128xf32, #tpu.memory_space<vmem>>, vector<1x16xf32>,
    %broadcast_in_dim3A_49 = arith.constant 1.000000e+00 : f32
    %broadcast_in_dim3A_50 = vector.broadcast %broadcast_in_dim3A_49 : f32 to vector<16xf32>
    %swap3A_51 = arith.constant 0 : i32
    %swap3A_52 = arith.index_cast %swap3A_51 : i32 to index
    %swap3A_53 = arith.constant 80 : index
    %swap3A_54 = tpu.vector_load %arg8[%swap3A_52, %swap3A_53] {strides = array<i32>} : memref<8x128xf32, #tpu.memory_space<vmem>>, vector<1x16xf32>,
    %swap3A_55 = vector.shape_cast %swap3A_54 : vector<1x16xf32> to vector<16xf32>
    %swap3A_56 = vector.shape_cast %broadcast_in_dim3A_50 : vector<16xf32> to vector<1x16xf32>
    tpu.vector_store %arg8[%swap3A_52, %swap3A_53], %swap3A_56 {strides = array<i32>} : memref<8x128xf32, #tpu.memory_space<vmem>>, vector<1x16xf32>,
    %broadcast_in_dim3A_57 = arith.constant 1.000000e+00 : f32
    %broadcast_in_dim3A_58 = vector.broadcast %broadcast_in_dim3A_57 : f32 to vector<16xf32>
    %swap3A_59 = arith.constant 0 : i32
    %swap3A_60 = arith.index_cast %swap3A_59 : i32 to index
    %swap3A_61 = arith.constant 96 : index
    %swap3A_62 = tpu.vector_load %arg8[%swap3A_60, %swap3A_61] {strides = array<i32>} : memref<8x128xf32, #tpu.memory_space<vmem>>, vector<1x16xf32>,
    %swap3A_63 = vector.shape_cast %swap3A_62 : vector<1x16xf32> to vector<16xf32>
    %swap3A_64 = vector.shape_cast %broadcast_in_dim3A_58 : vector<16xf32> to vector<1x16xf32>
    tpu.vector_store %arg8[%swap3A_60, %swap3A_61], %swap3A_64 {strides = array<i32>} : memref<8x128xf32, #tpu.memory_space<vmem>>, vector<1x16xf32>,
    %broadcast_in_dim3A_65 = arith.constant 1.000000e+00 : f32
    %broadcast_in_dim3A_66 = vector.broadcast %broadcast_in_dim3A_65 : f32 to vector<16xf32>
    %swap3A_67 = arith.constant 0 : i32
    %swap3A_68 = arith.index_cast %swap3A_67 : i32 to index
    %swap3A_69 = arith.constant 112 : index
    %swap3A_70 = tpu.vector_load %arg8[%swap3A_68, %swap3A_69] {strides = array<i32>} : memref<8x128xf32, #tpu.memory_space<vmem>>, vector<1x16xf32>,
    %swap3A_71 = vector.shape_cast %swap3A_70 : vector<1x16xf32> to vector<16xf32>
    %swap3A_72 = vector.shape_cast %broadcast_in_dim3A_66 : vector<16xf32> to vector<1x16xf32>
    tpu.vector_store %arg8[%swap3A_68, %swap3A_69], %swap3A_72 {strides = array<i32>} : memref<8x128xf32, #tpu.memory_space<vmem>>, vector<1x16xf32>,
    %broadcast_in_dim3A_73 = arith.constant 1.000000e+00 : f32
    %broadcast_in_dim3A_74 = vector.broadcast %broadcast_in_dim3A_73 : f32 to vector<16xf32>
    %swap3A_75 = arith.constant 1 : i32
    %swap3A_76 = arith.index_cast %swap3A_75 : i32 to index
    %swap3A_77 = arith.constant 0 : index
    %swap3A_78 = tpu.vector_load %arg8[%swap3A_76, %swap3A_77] {strides = array<i32>} : memref<8x128xf32, #tpu.memory_space<vmem>>, vector<1x16xf32>,
    %swap3A_79 = vector.shape_cast %swap3A_78 : vector<1x16xf32> to vector<16xf32>
    %swap3A_80 = vector.shape_cast %broadcast_in_dim3A_74 : vector<16xf32> to vector<1x16xf32>
    tpu.vector_store %arg8[%swap3A_76, %swap3A_77], %swap3A_80 {strides = array<i32>} : memref<8x128xf32, #tpu.memory_space<vmem>>, vector<1x16xf32>,
    %broadcast_in_dim3A_81 = arith.constant 1.000000e+00 : f32
    %broadcast_in_dim3A_82 = vector.broadcast %broadcast_in_dim3A_81 : f32 to vector<16xf32>
    %swap3A_83 = arith.constant 1 : i32
    %swap3A_84 = arith.index_cast %swap3A_83 : i32 to index
    %swap3A_85 = arith.constant 16 : index
    %swap3A_86 = tpu.vector_load %arg8[%swap3A_84, %swap3A_85] {strides = array<i32>} : memref<8x128xf32, #tpu.memory_space<vmem>>, vector<1x16xf32>,
    %swap3A_87 = vector.shape_cast %swap3A_86 : vector<1x16xf32> to vector<16xf32>
    %swap3A_88 = vector.shape_cast %broadcast_in_dim3A_82 : vector<16xf32> to vector<1x16xf32>
    tpu.vector_store %arg8[%swap3A_84, %swap3A_85], %swap3A_88 {strides = array<i32>} : memref<8x128xf32, #tpu.memory_space<vmem>>, vector<1x16xf32>,
    %broadcast_in_dim3A_89 = arith.constant 1.000000e+00 : f32
    %broadcast_in_dim3A_90 = vector.broadcast %broadcast_in_dim3A_89 : f32 to vector<16xf32>
    %swap3A_91 = arith.constant 1 : i32
    %swap3A_92 = arith.index_cast %swap3A_91 : i32 to index
    %swap3A_93 = arith.constant 32 : index
    %swap3A_94 = tpu.vector_load %arg8[%swap3A_92, %swap3A_93] {strides = array<i32>} : memref<8x128xf32, #tpu.memory_space<vmem>>, vector<1x16xf32>,
    %swap3A_95 = vector.shape_cast %swap3A_94 : vector<1x16xf32> to vector<16xf32>
    %swap3A_96 = vector.shape_cast %broadcast_in_dim3A_90 : vector<16xf32> to vector<1x16xf32>
    tpu.vector_store %arg8[%swap3A_92, %swap3A_93], %swap3A_96 {strides = array<i32>} : memref<8x128xf32, #tpu.memory_space<vmem>>, vector<1x16xf32>,
    %broadcast_in_dim3A_97 = arith.constant 1.000000e+00 : f32
    %broadcast_in_dim3A_98 = vector.broadcast %broadcast_in_dim3A_97 : f32 to vector<16xf32>
    %swap3A_99 = arith.constant 1 : i32
    %swap3A_100 = arith.index_cast %swap3A_99 : i32 to index
    %swap3A_101 = arith.constant 48 : index
    %swap3A_102 = tpu.vector_load %arg8[%swap3A_100, %swap3A_101] {strides = array<i32>} : memref<8x128xf32, #tpu.memory_space<vmem>>, vector<1x16xf32>,
    %swap3A_103 = vector.shape_cast %swap3A_102 : vector<1x16xf32> to vector<16xf32>
    %swap3A_104 = vector.shape_cast %broadcast_in_dim3A_98 : vector<16xf32> to vector<1x16xf32>
    tpu.vector_store %arg8[%swap3A_100, %swap3A_101], %swap3A_104 {strides = array<i32>} : memref<8x128xf32, #tpu.memory_space<vmem>>, vector<1x16xf32>,
    %broadcast_in_dim3A_105 = arith.constant 1.000000e+00 : f32
    %broadcast_in_dim3A_106 = vector.broadcast %broadcast_in_dim3A_105 : f32 to vector<16xf32>
    %swap3A_107 = arith.constant 1 : i32
    %swap3A_108 = arith.index_cast %swap3A_107 : i32 to index
    %swap3A_109 = arith.constant 64 : index
    %swap3A_110 = tpu.vector_load %arg8[%swap3A_108, %swap3A_109] {strides = array<i32>} : memref<8x128xf32, #tpu.memory_space<vmem>>, vector<1x16xf32>,
    %swap3A_111 = vector.shape_cast %swap3A_110 : vector<1x16xf32> to vector<16xf32>
    %swap3A_112 = vector.shape_cast %broadcast_in_dim3A_106 : vector<16xf32> to vector<1x16xf32>
    tpu.vector_store %arg8[%swap3A_108, %swap3A_109], %swap3A_112 {strides = array<i32>} : memref<8x128xf32, #tpu.memory_space<vmem>>, vector<1x16xf32>,
    %broadcast_in_dim3A_113 = arith.constant 1.000000e+00 : f32
    %broadcast_in_dim3A_114 = vector.broadcast %broadcast_in_dim3A_113 : f32 to vector<16xf32>
    %swap3A_115 = arith.constant 1 : i32
    %swap3A_116 = arith.index_cast %swap3A_115 : i32 to index
    %swap3A_117 = arith.constant 80 : index
    %swap3A_118 = tpu.vector_load %arg8[%swap3A_116, %swap3A_117] {strides = array<i32>} : memref<8x128xf32, #tpu.memory_space<vmem>>, vector<1x16xf32>,
    %swap3A_119 = vector.shape_cast %swap3A_118 : vector<1x16xf32> to vector<16xf32>
    %swap3A_120 = vector.shape_cast %broadcast_in_dim3A_114 : vector<16xf32> to vector<1x16xf32>
    tpu.vector_store %arg8[%swap3A_116, %swap3A_117], %swap3A_120 {strides = array<i32>} : memref<8x128xf32, #tpu.memory_space<vmem>>, vector<1x16xf32>,
    %broadcast_in_dim3A_121 = arith.constant 1.000000e+00 : f32
    %broadcast_in_dim3A_122 = vector.broadcast %broadcast_in_dim3A_121 : f32 to vector<16xf32>
    %swap3A_123 = arith.constant 1 : i32
    %swap3A_124 = arith.index_cast %swap3A_123 : i32 to index
    %swap3A_125 = arith.constant 96 : index
    %swap3A_126 = tpu.vector_load %arg8[%swap3A_124, %swap3A_125] {strides = array<i32>} : memref<8x128xf32, #tpu.memory_space<vmem>>, vector<1x16xf32>,
    %swap3A_127 = vector.shape_cast %swap3A_126 : vector<1x16xf32> to vector<16xf32>
    %swap3A_128 = vector.shape_cast %broadcast_in_dim3A_122 : vector<16xf32> to vector<1x16xf32>
    tpu.vector_store %arg8[%swap3A_124, %swap3A_125], %swap3A_128 {strides = array<i32>} : memref<8x128xf32, #tpu.memory_space<vmem>>, vector<1x16xf32>,
    %broadcast_in_dim3A_129 = arith.constant 1.000000e+00 : f32
    %broadcast_in_dim3A_130 = vector.broadcast %broadcast_in_dim3A_129 : f32 to vector<16xf32>
    %swap3A_131 = arith.constant 1 : i32
    %swap3A_132 = arith.index_cast %swap3A_131 : i32 to index
    %swap3A_133 = arith.constant 112 : index
    %swap3A_134 = tpu.vector_load %arg8[%swap3A_132, %swap3A_133] {strides = array<i32>} : memref<8x128xf32, #tpu.memory_space<vmem>>, vector<1x16xf32>,
    %swap3A_135 = vector.shape_cast %swap3A_134 : vector<1x16xf32> to vector<16xf32>
    %swap3A_136 = vector.shape_cast %broadcast_in_dim3A_130 : vector<16xf32> to vector<1x16xf32>
    tpu.vector_store %arg8[%swap3A_132, %swap3A_133], %swap3A_136 {strides = array<i32>} : memref<8x128xf32, #tpu.memory_space<vmem>>, vector<1x16xf32>,
    %broadcast_in_dim3A_137 = arith.constant 1.000000e+00 : f32
    %broadcast_in_dim3A_138 = vector.broadcast %broadcast_in_dim3A_137 : f32 to vector<16xf32>
    %swap3A_139 = arith.constant 2 : i32
    %swap3A_140 = arith.index_cast %swap3A_139 : i32 to index
    %swap3A_141 = arith.constant 0 : index
    %swap3A_142 = tpu.vector_load %arg8[%swap3A_140, %swap3A_141] {strides = array<i32>} : memref<8x128xf32, #tpu.memory_space<vmem>>, vector<1x16xf32>,
    %swap3A_143 = vector.shape_cast %swap3A_142 : vector<1x16xf32> to vector<16xf32>
    %swap3A_144 = vector.shape_cast %broadcast_in_dim3A_138 : vector<16xf32> to vector<1x16xf32>
    tpu.vector_store %arg8[%swap3A_140, %swap3A_141], %swap3A_144 {strides = array<i32>} : memref<8x128xf32, #tpu.memory_space<vmem>>, vector<1x16xf32>,
    %broadcast_in_dim3A_145 = arith.constant 1.000000e+00 : f32
    %broadcast_in_dim3A_146 = vector.broadcast %broadcast_in_dim3A_145 : f32 to vector<16xf32>
    %swap3A_147 = arith.constant 2 : i32
    %swap3A_148 = arith.index_cast %swap3A_147 : i32 to index
    %swap3A_149 = arith.constant 16 : index
    %swap3A_150 = tpu.vector_load %arg8[%swap3A_148, %swap3A_149] {strides = array<i32>} : memref<8x128xf32, #tpu.memory_space<vmem>>, vector<1x16xf32>,
    %swap3A_151 = vector.shape_cast %swap3A_150 : vector<1x16xf32> to vector<16xf32>
    %swap3A_152 = vector.shape_cast %broadcast_in_dim3A_146 : vector<16xf32> to vector<1x16xf32>
    tpu.vector_store %arg8[%swap3A_148, %swap3A_149], %swap3A_152 {strides = array<i32>} : memref<8x128xf32, #tpu.memory_space<vmem>>, vector<1x16xf32>,
    %broadcast_in_dim3A_153 = arith.constant 1.000000e+00 : f32
    %broadcast_in_dim3A_154 = vector.broadcast %broadcast_in_dim3A_153 : f32 to vector<16xf32>
    %swap3A_155 = arith.constant 2 : i32
    %swap3A_156 = arith.index_cast %swap3A_155 : i32 to index
    %swap3A_157 = arith.constant 32 : index
    %swap3A_158 = tpu.vector_load %arg8[%swap3A_156, %swap3A_157] {strides = array<i32>} : memref<8x128xf32, #tpu.memory_space<vmem>>, vector<1x16xf32>,
    %swap3A_159 = vector.shape_cast %swap3A_158 : vector<1x16xf32> to vector<16xf32>
    %swap3A_160 = vector.shape_cast %broadcast_in_dim3A_154 : vector<16xf32> to vector<1x16xf32>
    tpu.vector_store %arg8[%swap3A_156, %swap3A_157], %swap3A_160 {strides = array<i32>} : memref<8x128xf32, #tpu.memory_space<vmem>>, vector<1x16xf32>,
    %broadcast_in_dim3A_161 = arith.constant 1.000000e+00 : f32
    %broadcast_in_dim3A_162 = vector.broadcast %broadcast_in_dim3A_161 : f32 to vector<16xf32>
    %swap3A_163 = arith.constant 2 : i32
    %swap3A_164 = arith.index_cast %swap3A_163 : i32 to index
    %swap3A_165 = arith.constant 48 : index
    %swap3A_166 = tpu.vector_load %arg8[%swap3A_164, %swap3A_165] {strides = array<i32>} : memref<8x128xf32, #tpu.memory_space<vmem>>, vector<1x16xf32>,
    %swap3A_167 = vector.shape_cast %swap3A_166 : vector<1x16xf32> to vector<16xf32>
    %swap3A_168 = vector.shape_cast %broadcast_in_dim3A_162 : vector<16xf32> to vector<1x16xf32>
    tpu.vector_store %arg8[%swap3A_164, %swap3A_165], %swap3A_168 {strides = array<i32>} : memref<8x128xf32, #tpu.memory_space<vmem>>, vector<1x16xf32>,
    %broadcast_in_dim3A_169 = arith.constant 1.000000e+00 : f32
    %broadcast_in_dim3A_170 = vector.broadcast %broadcast_in_dim3A_169 : f32 to vector<16xf32>
    %swap3A_171 = arith.constant 2 : i32
    %swap3A_172 = arith.index_cast %swap3A_171 : i32 to index
    %swap3A_173 = arith.constant 64 : index
    %swap3A_174 = tpu.vector_load %arg8[%swap3A_172, %swap3A_173] {strides = array<i32>} : memref<8x128xf32, #tpu.memory_space<vmem>>, vector<1x16xf32>,
    %swap3A_175 = vector.shape_cast %swap3A_174 : vector<1x16xf32> to vector<16xf32>
    %swap3A_176 = vector.shape_cast %broadcast_in_dim3A_170 : vector<16xf32> to vector<1x16xf32>
    tpu.vector_store %arg8[%swap3A_172, %swap3A_173], %swap3A_176 {strides = array<i32>} : memref<8x128xf32, #tpu.memory_space<vmem>>, vector<1x16xf32>,
    %broadcast_in_dim3A_177 = arith.constant 1.000000e+00 : f32
    %broadcast_in_dim3A_178 = vector.broadcast %broadcast_in_dim3A_177 : f32 to vector<16xf32>
    %swap3A_179 = arith.constant 2 : i32
    %swap3A_180 = arith.index_cast %swap3A_179 : i32 to index
    %swap3A_181 = arith.constant 80 : index
    %swap3A_182 = tpu.vector_load %arg8[%swap3A_180, %swap3A_181] {strides = array<i32>} : memref<8x128xf32, #tpu.memory_space<vmem>>, vector<1x16xf32>,
    %swap3A_183 = vector.shape_cast %swap3A_182 : vector<1x16xf32> to vector<16xf32>
    %swap3A_184 = vector.shape_cast %broadcast_in_dim3A_178 : vector<16xf32> to vector<1x16xf32>
    tpu.vector_store %arg8[%swap3A_180, %swap3A_181], %swap3A_184 {strides = array<i32>} : memref<8x128xf32, #tpu.memory_space<vmem>>, vector<1x16xf32>,
    %broadcast_in_dim3A_185 = arith.constant 1.000000e+00 : f32
    %broadcast_in_dim3A_186 = vector.broadcast %broadcast_in_dim3A_185 : f32 to vector<16xf32>
    %swap3A_187 = arith.constant 2 : i32
    %swap3A_188 = arith.index_cast %swap3A_187 : i32 to index
    %swap3A_189 = arith.constant 96 : index
    %swap3A_190 = tpu.vector_load %arg8[%swap3A_188, %swap3A_189] {strides = array<i32>} : memref<8x128xf32, #tpu.memory_space<vmem>>, vector<1x16xf32>,
    %swap3A_191 = vector.shape_cast %swap3A_190 : vector<1x16xf32> to vector<16xf32>
    %swap3A_192 = vector.shape_cast %broadcast_in_dim3A_186 : vector<16xf32> to vector<1x16xf32>
    tpu.vector_store %arg8[%swap3A_188, %swap3A_189], %swap3A_192 {strides = array<i32>} : memref<8x128xf32, #tpu.memory_space<vmem>>, vector<1x16xf32>,
    %broadcast_in_dim3A_193 = arith.constant 1.000000e+00 : f32
    %broadcast_in_dim3A_194 = vector.broadcast %broadcast_in_dim3A_193 : f32 to vector<16xf32>
    %swap3A_195 = arith.constant 2 : i32
    %swap3A_196 = arith.index_cast %swap3A_195 : i32 to index
    %swap3A_197 = arith.constant 112 : index
    %swap3A_198 = tpu.vector_load %arg8[%swap3A_196, %swap3A_197] {strides = array<i32>} : memref<8x128xf32, #tpu.memory_space<vmem>>, vector<1x16xf32>,
    %swap3A_199 = vector.shape_cast %swap3A_198 : vector<1x16xf32> to vector<16xf32>
    %swap3A_200 = vector.shape_cast %broadcast_in_dim3A_194 : vector<16xf32> to vector<1x16xf32>
    tpu.vector_store %arg8[%swap3A_196, %swap3A_197], %swap3A_200 {strides = array<i32>} : memref<8x128xf32, #tpu.memory_space<vmem>>, vector<1x16xf32>,
    %broadcast_in_dim3A_201 = arith.constant 1.000000e+00 : f32
    %broadcast_in_dim3A_202 = vector.broadcast %broadcast_in_dim3A_201 : f32 to vector<16xf32>
    %swap3A_203 = arith.constant 3 : i32
    %swap3A_204 = arith.index_cast %swap3A_203 : i32 to index
    %swap3A_205 = arith.constant 0 : index
    %swap3A_206 = tpu.vector_load %arg8[%swap3A_204, %swap3A_205] {strides = array<i32>} : memref<8x128xf32, #tpu.memory_space<vmem>>, vector<1x16xf32>,
    %swap3A_207 = vector.shape_cast %swap3A_206 : vector<1x16xf32> to vector<16xf32>
    %swap3A_208 = vector.shape_cast %broadcast_in_dim3A_202 : vector<16xf32> to vector<1x16xf32>
    tpu.vector_store %arg8[%swap3A_204, %swap3A_205], %swap3A_208 {strides = array<i32>} : memref<8x128xf32, #tpu.memory_space<vmem>>, vector<1x16xf32>,
    %broadcast_in_dim3A_209 = arith.constant 1.000000e+00 : f32
    %broadcast_in_dim3A_210 = vector.broadcast %broadcast_in_dim3A_209 : f32 to vector<16xf32>
    %swap3A_211 = arith.constant 3 : i32
    %swap3A_212 = arith.index_cast %swap3A_211 : i32 to index
    %swap3A_213 = arith.constant 16 : index
    %swap3A_214 = tpu.vector_load %arg8[%swap3A_212, %swap3A_213] {strides = array<i32>} : memref<8x128xf32, #tpu.memory_space<vmem>>, vector<1x16xf32>,
    %swap3A_215 = vector.shape_cast %swap3A_214 : vector<1x16xf32> to vector<16xf32>
    %swap3A_216 = vector.shape_cast %broadcast_in_dim3A_210 : vector<16xf32> to vector<1x16xf32>
    tpu.vector_store %arg8[%swap3A_212, %swap3A_213], %swap3A_216 {strides = array<i32>} : memref<8x128xf32, #tpu.memory_space<vmem>>, vector<1x16xf32>,
    %broadcast_in_dim3A_217 = arith.constant 1.000000e+00 : f32
    %broadcast_in_dim3A_218 = vector.broadcast %broadcast_in_dim3A_217 : f32 to vector<16xf32>
    %swap3A_219 = arith.constant 3 : i32
    %swap3A_220 = arith.index_cast %swap3A_219 : i32 to index
    %swap3A_221 = arith.constant 32 : index
    %swap3A_222 = tpu.vector_load %arg8[%swap3A_220, %swap3A_221] {strides = array<i32>} : memref<8x128xf32, #tpu.memory_space<vmem>>, vector<1x16xf32>,
    %swap3A_223 = vector.shape_cast %swap3A_222 : vector<1x16xf32> to vector<16xf32>
    %swap3A_224 = vector.shape_cast %broadcast_in_dim3A_218 : vector<16xf32> to vector<1x16xf32>
    tpu.vector_store %arg8[%swap3A_220, %swap3A_221], %swap3A_224 {strides = array<i32>} : memref<8x128xf32, #tpu.memory_space<vmem>>, vector<1x16xf32>,
    %broadcast_in_dim3A_225 = arith.constant 1.000000e+00 : f32
    %broadcast_in_dim3A_226 = vector.broadcast %broadcast_in_dim3A_225 : f32 to vector<16xf32>
    %swap3A_227 = arith.constant 3 : i32
    %swap3A_228 = arith.index_cast %swap3A_227 : i32 to index
    %swap3A_229 = arith.constant 48 : index
    %swap3A_230 = tpu.vector_load %arg8[%swap3A_228, %swap3A_229] {strides = array<i32>} : memref<8x128xf32, #tpu.memory_space<vmem>>, vector<1x16xf32>,
    %swap3A_231 = vector.shape_cast %swap3A_230 : vector<1x16xf32> to vector<16xf32>
    %swap3A_232 = vector.shape_cast %broadcast_in_dim3A_226 : vector<16xf32> to vector<1x16xf32>
    tpu.vector_store %arg8[%swap3A_228, %swap3A_229], %swap3A_232 {strides = array<i32>} : memref<8x128xf32, #tpu.memory_space<vmem>>, vector<1x16xf32>,
    %broadcast_in_dim3A_233 = arith.constant 1.000000e+00 : f32
    %broadcast_in_dim3A_234 = vector.broadcast %broadcast_in_dim3A_233 : f32 to vector<16xf32>
    %swap3A_235 = arith.constant 3 : i32
    %swap3A_236 = arith.index_cast %swap3A_235 : i32 to index
    %swap3A_237 = arith.constant 64 : index
    %swap3A_238 = tpu.vector_load %arg8[%swap3A_236, %swap3A_237] {strides = array<i32>} : memref<8x128xf32, #tpu.memory_space<vmem>>, vector<1x16xf32>,
    %swap3A_239 = vector.shape_cast %swap3A_238 : vector<1x16xf32> to vector<16xf32>
    %swap3A_240 = vector.shape_cast %broadcast_in_dim3A_234 : vector<16xf32> to vector<1x16xf32>
    tpu.vector_store %arg8[%swap3A_236, %swap3A_237], %swap3A_240 {strides = array<i32>} : memref<8x128xf32, #tpu.memory_space<vmem>>, vector<1x16xf32>,
    %broadcast_in_dim3A_241 = arith.constant 1.000000e+00 : f32
    %broadcast_in_dim3A_242 = vector.broadcast %broadcast_in_dim3A_241 : f32 to vector<16xf32>
    %swap3A_243 = arith.constant 3 : i32
    %swap3A_244 = arith.index_cast %swap3A_243 : i32 to index
    %swap3A_245 = arith.constant 80 : index
    %swap3A_246 = tpu.vector_load %arg8[%swap3A_244, %swap3A_245] {strides = array<i32>} : memref<8x128xf32, #tpu.memory_space<vmem>>, vector<1x16xf32>,
    %swap3A_247 = vector.shape_cast %swap3A_246 : vector<1x16xf32> to vector<16xf32>
    %swap3A_248 = vector.shape_cast %broadcast_in_dim3A_242 : vector<16xf32> to vector<1x16xf32>
    tpu.vector_store %arg8[%swap3A_244, %swap3A_245], %swap3A_248 {strides = array<i32>} : memref<8x128xf32, #tpu.memory_space<vmem>>, vector<1x16xf32>,
    %broadcast_in_dim3A_249 = arith.constant 1.000000e+00 : f32
    %broadcast_in_dim3A_250 = vector.broadcast %broadcast_in_dim3A_249 : f32 to vector<16xf32>
    %swap3A_251 = arith.constant 3 : i32
    %swap3A_252 = arith.index_cast %swap3A_251 : i32 to index
    %swap3A_253 = arith.constant 96 : index
    %swap3A_254 = tpu.vector_load %arg8[%swap3A_252, %swap3A_253] {strides = array<i32>} : memref<8x128xf32, #tpu.memory_space<vmem>>, vector<1x16xf32>,
    %swap3A_255 = vector.shape_cast %swap3A_254 : vector<1x16xf32> to vector<16xf32>
    %swap3A_256 = vector.shape_cast %broadcast_in_dim3A_250 : vector<16xf32> to vector<1x16xf32>
    tpu.vector_store %arg8[%swap3A_252, %swap3A_253], %swap3A_256 {strides = array<i32>} : memref<8x128xf32, #tpu.memory_space<vmem>>, vector<1x16xf32>,
    %broadcast_in_dim3A_257 = arith.constant 1.000000e+00 : f32
    %broadcast_in_dim3A_258 = vector.broadcast %broadcast_in_dim3A_257 : f32 to vector<16xf32>
    %swap3A_259 = arith.constant 3 : i32
    %swap3A_260 = arith.index_cast %swap3A_259 : i32 to index
    %swap3A_261 = arith.constant 112 : index
    %swap3A_262 = tpu.vector_load %arg8[%swap3A_260, %swap3A_261] {strides = array<i32>} : memref<8x128xf32, #tpu.memory_space<vmem>>, vector<1x16xf32>,
    %swap3A_263 = vector.shape_cast %swap3A_262 : vector<1x16xf32> to vector<16xf32>
    %swap3A_264 = vector.shape_cast %broadcast_in_dim3A_258 : vector<16xf32> to vector<1x16xf32>
    tpu.vector_store %arg8[%swap3A_260, %swap3A_261], %swap3A_264 {strides = array<i32>} : memref<8x128xf32, #tpu.memory_space<vmem>>, vector<1x16xf32>,
    %broadcast_in_dim3A_265 = arith.constant 1.000000e+00 : f32
    %broadcast_in_dim3A_266 = vector.broadcast %broadcast_in_dim3A_265 : f32 to vector<16xf32>
    %swap3A_267 = arith.constant 4 : i32
    %swap3A_268 = arith.index_cast %swap3A_267 : i32 to index
    %swap3A_269 = arith.constant 0 : index
    %swap3A_270 = tpu.vector_load %arg8[%swap3A_268, %swap3A_269] {strides = array<i32>} : memref<8x128xf32, #tpu.memory_space<vmem>>, vector<1x16xf32>,
    %swap3A_271 = vector.shape_cast %swap3A_270 : vector<1x16xf32> to vector<16xf32>
    %swap3A_272 = vector.shape_cast %broadcast_in_dim3A_266 : vector<16xf32> to vector<1x16xf32>
    tpu.vector_store %arg8[%swap3A_268, %swap3A_269], %swap3A_272 {strides = array<i32>} : memref<8x128xf32, #tpu.memory_space<vmem>>, vector<1x16xf32>,
    %broadcast_in_dim3A_273 = arith.constant 1.000000e+00 : f32
    %broadcast_in_dim3A_274 = vector.broadcast %broadcast_in_dim3A_273 : f32 to vector<16xf32>
    %swap3A_275 = arith.constant 4 : i32
    %swap3A_276 = arith.index_cast %swap3A_275 : i32 to index
    %swap3A_277 = arith.constant 16 : index
    %swap3A_278 = tpu.vector_load %arg8[%swap3A_276, %swap3A_277] {strides = array<i32>} : memref<8x128xf32, #tpu.memory_space<vmem>>, vector<1x16xf32>,
    %swap3A_279 = vector.shape_cast %swap3A_278 : vector<1x16xf32> to vector<16xf32>
    %swap3A_280 = vector.shape_cast %broadcast_in_dim3A_274 : vector<16xf32> to vector<1x16xf32>
    tpu.vector_store %arg8[%swap3A_276, %swap3A_277], %swap3A_280 {strides = array<i32>} : memref<8x128xf32, #tpu.memory_space<vmem>>, vector<1x16xf32>,
    %broadcast_in_dim3A_281 = arith.constant 1.000000e+00 : f32
    %broadcast_in_dim3A_282 = vector.broadcast %broadcast_in_dim3A_281 : f32 to vector<16xf32>
    %swap3A_283 = arith.constant 4 : i32
    %swap3A_284 = arith.index_cast %swap3A_283 : i32 to index
    %swap3A_285 = arith.constant 32 : index
    %swap3A_286 = tpu.vector_load %arg8[%swap3A_284, %swap3A_285] {strides = array<i32>} : memref<8x128xf32, #tpu.memory_space<vmem>>, vector<1x16xf32>,
    %swap3A_287 = vector.shape_cast %swap3A_286 : vector<1x16xf32> to vector<16xf32>
    %swap3A_288 = vector.shape_cast %broadcast_in_dim3A_282 : vector<16xf32> to vector<1x16xf32>
    tpu.vector_store %arg8[%swap3A_284, %swap3A_285], %swap3A_288 {strides = array<i32>} : memref<8x128xf32, #tpu.memory_space<vmem>>, vector<1x16xf32>,
    %broadcast_in_dim3A_289 = arith.constant 1.000000e+00 : f32
    %broadcast_in_dim3A_290 = vector.broadcast %broadcast_in_dim3A_289 : f32 to vector<16xf32>
    %swap3A_291 = arith.constant 4 : i32
    %swap3A_292 = arith.index_cast %swap3A_291 : i32 to index
    %swap3A_293 = arith.constant 48 : index
    %swap3A_294 = tpu.vector_load %arg8[%swap3A_292, %swap3A_293] {strides = array<i32>} : memref<8x128xf32, #tpu.memory_space<vmem>>, vector<1x16xf32>,
    %swap3A_295 = vector.shape_cast %swap3A_294 : vector<1x16xf32> to vector<16xf32>
    %swap3A_296 = vector.shape_cast %broadcast_in_dim3A_290 : vector<16xf32> to vector<1x16xf32>
    tpu.vector_store %arg8[%swap3A_292, %swap3A_293], %swap3A_296 {strides = array<i32>} : memref<8x128xf32, #tpu.memory_space<vmem>>, vector<1x16xf32>,
    %broadcast_in_dim3A_297 = arith.constant 1.000000e+00 : f32
    %broadcast_in_dim3A_298 = vector.broadcast %broadcast_in_dim3A_297 : f32 to vector<16xf32>
    %swap3A_299 = arith.constant 4 : i32
    %swap3A_300 = arith.index_cast %swap3A_299 : i32 to index
    %swap3A_301 = arith.constant 64 : index
    %swap3A_302 = tpu.vector_load %arg8[%swap3A_300, %swap3A_301] {strides = array<i32>} : memref<8x128xf32, #tpu.memory_space<vmem>>, vector<1x16xf32>,
    %swap3A_303 = vector.shape_cast %swap3A_302 : vector<1x16xf32> to vector<16xf32>
    %swap3A_304 = vector.shape_cast %broadcast_in_dim3A_298 : vector<16xf32> to vector<1x16xf32>
    tpu.vector_store %arg8[%swap3A_300, %swap3A_301], %swap3A_304 {strides = array<i32>} : memref<8x128xf32, #tpu.memory_space<vmem>>, vector<1x16xf32>,
    %broadcast_in_dim3A_305 = arith.constant 1.000000e+00 : f32
    %broadcast_in_dim3A_306 = vector.broadcast %broadcast_in_dim3A_305 : f32 to vector<16xf32>
    %swap3A_307 = arith.constant 4 : i32
    %swap3A_308 = arith.index_cast %swap3A_307 : i32 to index
    %swap3A_309 = arith.constant 80 : index
    %swap3A_310 = tpu.vector_load %arg8[%swap3A_308, %swap3A_309] {strides = array<i32>} : memref<8x128xf32, #tpu.memory_space<vmem>>, vector<1x16xf32>,
    %swap3A_311 = vector.shape_cast %swap3A_310 : vector<1x16xf32> to vector<16xf32>
    %swap3A_312 = vector.shape_cast %broadcast_in_dim3A_306 : vector<16xf32> to vector<1x16xf32>
    tpu.vector_store %arg8[%swap3A_308, %swap3A_309], %swap3A_312 {strides = array<i32>} : memref<8x128xf32, #tpu.memory_space<vmem>>, vector<1x16xf32>,
    %broadcast_in_dim3A_313 = arith.constant 1.000000e+00 : f32
    %broadcast_in_dim3A_314 = vector.broadcast %broadcast_in_dim3A_313 : f32 to vector<16xf32>
    %swap3A_315 = arith.constant 4 : i32
    %swap3A_316 = arith.index_cast %swap3A_315 : i32 to index
    %swap3A_317 = arith.constant 96 : index
    %swap3A_318 = tpu.vector_load %arg8[%swap3A_316, %swap3A_317] {strides = array<i32>} : memref<8x128xf32, #tpu.memory_space<vmem>>, vector<1x16xf32>,
    %swap3A_319 = vector.shape_cast %swap3A_318 : vector<1x16xf32> to vector<16xf32>
    %swap3A_320 = vector.shape_cast %broadcast_in_dim3A_314 : vector<16xf32> to vector<1x16xf32>
    tpu.vector_store %arg8[%swap3A_316, %swap3A_317], %swap3A_320 {strides = array<i32>} : memref<8x128xf32, #tpu.memory_space<vmem>>, vector<1x16xf32>,
    %broadcast_in_dim3A_321 = arith.constant 1.000000e+00 : f32
    %broadcast_in_dim3A_322 = vector.broadcast %broadcast_in_dim3A_321 : f32 to vector<16xf32>
    %swap3A_323 = arith.constant 4 : i32
    %swap3A_324 = arith.index_cast %swap3A_323 : i32 to index
    %swap3A_325 = arith.constant 112 : index
    %swap3A_326 = tpu.vector_load %arg8[%swap3A_324, %swap3A_325] {strides = array<i32>} : memref<8x128xf32, #tpu.memory_space<vmem>>, vector<1x16xf32>,
    %swap3A_327 = vector.shape_cast %swap3A_326 : vector<1x16xf32> to vector<16xf32>
    %swap3A_328 = vector.shape_cast %broadcast_in_dim3A_322 : vector<16xf32> to vector<1x16xf32>
    tpu.vector_store %arg8[%swap3A_324, %swap3A_325], %swap3A_328 {strides = array<i32>} : memref<8x128xf32, #tpu.memory_space<vmem>>, vector<1x16xf32>,
    %broadcast_in_dim3A_329 = arith.constant 1.000000e+00 : f32
    %broadcast_in_dim3A_330 = vector.broadcast %broadcast_in_dim3A_329 : f32 to vector<16xf32>
    %swap3A_331 = arith.constant 5 : i32
    %swap3A_332 = arith.index_cast %swap3A_331 : i32 to index
    %swap3A_333 = arith.constant 0 : index
    %swap3A_334 = tpu.vector_load %arg8[%swap3A_332, %swap3A_333] {strides = array<i32>} : memref<8x128xf32, #tpu.memory_space<vmem>>, vector<1x16xf32>,
    %swap3A_335 = vector.shape_cast %swap3A_334 : vector<1x16xf32> to vector<16xf32>
    %swap3A_336 = vector.shape_cast %broadcast_in_dim3A_330 : vector<16xf32> to vector<1x16xf32>
    tpu.vector_store %arg8[%swap3A_332, %swap3A_333], %swap3A_336 {strides = array<i32>} : memref<8x128xf32, #tpu.memory_space<vmem>>, vector<1x16xf32>,
    %broadcast_in_dim3A_337 = arith.constant 1.000000e+00 : f32
    %broadcast_in_dim3A_338 = vector.broadcast %broadcast_in_dim3A_337 : f32 to vector<16xf32>
    %swap3A_339 = arith.constant 5 : i32
    %swap3A_340 = arith.index_cast %swap3A_339 : i32 to index
    %swap3A_341 = arith.constant 16 : index
    %swap3A_342 = tpu.vector_load %arg8[%swap3A_340, %swap3A_341] {strides = array<i32>} : memref<8x128xf32, #tpu.memory_space<vmem>>, vector<1x16xf32>,
    %swap3A_343 = vector.shape_cast %swap3A_342 : vector<1x16xf32> to vector<16xf32>
    %swap3A_344 = vector.shape_cast %broadcast_in_dim3A_338 : vector<16xf32> to vector<1x16xf32>
    tpu.vector_store %arg8[%swap3A_340, %swap3A_341], %swap3A_344 {strides = array<i32>} : memref<8x128xf32, #tpu.memory_space<vmem>>, vector<1x16xf32>,
    %broadcast_in_dim3A_345 = arith.constant 1.000000e+00 : f32
    %broadcast_in_dim3A_346 = vector.broadcast %broadcast_in_dim3A_345 : f32 to vector<16xf32>
    %swap3A_347 = arith.constant 5 : i32
    %swap3A_348 = arith.index_cast %swap3A_347 : i32 to index
    %swap3A_349 = arith.constant 32 : index
    %swap3A_350 = tpu.vector_load %arg8[%swap3A_348, %swap3A_349] {strides = array<i32>} : memref<8x128xf32, #tpu.memory_space<vmem>>, vector<1x16xf32>,
    %swap3A_351 = vector.shape_cast %swap3A_350 : vector<1x16xf32> to vector<16xf32>
    %swap3A_352 = vector.shape_cast %broadcast_in_dim3A_346 : vector<16xf32> to vector<1x16xf32>
    tpu.vector_store %arg8[%swap3A_348, %swap3A_349], %swap3A_352 {strides = array<i32>} : memref<8x128xf32, #tpu.memory_space<vmem>>, vector<1x16xf32>,
    %broadcast_in_dim3A_353 = arith.constant 1.000000e+00 : f32
    %broadcast_in_dim3A_354 = vector.broadcast %broadcast_in_dim3A_353 : f32 to vector<16xf32>
    %swap3A_355 = arith.constant 5 : i32
    %swap3A_356 = arith.index_cast %swap3A_355 : i32 to index
    %swap3A_357 = arith.constant 48 : index
    %swap3A_358 = tpu.vector_load %arg8[%swap3A_356, %swap3A_357] {strides = array<i32>} : memref<8x128xf32, #tpu.memory_space<vmem>>, vector<1x16xf32>,
    %swap3A_359 = vector.shape_cast %swap3A_358 : vector<1x16xf32> to vector<16xf32>
    %swap3A_360 = vector.shape_cast %broadcast_in_dim3A_354 : vector<16xf32> to vector<1x16xf32>
    tpu.vector_store %arg8[%swap3A_356, %swap3A_357], %swap3A_360 {strides = array<i32>} : memref<8x128xf32, #tpu.memory_space<vmem>>, vector<1x16xf32>,
    %broadcast_in_dim3A_361 = arith.constant 1.000000e+00 : f32
    %broadcast_in_dim3A_362 = vector.broadcast %broadcast_in_dim3A_361 : f32 to vector<16xf32>
    %swap3A_363 = arith.constant 5 : i32
    %swap3A_364 = arith.index_cast %swap3A_363 : i32 to index
    %swap3A_365 = arith.constant 64 : index
    %swap3A_366 = tpu.vector_load %arg8[%swap3A_364, %swap3A_365] {strides = array<i32>} : memref<8x128xf32, #tpu.memory_space<vmem>>, vector<1x16xf32>,
    %swap3A_367 = vector.shape_cast %swap3A_366 : vector<1x16xf32> to vector<16xf32>
    %swap3A_368 = vector.shape_cast %broadcast_in_dim3A_362 : vector<16xf32> to vector<1x16xf32>
    tpu.vector_store %arg8[%swap3A_364, %swap3A_365], %swap3A_368 {strides = array<i32>} : memref<8x128xf32, #tpu.memory_space<vmem>>, vector<1x16xf32>,
    %broadcast_in_dim3A_369 = arith.constant 1.000000e+00 : f32
    %broadcast_in_dim3A_370 = vector.broadcast %broadcast_in_dim3A_369 : f32 to vector<16xf32>
    %swap3A_371 = arith.constant 5 : i32
    %swap3A_372 = arith.index_cast %swap3A_371 : i32 to index
    %swap3A_373 = arith.constant 80 : index
    %swap3A_374 = tpu.vector_load %arg8[%swap3A_372, %swap3A_373] {strides = array<i32>} : memref<8x128xf32, #tpu.memory_space<vmem>>, vector<1x16xf32>,
    %swap3A_375 = vector.shape_cast %swap3A_374 : vector<1x16xf32> to vector<16xf32>
    %swap3A_376 = vector.shape_cast %broadcast_in_dim3A_370 : vector<16xf32> to vector<1x16xf32>
    tpu.vector_store %arg8[%swap3A_372, %swap3A_373], %swap3A_376 {strides = array<i32>} : memref<8x128xf32, #tpu.memory_space<vmem>>, vector<1x16xf32>,
    %broadcast_in_dim3A_377 = arith.constant 1.000000e+00 : f32
    %broadcast_in_dim3A_378 = vector.broadcast %broadcast_in_dim3A_377 : f32 to vector<16xf32>
    %swap3A_379 = arith.constant 5 : i32
    %swap3A_380 = arith.index_cast %swap3A_379 : i32 to index
    %swap3A_381 = arith.constant 96 : index
    %swap3A_382 = tpu.vector_load %arg8[%swap3A_380, %swap3A_381] {strides = array<i32>} : memref<8x128xf32, #tpu.memory_space<vmem>>, vector<1x16xf32>,
    %swap3A_383 = vector.shape_cast %swap3A_382 : vector<1x16xf32> to vector<16xf32>
    %swap3A_384 = vector.shape_cast %broadcast_in_dim3A_378 : vector<16xf32> to vector<1x16xf32>
    tpu.vector_store %arg8[%swap3A_380, %swap3A_381], %swap3A_384 {strides = array<i32>} : memref<8x128xf32, #tpu.memory_space<vmem>>, vector<1x16xf32>,
    %broadcast_in_dim3A_385 = arith.constant 1.000000e+00 : f32
    %broadcast_in_dim3A_386 = vector.broadcast %broadcast_in_dim3A_385 : f32 to vector<16xf32>
    %swap3A_387 = arith.constant 5 : i32
    %swap3A_388 = arith.index_cast %swap3A_387 : i32 to index
    %swap3A_389 = arith.constant 112 : index
    %swap3A_390 = tpu.vector_load %arg8[%swap3A_388, %swap3A_389] {strides = array<i32>} : memref<8x128xf32, #tpu.memory_space<vmem>>, vector<1x16xf32>,
    %swap3A_391 = vector.shape_cast %swap3A_390 : vector<1x16xf32> to vector<16xf32>
    %swap3A_392 = vector.shape_cast %broadcast_in_dim3A_386 : vector<16xf32> to vector<1x16xf32>
    tpu.vector_store %arg8[%swap3A_388, %swap3A_389], %swap3A_392 {strides = array<i32>} : memref<8x128xf32, #tpu.memory_space<vmem>>, vector<1x16xf32>,
    %broadcast_in_dim3A_393 = arith.constant 1.000000e+00 : f32
    %broadcast_in_dim3A_394 = vector.broadcast %broadcast_in_dim3A_393 : f32 to vector<16xf32>
    %swap3A_395 = arith.constant 6 : i32
    %swap3A_396 = arith.index_cast %swap3A_395 : i32 to index
    %swap3A_397 = arith.constant 0 : index
    %swap3A_398 = tpu.vector_load %arg8[%swap3A_396, %swap3A_397] {strides = array<i32>} : memref<8x128xf32, #tpu.memory_space<vmem>>, vector<1x16xf32>,
    %swap3A_399 = vector.shape_cast %swap3A_398 : vector<1x16xf32> to vector<16xf32>
    %swap3A_400 = vector.shape_cast %broadcast_in_dim3A_394 : vector<16xf32> to vector<1x16xf32>
    tpu.vector_store %arg8[%swap3A_396, %swap3A_397], %swap3A_400 {strides = array<i32>} : memref<8x128xf32, #tpu.memory_space<vmem>>, vector<1x16xf32>,
    %broadcast_in_dim3A_401 = arith.constant 1.000000e+00 : f32
    %broadcast_in_dim3A_402 = vector.broadcast %broadcast_in_dim3A_401 : f32 to vector<16xf32>
    %swap3A_403 = arith.constant 6 : i32
    %swap3A_404 = arith.index_cast %swap3A_403 : i32 to index
    %swap3A_405 = arith.constant 16 : index
    %swap3A_406 = tpu.vector_load %arg8[%swap3A_404, %swap3A_405] {strides = array<i32>} : memref<8x128xf32, #tpu.memory_space<vmem>>, vector<1x16xf32>,
    %swap3A_407 = vector.shape_cast %swap3A_406 : vector<1x16xf32> to vector<16xf32>
    %swap3A_408 = vector.shape_cast %broadcast_in_dim3A_402 : vector<16xf32> to vector<1x16xf32>
    tpu.vector_store %arg8[%swap3A_404, %swap3A_405], %swap3A_408 {strides = array<i32>} : memref<8x128xf32, #tpu.memory_space<vmem>>, vector<1x16xf32>,
    %broadcast_in_dim3A_409 = arith.constant 1.000000e+00 : f32
    %broadcast_in_dim3A_410 = vector.broadcast %broadcast_in_dim3A_409 : f32 to vector<16xf32>
    %swap3A_411 = arith.constant 6 : i32
    %swap3A_412 = arith.index_cast %swap3A_411 : i32 to index
    %swap3A_413 = arith.constant 32 : index
    %swap3A_414 = tpu.vector_load %arg8[%swap3A_412, %swap3A_413] {strides = array<i32>} : memref<8x128xf32, #tpu.memory_space<vmem>>, vector<1x16xf32>,
    %swap3A_415 = vector.shape_cast %swap3A_414 : vector<1x16xf32> to vector<16xf32>
    %swap3A_416 = vector.shape_cast %broadcast_in_dim3A_410 : vector<16xf32> to vector<1x16xf32>
    tpu.vector_store %arg8[%swap3A_412, %swap3A_413], %swap3A_416 {strides = array<i32>} : memref<8x128xf32, #tpu.memory_space<vmem>>, vector<1x16xf32>,
    %broadcast_in_dim3A_417 = arith.constant 1.000000e+00 : f32
    %broadcast_in_dim3A_418 = vector.broadcast %broadcast_in_dim3A_417 : f32 to vector<16xf32>
    %swap3A_419 = arith.constant 6 : i32
    %swap3A_420 = arith.index_cast %swap3A_419 : i32 to index
    %swap3A_421 = arith.constant 48 : index
    %swap3A_422 = tpu.vector_load %arg8[%swap3A_420, %swap3A_421] {strides = array<i32>} : memref<8x128xf32, #tpu.memory_space<vmem>>, vector<1x16xf32>,
    %swap3A_423 = vector.shape_cast %swap3A_422 : vector<1x16xf32> to vector<16xf32>
    %swap3A_424 = vector.shape_cast %broadcast_in_dim3A_418 : vector<16xf32> to vector<1x16xf32>
    tpu.vector_store %arg8[%swap3A_420, %swap3A_421], %swap3A_424 {strides = array<i32>} : memref<8x128xf32, #tpu.memory_space<vmem>>, vector<1x16xf32>,
    %broadcast_in_dim3A_425 = arith.constant 1.000000e+00 : f32
    %broadcast_in_dim3A_426 = vector.broadcast %broadcast_in_dim3A_425 : f32 to vector<16xf32>
    %swap3A_427 = arith.constant 6 : i32
    %swap3A_428 = arith.index_cast %swap3A_427 : i32 to index
    %swap3A_429 = arith.constant 64 : index
    %swap3A_430 = tpu.vector_load %arg8[%swap3A_428, %swap3A_429] {strides = array<i32>} : memref<8x128xf32, #tpu.memory_space<vmem>>, vector<1x16xf32>,
    %swap3A_431 = vector.shape_cast %swap3A_430 : vector<1x16xf32> to vector<16xf32>
    %swap3A_432 = vector.shape_cast %broadcast_in_dim3A_426 : vector<16xf32> to vector<1x16xf32>
    tpu.vector_store %arg8[%swap3A_428, %swap3A_429], %swap3A_432 {strides = array<i32>} : memref<8x128xf32, #tpu.memory_space<vmem>>, vector<1x16xf32>,
    %broadcast_in_dim3A_433 = arith.constant 1.000000e+00 : f32
    %broadcast_in_dim3A_434 = vector.broadcast %broadcast_in_dim3A_433 : f32 to vector<16xf32>
    %swap3A_435 = arith.constant 6 : i32
    %swap3A_436 = arith.index_cast %swap3A_435 : i32 to index
    %swap3A_437 = arith.constant 80 : index
    %swap3A_438 = tpu.vector_load %arg8[%swap3A_436, %swap3A_437] {strides = array<i32>} : memref<8x128xf32, #tpu.memory_space<vmem>>, vector<1x16xf32>,
    %swap3A_439 = vector.shape_cast %swap3A_438 : vector<1x16xf32> to vector<16xf32>
    %swap3A_440 = vector.shape_cast %broadcast_in_dim3A_434 : vector<16xf32> to vector<1x16xf32>
    tpu.vector_store %arg8[%swap3A_436, %swap3A_437], %swap3A_440 {strides = array<i32>} : memref<8x128xf32, #tpu.memory_space<vmem>>, vector<1x16xf32>,
    %broadcast_in_dim3A_441 = arith.constant 1.000000e+00 : f32
    %broadcast_in_dim3A_442 = vector.broadcast %broadcast_in_dim3A_441 : f32 to vector<16xf32>
    %swap3A_443 = arith.constant 6 : i32
    %swap3A_444 = arith.index_cast %swap3A_443 : i32 to index
    %swap3A_445 = arith.constant 96 : index
    %swap3A_446 = tpu.vector_load %arg8[%swap3A_444, %swap3A_445] {strides = array<i32>} : memref<8x128xf32, #tpu.memory_space<vmem>>, vector<1x16xf32>,
    %swap3A_447 = vector.shape_cast %swap3A_446 : vector<1x16xf32> to vector<16xf32>
    %swap3A_448 = vector.shape_cast %broadcast_in_dim3A_442 : vector<16xf32> to vector<1x16xf32>
    tpu.vector_store %arg8[%swap3A_444, %swap3A_445], %swap3A_448 {strides = array<i32>} : memref<8x128xf32, #tpu.memory_space<vmem>>, vector<1x16xf32>,
    %broadcast_in_dim3A_449 = arith.constant 1.000000e+00 : f32
    %broadcast_in_dim3A_450 = vector.broadcast %broadcast_in_dim3A_449 : f32 to vector<16xf32>
    %swap3A_451 = arith.constant 6 : i32
    %swap3A_452 = arith.index_cast %swap3A_451 : i32 to index
    %swap3A_453 = arith.constant 112 : index
    %swap3A_454 = tpu.vector_load %arg8[%swap3A_452, %swap3A_453] {strides = array<i32>} : memref<8x128xf32, #tpu.memory_space<vmem>>, vector<1x16xf32>,
    %swap3A_455 = vector.shape_cast %swap3A_454 : vector<1x16xf32> to vector<16xf32>
    %swap3A_456 = vector.shape_cast %broadcast_in_dim3A_450 : vector<16xf32> to vector<1x16xf32>
    tpu.vector_store %arg8[%swap3A_452, %swap3A_453], %swap3A_456 {strides = array<i32>} : memref<8x128xf32, #tpu.memory_space<vmem>>, vector<1x16xf32>,
    %broadcast_in_dim3A_457 = arith.constant 1.000000e+00 : f32
    %broadcast_in_dim3A_458 = vector.broadcast %broadcast_in_dim3A_457 : f32 to vector<16xf32>
    %swap3A_459 = arith.constant 7 : i32
    %swap3A_460 = arith.index_cast %swap3A_459 : i32 to index
    %swap3A_461 = arith.constant 0 : index
    %swap3A_462 = tpu.vector_load %arg8[%swap3A_460, %swap3A_461] {strides = array<i32>} : memref<8x128xf32, #tpu.memory_space<vmem>>, vector<1x16xf32>,
    %swap3A_463 = vector.shape_cast %swap3A_462 : vector<1x16xf32> to vector<16xf32>
    %swap3A_464 = vector.shape_cast %broadcast_in_dim3A_458 : vector<16xf32> to vector<1x16xf32>
    tpu.vector_store %arg8[%swap3A_460, %swap3A_461], %swap3A_464 {strides = array<i32>} : memref<8x128xf32, #tpu.memory_space<vmem>>, vector<1x16xf32>,
    %broadcast_in_dim3A_465 = arith.constant 1.000000e+00 : f32
    %broadcast_in_dim3A_466 = vector.broadcast %broadcast_in_dim3A_465 : f32 to vector<16xf32>
    %swap3A_467 = arith.constant 7 : i32
    %swap3A_468 = arith.index_cast %swap3A_467 : i32 to index
    %swap3A_469 = arith.constant 16 : index
    %swap3A_470 = tpu.vector_load %arg8[%swap3A_468, %swap3A_469] {strides = array<i32>} : memref<8x128xf32, #tpu.memory_space<vmem>>, vector<1x16xf32>,
    %swap3A_471 = vector.shape_cast %swap3A_470 : vector<1x16xf32> to vector<16xf32>
    %swap3A_472 = vector.shape_cast %broadcast_in_dim3A_466 : vector<16xf32> to vector<1x16xf32>
    tpu.vector_store %arg8[%swap3A_468, %swap3A_469], %swap3A_472 {strides = array<i32>} : memref<8x128xf32, #tpu.memory_space<vmem>>, vector<1x16xf32>,
    %broadcast_in_dim3A_473 = arith.constant 1.000000e+00 : f32
    %broadcast_in_dim3A_474 = vector.broadcast %broadcast_in_dim3A_473 : f32 to vector<16xf32>
    %swap3A_475 = arith.constant 7 : i32
    %swap3A_476 = arith.index_cast %swap3A_475 : i32 to index
    %swap3A_477 = arith.constant 32 : index
    %swap3A_478 = tpu.vector_load %arg8[%swap3A_476, %swap3A_477] {strides = array<i32>} : memref<8x128xf32, #tpu.memory_space<vmem>>, vector<1x16xf32>,
    %swap3A_479 = vector.shape_cast %swap3A_478 : vector<1x16xf32> to vector<16xf32>
    %swap3A_480 = vector.shape_cast %broadcast_in_dim3A_474 : vector<16xf32> to vector<1x16xf32>
    tpu.vector_store %arg8[%swap3A_476, %swap3A_477], %swap3A_480 {strides = array<i32>} : memref<8x128xf32, #tpu.memory_space<vmem>>, vector<1x16xf32>,
    %broadcast_in_dim3A_481 = arith.constant 1.000000e+00 : f32
    %broadcast_in_dim3A_482 = vector.broadcast %broadcast_in_dim3A_481 : f32 to vector<16xf32>
    %swap3A_483 = arith.constant 7 : i32
    %swap3A_484 = arith.index_cast %swap3A_483 : i32 to index
    %swap3A_485 = arith.constant 48 : index
    %swap3A_486 = tpu.vector_load %arg8[%swap3A_484, %swap3A_485] {strides = array<i32>} : memref<8x128xf32, #tpu.memory_space<vmem>>, vector<1x16xf32>,
    %swap3A_487 = vector.shape_cast %swap3A_486 : vector<1x16xf32> to vector<16xf32>
    %swap3A_488 = vector.shape_cast %broadcast_in_dim3A_482 : vector<16xf32> to vector<1x16xf32>
    tpu.vector_store %arg8[%swap3A_484, %swap3A_485], %swap3A_488 {strides = array<i32>} : memref<8x128xf32, #tpu.memory_space<vmem>>, vector<1x16xf32>,
    %broadcast_in_dim3A_489 = arith.constant 1.000000e+00 : f32
    %broadcast_in_dim3A_490 = vector.broadcast %broadcast_in_dim3A_489 : f32 to vector<16xf32>
    %swap3A_491 = arith.constant 7 : i32
    %swap3A_492 = arith.index_cast %swap3A_491 : i32 to index
    %swap3A_493 = arith.constant 64 : index
    %swap3A_494 = tpu.vector_load %arg8[%swap3A_492, %swap3A_493] {strides = array<i32>} : memref<8x128xf32, #tpu.memory_space<vmem>>, vector<1x16xf32>,
    %swap3A_495 = vector.shape_cast %swap3A_494 : vector<1x16xf32> to vector<16xf32>
    %swap3A_496 = vector.shape_cast %broadcast_in_dim3A_490 : vector<16xf32> to vector<1x16xf32>
    tpu.vector_store %arg8[%swap3A_492, %swap3A_493], %swap3A_496 {strides = array<i32>} : memref<8x128xf32, #tpu.memory_space<vmem>>, vector<1x16xf32>,
    %broadcast_in_dim3A_497 = arith.constant 1.000000e+00 : f32
    %broadcast_in_dim3A_498 = vector.broadcast %broadcast_in_dim3A_497 : f32 to vector<16xf32>
    %swap3A_499 = arith.constant 7 : i32
    %swap3A_500 = arith.index_cast %swap3A_499 : i32 to index
    %swap3A_501 = arith.constant 80 : index
    %swap3A_502 = tpu.vector_load %arg8[%swap3A_500, %swap3A_501] {strides = array<i32>} : memref<8x128xf32, #tpu.memory_space<vmem>>, vector<1x16xf32>,
    %swap3A_503 = vector.shape_cast %swap3A_502 : vector<1x16xf32> to vector<16xf32>
    %swap3A_504 = vector.shape_cast %broadcast_in_dim3A_498 : vector<16xf32> to vector<1x16xf32>
    tpu.vector_store %arg8[%swap3A_500, %swap3A_501], %swap3A_504 {strides = array<i32>} : memref<8x128xf32, #tpu.memory_space<vmem>>, vector<1x16xf32>,
    %broadcast_in_dim3A_505 = arith.constant 1.000000e+00 : f32
    %broadcast_in_dim3A_506 = vector.broadcast %broadcast_in_dim3A_505 : f32 to vector<16xf32>
    %swap3A_507 = arith.constant 7 : i32
    %swap3A_508 = arith.index_cast %swap3A_507 : i32 to index
    %swap3A_509 = arith.constant 96 : index
    %swap3A_510 = tpu.vector_load %arg8[%swap3A_508, %swap3A_509] {strides = array<i32>} : memref<8x128xf32, #tpu.memory_space<vmem>>, vector<1x16xf32>,
    %swap3A_511 = vector.shape_cast %swap3A_510 : vector<1x16xf32> to vector<16xf32>
    %swap3A_512 = vector.shape_cast %broadcast_in_dim3A_506 : vector<16xf32> to vector<1x16xf32>
    tpu.vector_store %arg8[%swap3A_508, %swap3A_509], %swap3A_512 {strides = array<i32>} : memref<8x128xf32, #tpu.memory_space<vmem>>, vector<1x16xf32>,
    %broadcast_in_dim3A_513 = arith.constant 1.000000e+00 : f32
    %broadcast_in_dim3A_514 = vector.broadcast %broadcast_in_dim3A_513 : f32 to vector<16xf32>
    %swap3A_515 = arith.constant 7 : i32
    %swap3A_516 = arith.index_cast %swap3A_515 : i32 to index
    %swap3A_517 = arith.constant 112 : index
    %swap3A_518 = tpu.vector_load %arg8[%swap3A_516, %swap3A_517] {strides = array<i32>} : memref<8x128xf32, #tpu.memory_space<vmem>>, vector<1x16xf32>,
    %swap3A_519 = vector.shape_cast %swap3A_518 : vector<1x16xf32> to vector<16xf32>
    %swap3A_520 = vector.shape_cast %broadcast_in_dim3A_514 : vector<16xf32> to vector<1x16xf32>
    tpu.vector_store %arg8[%swap3A_516, %swap3A_517], %swap3A_520 {strides = array<i32>} : memref<8x128xf32, #tpu.memory_space<vmem>>, vector<1x16xf32>,
    %mul3A = arith.constant 624 : i32
    %mul3A_521 = arith.muli %arg1, %mul3A : i32
    %multiple_of3A = tpu.assume_multiple %mul3A_521, 8 : i32
    %eq3A = arith.constant 15 : i32
    %eq3A_522 = arith.cmpi eq, %arg1, %eq3A : i32
    %jit3A = arith.constant 40 : i32
    %jit3A_523 = arith.constant 39 : i32
    %select_n3A = arith.select %eq3A_522, %jit3A, %jit3A_523 : i32
    %while3A = arith.constant 0 : i32
    %while3A_524 = arith.constant 0 : i32
    %while3A_525 = arith.subi %select_n3A, %while3A_524 : i32
    %while3A_526 = arith.addi %while3A_524, %while3A_525 : i32
    %while3A_527 = arith.constant 1 : i32
    %while3A_528 = arith.divsi %while3A_525, %while3A_527 : i32
    %while3A_529 = arith.muli %while3A_528, %while3A_527 : i32
    %while3A_530 = arith.addi %while3A_524, %while3A_529 : i32
    %while3A_531 = arith.constant 1 : i32
    scf.for %while3A_572 = %while3A_524 to %while3A_530 step %while3A_531  : i32 {
      %mul3A_573 = arith.constant 16 : i32
      %mul3A_574 = arith.muli %while3A_572, %mul3A_573 : i32
      %add3A_575 = arith.addi %multiple_of3A, %mul3A_574 : i32
      "tpu.region"() ({
        %run_scoped3A = tpu.sem_alloc : memref<!tpu.dma_semaphore, #tpu.memory_space<semaphore_mem>>
        %dma_start3A_576 = arith.constant 0 : i32
        %dma_start3A_577 = tpu.memref_slice %arg10[%add3A_575, %dma_start3A_576] : memref<10000x128xf32, #tpu.memory_space<vmem_shared>> -> memref<16x128xf32, #tpu.memory_space<vmem_shared>>
        %dma_start3A_578 = arith.constant 0 : i32
        %dma_start3A_579 = tpu.memref_slice %arg10[%add3A_575, %dma_start3A_578] : memref<10000x128xf32, #tpu.memory_space<vmem_shared>> -> memref<16x128xf32, #tpu.memory_space<vmem_shared>>
        tpu.enqueue_dma source(%arg9 : memref<16x128xf32, #tpu.memory_space<vmem>>) target(%dma_start3A_579 : memref<16x128xf32, #tpu.memory_space<vmem_shared>>) target_semaphore(%run_scoped3A : memref<!tpu.dma_semaphore, #tpu.memory_space<semaphore_mem>>)
        %dma_wait3A_580 = arith.constant 0 : i32
        %dma_wait3A_581 = tpu.memref_slice %arg10[%add3A_575, %dma_wait3A_580] : memref<10000x128xf32, #tpu.memory_space<vmem_shared>> -> memref<16x128xf32, #tpu.memory_space<vmem_shared>>
        %dma_wait3A_582 = arith.constant 0 : i32
        %dma_wait3A_583 = tpu.memref_slice %arg10[%add3A_575, %dma_wait3A_582] : memref<10000x128xf32, #tpu.memory_space<vmem_shared>> -> memref<16x128xf32, #tpu.memory_space<vmem_shared>>
        tpu.wait_dma2 semaphore(%run_scoped3A : memref<!tpu.dma_semaphore, #tpu.memory_space<semaphore_mem>>) src(%arg9 : memref<16x128xf32, #tpu.memory_space<vmem>>) dst(%dma_wait3A_583 : memref<16x128xf32, #tpu.memory_space<vmem_shared>>)
        tpu.yield
      }) : () -> ()
    }
    %while3A_532 = arith.constant 1 : i32
    scf.for %while3A_572 = %while3A_530 to %while3A_526 step %while3A_532  : i32 {
      %mul3A_573 = arith.constant 16 : i32
      %mul3A_574 = arith.muli %while3A_572, %mul3A_573 : i32
      %add3A_575 = arith.addi %multiple_of3A, %mul3A_574 : i32
      "tpu.region"() ({
        %run_scoped3A = tpu.sem_alloc : memref<!tpu.dma_semaphore, #tpu.memory_space<semaphore_mem>>
        %dma_start3A_576 = arith.constant 0 : i32
        %dma_start3A_577 = tpu.memref_slice %arg10[%add3A_575, %dma_start3A_576] : memref<10000x128xf32, #tpu.memory_space<vmem_shared>> -> memref<16x128xf32, #tpu.memory_space<vmem_shared>>
        %dma_start3A_578 = arith.constant 0 : i32
        %dma_start3A_579 = tpu.memref_slice %arg10[%add3A_575, %dma_start3A_578] : memref<10000x128xf32, #tpu.memory_space<vmem_shared>> -> memref<16x128xf32, #tpu.memory_space<vmem_shared>>
        tpu.enqueue_dma source(%arg9 : memref<16x128xf32, #tpu.memory_space<vmem>>) target(%dma_start3A_579 : memref<16x128xf32, #tpu.memory_space<vmem_shared>>) target_semaphore(%run_scoped3A : memref<!tpu.dma_semaphore, #tpu.memory_space<semaphore_mem>>)
        %dma_wait3A_580 = arith.constant 0 : i32
        %dma_wait3A_581 = tpu.memref_slice %arg10[%add3A_575, %dma_wait3A_580] : memref<10000x128xf32, #tpu.memory_space<vmem_shared>> -> memref<16x128xf32, #tpu.memory_space<vmem_shared>>
        %dma_wait3A_582 = arith.constant 0 : i32
        %dma_wait3A_583 = tpu.memref_slice %arg10[%add3A_575, %dma_wait3A_582] : memref<10000x128xf32, #tpu.memory_space<vmem_shared>> -> memref<16x128xf32, #tpu.memory_space<vmem_shared>>
        tpu.wait_dma2 semaphore(%run_scoped3A : memref<!tpu.dma_semaphore, #tpu.memory_space<semaphore_mem>>) src(%arg9 : memref<16x128xf32, #tpu.memory_space<vmem>>) dst(%dma_wait3A_583 : memref<16x128xf32, #tpu.memory_space<vmem_shared>>)
        tpu.yield
      }) : () -> ()
    }
    %barrier3A = arith.constant 0 : index
    tpu.barrier barrier_id(%barrier3A)
    %mul3A_533 = arith.constant 2 : i32
    %mul3A_534 = arith.muli %arg1, %mul3A_533 : i32
    %add3A = arith.addi %mul3A_534, %arg0 : i32
    %mul3A_535 = arith.constant 5000 : i32
    %mul3A_536 = arith.muli %add3A, %mul3A_535 : i32
    %add3A_537 = arith.constant 0 : i32
    %add3A_538 = arith.addi %mul3A_536, %add3A_537 : i32
    %multiple_of3A_539 = tpu.assume_multiple %add3A_538, 8 : i32
    %dma_start3A = tpu.memref_slice %arg2[%multiple_of3A_539] : memref<160000xi32, #tpu.memory_space<hbm>> -> memref<128xi32, #tpu.memory_space<hbm>>
    %dma_start3A_540 = tpu.memref_slice %arg2[%multiple_of3A_539] : memref<160000xi32, #tpu.memory_space<hbm>> -> memref<128xi32, #tpu.memory_space<hbm>>
    tpu.enqueue_dma source(%dma_start3A_540 : memref<128xi32, #tpu.memory_space<hbm>>) target(%arg4 : memref<128xi32, #tpu.memory_space<vmem>>) target_semaphore(%arg11 : memref<!tpu.dma_semaphore, #tpu.memory_space<semaphore_mem>>)
    %add3A_541 = arith.constant 0 : i32
    %add3A_542 = arith.addi %mul3A_536, %add3A_541 : i32
    %multiple_of3A_543 = tpu.assume_multiple %add3A_542, 8 : i32
    %dma_wait3A = tpu.memref_slice %arg2[%multiple_of3A_543] : memref<160000xi32, #tpu.memory_space<hbm>> -> memref<128xi32, #tpu.memory_space<hbm>>
    %dma_wait3A_544 = tpu.memref_slice %arg2[%multiple_of3A_543] : memref<160000xi32, #tpu.memory_space<hbm>> -> memref<128xi32, #tpu.memory_space<hbm>>
    tpu.wait_dma2 semaphore(%arg11 : memref<!tpu.dma_semaphore, #tpu.memory_space<semaphore_mem>>) src(%dma_wait3A_544 : memref<128xi32, #tpu.memory_space<hbm>>) dst(%arg4 : memref<128xi32, #tpu.memory_space<vmem>>)
    %dma_start3A_545 = arith.constant 0 : i32
    %dma_start3A_546 = arith.constant 0 : i32
    %dma_start3A_547 = tpu.memref_slice %arg10[%dma_start3A_545, %dma_start3A_546] : memref<10000x128xf32, #tpu.memory_space<vmem_shared>> -> memref<10000x128xf32, #tpu.memory_space<vmem_shared>>
    tpu.enqueue_indirect_dma source(%arg7 : memref<128x128xf32, #tpu.memory_space<vmem>>) target(%dma_start3A_547 : memref<10000x128xf32, #tpu.memory_space<vmem_shared>>) offsets(%arg4 : memref<128xi32, #tpu.memory_space<vmem>>) semaphore(%arg13 : memref<!tpu.dma_semaphore, #tpu.memory_space<semaphore_mem>>) {add = true}
    %add3A_548 = arith.constant 128 : i32
    %add3A_549 = arith.addi %mul3A_536, %add3A_548 : i32
    %multiple_of3A_550 = tpu.assume_multiple %add3A_549, 8 : i32
    %dma_start3A_551 = tpu.memref_slice %arg2[%multiple_of3A_550] : memref<160000xi32, #tpu.memory_space<hbm>> -> memref<128xi32, #tpu.memory_space<hbm>>
    %dma_start3A_552 = tpu.memref_slice %arg2[%multiple_of3A_550] : memref<160000xi32, #tpu.memory_space<hbm>> -> memref<128xi32, #tpu.memory_space<hbm>>
    tpu.enqueue_dma source(%dma_start3A_552 : memref<128xi32, #tpu.memory_space<hbm>>) target(%arg5 : memref<128xi32, #tpu.memory_space<vmem>>) target_semaphore(%arg12 : memref<!tpu.dma_semaphore, #tpu.memory_space<semaphore_mem>>)
    %scan3A_553 = arith.constant 0 : i32
    %scan3A_554 = arith.constant 0 : i32
    %scan3A_555 = arith.constant 19 : i32
    %scan3A_556 = arith.addi %scan3A_554, %scan3A_555 : i32
    %scan3A_557 = arith.constant 1 : i32
    scf.for %scan3A_572 = %scan3A_554 to %scan3A_556 step %scan3A_557  : i32 {
      %mul3A_573 = arith.constant 2 : i32
      %mul3A_574 = arith.muli %mul3A_573, %scan3A_572 : i32
      %add3A_575 = arith.constant 1 : i32
      %add3A_576 = arith.addi %mul3A_574, %add3A_575 : i32
      %mul3A_577 = arith.constant 2 : i32
      %mul3A_578 = arith.muli %mul3A_577, %scan3A_572 : i32
      %add3A_579 = arith.constant 2 : i32
      %add3A_580 = arith.addi %mul3A_578, %add3A_579 : i32
      %mul3A_581 = arith.constant 128 : i32
      %mul3A_582 = arith.muli %add3A_576, %mul3A_581 : i32
      %add3A_583 = arith.addi %mul3A_536, %mul3A_582 : i32
      %multiple_of3A_584 = tpu.assume_multiple %add3A_583, 8 : i32
      %dma_wait3A_585 = tpu.memref_slice %arg2[%multiple_of3A_584] : memref<160000xi32, #tpu.memory_space<hbm>> -> memref<128xi32, #tpu.memory_space<hbm>>
      %dma_wait3A_586 = tpu.memref_slice %arg2[%multiple_of3A_584] : memref<160000xi32, #tpu.memory_space<hbm>> -> memref<128xi32, #tpu.memory_space<hbm>>
      tpu.wait_dma2 semaphore(%arg12 : memref<!tpu.dma_semaphore, #tpu.memory_space<semaphore_mem>>) src(%dma_wait3A_586 : memref<128xi32, #tpu.memory_space<hbm>>) dst(%arg5 : memref<128xi32, #tpu.memory_space<vmem>>)
      %dma_wait3A_587 = arith.constant 0 : i32
      %dma_wait3A_588 = arith.constant 0 : i32
      %dma_wait3A_589 = tpu.memref_slice %arg10[%dma_wait3A_587, %dma_wait3A_588] : memref<10000x128xf32, #tpu.memory_space<vmem_shared>> -> memref<10000x128xf32, #tpu.memory_space<vmem_shared>>
      tpu.wait_indirect_dma semaphore(%arg13 : memref<!tpu.dma_semaphore, #tpu.memory_space<semaphore_mem>>) src(%arg7 : memref<128x128xf32, #tpu.memory_space<vmem>>) dst(%dma_wait3A_589 : memref<10000x128xf32, #tpu.memory_space<vmem_shared>>)
      %dma_start3A_590 = arith.constant 0 : i32
      %dma_start3A_591 = arith.constant 0 : i32
      %dma_start3A_592 = tpu.memref_slice %arg10[%dma_start3A_590, %dma_start3A_591] : memref<10000x128xf32, #tpu.memory_space<vmem_shared>> -> memref<10000x128xf32, #tpu.memory_space<vmem_shared>>
      tpu.enqueue_indirect_dma source(%arg7 : memref<128x128xf32, #tpu.memory_space<vmem>>) target(%dma_start3A_592 : memref<10000x128xf32, #tpu.memory_space<vmem_shared>>) offsets(%arg5 : memref<128xi32, #tpu.memory_space<vmem>>) semaphore(%arg14 : memref<!tpu.dma_semaphore, #tpu.memory_space<semaphore_mem>>) {add = true}
      %lt3A = arith.constant 39 : i32
      %lt3A_593 = arith.cmpi slt, %add3A_580, %lt3A : i32
      %convert_element_type3A_594 = arith.extui %lt3A_593 : i1 to i32
      %cond3A_595 = arith.constant 0 : i32
      %cond3A_596 = arith.cmpi ne, %convert_element_type3A_594, %cond3A_595 : i32
      scf.if %cond3A_596 {
        %mul3A_605 = arith.constant 128 : i32
        %mul3A_606 = arith.muli %add3A_580, %mul3A_605 : i32
        %add3A_607 = arith.addi %mul3A_536, %mul3A_606 : i32
        %multiple_of3A_608 = tpu.assume_multiple %add3A_607, 8 : i32
        %dma_start3A_609 = tpu.memref_slice %arg2[%multiple_of3A_608] : memref<160000xi32, #tpu.memory_space<hbm>> -> memref<128xi32, #tpu.memory_space<hbm>>
        %dma_start3A_610 = tpu.memref_slice %arg2[%multiple_of3A_608] : memref<160000xi32, #tpu.memory_space<hbm>> -> memref<128xi32, #tpu.memory_space<hbm>>
        tpu.enqueue_dma source(%dma_start3A_610 : memref<128xi32, #tpu.memory_space<hbm>>) target(%arg4 : memref<128xi32, #tpu.memory_space<vmem>>) target_semaphore(%arg11 : memref<!tpu.dma_semaphore, #tpu.memory_space<semaphore_mem>>)
        %mul3A_611 = arith.constant 128 : i32
        %mul3A_612 = arith.muli %add3A_580, %mul3A_611 : i32
        %add3A_613 = arith.addi %mul3A_536, %mul3A_612 : i32
        %multiple_of3A_614 = tpu.assume_multiple %add3A_613, 8 : i32
        %dma_wait3A_615 = tpu.memref_slice %arg2[%multiple_of3A_614] : memref<160000xi32, #tpu.memory_space<hbm>> -> memref<128xi32, #tpu.memory_space<hbm>>
        %dma_wait3A_616 = tpu.memref_slice %arg2[%multiple_of3A_614] : memref<160000xi32, #tpu.memory_space<hbm>> -> memref<128xi32, #tpu.memory_space<hbm>>
        tpu.wait_dma2 semaphore(%arg11 : memref<!tpu.dma_semaphore, #tpu.memory_space<semaphore_mem>>) src(%dma_wait3A_616 : memref<128xi32, #tpu.memory_space<hbm>>) dst(%arg4 : memref<128xi32, #tpu.memory_space<vmem>>)
      } else {
      }
      %dma_wait3A_597 = arith.constant 0 : i32
      %dma_wait3A_598 = arith.constant 0 : i32
      %dma_wait3A_599 = tpu.memref_slice %arg10[%dma_wait3A_597, %dma_wait3A_598] : memref<10000x128xf32, #tpu.memory_space<vmem_shared>> -> memref<10000x128xf32, #tpu.memory_space<vmem_shared>>
      tpu.wait_indirect_dma semaphore(%arg14 : memref<!tpu.dma_semaphore, #tpu.memory_space<semaphore_mem>>) src(%arg7 : memref<128x128xf32, #tpu.memory_space<vmem>>) dst(%dma_wait3A_599 : memref<10000x128xf32, #tpu.memory_space<vmem_shared>>)
      %lt3A_600 = arith.constant 39 : i32
      %lt3A_601 = arith.cmpi slt, %add3A_580, %lt3A_600 : i32
      %convert_element_type3A_602 = arith.extui %lt3A_601 : i1 to i32
      %cond3A_603 = arith.constant 0 : i32
      %cond3A_604 = arith.cmpi ne, %convert_element_type3A_602, %cond3A_603 : i32
      scf.if %cond3A_604 {
        %dma_start3A_605 = arith.constant 0 : i32
        %dma_start3A_606 = arith.constant 0 : i32
        %dma_start3A_607 = tpu.memref_slice %arg10[%dma_start3A_605, %dma_start3A_606] : memref<10000x128xf32, #tpu.memory_space<vmem_shared>> -> memref<10000x128xf32, #tpu.memory_space<vmem_shared>>
        tpu.enqueue_indirect_dma source(%arg7 : memref<128x128xf32, #tpu.memory_space<vmem>>) target(%dma_start3A_607 : memref<10000x128xf32, #tpu.memory_space<vmem_shared>>) offsets(%arg4 : memref<128xi32, #tpu.memory_space<vmem>>) semaphore(%arg13 : memref<!tpu.dma_semaphore, #tpu.memory_space<semaphore_mem>>) {add = true}
        %add3A_608 = arith.constant 1 : i32
        %add3A_609 = arith.addi %add3A_580, %add3A_608 : i32
        %lt3A_610 = arith.constant 39 : i32
        %lt3A_611 = arith.cmpi slt, %add3A_609, %lt3A_610 : i32
        %convert_element_type3A_612 = arith.extui %lt3A_611 : i1 to i32
        %cond3A_613 = arith.constant 0 : i32
        %cond3A_614 = arith.cmpi ne, %convert_element_type3A_612, %cond3A_613 : i32
        scf.if %cond3A_614 {
          %add3A_615 = arith.constant 1 : i32
          %add3A_616 = arith.addi %add3A_580, %add3A_615 : i32
          %mul3A_617 = arith.constant 128 : i32
          %mul3A_618 = arith.muli %add3A_616, %mul3A_617 : i32
          %add3A_619 = arith.addi %mul3A_536, %mul3A_618 : i32
          %multiple_of3A_620 = tpu.assume_multiple %add3A_619, 8 : i32
          %dma_start3A_621 = tpu.memref_slice %arg2[%multiple_of3A_620] : memref<160000xi32, #tpu.memory_space<hbm>> -> memref<128xi32, #tpu.memory_space<hbm>>
          %dma_start3A_622 = tpu.memref_slice %arg2[%multiple_of3A_620] : memref<160000xi32, #tpu.memory_space<hbm>> -> memref<128xi32, #tpu.memory_space<hbm>>
          tpu.enqueue_dma source(%dma_start3A_622 : memref<128xi32, #tpu.memory_space<hbm>>) target(%arg5 : memref<128xi32, #tpu.memory_space<vmem>>) target_semaphore(%arg12 : memref<!tpu.dma_semaphore, #tpu.memory_space<semaphore_mem>>)
        } else {
        }
      } else {
      }
    }
    %scan3A_558 = arith.constant 19 : i32
    %dma_wait3A_559 = arith.constant 0 : i32
    %dma_wait3A_560 = arith.constant 0 : i32
    %dma_wait3A_561 = tpu.memref_slice %arg10[%dma_wait3A_559, %dma_wait3A_560] : memref<10000x128xf32, #tpu.memory_space<vmem_shared>> -> memref<10000x128xf32, #tpu.memory_space<vmem_shared>>
    tpu.wait_indirect_dma semaphore(%arg13 : memref<!tpu.dma_semaphore, #tpu.memory_space<semaphore_mem>>) src(%arg7 : memref<128x128xf32, #tpu.memory_space<vmem>>) dst(%dma_wait3A_561 : memref<10000x128xf32, #tpu.memory_space<vmem_shared>>)
    %add3A_562 = arith.constant 4992 : i32
    %add3A_563 = arith.addi %mul3A_536, %add3A_562 : i32
    %multiple_of3A_564 = tpu.assume_multiple %add3A_563, 8 : i32
    "tpu.region"() ({
      %run_scoped3A = tpu.sem_alloc : memref<!tpu.dma_semaphore, #tpu.memory_space<semaphore_mem>>
      %dma_start3A_572 = tpu.memref_slice %arg2[%multiple_of3A_564] : memref<160000xi32, #tpu.memory_space<hbm>> -> memref<8xi32, #tpu.memory_space<hbm>>
      %dma_start3A_573 = tpu.memref_slice %arg2[%multiple_of3A_564] : memref<160000xi32, #tpu.memory_space<hbm>> -> memref<8xi32, #tpu.memory_space<hbm>>
      tpu.enqueue_dma source(%dma_start3A_573 : memref<8xi32, #tpu.memory_space<hbm>>) target(%arg6 : memref<8xi32, #tpu.memory_space<vmem>>) target_semaphore(%run_scoped3A : memref<!tpu.dma_semaphore, #tpu.memory_space<semaphore_mem>>)
      %dma_wait3A_574 = tpu.memref_slice %arg2[%multiple_of3A_564] : memref<160000xi32, #tpu.memory_space<hbm>> -> memref<8xi32, #tpu.memory_space<hbm>>
      %dma_wait3A_575 = tpu.memref_slice %arg2[%multiple_of3A_564] : memref<160000xi32, #tpu.memory_space<hbm>> -> memref<8xi32, #tpu.memory_space<hbm>>
      tpu.wait_dma2 semaphore(%run_scoped3A : memref<!tpu.dma_semaphore, #tpu.memory_space<semaphore_mem>>) src(%dma_wait3A_575 : memref<8xi32, #tpu.memory_space<hbm>>) dst(%arg6 : memref<8xi32, #tpu.memory_space<vmem>>)
      tpu.yield
    }) : () -> ()
    "tpu.region"() ({
      %run_scoped3A = tpu.sem_alloc : memref<!tpu.dma_semaphore, #tpu.memory_space<semaphore_mem>>
      %dma_start3A_572 = arith.constant 0 : i32
      %dma_start3A_573 = arith.constant 0 : i32
      %dma_start3A_574 = tpu.memref_slice %arg10[%dma_start3A_572, %dma_start3A_573] : memref<10000x128xf32, #tpu.memory_space<vmem_shared>> -> memref<10000x128xf32, #tpu.memory_space<vmem_shared>>
      tpu.enqueue_indirect_dma source(%arg8 : memref<8x128xf32, #tpu.memory_space<vmem>>) target(%dma_start3A_574 : memref<10000x128xf32, #tpu.memory_space<vmem_shared>>) offsets(%arg6 : memref<8xi32, #tpu.memory_space<vmem>>) semaphore(%run_scoped3A : memref<!tpu.dma_semaphore, #tpu.memory_space<semaphore_mem>>) {add = true}
      %dma_wait3A_575 = arith.constant 0 : i32
      %dma_wait3A_576 = arith.constant 0 : i32
      %dma_wait3A_577 = tpu.memref_slice %arg10[%dma_wait3A_575, %dma_wait3A_576] : memref<10000x128xf32, #tpu.memory_space<vmem_shared>> -> memref<10000x128xf32, #tpu.memory_space<vmem_shared>>
      tpu.wait_indirect_dma semaphore(%run_scoped3A : memref<!tpu.dma_semaphore, #tpu.memory_space<semaphore_mem>>) src(%arg8 : memref<8x128xf32, #tpu.memory_space<vmem>>) dst(%dma_wait3A_577 : memref<10000x128xf32, #tpu.memory_space<vmem_shared>>)
      tpu.yield
    }) : () -> ()
    %barrier3A_565 = arith.constant 0 : index
    tpu.barrier barrier_id(%barrier3A_565)
    %mul3A_566 = arith.constant 10000 : i32
    %mul3A_567 = arith.muli %arg0, %mul3A_566 : i32
    %add3A_568 = arith.addi %mul3A_567, %multiple_of3A : i32
    "tpu.region"() ({
      %run_scoped3A = tpu.sem_alloc : memref<!tpu.dma_semaphore, #tpu.memory_space<semaphore_mem>>
      %dma_start3A_572 = arith.constant 0 : i32
      %dma_start3A_573 = tpu.memref_slice %arg3[%add3A_568, %dma_start3A_572] : memref<20000x128xf32, #tpu.memory_space<hbm>> -> memref<624x128xf32, #tpu.memory_space<hbm>>
      %dma_start3A_574 = arith.constant 0 : i32
      %dma_start3A_575 = tpu.memref_slice %arg10[%multiple_of3A, %dma_start3A_574] : memref<10000x128xf32, #tpu.memory_space<vmem_shared>> -> memref<624x128xf32, #tpu.memory_space<vmem_shared>>
      tpu.enqueue_dma source(%dma_start3A_575 : memref<624x128xf32, #tpu.memory_space<vmem_shared>>) target(%dma_start3A_573 : memref<624x128xf32, #tpu.memory_space<hbm>>) target_semaphore(%run_scoped3A : memref<!tpu.dma_semaphore, #tpu.memory_space<semaphore_mem>>)
      %dma_wait3A_576 = arith.constant 0 : i32
      %dma_wait3A_577 = tpu.memref_slice %arg3[%add3A_568, %dma_wait3A_576] : memref<20000x128xf32, #tpu.memory_space<hbm>> -> memref<624x128xf32, #tpu.memory_space<hbm>>
      %dma_wait3A_578 = arith.constant 0 : i32
      %dma_wait3A_579 = tpu.memref_slice %arg10[%multiple_of3A, %dma_wait3A_578] : memref<10000x128xf32, #tpu.memory_space<vmem_shared>> -> memref<624x128xf32, #tpu.memory_space<vmem_shared>>
      tpu.wait_dma2 semaphore(%run_scoped3A : memref<!tpu.dma_semaphore, #tpu.memory_space<semaphore_mem>>) src(%dma_wait3A_579 : memref<624x128xf32, #tpu.memory_space<vmem_shared>>) dst(%dma_wait3A_577 : memref<624x128xf32, #tpu.memory_space<hbm>>)
      tpu.yield
    }) : () -> ()
    %eq3A_569 = arith.constant 15 : i32
    %eq3A_570 = arith.cmpi eq, %arg1, %eq3A_569 : i32
    %convert_element_type3A = arith.extui %eq3A_570 : i1 to i32
    %cond3A = arith.constant 0 : i32
    %cond3A_571 = arith.cmpi ne, %convert_element_type3A, %cond3A : i32
    scf.if %cond3A_571 {
      %mul3A_572 = arith.constant 10000 : i32
      %mul3A_573 = arith.muli %arg0, %mul3A_572 : i32
      %add3A_574 = arith.constant 9984 : i32
      %add3A_575 = arith.addi %mul3A_573, %add3A_574 : i32
      "tpu.region"() ({
        %run_scoped3A = tpu.sem_alloc : memref<!tpu.dma_semaphore, #tpu.memory_space<semaphore_mem>>
        %dma_start3A_576 = arith.constant 0 : i32
        %dma_start3A_577 = tpu.memref_slice %arg3[%add3A_575, %dma_start3A_576] : memref<20000x128xf32, #tpu.memory_space<hbm>> -> memref<16x128xf32, #tpu.memory_space<hbm>>
        %dma_start3A_578 = arith.constant 9984 : i32
        %dma_start3A_579 = arith.constant 0 : i32
        %dma_start3A_580 = tpu.memref_slice %arg10[%dma_start3A_578, %dma_start3A_579] : memref<10000x128xf32, #tpu.memory_space<vmem_shared>> -> memref<16x128xf32, #tpu.memory_space<vmem_shared>>
        tpu.enqueue_dma source(%dma_start3A_580 : memref<16x128xf32, #tpu.memory_space<vmem_shared>>) target(%dma_start3A_577 : memref<16x128xf32, #tpu.memory_space<hbm>>) target_semaphore(%run_scoped3A : memref<!tpu.dma_semaphore, #tpu.memory_space<semaphore_mem>>)
        %dma_wait3A_581 = arith.constant 0 : i32
        %dma_wait3A_582 = tpu.memref_slice %arg3[%add3A_575, %dma_wait3A_581] : memref<20000x128xf32, #tpu.memory_space<hbm>> -> memref<16x128xf32, #tpu.memory_space<hbm>>
        %dma_wait3A_583 = arith.constant 9984 : i32
        %dma_wait3A_584 = arith.constant 0 : i32
        %dma_wait3A_585 = tpu.memref_slice %arg10[%dma_wait3A_583, %dma_wait3A_584] : memref<10000x128xf32, #tpu.memory_space<vmem_shared>> -> memref<16x128xf32, #tpu.memory_space<vmem_shared>>
        tpu.wait_dma2 semaphore(%run_scoped3A : memref<!tpu.dma_semaphore, #tpu.memory_space<semaphore_mem>>) src(%dma_wait3A_585 : memref<16x128xf32, #tpu.memory_space<vmem_shared>>) dst(%dma_wait3A_582 : memref<16x128xf32, #tpu.memory_space<hbm>>)
        tpu.yield
      }) : () -> ()
    } else {
    }
    return
  }
}

#map = affine_map<(d0, d1) -> (0, 0)>
#map1 = affine_map<(d0, d1) -> (0)>
module attributes {stable_mosaic.version = 14 : i64} {
  func.func @_row_body(%arg0: i32, %arg1: i32, %arg2: memref<10000x128xf32, #tpu.memory_space<hbm>>, %arg3: memref<10000x128xf32, #tpu.memory_space<hbm>>, %arg4: memref<160000xi32, #tpu.memory_space<hbm>>, %arg5: memref<160000xi32, #tpu.memory_space<hbm>>, %arg6: memref<10000x128xf32, #tpu.memory_space<hbm>>, %arg7: memref<10000x128xf32, #tpu.memory_space<hbm>>, %arg8: memref<10000xi32, #tpu.memory_space<vmem>>, %arg9: memref<80xi32, #tpu.memory_space<vmem>>, %arg10: memref<80xi32, #tpu.memory_space<vmem>>, %arg11: memref<80xi32, #tpu.memory_space<vmem>>, %arg12: memref<80x128xf32, #tpu.memory_space<vmem>>, %arg13: memref<80x128xf32, #tpu.memory_space<vmem>>, %arg14: memref<80x128xf32, #tpu.memory_space<vmem>>, %arg15: memref<16x128xf32, #tpu.memory_space<vmem>>, %arg16: memref<10000x128xf32, #tpu.memory_space<vmem_shared>>, %arg17: memref<!tpu.dma_semaphore, #tpu.memory_space<semaphore_mem>>, %arg18: memref<!tpu.dma_semaphore, #tpu.memory_space<semaphore_mem>>, %arg19: memref<!tpu.dma_semaphore, #tpu.memory_space<semaphore_mem>>, %arg20: memref<!tpu.dma_semaphore, #tpu.memory_space<semaphore_mem>>, %arg21: memref<!tpu.dma_semaphore, #tpu.memory_space<semaphore_mem>>, %arg22: memref<!tpu.dma_semaphore, #tpu.memory_space<semaphore_mem>>) attributes {dimension_semantics = [#tpu.dimension_semantics<core_parallel>, #tpu.dimension_semantics<subcore_parallel>], iteration_bounds = array<i64: 2, 16>, scalar_prefetch = 0 : i64, scratch_operands = 15 : i64, tpu.core_type = #tpu.core_type<sc_vector_subcore>, window_params = [{transform_indices = #map}, {transform_indices = #map}, {transform_indices = #map1}, {transform_indices = #map1}, {transform_indices = #map}, {transform_indices = #map}]} {
    %scan3A = arith.constant 0 : i32
    %scan3A_0 = arith.constant 0 : i32
    %scan3A_1 = arith.constant 16 : i32
    %scan3A_2 = arith.addi %scan3A_0, %scan3A_1 : i32
    %scan3A_3 = arith.constant 1 : i32
    scf.for %scan3A_28 = %scan3A_0 to %scan3A_2 step %scan3A_3  : i32 {
      %broadcast_in_dim3A = arith.constant 0.000000e+00 : f32
      %broadcast_in_dim3A_29 = vector.broadcast %broadcast_in_dim3A : f32 to vector<16xf32>
      %swap3A = arith.index_cast %scan3A_28 : i32 to index
      %swap3A_30 = arith.constant 0 : index
      %swap3A_31 = tpu.vector_load %arg15[%swap3A, %swap3A_30] {strides = array<i32>} : memref<16x128xf32, #tpu.memory_space<vmem>>, vector<1x16xf32>,
      %swap3A_32 = vector.shape_cast %swap3A_31 : vector<1x16xf32> to vector<16xf32>
      %swap3A_33 = vector.shape_cast %broadcast_in_dim3A_29 : vector<16xf32> to vector<1x16xf32>
      tpu.vector_store %arg15[%swap3A, %swap3A_30], %swap3A_33 {strides = array<i32>} : memref<16x128xf32, #tpu.memory_space<vmem>>, vector<1x16xf32>,
      %broadcast_in_dim3A_34 = arith.constant 0.000000e+00 : f32
      %broadcast_in_dim3A_35 = vector.broadcast %broadcast_in_dim3A_34 : f32 to vector<16xf32>
      %swap3A_36 = arith.index_cast %scan3A_28 : i32 to index
      %swap3A_37 = arith.constant 16 : index
      %swap3A_38 = tpu.vector_load %arg15[%swap3A_36, %swap3A_37] {strides = array<i32>} : memref<16x128xf32, #tpu.memory_space<vmem>>, vector<1x16xf32>,
      %swap3A_39 = vector.shape_cast %swap3A_38 : vector<1x16xf32> to vector<16xf32>
      %swap3A_40 = vector.shape_cast %broadcast_in_dim3A_35 : vector<16xf32> to vector<1x16xf32>
      tpu.vector_store %arg15[%swap3A_36, %swap3A_37], %swap3A_40 {strides = array<i32>} : memref<16x128xf32, #tpu.memory_space<vmem>>, vector<1x16xf32>,
      %broadcast_in_dim3A_41 = arith.constant 0.000000e+00 : f32
      %broadcast_in_dim3A_42 = vector.broadcast %broadcast_in_dim3A_41 : f32 to vector<16xf32>
      %swap3A_43 = arith.index_cast %scan3A_28 : i32 to index
      %swap3A_44 = arith.constant 32 : index
      %swap3A_45 = tpu.vector_load %arg15[%swap3A_43, %swap3A_44] {strides = array<i32>} : memref<16x128xf32, #tpu.memory_space<vmem>>, vector<1x16xf32>,
      %swap3A_46 = vector.shape_cast %swap3A_45 : vector<1x16xf32> to vector<16xf32>
      %swap3A_47 = vector.shape_cast %broadcast_in_dim3A_42 : vector<16xf32> to vector<1x16xf32>
      tpu.vector_store %arg15[%swap3A_43, %swap3A_44], %swap3A_47 {strides = array<i32>} : memref<16x128xf32, #tpu.memory_space<vmem>>, vector<1x16xf32>,
      %broadcast_in_dim3A_48 = arith.constant 0.000000e+00 : f32
      %broadcast_in_dim3A_49 = vector.broadcast %broadcast_in_dim3A_48 : f32 to vector<16xf32>
      %swap3A_50 = arith.index_cast %scan3A_28 : i32 to index
      %swap3A_51 = arith.constant 48 : index
      %swap3A_52 = tpu.vector_load %arg15[%swap3A_50, %swap3A_51] {strides = array<i32>} : memref<16x128xf32, #tpu.memory_space<vmem>>, vector<1x16xf32>,
      %swap3A_53 = vector.shape_cast %swap3A_52 : vector<1x16xf32> to vector<16xf32>
      %swap3A_54 = vector.shape_cast %broadcast_in_dim3A_49 : vector<16xf32> to vector<1x16xf32>
      tpu.vector_store %arg15[%swap3A_50, %swap3A_51], %swap3A_54 {strides = array<i32>} : memref<16x128xf32, #tpu.memory_space<vmem>>, vector<1x16xf32>,
      %broadcast_in_dim3A_55 = arith.constant 0.000000e+00 : f32
      %broadcast_in_dim3A_56 = vector.broadcast %broadcast_in_dim3A_55 : f32 to vector<16xf32>
      %swap3A_57 = arith.index_cast %scan3A_28 : i32 to index
      %swap3A_58 = arith.constant 64 : index
      %swap3A_59 = tpu.vector_load %arg15[%swap3A_57, %swap3A_58] {strides = array<i32>} : memref<16x128xf32, #tpu.memory_space<vmem>>, vector<1x16xf32>,
      %swap3A_60 = vector.shape_cast %swap3A_59 : vector<1x16xf32> to vector<16xf32>
      %swap3A_61 = vector.shape_cast %broadcast_in_dim3A_56 : vector<16xf32> to vector<1x16xf32>
      tpu.vector_store %arg15[%swap3A_57, %swap3A_58], %swap3A_61 {strides = array<i32>} : memref<16x128xf32, #tpu.memory_space<vmem>>, vector<1x16xf32>,
      %broadcast_in_dim3A_62 = arith.constant 0.000000e+00 : f32
      %broadcast_in_dim3A_63 = vector.broadcast %broadcast_in_dim3A_62 : f32 to vector<16xf32>
      %swap3A_64 = arith.index_cast %scan3A_28 : i32 to index
      %swap3A_65 = arith.constant 80 : index
      %swap3A_66 = tpu.vector_load %arg15[%swap3A_64, %swap3A_65] {strides = array<i32>} : memref<16x128xf32, #tpu.memory_space<vmem>>, vector<1x16xf32>,
      %swap3A_67 = vector.shape_cast %swap3A_66 : vector<1x16xf32> to vector<16xf32>
      %swap3A_68 = vector.shape_cast %broadcast_in_dim3A_63 : vector<16xf32> to vector<1x16xf32>
      tpu.vector_store %arg15[%swap3A_64, %swap3A_65], %swap3A_68 {strides = array<i32>} : memref<16x128xf32, #tpu.memory_space<vmem>>, vector<1x16xf32>,
      %broadcast_in_dim3A_69 = arith.constant 0.000000e+00 : f32
      %broadcast_in_dim3A_70 = vector.broadcast %broadcast_in_dim3A_69 : f32 to vector<16xf32>
      %swap3A_71 = arith.index_cast %scan3A_28 : i32 to index
      %swap3A_72 = arith.constant 96 : index
      %swap3A_73 = tpu.vector_load %arg15[%swap3A_71, %swap3A_72] {strides = array<i32>} : memref<16x128xf32, #tpu.memory_space<vmem>>, vector<1x16xf32>,
      %swap3A_74 = vector.shape_cast %swap3A_73 : vector<1x16xf32> to vector<16xf32>
      %swap3A_75 = vector.shape_cast %broadcast_in_dim3A_70 : vector<16xf32> to vector<1x16xf32>
      tpu.vector_store %arg15[%swap3A_71, %swap3A_72], %swap3A_75 {strides = array<i32>} : memref<16x128xf32, #tpu.memory_space<vmem>>, vector<1x16xf32>,
      %broadcast_in_dim3A_76 = arith.constant 0.000000e+00 : f32
      %broadcast_in_dim3A_77 = vector.broadcast %broadcast_in_dim3A_76 : f32 to vector<16xf32>
      %swap3A_78 = arith.index_cast %scan3A_28 : i32 to index
      %swap3A_79 = arith.constant 112 : index
      %swap3A_80 = tpu.vector_load %arg15[%swap3A_78, %swap3A_79] {strides = array<i32>} : memref<16x128xf32, #tpu.memory_space<vmem>>, vector<1x16xf32>,
      %swap3A_81 = vector.shape_cast %swap3A_80 : vector<1x16xf32> to vector<16xf32>
      %swap3A_82 = vector.shape_cast %broadcast_in_dim3A_77 : vector<16xf32> to vector<1x16xf32>
      tpu.vector_store %arg15[%swap3A_78, %swap3A_79], %swap3A_82 {strides = array<i32>} : memref<16x128xf32, #tpu.memory_space<vmem>>, vector<1x16xf32>,
    }
    %scan3A_4 = arith.constant 16 : i32
    %mul3A = arith.constant 624 : i32
    %mul3A_5 = arith.muli %arg1, %mul3A : i32
    %multiple_of3A = tpu.assume_multiple %mul3A_5, 8 : i32
    %eq3A = arith.constant 15 : i32
    %eq3A_6 = arith.cmpi eq, %arg1, %eq3A : i32
    %jit3A = arith.constant 40 : i32
    %jit3A_7 = arith.constant 39 : i32
    %select_n3A = arith.select %eq3A_6, %jit3A, %jit3A_7 : i32
    %while3A = arith.constant 0 : i32
    %while3A_8 = arith.constant 0 : i32
    %while3A_9 = arith.subi %select_n3A, %while3A_8 : i32
    %while3A_10 = arith.addi %while3A_8, %while3A_9 : i32
    %while3A_11 = arith.constant 1 : i32
    %while3A_12 = arith.divsi %while3A_9, %while3A_11 : i32
    %while3A_13 = arith.muli %while3A_12, %while3A_11 : i32
    %while3A_14 = arith.addi %while3A_8, %while3A_13 : i32
    %while3A_15 = arith.constant 1 : i32
    scf.for %while3A_28 = %while3A_8 to %while3A_14 step %while3A_15  : i32 {
      %mul3A_29 = arith.constant 16 : i32
      %mul3A_30 = arith.muli %while3A_28, %mul3A_29 : i32
      %add3A = arith.addi %multiple_of3A, %mul3A_30 : i32
      "tpu.region"() ({
        %run_scoped3A = tpu.sem_alloc : memref<!tpu.dma_semaphore, #tpu.memory_space<semaphore_mem>>
        %dma_start3A = arith.constant 0 : i32
        %dma_start3A_31 = tpu.memref_slice %arg16[%add3A, %dma_start3A] : memref<10000x128xf32, #tpu.memory_space<vmem_shared>> -> memref<16x128xf32, #tpu.memory_space<vmem_shared>>
        %dma_start3A_32 = arith.constant 0 : i32
        %dma_start3A_33 = tpu.memref_slice %arg16[%add3A, %dma_start3A_32] : memref<10000x128xf32, #tpu.memory_space<vmem_shared>> -> memref<16x128xf32, #tpu.memory_space<vmem_shared>>
        tpu.enqueue_dma source(%arg15 : memref<16x128xf32, #tpu.memory_space<vmem>>) target(%dma_start3A_33 : memref<16x128xf32, #tpu.memory_space<vmem_shared>>) target_semaphore(%run_scoped3A : memref<!tpu.dma_semaphore, #tpu.memory_space<semaphore_mem>>)
        %dma_wait3A = arith.constant 0 : i32
        %dma_wait3A_34 = tpu.memref_slice %arg16[%add3A, %dma_wait3A] : memref<10000x128xf32, #tpu.memory_space<vmem_shared>> -> memref<16x128xf32, #tpu.memory_space<vmem_shared>>
        %dma_wait3A_35 = arith.constant 0 : i32
        %dma_wait3A_36 = tpu.memref_slice %arg16[%add3A, %dma_wait3A_35] : memref<10000x128xf32, #tpu.memory_space<vmem_shared>> -> memref<16x128xf32, #tpu.memory_space<vmem_shared>>
        tpu.wait_dma2 semaphore(%run_scoped3A : memref<!tpu.dma_semaphore, #tpu.memory_space<semaphore_mem>>) src(%arg15 : memref<16x128xf32, #tpu.memory_space<vmem>>) dst(%dma_wait3A_36 : memref<16x128xf32, #tpu.memory_space<vmem_shared>>)
        tpu.yield
      }) : () -> ()
    }
    %while3A_16 = arith.constant 1 : i32
    scf.for %while3A_28 = %while3A_14 to %while3A_10 step %while3A_16  : i32 {
      %mul3A_29 = arith.constant 16 : i32
      %mul3A_30 = arith.muli %while3A_28, %mul3A_29 : i32
      %add3A = arith.addi %multiple_of3A, %mul3A_30 : i32
      "tpu.region"() ({
        %run_scoped3A = tpu.sem_alloc : memref<!tpu.dma_semaphore, #tpu.memory_space<semaphore_mem>>
        %dma_start3A = arith.constant 0 : i32
        %dma_start3A_31 = tpu.memref_slice %arg16[%add3A, %dma_start3A] : memref<10000x128xf32, #tpu.memory_space<vmem_shared>> -> memref<16x128xf32, #tpu.memory_space<vmem_shared>>
        %dma_start3A_32 = arith.constant 0 : i32
        %dma_start3A_33 = tpu.memref_slice %arg16[%add3A, %dma_start3A_32] : memref<10000x128xf32, #tpu.memory_space<vmem_shared>> -> memref<16x128xf32, #tpu.memory_space<vmem_shared>>
        tpu.enqueue_dma source(%arg15 : memref<16x128xf32, #tpu.memory_space<vmem>>) target(%dma_start3A_33 : memref<16x128xf32, #tpu.memory_space<vmem_shared>>) target_semaphore(%run_scoped3A : memref<!tpu.dma_semaphore, #tpu.memory_space<semaphore_mem>>)
        %dma_wait3A = arith.constant 0 : i32
        %dma_wait3A_34 = tpu.memref_slice %arg16[%add3A, %dma_wait3A] : memref<10000x128xf32, #tpu.memory_space<vmem_shared>> -> memref<16x128xf32, #tpu.memory_space<vmem_shared>>
        %dma_wait3A_35 = arith.constant 0 : i32
        %dma_wait3A_36 = tpu.memref_slice %arg16[%add3A, %dma_wait3A_35] : memref<10000x128xf32, #tpu.memory_space<vmem_shared>> -> memref<16x128xf32, #tpu.memory_space<vmem_shared>>
        tpu.wait_dma2 semaphore(%run_scoped3A : memref<!tpu.dma_semaphore, #tpu.memory_space<semaphore_mem>>) src(%arg15 : memref<16x128xf32, #tpu.memory_space<vmem>>) dst(%dma_wait3A_36 : memref<16x128xf32, #tpu.memory_space<vmem_shared>>)
        tpu.yield
      }) : () -> ()
    }
    %mul3A_17 = arith.constant 10000 : i32
    %mul3A_18 = arith.muli %arg1, %mul3A_17 : i32
    %multiple_of3A_19 = tpu.assume_multiple %mul3A_18, 8 : i32
    "tpu.region"() ({
      %run_scoped3A = tpu.sem_alloc : memref<!tpu.dma_semaphore, #tpu.memory_space<semaphore_mem>>
      %dma_start3A = tpu.memref_slice %arg4[%multiple_of3A_19] : memref<160000xi32, #tpu.memory_space<hbm>> -> memref<10000xi32, #tpu.memory_space<hbm>>
      %dma_start3A_28 = tpu.memref_slice %arg4[%multiple_of3A_19] : memref<160000xi32, #tpu.memory_space<hbm>> -> memref<10000xi32, #tpu.memory_space<hbm>>
      tpu.enqueue_dma source(%dma_start3A_28 : memref<10000xi32, #tpu.memory_space<hbm>>) target(%arg8 : memref<10000xi32, #tpu.memory_space<vmem>>) target_semaphore(%run_scoped3A : memref<!tpu.dma_semaphore, #tpu.memory_space<semaphore_mem>>)
      %dma_wait3A = tpu.memref_slice %arg4[%multiple_of3A_19] : memref<160000xi32, #tpu.memory_space<hbm>> -> memref<10000xi32, #tpu.memory_space<hbm>>
      %dma_wait3A_29 = tpu.memref_slice %arg4[%multiple_of3A_19] : memref<160000xi32, #tpu.memory_space<hbm>> -> memref<10000xi32, #tpu.memory_space<hbm>>
      tpu.wait_dma2 semaphore(%run_scoped3A : memref<!tpu.dma_semaphore, #tpu.memory_space<semaphore_mem>>) src(%dma_wait3A_29 : memref<10000xi32, #tpu.memory_space<hbm>>) dst(%arg8 : memref<10000xi32, #tpu.memory_space<vmem>>)
      tpu.yield
    }) : () -> ()
    %barrier3A = arith.constant 0 : index
    tpu.barrier barrier_id(%barrier3A)
    %eq3A_20 = arith.constant 0 : i32
    %eq3A_21 = arith.cmpi eq, %arg0, %eq3A_20 : i32
    %convert_element_type3A = arith.extui %eq3A_21 : i1 to i32
    %cond3A = arith.constant 0 : i32
    %cond3A_22 = arith.cmpi ne, %convert_element_type3A, %cond3A : i32
    scf.if %cond3A_22 {
      %add3A = arith.constant 0 : i32
      %add3A_28 = arith.addi %multiple_of3A_19, %add3A : i32
      %multiple_of3A_29 = tpu.assume_multiple %add3A_28, 8 : i32
      %multiple_of3A_30 = arith.constant 0 : i32
      %multiple_of3A_31 = tpu.assume_multiple %multiple_of3A_30, 8 : i32
      %dma_start3A = tpu.memref_slice %arg5[%multiple_of3A_29] : memref<160000xi32, #tpu.memory_space<hbm>> -> memref<80xi32, #tpu.memory_space<hbm>>
      %dma_start3A_32 = tpu.memref_slice %arg5[%multiple_of3A_29] : memref<160000xi32, #tpu.memory_space<hbm>> -> memref<80xi32, #tpu.memory_space<hbm>>
      tpu.enqueue_dma source(%dma_start3A_32 : memref<80xi32, #tpu.memory_space<hbm>>) target(%arg9 : memref<80xi32, #tpu.memory_space<vmem>>) target_semaphore(%arg17 : memref<!tpu.dma_semaphore, #tpu.memory_space<semaphore_mem>>)
      %dma_start3A_33 = tpu.memref_slice %arg8[%multiple_of3A_31] : memref<10000xi32, #tpu.memory_space<vmem>> -> memref<80xi32, #tpu.memory_space<vmem>>
      %dma_start3A_34 = arith.constant 0 : i32
      %dma_start3A_35 = arith.constant 0 : i32
      %dma_start3A_36 = tpu.memref_slice %arg2[%dma_start3A_34, %dma_start3A_35] : memref<10000x128xf32, #tpu.memory_space<hbm>> -> memref<10000x128xf32, #tpu.memory_space<hbm>>
      tpu.enqueue_indirect_dma source(%dma_start3A_36 : memref<10000x128xf32, #tpu.memory_space<hbm>>) target(%arg12 : memref<80x128xf32, #tpu.memory_space<vmem>>) offsets(%dma_start3A_33 : memref<80xi32, #tpu.memory_space<vmem>>) semaphore(%arg17 : memref<!tpu.dma_semaphore, #tpu.memory_space<semaphore_mem>>)
      %add3A_37 = arith.constant 80 : i32
      %add3A_38 = arith.addi %multiple_of3A_19, %add3A_37 : i32
      %multiple_of3A_39 = tpu.assume_multiple %add3A_38, 8 : i32
      %multiple_of3A_40 = arith.constant 80 : i32
      %multiple_of3A_41 = tpu.assume_multiple %multiple_of3A_40, 8 : i32
      %dma_start3A_42 = tpu.memref_slice %arg5[%multiple_of3A_39] : memref<160000xi32, #tpu.memory_space<hbm>> -> memref<80xi32, #tpu.memory_space<hbm>>
      %dma_start3A_43 = tpu.memref_slice %arg5[%multiple_of3A_39] : memref<160000xi32, #tpu.memory_space<hbm>> -> memref<80xi32, #tpu.memory_space<hbm>>
      tpu.enqueue_dma source(%dma_start3A_43 : memref<80xi32, #tpu.memory_space<hbm>>) target(%arg10 : memref<80xi32, #tpu.memory_space<vmem>>) target_semaphore(%arg18 : memref<!tpu.dma_semaphore, #tpu.memory_space<semaphore_mem>>)
      %dma_start3A_44 = tpu.memref_slice %arg8[%multiple_of3A_41] : memref<10000xi32, #tpu.memory_space<vmem>> -> memref<80xi32, #tpu.memory_space<vmem>>
      %dma_start3A_45 = arith.constant 0 : i32
      %dma_start3A_46 = arith.constant 0 : i32
      %dma_start3A_47 = tpu.memref_slice %arg2[%dma_start3A_45, %dma_start3A_46] : memref<10000x128xf32, #tpu.memory_space<hbm>> -> memref<10000x128xf32, #tpu.memory_space<hbm>>
      tpu.enqueue_indirect_dma source(%dma_start3A_47 : memref<10000x128xf32, #tpu.memory_space<hbm>>) target(%arg13 : memref<80x128xf32, #tpu.memory_space<vmem>>) offsets(%dma_start3A_44 : memref<80xi32, #tpu.memory_space<vmem>>) semaphore(%arg18 : memref<!tpu.dma_semaphore, #tpu.memory_space<semaphore_mem>>)
      %add3A_48 = arith.constant 0 : i32
      %add3A_49 = arith.addi %multiple_of3A_19, %add3A_48 : i32
      %multiple_of3A_50 = tpu.assume_multiple %add3A_49, 8 : i32
      %multiple_of3A_51 = arith.constant 0 : i32
      %multiple_of3A_52 = tpu.assume_multiple %multiple_of3A_51, 8 : i32
      %dma_wait3A = tpu.memref_slice %arg5[%multiple_of3A_50] : memref<160000xi32, #tpu.memory_space<hbm>> -> memref<80xi32, #tpu.memory_space<hbm>>
      %dma_wait3A_53 = tpu.memref_slice %arg5[%multiple_of3A_50] : memref<160000xi32, #tpu.memory_space<hbm>> -> memref<80xi32, #tpu.memory_space<hbm>>
      tpu.wait_dma2 semaphore(%arg17 : memref<!tpu.dma_semaphore, #tpu.memory_space<semaphore_mem>>) src(%dma_wait3A_53 : memref<80xi32, #tpu.memory_space<hbm>>) dst(%arg9 : memref<80xi32, #tpu.memory_space<vmem>>)
      %dma_wait3A_54 = tpu.memref_slice %arg8[%multiple_of3A_52] : memref<10000xi32, #tpu.memory_space<vmem>> -> memref<80xi32, #tpu.memory_space<vmem>>
      %dma_wait3A_55 = arith.constant 0 : i32
      %dma_wait3A_56 = arith.constant 0 : i32
      %dma_wait3A_57 = tpu.memref_slice %arg2[%dma_wait3A_55, %dma_wait3A_56] : memref<10000x128xf32, #tpu.memory_space<hbm>> -> memref<10000x128xf32, #tpu.memory_space<hbm>>
      tpu.wait_indirect_dma semaphore(%arg17 : memref<!tpu.dma_semaphore, #tpu.memory_space<semaphore_mem>>) src(%dma_wait3A_57 : memref<10000x128xf32, #tpu.memory_space<hbm>>) dst(%arg12 : memref<80x128xf32, #tpu.memory_space<vmem>>)
      %dma_start3A_58 = arith.constant 0 : i32
      %dma_start3A_59 = arith.constant 0 : i32
      %dma_start3A_60 = tpu.memref_slice %arg16[%dma_start3A_58, %dma_start3A_59] : memref<10000x128xf32, #tpu.memory_space<vmem_shared>> -> memref<10000x128xf32, #tpu.memory_space<vmem_shared>>
      tpu.enqueue_indirect_dma source(%arg12 : memref<80x128xf32, #tpu.memory_space<vmem>>) target(%dma_start3A_60 : memref<10000x128xf32, #tpu.memory_space<vmem_shared>>) offsets(%arg9 : memref<80xi32, #tpu.memory_space<vmem>>) semaphore(%arg20 : memref<!tpu.dma_semaphore, #tpu.memory_space<semaphore_mem>>) {add = true}
      %add3A_61 = arith.constant 160 : i32
      %add3A_62 = arith.addi %multiple_of3A_19, %add3A_61 : i32
      %multiple_of3A_63 = tpu.assume_multiple %add3A_62, 8 : i32
      %multiple_of3A_64 = arith.constant 160 : i32
      %multiple_of3A_65 = tpu.assume_multiple %multiple_of3A_64, 8 : i32
      %dma_start3A_66 = tpu.memref_slice %arg5[%multiple_of3A_63] : memref<160000xi32, #tpu.memory_space<hbm>> -> memref<80xi32, #tpu.memory_space<hbm>>
      %dma_start3A_67 = tpu.memref_slice %arg5[%multiple_of3A_63] : memref<160000xi32, #tpu.memory_space<hbm>> -> memref<80xi32, #tpu.memory_space<hbm>>
      tpu.enqueue_dma source(%dma_start3A_67 : memref<80xi32, #tpu.memory_space<hbm>>) target(%arg11 : memref<80xi32, #tpu.memory_space<vmem>>) target_semaphore(%arg19 : memref<!tpu.dma_semaphore, #tpu.memory_space<semaphore_mem>>)
      %dma_start3A_68 = tpu.memref_slice %arg8[%multiple_of3A_65] : memref<10000xi32, #tpu.memory_space<vmem>> -> memref<80xi32, #tpu.memory_space<vmem>>
      %dma_start3A_69 = arith.constant 0 : i32
      %dma_start3A_70 = arith.constant 0 : i32
      %dma_start3A_71 = tpu.memref_slice %arg2[%dma_start3A_69, %dma_start3A_70] : memref<10000x128xf32, #tpu.memory_space<hbm>> -> memref<10000x128xf32, #tpu.memory_space<hbm>>
      tpu.enqueue_indirect_dma source(%dma_start3A_71 : memref<10000x128xf32, #tpu.memory_space<hbm>>) target(%arg14 : memref<80x128xf32, #tpu.memory_space<vmem>>) offsets(%dma_start3A_68 : memref<80xi32, #tpu.memory_space<vmem>>) semaphore(%arg19 : memref<!tpu.dma_semaphore, #tpu.memory_space<semaphore_mem>>)
      %add3A_72 = arith.constant 80 : i32
      %add3A_73 = arith.addi %multiple_of3A_19, %add3A_72 : i32
      %multiple_of3A_74 = tpu.assume_multiple %add3A_73, 8 : i32
      %multiple_of3A_75 = arith.constant 80 : i32
      %multiple_of3A_76 = tpu.assume_multiple %multiple_of3A_75, 8 : i32
      %dma_wait3A_77 = tpu.memref_slice %arg5[%multiple_of3A_74] : memref<160000xi32, #tpu.memory_space<hbm>> -> memref<80xi32, #tpu.memory_space<hbm>>
      %dma_wait3A_78 = tpu.memref_slice %arg5[%multiple_of3A_74] : memref<160000xi32, #tpu.memory_space<hbm>> -> memref<80xi32, #tpu.memory_space<hbm>>
      tpu.wait_dma2 semaphore(%arg18 : memref<!tpu.dma_semaphore, #tpu.memory_space<semaphore_mem>>) src(%dma_wait3A_78 : memref<80xi32, #tpu.memory_space<hbm>>) dst(%arg10 : memref<80xi32, #tpu.memory_space<vmem>>)
      %dma_wait3A_79 = tpu.memref_slice %arg8[%multiple_of3A_76] : memref<10000xi32, #tpu.memory_space<vmem>> -> memref<80xi32, #tpu.memory_space<vmem>>
      %dma_wait3A_80 = arith.constant 0 : i32
      %dma_wait3A_81 = arith.constant 0 : i32
      %dma_wait3A_82 = tpu.memref_slice %arg2[%dma_wait3A_80, %dma_wait3A_81] : memref<10000x128xf32, #tpu.memory_space<hbm>> -> memref<10000x128xf32, #tpu.memory_space<hbm>>
      tpu.wait_indirect_dma semaphore(%arg18 : memref<!tpu.dma_semaphore, #tpu.memory_space<semaphore_mem>>) src(%dma_wait3A_82 : memref<10000x128xf32, #tpu.memory_space<hbm>>) dst(%arg13 : memref<80x128xf32, #tpu.memory_space<vmem>>)
      %dma_wait3A_83 = arith.constant 0 : i32
      %dma_wait3A_84 = arith.constant 0 : i32
      %dma_wait3A_85 = tpu.memref_slice %arg16[%dma_wait3A_83, %dma_wait3A_84] : memref<10000x128xf32, #tpu.memory_space<vmem_shared>> -> memref<10000x128xf32, #tpu.memory_space<vmem_shared>>
      tpu.wait_indirect_dma semaphore(%arg20 : memref<!tpu.dma_semaphore, #tpu.memory_space<semaphore_mem>>) src(%arg12 : memref<80x128xf32, #tpu.memory_space<vmem>>) dst(%dma_wait3A_85 : memref<10000x128xf32, #tpu.memory_space<vmem_shared>>)
      %dma_start3A_86 = arith.constant 0 : i32
      %dma_start3A_87 = arith.constant 0 : i32
      %dma_start3A_88 = tpu.memref_slice %arg16[%dma_start3A_86, %dma_start3A_87] : memref<10000x128xf32, #tpu.memory_space<vmem_shared>> -> memref<10000x128xf32, #tpu.memory_space<vmem_shared>>
      tpu.enqueue_indirect_dma source(%arg13 : memref<80x128xf32, #tpu.memory_space<vmem>>) target(%dma_start3A_88 : memref<10000x128xf32, #tpu.memory_space<vmem_shared>>) offsets(%arg10 : memref<80xi32, #tpu.memory_space<vmem>>) semaphore(%arg21 : memref<!tpu.dma_semaphore, #tpu.memory_space<semaphore_mem>>) {add = true}
      %add3A_89 = arith.constant 240 : i32
      %add3A_90 = arith.addi %multiple_of3A_19, %add3A_89 : i32
      %multiple_of3A_91 = tpu.assume_multiple %add3A_90, 8 : i32
      %multiple_of3A_92 = arith.constant 240 : i32
      %multiple_of3A_93 = tpu.assume_multiple %multiple_of3A_92, 8 : i32
      %dma_start3A_94 = tpu.memref_slice %arg5[%multiple_of3A_91] : memref<160000xi32, #tpu.memory_space<hbm>> -> memref<80xi32, #tpu.memory_space<hbm>>
      %dma_start3A_95 = tpu.memref_slice %arg5[%multiple_of3A_91] : memref<160000xi32, #tpu.memory_space<hbm>> -> memref<80xi32, #tpu.memory_space<hbm>>
      tpu.enqueue_dma source(%dma_start3A_95 : memref<80xi32, #tpu.memory_space<hbm>>) target(%arg9 : memref<80xi32, #tpu.memory_space<vmem>>) target_semaphore(%arg17 : memref<!tpu.dma_semaphore, #tpu.memory_space<semaphore_mem>>)
      %dma_start3A_96 = tpu.memref_slice %arg8[%multiple_of3A_93] : memref<10000xi32, #tpu.memory_space<vmem>> -> memref<80xi32, #tpu.memory_space<vmem>>
      %dma_start3A_97 = arith.constant 0 : i32
      %dma_start3A_98 = arith.constant 0 : i32
      %dma_start3A_99 = tpu.memref_slice %arg2[%dma_start3A_97, %dma_start3A_98] : memref<10000x128xf32, #tpu.memory_space<hbm>> -> memref<10000x128xf32, #tpu.memory_space<hbm>>
      tpu.enqueue_indirect_dma source(%dma_start3A_99 : memref<10000x128xf32, #tpu.memory_space<hbm>>) target(%arg12 : memref<80x128xf32, #tpu.memory_space<vmem>>) offsets(%dma_start3A_96 : memref<80xi32, #tpu.memory_space<vmem>>) semaphore(%arg17 : memref<!tpu.dma_semaphore, #tpu.memory_space<semaphore_mem>>)
      %scan3A_100 = arith.constant 0 : i32
      %scan3A_101 = arith.constant 0 : i32
      %scan3A_102 = arith.constant 41 : i32
      %scan3A_103 = arith.addi %scan3A_101, %scan3A_102 : i32
      %scan3A_104 = arith.constant 1 : i32
      scf.for %scan3A_115 = %scan3A_101 to %scan3A_103 step %scan3A_104  : i32 {
        %mul3A_116 = arith.constant 3 : i32
        %mul3A_117 = arith.muli %mul3A_116, %scan3A_115 : i32
        %add3A_118 = arith.constant 2 : i32
        %add3A_119 = arith.addi %mul3A_117, %add3A_118 : i32
        %mul3A_120 = arith.constant 80 : i32
        %mul3A_121 = arith.muli %add3A_119, %mul3A_120 : i32
        %add3A_122 = arith.addi %multiple_of3A_19, %mul3A_121 : i32
        %multiple_of3A_123 = tpu.assume_multiple %add3A_122, 8 : i32
        %mul3A_124 = arith.constant 80 : i32
        %mul3A_125 = arith.muli %add3A_119, %mul3A_124 : i32
        %multiple_of3A_126 = tpu.assume_multiple %mul3A_125, 8 : i32
        %dma_wait3A_127 = tpu.memref_slice %arg5[%multiple_of3A_123] : memref<160000xi32, #tpu.memory_space<hbm>> -> memref<80xi32, #tpu.memory_space<hbm>>
        %dma_wait3A_128 = tpu.memref_slice %arg5[%multiple_of3A_123] : memref<160000xi32, #tpu.memory_space<hbm>> -> memref<80xi32, #tpu.memory_space<hbm>>
        tpu.wait_dma2 semaphore(%arg19 : memref<!tpu.dma_semaphore, #tpu.memory_space<semaphore_mem>>) src(%dma_wait3A_128 : memref<80xi32, #tpu.memory_space<hbm>>) dst(%arg11 : memref<80xi32, #tpu.memory_space<vmem>>)
        %dma_wait3A_129 = tpu.memref_slice %arg8[%multiple_of3A_126] : memref<10000xi32, #tpu.memory_space<vmem>> -> memref<80xi32, #tpu.memory_space<vmem>>
        %dma_wait3A_130 = arith.constant 0 : i32
        %dma_wait3A_131 = arith.constant 0 : i32
        %dma_wait3A_132 = tpu.memref_slice %arg2[%dma_wait3A_130, %dma_wait3A_131] : memref<10000x128xf32, #tpu.memory_space<hbm>> -> memref<10000x128xf32, #tpu.memory_space<hbm>>
        tpu.wait_indirect_dma semaphore(%arg19 : memref<!tpu.dma_semaphore, #tpu.memory_space<semaphore_mem>>) src(%dma_wait3A_132 : memref<10000x128xf32, #tpu.memory_space<hbm>>) dst(%arg14 : memref<80x128xf32, #tpu.memory_space<vmem>>)
        %dma_wait3A_133 = arith.constant 0 : i32
        %dma_wait3A_134 = arith.constant 0 : i32
        %dma_wait3A_135 = tpu.memref_slice %arg16[%dma_wait3A_133, %dma_wait3A_134] : memref<10000x128xf32, #tpu.memory_space<vmem_shared>> -> memref<10000x128xf32, #tpu.memory_space<vmem_shared>>
        tpu.wait_indirect_dma semaphore(%arg21 : memref<!tpu.dma_semaphore, #tpu.memory_space<semaphore_mem>>) src(%arg13 : memref<80x128xf32, #tpu.memory_space<vmem>>) dst(%dma_wait3A_135 : memref<10000x128xf32, #tpu.memory_space<vmem_shared>>)
        %dma_start3A_136 = arith.constant 0 : i32
        %dma_start3A_137 = arith.constant 0 : i32
        %dma_start3A_138 = tpu.memref_slice %arg16[%dma_start3A_136, %dma_start3A_137] : memref<10000x128xf32, #tpu.memory_space<vmem_shared>> -> memref<10000x128xf32, #tpu.memory_space<vmem_shared>>
        tpu.enqueue_indirect_dma source(%arg14 : memref<80x128xf32, #tpu.memory_space<vmem>>) target(%dma_start3A_138 : memref<10000x128xf32, #tpu.memory_space<vmem_shared>>) offsets(%arg11 : memref<80xi32, #tpu.memory_space<vmem>>) semaphore(%arg22 : memref<!tpu.dma_semaphore, #tpu.memory_space<semaphore_mem>>) {add = true}
        %add3A_139 = arith.constant 2 : i32
        %add3A_140 = arith.addi %add3A_119, %add3A_139 : i32
        %lt3A = arith.constant 125 : i32
        %lt3A_141 = arith.cmpi slt, %add3A_140, %lt3A : i32
        %convert_element_type3A_142 = arith.extui %lt3A_141 : i1 to i32
        %cond3A_143 = arith.constant 0 : i32
        %cond3A_144 = arith.cmpi ne, %convert_element_type3A_142, %cond3A_143 : i32
        scf.if %cond3A_144 {
          %add3A_201 = arith.constant 2 : i32
          %add3A_202 = arith.addi %add3A_119, %add3A_201 : i32
          %mul3A_203 = arith.constant 80 : i32
          %mul3A_204 = arith.muli %add3A_202, %mul3A_203 : i32
          %add3A_205 = arith.addi %multiple_of3A_19, %mul3A_204 : i32
          %multiple_of3A_206 = tpu.assume_multiple %add3A_205, 8 : i32
          %mul3A_207 = arith.constant 80 : i32
          %mul3A_208 = arith.muli %add3A_202, %mul3A_207 : i32
          %multiple_of3A_209 = tpu.assume_multiple %mul3A_208, 8 : i32
          %dma_start3A_210 = tpu.memref_slice %arg5[%multiple_of3A_206] : memref<160000xi32, #tpu.memory_space<hbm>> -> memref<80xi32, #tpu.memory_space<hbm>>
          %dma_start3A_211 = tpu.memref_slice %arg5[%multiple_of3A_206] : memref<160000xi32, #tpu.memory_space<hbm>> -> memref<80xi32, #tpu.memory_space<hbm>>
          tpu.enqueue_dma source(%dma_start3A_211 : memref<80xi32, #tpu.memory_space<hbm>>) target(%arg10 : memref<80xi32, #tpu.memory_space<vmem>>) target_semaphore(%arg18 : memref<!tpu.dma_semaphore, #tpu.memory_space<semaphore_mem>>)
          %dma_start3A_212 = tpu.memref_slice %arg8[%multiple_of3A_209] : memref<10000xi32, #tpu.memory_space<vmem>> -> memref<80xi32, #tpu.memory_space<vmem>>
          %dma_start3A_213 = arith.constant 0 : i32
          %dma_start3A_214 = arith.constant 0 : i32
          %dma_start3A_215 = tpu.memref_slice %arg2[%dma_start3A_213, %dma_start3A_214] : memref<10000x128xf32, #tpu.memory_space<hbm>> -> memref<10000x128xf32, #tpu.memory_space<hbm>>
          tpu.enqueue_indirect_dma source(%dma_start3A_215 : memref<10000x128xf32, #tpu.memory_space<hbm>>) target(%arg13 : memref<80x128xf32, #tpu.memory_space<vmem>>) offsets(%dma_start3A_212 : memref<80xi32, #tpu.memory_space<vmem>>) semaphore(%arg18 : memref<!tpu.dma_semaphore, #tpu.memory_space<semaphore_mem>>)
        } else {
        }
        %add3A_145 = arith.constant 1 : i32
        %add3A_146 = arith.addi %add3A_119, %add3A_145 : i32
        %mul3A_147 = arith.constant 80 : i32
        %mul3A_148 = arith.muli %add3A_146, %mul3A_147 : i32
        %add3A_149 = arith.addi %multiple_of3A_19, %mul3A_148 : i32
        %multiple_of3A_150 = tpu.assume_multiple %add3A_149, 8 : i32
        %mul3A_151 = arith.constant 80 : i32
        %mul3A_152 = arith.muli %add3A_146, %mul3A_151 : i32
        %multiple_of3A_153 = tpu.assume_multiple %mul3A_152, 8 : i32
        %dma_wait3A_154 = tpu.memref_slice %arg5[%multiple_of3A_150] : memref<160000xi32, #tpu.memory_space<hbm>> -> memref<80xi32, #tpu.memory_space<hbm>>
        %dma_wait3A_155 = tpu.memref_slice %arg5[%multiple_of3A_150] : memref<160000xi32, #tpu.memory_space<hbm>> -> memref<80xi32, #tpu.memory_space<hbm>>
        tpu.wait_dma2 semaphore(%arg17 : memref<!tpu.dma_semaphore, #tpu.memory_space<semaphore_mem>>) src(%dma_wait3A_155 : memref<80xi32, #tpu.memory_space<hbm>>) dst(%arg9 : memref<80xi32, #tpu.memory_space<vmem>>)
        %dma_wait3A_156 = tpu.memref_slice %arg8[%multiple_of3A_153] : memref<10000xi32, #tpu.memory_space<vmem>> -> memref<80xi32, #tpu.memory_space<vmem>>
        %dma_wait3A_157 = arith.constant 0 : i32
        %dma_wait3A_158 = arith.constant 0 : i32
        %dma_wait3A_159 = tpu.memref_slice %arg2[%dma_wait3A_157, %dma_wait3A_158] : memref<10000x128xf32, #tpu.memory_space<hbm>> -> memref<10000x128xf32, #tpu.memory_space<hbm>>
        tpu.wait_indirect_dma semaphore(%arg17 : memref<!tpu.dma_semaphore, #tpu.memory_space<semaphore_mem>>) src(%dma_wait3A_159 : memref<10000x128xf32, #tpu.memory_space<hbm>>) dst(%arg12 : memref<80x128xf32, #tpu.memory_space<vmem>>)
        %dma_wait3A_160 = arith.constant 0 : i32
        %dma_wait3A_161 = arith.constant 0 : i32
        %dma_wait3A_162 = tpu.memref_slice %arg16[%dma_wait3A_160, %dma_wait3A_161] : memref<10000x128xf32, #tpu.memory_space<vmem_shared>> -> memref<10000x128xf32, #tpu.memory_space<vmem_shared>>
        tpu.wait_indirect_dma semaphore(%arg22 : memref<!tpu.dma_semaphore, #tpu.memory_space<semaphore_mem>>) src(%arg14 : memref<80x128xf32, #tpu.memory_space<vmem>>) dst(%dma_wait3A_162 : memref<10000x128xf32, #tpu.memory_space<vmem_shared>>)
        %dma_start3A_163 = arith.constant 0 : i32
        %dma_start3A_164 = arith.constant 0 : i32
        %dma_start3A_165 = tpu.memref_slice %arg16[%dma_start3A_163, %dma_start3A_164] : memref<10000x128xf32, #tpu.memory_space<vmem_shared>> -> memref<10000x128xf32, #tpu.memory_space<vmem_shared>>
        tpu.enqueue_indirect_dma source(%arg12 : memref<80x128xf32, #tpu.memory_space<vmem>>) target(%dma_start3A_165 : memref<10000x128xf32, #tpu.memory_space<vmem_shared>>) offsets(%arg9 : memref<80xi32, #tpu.memory_space<vmem>>) semaphore(%arg20 : memref<!tpu.dma_semaphore, #tpu.memory_space<semaphore_mem>>) {add = true}
        %add3A_166 = arith.constant 2 : i32
        %add3A_167 = arith.addi %add3A_146, %add3A_166 : i32
        %lt3A_168 = arith.constant 125 : i32
        %lt3A_169 = arith.cmpi slt, %add3A_167, %lt3A_168 : i32
        %convert_element_type3A_170 = arith.extui %lt3A_169 : i1 to i32
        %cond3A_171 = arith.constant 0 : i32
        %cond3A_172 = arith.cmpi ne, %convert_element_type3A_170, %cond3A_171 : i32
        scf.if %cond3A_172 {
          %add3A_201 = arith.constant 2 : i32
          %add3A_202 = arith.addi %add3A_146, %add3A_201 : i32
          %mul3A_203 = arith.constant 80 : i32
          %mul3A_204 = arith.muli %add3A_202, %mul3A_203 : i32
          %add3A_205 = arith.addi %multiple_of3A_19, %mul3A_204 : i32
          %multiple_of3A_206 = tpu.assume_multiple %add3A_205, 8 : i32
          %mul3A_207 = arith.constant 80 : i32
          %mul3A_208 = arith.muli %add3A_202, %mul3A_207 : i32
          %multiple_of3A_209 = tpu.assume_multiple %mul3A_208, 8 : i32
          %dma_start3A_210 = tpu.memref_slice %arg5[%multiple_of3A_206] : memref<160000xi32, #tpu.memory_space<hbm>> -> memref<80xi32, #tpu.memory_space<hbm>>
          %dma_start3A_211 = tpu.memref_slice %arg5[%multiple_of3A_206] : memref<160000xi32, #tpu.memory_space<hbm>> -> memref<80xi32, #tpu.memory_space<hbm>>
          tpu.enqueue_dma source(%dma_start3A_211 : memref<80xi32, #tpu.memory_space<hbm>>) target(%arg11 : memref<80xi32, #tpu.memory_space<vmem>>) target_semaphore(%arg19 : memref<!tpu.dma_semaphore, #tpu.memory_space<semaphore_mem>>)
          %dma_start3A_212 = tpu.memref_slice %arg8[%multiple_of3A_209] : memref<10000xi32, #tpu.memory_space<vmem>> -> memref<80xi32, #tpu.memory_space<vmem>>
          %dma_start3A_213 = arith.constant 0 : i32
          %dma_start3A_214 = arith.constant 0 : i32
          %dma_start3A_215 = tpu.memref_slice %arg2[%dma_start3A_213, %dma_start3A_214] : memref<10000x128xf32, #tpu.memory_space<hbm>> -> memref<10000x128xf32, #tpu.memory_space<hbm>>
          tpu.enqueue_indirect_dma source(%dma_start3A_215 : memref<10000x128xf32, #tpu.memory_space<hbm>>) target(%arg14 : memref<80x128xf32, #tpu.memory_space<vmem>>) offsets(%dma_start3A_212 : memref<80xi32, #tpu.memory_space<vmem>>) semaphore(%arg19 : memref<!tpu.dma_semaphore, #tpu.memory_space<semaphore_mem>>)
        } else {
        }
        %add3A_173 = arith.constant 2 : i32
        %add3A_174 = arith.addi %add3A_119, %add3A_173 : i32
        %mul3A_175 = arith.constant 80 : i32
        %mul3A_176 = arith.muli %add3A_174, %mul3A_175 : i32
        %add3A_177 = arith.addi %multiple_of3A_19, %mul3A_176 : i32
        %multiple_of3A_178 = tpu.assume_multiple %add3A_177, 8 : i32
        %mul3A_179 = arith.constant 80 : i32
        %mul3A_180 = arith.muli %add3A_174, %mul3A_179 : i32
        %multiple_of3A_181 = tpu.assume_multiple %mul3A_180, 8 : i32
        %dma_wait3A_182 = tpu.memref_slice %arg5[%multiple_of3A_178] : memref<160000xi32, #tpu.memory_space<hbm>> -> memref<80xi32, #tpu.memory_space<hbm>>
        %dma_wait3A_183 = tpu.memref_slice %arg5[%multiple_of3A_178] : memref<160000xi32, #tpu.memory_space<hbm>> -> memref<80xi32, #tpu.memory_space<hbm>>
        tpu.wait_dma2 semaphore(%arg18 : memref<!tpu.dma_semaphore, #tpu.memory_space<semaphore_mem>>) src(%dma_wait3A_183 : memref<80xi32, #tpu.memory_space<hbm>>) dst(%arg10 : memref<80xi32, #tpu.memory_space<vmem>>)
        %dma_wait3A_184 = tpu.memref_slice %arg8[%multiple_of3A_181] : memref<10000xi32, #tpu.memory_space<vmem>> -> memref<80xi32, #tpu.memory_space<vmem>>
        %dma_wait3A_185 = arith.constant 0 : i32
        %dma_wait3A_186 = arith.constant 0 : i32
        %dma_wait3A_187 = tpu.memref_slice %arg2[%dma_wait3A_185, %dma_wait3A_186] : memref<10000x128xf32, #tpu.memory_space<hbm>> -> memref<10000x128xf32, #tpu.memory_space<hbm>>
        tpu.wait_indirect_dma semaphore(%arg18 : memref<!tpu.dma_semaphore, #tpu.memory_space<semaphore_mem>>) src(%dma_wait3A_187 : memref<10000x128xf32, #tpu.memory_space<hbm>>) dst(%arg13 : memref<80x128xf32, #tpu.memory_space<vmem>>)
        %dma_wait3A_188 = arith.constant 0 : i32
        %dma_wait3A_189 = arith.constant 0 : i32
        %dma_wait3A_190 = tpu.memref_slice %arg16[%dma_wait3A_188, %dma_wait3A_189] : memref<10000x128xf32, #tpu.memory_space<vmem_shared>> -> memref<10000x128xf32, #tpu.memory_space<vmem_shared>>
        tpu.wait_indirect_dma semaphore(%arg20 : memref<!tpu.dma_semaphore, #tpu.memory_space<semaphore_mem>>) src(%arg12 : memref<80x128xf32, #tpu.memory_space<vmem>>) dst(%dma_wait3A_190 : memref<10000x128xf32, #tpu.memory_space<vmem_shared>>)
        %dma_start3A_191 = arith.constant 0 : i32
        %dma_start3A_192 = arith.constant 0 : i32
        %dma_start3A_193 = tpu.memref_slice %arg16[%dma_start3A_191, %dma_start3A_192] : memref<10000x128xf32, #tpu.memory_space<vmem_shared>> -> memref<10000x128xf32, #tpu.memory_space<vmem_shared>>
        tpu.enqueue_indirect_dma source(%arg13 : memref<80x128xf32, #tpu.memory_space<vmem>>) target(%dma_start3A_193 : memref<10000x128xf32, #tpu.memory_space<vmem_shared>>) offsets(%arg10 : memref<80xi32, #tpu.memory_space<vmem>>) semaphore(%arg21 : memref<!tpu.dma_semaphore, #tpu.memory_space<semaphore_mem>>) {add = true}
        %add3A_194 = arith.constant 2 : i32
        %add3A_195 = arith.addi %add3A_174, %add3A_194 : i32
        %lt3A_196 = arith.constant 125 : i32
        %lt3A_197 = arith.cmpi slt, %add3A_195, %lt3A_196 : i32
        %convert_element_type3A_198 = arith.extui %lt3A_197 : i1 to i32
        %cond3A_199 = arith.constant 0 : i32
        %cond3A_200 = arith.cmpi ne, %convert_element_type3A_198, %cond3A_199 : i32
        scf.if %cond3A_200 {
          %add3A_201 = arith.constant 2 : i32
          %add3A_202 = arith.addi %add3A_174, %add3A_201 : i32
          %mul3A_203 = arith.constant 80 : i32
          %mul3A_204 = arith.muli %add3A_202, %mul3A_203 : i32
          %add3A_205 = arith.addi %multiple_of3A_19, %mul3A_204 : i32
          %multiple_of3A_206 = tpu.assume_multiple %add3A_205, 8 : i32
          %mul3A_207 = arith.constant 80 : i32
          %mul3A_208 = arith.muli %add3A_202, %mul3A_207 : i32
          %multiple_of3A_209 = tpu.assume_multiple %mul3A_208, 8 : i32
          %dma_start3A_210 = tpu.memref_slice %arg5[%multiple_of3A_206] : memref<160000xi32, #tpu.memory_space<hbm>> -> memref<80xi32, #tpu.memory_space<hbm>>
          %dma_start3A_211 = tpu.memref_slice %arg5[%multiple_of3A_206] : memref<160000xi32, #tpu.memory_space<hbm>> -> memref<80xi32, #tpu.memory_space<hbm>>
          tpu.enqueue_dma source(%dma_start3A_211 : memref<80xi32, #tpu.memory_space<hbm>>) target(%arg9 : memref<80xi32, #tpu.memory_space<vmem>>) target_semaphore(%arg17 : memref<!tpu.dma_semaphore, #tpu.memory_space<semaphore_mem>>)
          %dma_start3A_212 = tpu.memref_slice %arg8[%multiple_of3A_209] : memref<10000xi32, #tpu.memory_space<vmem>> -> memref<80xi32, #tpu.memory_space<vmem>>
          %dma_start3A_213 = arith.constant 0 : i32
          %dma_start3A_214 = arith.constant 0 : i32
          %dma_start3A_215 = tpu.memref_slice %arg2[%dma_start3A_213, %dma_start3A_214] : memref<10000x128xf32, #tpu.memory_space<hbm>> -> memref<10000x128xf32, #tpu.memory_space<hbm>>
          tpu.enqueue_indirect_dma source(%dma_start3A_215 : memref<10000x128xf32, #tpu.memory_space<hbm>>) target(%arg12 : memref<80x128xf32, #tpu.memory_space<vmem>>) offsets(%dma_start3A_212 : memref<80xi32, #tpu.memory_space<vmem>>) semaphore(%arg17 : memref<!tpu.dma_semaphore, #tpu.memory_space<semaphore_mem>>)
        } else {
        }
      }
      %scan3A_105 = arith.constant 41 : i32
      %dma_wait3A_106 = arith.constant 0 : i32
      %dma_wait3A_107 = arith.constant 0 : i32
      %dma_wait3A_108 = tpu.memref_slice %arg16[%dma_wait3A_106, %dma_wait3A_107] : memref<10000x128xf32, #tpu.memory_space<vmem_shared>> -> memref<10000x128xf32, #tpu.memory_space<vmem_shared>>
      tpu.wait_indirect_dma semaphore(%arg21 : memref<!tpu.dma_semaphore, #tpu.memory_space<semaphore_mem>>) src(%arg13 : memref<80x128xf32, #tpu.memory_space<vmem>>) dst(%dma_wait3A_108 : memref<10000x128xf32, #tpu.memory_space<vmem_shared>>)
      %barrier3A_109 = arith.constant 0 : index
      tpu.barrier barrier_id(%barrier3A_109)
      "tpu.region"() ({
        %run_scoped3A = tpu.sem_alloc : memref<!tpu.dma_semaphore, #tpu.memory_space<semaphore_mem>>
        %dma_start3A_115 = arith.constant 0 : i32
        %dma_start3A_116 = tpu.memref_slice %arg6[%multiple_of3A, %dma_start3A_115] : memref<10000x128xf32, #tpu.memory_space<hbm>> -> memref<624x128xf32, #tpu.memory_space<hbm>>
        %dma_start3A_117 = arith.constant 0 : i32
        %dma_start3A_118 = tpu.memref_slice %arg16[%multiple_of3A, %dma_start3A_117] : memref<10000x128xf32, #tpu.memory_space<vmem_shared>> -> memref<624x128xf32, #tpu.memory_space<vmem_shared>>
        tpu.enqueue_dma source(%dma_start3A_118 : memref<624x128xf32, #tpu.memory_space<vmem_shared>>) target(%dma_start3A_116 : memref<624x128xf32, #tpu.memory_space<hbm>>) target_semaphore(%run_scoped3A : memref<!tpu.dma_semaphore, #tpu.memory_space<semaphore_mem>>)
        %dma_wait3A_119 = arith.constant 0 : i32
        %dma_wait3A_120 = tpu.memref_slice %arg6[%multiple_of3A, %dma_wait3A_119] : memref<10000x128xf32, #tpu.memory_space<hbm>> -> memref<624x128xf32, #tpu.memory_space<hbm>>
        %dma_wait3A_121 = arith.constant 0 : i32
        %dma_wait3A_122 = tpu.memref_slice %arg16[%multiple_of3A, %dma_wait3A_121] : memref<10000x128xf32, #tpu.memory_space<vmem_shared>> -> memref<624x128xf32, #tpu.memory_space<vmem_shared>>
        tpu.wait_dma2 semaphore(%run_scoped3A : memref<!tpu.dma_semaphore, #tpu.memory_space<semaphore_mem>>) src(%dma_wait3A_122 : memref<624x128xf32, #tpu.memory_space<vmem_shared>>) dst(%dma_wait3A_120 : memref<624x128xf32, #tpu.memory_space<hbm>>)
        tpu.yield
      }) : () -> ()
      %eq3A_110 = arith.constant 15 : i32
      %eq3A_111 = arith.cmpi eq, %arg1, %eq3A_110 : i32
      %convert_element_type3A_112 = arith.extui %eq3A_111 : i1 to i32
      %cond3A_113 = arith.constant 0 : i32
      %cond3A_114 = arith.cmpi ne, %convert_element_type3A_112, %cond3A_113 : i32
      scf.if %cond3A_114 {
        "tpu.region"() ({
          %run_scoped3A = tpu.sem_alloc : memref<!tpu.dma_semaphore, #tpu.memory_space<semaphore_mem>>
          %dma_start3A_115 = arith.constant 9984 : i32
          %dma_start3A_116 = arith.constant 0 : i32
          %dma_start3A_117 = tpu.memref_slice %arg6[%dma_start3A_115, %dma_start3A_116] : memref<10000x128xf32, #tpu.memory_space<hbm>> -> memref<16x128xf32, #tpu.memory_space<hbm>>
          %dma_start3A_118 = arith.constant 9984 : i32
          %dma_start3A_119 = arith.constant 0 : i32
          %dma_start3A_120 = tpu.memref_slice %arg16[%dma_start3A_118, %dma_start3A_119] : memref<10000x128xf32, #tpu.memory_space<vmem_shared>> -> memref<16x128xf32, #tpu.memory_space<vmem_shared>>
          tpu.enqueue_dma source(%dma_start3A_120 : memref<16x128xf32, #tpu.memory_space<vmem_shared>>) target(%dma_start3A_117 : memref<16x128xf32, #tpu.memory_space<hbm>>) target_semaphore(%run_scoped3A : memref<!tpu.dma_semaphore, #tpu.memory_space<semaphore_mem>>)
          %dma_wait3A_121 = arith.constant 9984 : i32
          %dma_wait3A_122 = arith.constant 0 : i32
          %dma_wait3A_123 = tpu.memref_slice %arg6[%dma_wait3A_121, %dma_wait3A_122] : memref<10000x128xf32, #tpu.memory_space<hbm>> -> memref<16x128xf32, #tpu.memory_space<hbm>>
          %dma_wait3A_124 = arith.constant 9984 : i32
          %dma_wait3A_125 = arith.constant 0 : i32
          %dma_wait3A_126 = tpu.memref_slice %arg16[%dma_wait3A_124, %dma_wait3A_125] : memref<10000x128xf32, #tpu.memory_space<vmem_shared>> -> memref<16x128xf32, #tpu.memory_space<vmem_shared>>
          tpu.wait_dma2 semaphore(%run_scoped3A : memref<!tpu.dma_semaphore, #tpu.memory_space<semaphore_mem>>) src(%dma_wait3A_126 : memref<16x128xf32, #tpu.memory_space<vmem_shared>>) dst(%dma_wait3A_123 : memref<16x128xf32, #tpu.memory_space<hbm>>)
          tpu.yield
        }) : () -> ()
      } else {
      }
    } else {
    }
    %eq3A_23 = arith.constant 1 : i32
    %eq3A_24 = arith.cmpi eq, %arg0, %eq3A_23 : i32
    %convert_element_type3A_25 = arith.extui %eq3A_24 : i1 to i32
    %cond3A_26 = arith.constant 0 : i32
    %cond3A_27 = arith.cmpi ne, %convert_element_type3A_25, %cond3A_26 : i32
    scf.if %cond3A_27 {
      %add3A = arith.constant 0 : i32
      %add3A_28 = arith.addi %multiple_of3A_19, %add3A : i32
      %multiple_of3A_29 = tpu.assume_multiple %add3A_28, 8 : i32
      %multiple_of3A_30 = arith.constant 0 : i32
      %multiple_of3A_31 = tpu.assume_multiple %multiple_of3A_30, 8 : i32
      %dma_start3A = tpu.memref_slice %arg5[%multiple_of3A_29] : memref<160000xi32, #tpu.memory_space<hbm>> -> memref<80xi32, #tpu.memory_space<hbm>>
      %dma_start3A_32 = tpu.memref_slice %arg5[%multiple_of3A_29] : memref<160000xi32, #tpu.memory_space<hbm>> -> memref<80xi32, #tpu.memory_space<hbm>>
      tpu.enqueue_dma source(%dma_start3A_32 : memref<80xi32, #tpu.memory_space<hbm>>) target(%arg9 : memref<80xi32, #tpu.memory_space<vmem>>) target_semaphore(%arg17 : memref<!tpu.dma_semaphore, #tpu.memory_space<semaphore_mem>>)
      %dma_start3A_33 = tpu.memref_slice %arg8[%multiple_of3A_31] : memref<10000xi32, #tpu.memory_space<vmem>> -> memref<80xi32, #tpu.memory_space<vmem>>
      %dma_start3A_34 = arith.constant 0 : i32
      %dma_start3A_35 = arith.constant 0 : i32
      %dma_start3A_36 = tpu.memref_slice %arg3[%dma_start3A_34, %dma_start3A_35] : memref<10000x128xf32, #tpu.memory_space<hbm>> -> memref<10000x128xf32, #tpu.memory_space<hbm>>
      tpu.enqueue_indirect_dma source(%dma_start3A_36 : memref<10000x128xf32, #tpu.memory_space<hbm>>) target(%arg12 : memref<80x128xf32, #tpu.memory_space<vmem>>) offsets(%dma_start3A_33 : memref<80xi32, #tpu.memory_space<vmem>>) semaphore(%arg17 : memref<!tpu.dma_semaphore, #tpu.memory_space<semaphore_mem>>)
      %add3A_37 = arith.constant 80 : i32
      %add3A_38 = arith.addi %multiple_of3A_19, %add3A_37 : i32
      %multiple_of3A_39 = tpu.assume_multiple %add3A_38, 8 : i32
      %multiple_of3A_40 = arith.constant 80 : i32
      %multiple_of3A_41 = tpu.assume_multiple %multiple_of3A_40, 8 : i32
      %dma_start3A_42 = tpu.memref_slice %arg5[%multiple_of3A_39] : memref<160000xi32, #tpu.memory_space<hbm>> -> memref<80xi32, #tpu.memory_space<hbm>>
      %dma_start3A_43 = tpu.memref_slice %arg5[%multiple_of3A_39] : memref<160000xi32, #tpu.memory_space<hbm>> -> memref<80xi32, #tpu.memory_space<hbm>>
      tpu.enqueue_dma source(%dma_start3A_43 : memref<80xi32, #tpu.memory_space<hbm>>) target(%arg10 : memref<80xi32, #tpu.memory_space<vmem>>) target_semaphore(%arg18 : memref<!tpu.dma_semaphore, #tpu.memory_space<semaphore_mem>>)
      %dma_start3A_44 = tpu.memref_slice %arg8[%multiple_of3A_41] : memref<10000xi32, #tpu.memory_space<vmem>> -> memref<80xi32, #tpu.memory_space<vmem>>
      %dma_start3A_45 = arith.constant 0 : i32
      %dma_start3A_46 = arith.constant 0 : i32
      %dma_start3A_47 = tpu.memref_slice %arg3[%dma_start3A_45, %dma_start3A_46] : memref<10000x128xf32, #tpu.memory_space<hbm>> -> memref<10000x128xf32, #tpu.memory_space<hbm>>
      tpu.enqueue_indirect_dma source(%dma_start3A_47 : memref<10000x128xf32, #tpu.memory_space<hbm>>) target(%arg13 : memref<80x128xf32, #tpu.memory_space<vmem>>) offsets(%dma_start3A_44 : memref<80xi32, #tpu.memory_space<vmem>>) semaphore(%arg18 : memref<!tpu.dma_semaphore, #tpu.memory_space<semaphore_mem>>)
      %add3A_48 = arith.constant 0 : i32
      %add3A_49 = arith.addi %multiple_of3A_19, %add3A_48 : i32
      %multiple_of3A_50 = tpu.assume_multiple %add3A_49, 8 : i32
      %multiple_of3A_51 = arith.constant 0 : i32
      %multiple_of3A_52 = tpu.assume_multiple %multiple_of3A_51, 8 : i32
      %dma_wait3A = tpu.memref_slice %arg5[%multiple_of3A_50] : memref<160000xi32, #tpu.memory_space<hbm>> -> memref<80xi32, #tpu.memory_space<hbm>>
      %dma_wait3A_53 = tpu.memref_slice %arg5[%multiple_of3A_50] : memref<160000xi32, #tpu.memory_space<hbm>> -> memref<80xi32, #tpu.memory_space<hbm>>
      tpu.wait_dma2 semaphore(%arg17 : memref<!tpu.dma_semaphore, #tpu.memory_space<semaphore_mem>>) src(%dma_wait3A_53 : memref<80xi32, #tpu.memory_space<hbm>>) dst(%arg9 : memref<80xi32, #tpu.memory_space<vmem>>)
      %dma_wait3A_54 = tpu.memref_slice %arg8[%multiple_of3A_52] : memref<10000xi32, #tpu.memory_space<vmem>> -> memref<80xi32, #tpu.memory_space<vmem>>
      %dma_wait3A_55 = arith.constant 0 : i32
      %dma_wait3A_56 = arith.constant 0 : i32
      %dma_wait3A_57 = tpu.memref_slice %arg3[%dma_wait3A_55, %dma_wait3A_56] : memref<10000x128xf32, #tpu.memory_space<hbm>> -> memref<10000x128xf32, #tpu.memory_space<hbm>>
      tpu.wait_indirect_dma semaphore(%arg17 : memref<!tpu.dma_semaphore, #tpu.memory_space<semaphore_mem>>) src(%dma_wait3A_57 : memref<10000x128xf32, #tpu.memory_space<hbm>>) dst(%arg12 : memref<80x128xf32, #tpu.memory_space<vmem>>)
      %dma_start3A_58 = arith.constant 0 : i32
      %dma_start3A_59 = arith.constant 0 : i32
      %dma_start3A_60 = tpu.memref_slice %arg16[%dma_start3A_58, %dma_start3A_59] : memref<10000x128xf32, #tpu.memory_space<vmem_shared>> -> memref<10000x128xf32, #tpu.memory_space<vmem_shared>>
      tpu.enqueue_indirect_dma source(%arg12 : memref<80x128xf32, #tpu.memory_space<vmem>>) target(%dma_start3A_60 : memref<10000x128xf32, #tpu.memory_space<vmem_shared>>) offsets(%arg9 : memref<80xi32, #tpu.memory_space<vmem>>) semaphore(%arg20 : memref<!tpu.dma_semaphore, #tpu.memory_space<semaphore_mem>>) {add = true}
      %add3A_61 = arith.constant 160 : i32
      %add3A_62 = arith.addi %multiple_of3A_19, %add3A_61 : i32
      %multiple_of3A_63 = tpu.assume_multiple %add3A_62, 8 : i32
      %multiple_of3A_64 = arith.constant 160 : i32
      %multiple_of3A_65 = tpu.assume_multiple %multiple_of3A_64, 8 : i32
      %dma_start3A_66 = tpu.memref_slice %arg5[%multiple_of3A_63] : memref<160000xi32, #tpu.memory_space<hbm>> -> memref<80xi32, #tpu.memory_space<hbm>>
      %dma_start3A_67 = tpu.memref_slice %arg5[%multiple_of3A_63] : memref<160000xi32, #tpu.memory_space<hbm>> -> memref<80xi32, #tpu.memory_space<hbm>>
      tpu.enqueue_dma source(%dma_start3A_67 : memref<80xi32, #tpu.memory_space<hbm>>) target(%arg11 : memref<80xi32, #tpu.memory_space<vmem>>) target_semaphore(%arg19 : memref<!tpu.dma_semaphore, #tpu.memory_space<semaphore_mem>>)
      %dma_start3A_68 = tpu.memref_slice %arg8[%multiple_of3A_65] : memref<10000xi32, #tpu.memory_space<vmem>> -> memref<80xi32, #tpu.memory_space<vmem>>
      %dma_start3A_69 = arith.constant 0 : i32
      %dma_start3A_70 = arith.constant 0 : i32
      %dma_start3A_71 = tpu.memref_slice %arg3[%dma_start3A_69, %dma_start3A_70] : memref<10000x128xf32, #tpu.memory_space<hbm>> -> memref<10000x128xf32, #tpu.memory_space<hbm>>
      tpu.enqueue_indirect_dma source(%dma_start3A_71 : memref<10000x128xf32, #tpu.memory_space<hbm>>) target(%arg14 : memref<80x128xf32, #tpu.memory_space<vmem>>) offsets(%dma_start3A_68 : memref<80xi32, #tpu.memory_space<vmem>>) semaphore(%arg19 : memref<!tpu.dma_semaphore, #tpu.memory_space<semaphore_mem>>)
      %add3A_72 = arith.constant 80 : i32
      %add3A_73 = arith.addi %multiple_of3A_19, %add3A_72 : i32
      %multiple_of3A_74 = tpu.assume_multiple %add3A_73, 8 : i32
      %multiple_of3A_75 = arith.constant 80 : i32
      %multiple_of3A_76 = tpu.assume_multiple %multiple_of3A_75, 8 : i32
      %dma_wait3A_77 = tpu.memref_slice %arg5[%multiple_of3A_74] : memref<160000xi32, #tpu.memory_space<hbm>> -> memref<80xi32, #tpu.memory_space<hbm>>
      %dma_wait3A_78 = tpu.memref_slice %arg5[%multiple_of3A_74] : memref<160000xi32, #tpu.memory_space<hbm>> -> memref<80xi32, #tpu.memory_space<hbm>>
      tpu.wait_dma2 semaphore(%arg18 : memref<!tpu.dma_semaphore, #tpu.memory_space<semaphore_mem>>) src(%dma_wait3A_78 : memref<80xi32, #tpu.memory_space<hbm>>) dst(%arg10 : memref<80xi32, #tpu.memory_space<vmem>>)
      %dma_wait3A_79 = tpu.memref_slice %arg8[%multiple_of3A_76] : memref<10000xi32, #tpu.memory_space<vmem>> -> memref<80xi32, #tpu.memory_space<vmem>>
      %dma_wait3A_80 = arith.constant 0 : i32
      %dma_wait3A_81 = arith.constant 0 : i32
      %dma_wait3A_82 = tpu.memref_slice %arg3[%dma_wait3A_80, %dma_wait3A_81] : memref<10000x128xf32, #tpu.memory_space<hbm>> -> memref<10000x128xf32, #tpu.memory_space<hbm>>
      tpu.wait_indirect_dma semaphore(%arg18 : memref<!tpu.dma_semaphore, #tpu.memory_space<semaphore_mem>>) src(%dma_wait3A_82 : memref<10000x128xf32, #tpu.memory_space<hbm>>) dst(%arg13 : memref<80x128xf32, #tpu.memory_space<vmem>>)
      %dma_wait3A_83 = arith.constant 0 : i32
      %dma_wait3A_84 = arith.constant 0 : i32
      %dma_wait3A_85 = tpu.memref_slice %arg16[%dma_wait3A_83, %dma_wait3A_84] : memref<10000x128xf32, #tpu.memory_space<vmem_shared>> -> memref<10000x128xf32, #tpu.memory_space<vmem_shared>>
      tpu.wait_indirect_dma semaphore(%arg20 : memref<!tpu.dma_semaphore, #tpu.memory_space<semaphore_mem>>) src(%arg12 : memref<80x128xf32, #tpu.memory_space<vmem>>) dst(%dma_wait3A_85 : memref<10000x128xf32, #tpu.memory_space<vmem_shared>>)
      %dma_start3A_86 = arith.constant 0 : i32
      %dma_start3A_87 = arith.constant 0 : i32
      %dma_start3A_88 = tpu.memref_slice %arg16[%dma_start3A_86, %dma_start3A_87] : memref<10000x128xf32, #tpu.memory_space<vmem_shared>> -> memref<10000x128xf32, #tpu.memory_space<vmem_shared>>
      tpu.enqueue_indirect_dma source(%arg13 : memref<80x128xf32, #tpu.memory_space<vmem>>) target(%dma_start3A_88 : memref<10000x128xf32, #tpu.memory_space<vmem_shared>>) offsets(%arg10 : memref<80xi32, #tpu.memory_space<vmem>>) semaphore(%arg21 : memref<!tpu.dma_semaphore, #tpu.memory_space<semaphore_mem>>) {add = true}
      %add3A_89 = arith.constant 240 : i32
      %add3A_90 = arith.addi %multiple_of3A_19, %add3A_89 : i32
      %multiple_of3A_91 = tpu.assume_multiple %add3A_90, 8 : i32
      %multiple_of3A_92 = arith.constant 240 : i32
      %multiple_of3A_93 = tpu.assume_multiple %multiple_of3A_92, 8 : i32
      %dma_start3A_94 = tpu.memref_slice %arg5[%multiple_of3A_91] : memref<160000xi32, #tpu.memory_space<hbm>> -> memref<80xi32, #tpu.memory_space<hbm>>
      %dma_start3A_95 = tpu.memref_slice %arg5[%multiple_of3A_91] : memref<160000xi32, #tpu.memory_space<hbm>> -> memref<80xi32, #tpu.memory_space<hbm>>
      tpu.enqueue_dma source(%dma_start3A_95 : memref<80xi32, #tpu.memory_space<hbm>>) target(%arg9 : memref<80xi32, #tpu.memory_space<vmem>>) target_semaphore(%arg17 : memref<!tpu.dma_semaphore, #tpu.memory_space<semaphore_mem>>)
      %dma_start3A_96 = tpu.memref_slice %arg8[%multiple_of3A_93] : memref<10000xi32, #tpu.memory_space<vmem>> -> memref<80xi32, #tpu.memory_space<vmem>>
      %dma_start3A_97 = arith.constant 0 : i32
      %dma_start3A_98 = arith.constant 0 : i32
      %dma_start3A_99 = tpu.memref_slice %arg3[%dma_start3A_97, %dma_start3A_98] : memref<10000x128xf32, #tpu.memory_space<hbm>> -> memref<10000x128xf32, #tpu.memory_space<hbm>>
      tpu.enqueue_indirect_dma source(%dma_start3A_99 : memref<10000x128xf32, #tpu.memory_space<hbm>>) target(%arg12 : memref<80x128xf32, #tpu.memory_space<vmem>>) offsets(%dma_start3A_96 : memref<80xi32, #tpu.memory_space<vmem>>) semaphore(%arg17 : memref<!tpu.dma_semaphore, #tpu.memory_space<semaphore_mem>>)
      %scan3A_100 = arith.constant 0 : i32
      %scan3A_101 = arith.constant 0 : i32
      %scan3A_102 = arith.constant 41 : i32
      %scan3A_103 = arith.addi %scan3A_101, %scan3A_102 : i32
      %scan3A_104 = arith.constant 1 : i32
      scf.for %scan3A_115 = %scan3A_101 to %scan3A_103 step %scan3A_104  : i32 {
        %mul3A_116 = arith.constant 3 : i32
        %mul3A_117 = arith.muli %mul3A_116, %scan3A_115 : i32
        %add3A_118 = arith.constant 2 : i32
        %add3A_119 = arith.addi %mul3A_117, %add3A_118 : i32
        %mul3A_120 = arith.constant 80 : i32
        %mul3A_121 = arith.muli %add3A_119, %mul3A_120 : i32
        %add3A_122 = arith.addi %multiple_of3A_19, %mul3A_121 : i32
        %multiple_of3A_123 = tpu.assume_multiple %add3A_122, 8 : i32
        %mul3A_124 = arith.constant 80 : i32
        %mul3A_125 = arith.muli %add3A_119, %mul3A_124 : i32
        %multiple_of3A_126 = tpu.assume_multiple %mul3A_125, 8 : i32
        %dma_wait3A_127 = tpu.memref_slice %arg5[%multiple_of3A_123] : memref<160000xi32, #tpu.memory_space<hbm>> -> memref<80xi32, #tpu.memory_space<hbm>>
        %dma_wait3A_128 = tpu.memref_slice %arg5[%multiple_of3A_123] : memref<160000xi32, #tpu.memory_space<hbm>> -> memref<80xi32, #tpu.memory_space<hbm>>
        tpu.wait_dma2 semaphore(%arg19 : memref<!tpu.dma_semaphore, #tpu.memory_space<semaphore_mem>>) src(%dma_wait3A_128 : memref<80xi32, #tpu.memory_space<hbm>>) dst(%arg11 : memref<80xi32, #tpu.memory_space<vmem>>)
        %dma_wait3A_129 = tpu.memref_slice %arg8[%multiple_of3A_126] : memref<10000xi32, #tpu.memory_space<vmem>> -> memref<80xi32, #tpu.memory_space<vmem>>
        %dma_wait3A_130 = arith.constant 0 : i32
        %dma_wait3A_131 = arith.constant 0 : i32
        %dma_wait3A_132 = tpu.memref_slice %arg3[%dma_wait3A_130, %dma_wait3A_131] : memref<10000x128xf32, #tpu.memory_space<hbm>> -> memref<10000x128xf32, #tpu.memory_space<hbm>>
        tpu.wait_indirect_dma semaphore(%arg19 : memref<!tpu.dma_semaphore, #tpu.memory_space<semaphore_mem>>) src(%dma_wait3A_132 : memref<10000x128xf32, #tpu.memory_space<hbm>>) dst(%arg14 : memref<80x128xf32, #tpu.memory_space<vmem>>)
        %dma_wait3A_133 = arith.constant 0 : i32
        %dma_wait3A_134 = arith.constant 0 : i32
        %dma_wait3A_135 = tpu.memref_slice %arg16[%dma_wait3A_133, %dma_wait3A_134] : memref<10000x128xf32, #tpu.memory_space<vmem_shared>> -> memref<10000x128xf32, #tpu.memory_space<vmem_shared>>
        tpu.wait_indirect_dma semaphore(%arg21 : memref<!tpu.dma_semaphore, #tpu.memory_space<semaphore_mem>>) src(%arg13 : memref<80x128xf32, #tpu.memory_space<vmem>>) dst(%dma_wait3A_135 : memref<10000x128xf32, #tpu.memory_space<vmem_shared>>)
        %dma_start3A_136 = arith.constant 0 : i32
        %dma_start3A_137 = arith.constant 0 : i32
        %dma_start3A_138 = tpu.memref_slice %arg16[%dma_start3A_136, %dma_start3A_137] : memref<10000x128xf32, #tpu.memory_space<vmem_shared>> -> memref<10000x128xf32, #tpu.memory_space<vmem_shared>>
        tpu.enqueue_indirect_dma source(%arg14 : memref<80x128xf32, #tpu.memory_space<vmem>>) target(%dma_start3A_138 : memref<10000x128xf32, #tpu.memory_space<vmem_shared>>) offsets(%arg11 : memref<80xi32, #tpu.memory_space<vmem>>) semaphore(%arg22 : memref<!tpu.dma_semaphore, #tpu.memory_space<semaphore_mem>>) {add = true}
        %add3A_139 = arith.constant 2 : i32
        %add3A_140 = arith.addi %add3A_119, %add3A_139 : i32
        %lt3A = arith.constant 125 : i32
        %lt3A_141 = arith.cmpi slt, %add3A_140, %lt3A : i32
        %convert_element_type3A_142 = arith.extui %lt3A_141 : i1 to i32
        %cond3A_143 = arith.constant 0 : i32
        %cond3A_144 = arith.cmpi ne, %convert_element_type3A_142, %cond3A_143 : i32
        scf.if %cond3A_144 {
          %add3A_201 = arith.constant 2 : i32
          %add3A_202 = arith.addi %add3A_119, %add3A_201 : i32
          %mul3A_203 = arith.constant 80 : i32
          %mul3A_204 = arith.muli %add3A_202, %mul3A_203 : i32
          %add3A_205 = arith.addi %multiple_of3A_19, %mul3A_204 : i32
          %multiple_of3A_206 = tpu.assume_multiple %add3A_205, 8 : i32
          %mul3A_207 = arith.constant 80 : i32
          %mul3A_208 = arith.muli %add3A_202, %mul3A_207 : i32
          %multiple_of3A_209 = tpu.assume_multiple %mul3A_208, 8 : i32
          %dma_start3A_210 = tpu.memref_slice %arg5[%multiple_of3A_206] : memref<160000xi32, #tpu.memory_space<hbm>> -> memref<80xi32, #tpu.memory_space<hbm>>
          %dma_start3A_211 = tpu.memref_slice %arg5[%multiple_of3A_206] : memref<160000xi32, #tpu.memory_space<hbm>> -> memref<80xi32, #tpu.memory_space<hbm>>
          tpu.enqueue_dma source(%dma_start3A_211 : memref<80xi32, #tpu.memory_space<hbm>>) target(%arg10 : memref<80xi32, #tpu.memory_space<vmem>>) target_semaphore(%arg18 : memref<!tpu.dma_semaphore, #tpu.memory_space<semaphore_mem>>)
          %dma_start3A_212 = tpu.memref_slice %arg8[%multiple_of3A_209] : memref<10000xi32, #tpu.memory_space<vmem>> -> memref<80xi32, #tpu.memory_space<vmem>>
          %dma_start3A_213 = arith.constant 0 : i32
          %dma_start3A_214 = arith.constant 0 : i32
          %dma_start3A_215 = tpu.memref_slice %arg3[%dma_start3A_213, %dma_start3A_214] : memref<10000x128xf32, #tpu.memory_space<hbm>> -> memref<10000x128xf32, #tpu.memory_space<hbm>>
          tpu.enqueue_indirect_dma source(%dma_start3A_215 : memref<10000x128xf32, #tpu.memory_space<hbm>>) target(%arg13 : memref<80x128xf32, #tpu.memory_space<vmem>>) offsets(%dma_start3A_212 : memref<80xi32, #tpu.memory_space<vmem>>) semaphore(%arg18 : memref<!tpu.dma_semaphore, #tpu.memory_space<semaphore_mem>>)
        } else {
        }
        %add3A_145 = arith.constant 1 : i32
        %add3A_146 = arith.addi %add3A_119, %add3A_145 : i32
        %mul3A_147 = arith.constant 80 : i32
        %mul3A_148 = arith.muli %add3A_146, %mul3A_147 : i32
        %add3A_149 = arith.addi %multiple_of3A_19, %mul3A_148 : i32
        %multiple_of3A_150 = tpu.assume_multiple %add3A_149, 8 : i32
        %mul3A_151 = arith.constant 80 : i32
        %mul3A_152 = arith.muli %add3A_146, %mul3A_151 : i32
        %multiple_of3A_153 = tpu.assume_multiple %mul3A_152, 8 : i32
        %dma_wait3A_154 = tpu.memref_slice %arg5[%multiple_of3A_150] : memref<160000xi32, #tpu.memory_space<hbm>> -> memref<80xi32, #tpu.memory_space<hbm>>
        %dma_wait3A_155 = tpu.memref_slice %arg5[%multiple_of3A_150] : memref<160000xi32, #tpu.memory_space<hbm>> -> memref<80xi32, #tpu.memory_space<hbm>>
        tpu.wait_dma2 semaphore(%arg17 : memref<!tpu.dma_semaphore, #tpu.memory_space<semaphore_mem>>) src(%dma_wait3A_155 : memref<80xi32, #tpu.memory_space<hbm>>) dst(%arg9 : memref<80xi32, #tpu.memory_space<vmem>>)
        %dma_wait3A_156 = tpu.memref_slice %arg8[%multiple_of3A_153] : memref<10000xi32, #tpu.memory_space<vmem>> -> memref<80xi32, #tpu.memory_space<vmem>>
        %dma_wait3A_157 = arith.constant 0 : i32
        %dma_wait3A_158 = arith.constant 0 : i32
        %dma_wait3A_159 = tpu.memref_slice %arg3[%dma_wait3A_157, %dma_wait3A_158] : memref<10000x128xf32, #tpu.memory_space<hbm>> -> memref<10000x128xf32, #tpu.memory_space<hbm>>
        tpu.wait_indirect_dma semaphore(%arg17 : memref<!tpu.dma_semaphore, #tpu.memory_space<semaphore_mem>>) src(%dma_wait3A_159 : memref<10000x128xf32, #tpu.memory_space<hbm>>) dst(%arg12 : memref<80x128xf32, #tpu.memory_space<vmem>>)
        %dma_wait3A_160 = arith.constant 0 : i32
        %dma_wait3A_161 = arith.constant 0 : i32
        %dma_wait3A_162 = tpu.memref_slice %arg16[%dma_wait3A_160, %dma_wait3A_161] : memref<10000x128xf32, #tpu.memory_space<vmem_shared>> -> memref<10000x128xf32, #tpu.memory_space<vmem_shared>>
        tpu.wait_indirect_dma semaphore(%arg22 : memref<!tpu.dma_semaphore, #tpu.memory_space<semaphore_mem>>) src(%arg14 : memref<80x128xf32, #tpu.memory_space<vmem>>) dst(%dma_wait3A_162 : memref<10000x128xf32, #tpu.memory_space<vmem_shared>>)
        %dma_start3A_163 = arith.constant 0 : i32
        %dma_start3A_164 = arith.constant 0 : i32
        %dma_start3A_165 = tpu.memref_slice %arg16[%dma_start3A_163, %dma_start3A_164] : memref<10000x128xf32, #tpu.memory_space<vmem_shared>> -> memref<10000x128xf32, #tpu.memory_space<vmem_shared>>
        tpu.enqueue_indirect_dma source(%arg12 : memref<80x128xf32, #tpu.memory_space<vmem>>) target(%dma_start3A_165 : memref<10000x128xf32, #tpu.memory_space<vmem_shared>>) offsets(%arg9 : memref<80xi32, #tpu.memory_space<vmem>>) semaphore(%arg20 : memref<!tpu.dma_semaphore, #tpu.memory_space<semaphore_mem>>) {add = true}
        %add3A_166 = arith.constant 2 : i32
        %add3A_167 = arith.addi %add3A_146, %add3A_166 : i32
        %lt3A_168 = arith.constant 125 : i32
        %lt3A_169 = arith.cmpi slt, %add3A_167, %lt3A_168 : i32
        %convert_element_type3A_170 = arith.extui %lt3A_169 : i1 to i32
        %cond3A_171 = arith.constant 0 : i32
        %cond3A_172 = arith.cmpi ne, %convert_element_type3A_170, %cond3A_171 : i32
        scf.if %cond3A_172 {
          %add3A_201 = arith.constant 2 : i32
          %add3A_202 = arith.addi %add3A_146, %add3A_201 : i32
          %mul3A_203 = arith.constant 80 : i32
          %mul3A_204 = arith.muli %add3A_202, %mul3A_203 : i32
          %add3A_205 = arith.addi %multiple_of3A_19, %mul3A_204 : i32
          %multiple_of3A_206 = tpu.assume_multiple %add3A_205, 8 : i32
          %mul3A_207 = arith.constant 80 : i32
          %mul3A_208 = arith.muli %add3A_202, %mul3A_207 : i32
          %multiple_of3A_209 = tpu.assume_multiple %mul3A_208, 8 : i32
          %dma_start3A_210 = tpu.memref_slice %arg5[%multiple_of3A_206] : memref<160000xi32, #tpu.memory_space<hbm>> -> memref<80xi32, #tpu.memory_space<hbm>>
          %dma_start3A_211 = tpu.memref_slice %arg5[%multiple_of3A_206] : memref<160000xi32, #tpu.memory_space<hbm>> -> memref<80xi32, #tpu.memory_space<hbm>>
          tpu.enqueue_dma source(%dma_start3A_211 : memref<80xi32, #tpu.memory_space<hbm>>) target(%arg11 : memref<80xi32, #tpu.memory_space<vmem>>) target_semaphore(%arg19 : memref<!tpu.dma_semaphore, #tpu.memory_space<semaphore_mem>>)
          %dma_start3A_212 = tpu.memref_slice %arg8[%multiple_of3A_209] : memref<10000xi32, #tpu.memory_space<vmem>> -> memref<80xi32, #tpu.memory_space<vmem>>
          %dma_start3A_213 = arith.constant 0 : i32
          %dma_start3A_214 = arith.constant 0 : i32
          %dma_start3A_215 = tpu.memref_slice %arg3[%dma_start3A_213, %dma_start3A_214] : memref<10000x128xf32, #tpu.memory_space<hbm>> -> memref<10000x128xf32, #tpu.memory_space<hbm>>
          tpu.enqueue_indirect_dma source(%dma_start3A_215 : memref<10000x128xf32, #tpu.memory_space<hbm>>) target(%arg14 : memref<80x128xf32, #tpu.memory_space<vmem>>) offsets(%dma_start3A_212 : memref<80xi32, #tpu.memory_space<vmem>>) semaphore(%arg19 : memref<!tpu.dma_semaphore, #tpu.memory_space<semaphore_mem>>)
        } else {
        }
        %add3A_173 = arith.constant 2 : i32
        %add3A_174 = arith.addi %add3A_119, %add3A_173 : i32
        %mul3A_175 = arith.constant 80 : i32
        %mul3A_176 = arith.muli %add3A_174, %mul3A_175 : i32
        %add3A_177 = arith.addi %multiple_of3A_19, %mul3A_176 : i32
        %multiple_of3A_178 = tpu.assume_multiple %add3A_177, 8 : i32
        %mul3A_179 = arith.constant 80 : i32
        %mul3A_180 = arith.muli %add3A_174, %mul3A_179 : i32
        %multiple_of3A_181 = tpu.assume_multiple %mul3A_180, 8 : i32
        %dma_wait3A_182 = tpu.memref_slice %arg5[%multiple_of3A_178] : memref<160000xi32, #tpu.memory_space<hbm>> -> memref<80xi32, #tpu.memory_space<hbm>>
        %dma_wait3A_183 = tpu.memref_slice %arg5[%multiple_of3A_178] : memref<160000xi32, #tpu.memory_space<hbm>> -> memref<80xi32, #tpu.memory_space<hbm>>
        tpu.wait_dma2 semaphore(%arg18 : memref<!tpu.dma_semaphore, #tpu.memory_space<semaphore_mem>>) src(%dma_wait3A_183 : memref<80xi32, #tpu.memory_space<hbm>>) dst(%arg10 : memref<80xi32, #tpu.memory_space<vmem>>)
        %dma_wait3A_184 = tpu.memref_slice %arg8[%multiple_of3A_181] : memref<10000xi32, #tpu.memory_space<vmem>> -> memref<80xi32, #tpu.memory_space<vmem>>
        %dma_wait3A_185 = arith.constant 0 : i32
        %dma_wait3A_186 = arith.constant 0 : i32
        %dma_wait3A_187 = tpu.memref_slice %arg3[%dma_wait3A_185, %dma_wait3A_186] : memref<10000x128xf32, #tpu.memory_space<hbm>> -> memref<10000x128xf32, #tpu.memory_space<hbm>>
        tpu.wait_indirect_dma semaphore(%arg18 : memref<!tpu.dma_semaphore, #tpu.memory_space<semaphore_mem>>) src(%dma_wait3A_187 : memref<10000x128xf32, #tpu.memory_space<hbm>>) dst(%arg13 : memref<80x128xf32, #tpu.memory_space<vmem>>)
        %dma_wait3A_188 = arith.constant 0 : i32
        %dma_wait3A_189 = arith.constant 0 : i32
        %dma_wait3A_190 = tpu.memref_slice %arg16[%dma_wait3A_188, %dma_wait3A_189] : memref<10000x128xf32, #tpu.memory_space<vmem_shared>> -> memref<10000x128xf32, #tpu.memory_space<vmem_shared>>
        tpu.wait_indirect_dma semaphore(%arg20 : memref<!tpu.dma_semaphore, #tpu.memory_space<semaphore_mem>>) src(%arg12 : memref<80x128xf32, #tpu.memory_space<vmem>>) dst(%dma_wait3A_190 : memref<10000x128xf32, #tpu.memory_space<vmem_shared>>)
        %dma_start3A_191 = arith.constant 0 : i32
        %dma_start3A_192 = arith.constant 0 : i32
        %dma_start3A_193 = tpu.memref_slice %arg16[%dma_start3A_191, %dma_start3A_192] : memref<10000x128xf32, #tpu.memory_space<vmem_shared>> -> memref<10000x128xf32, #tpu.memory_space<vmem_shared>>
        tpu.enqueue_indirect_dma source(%arg13 : memref<80x128xf32, #tpu.memory_space<vmem>>) target(%dma_start3A_193 : memref<10000x128xf32, #tpu.memory_space<vmem_shared>>) offsets(%arg10 : memref<80xi32, #tpu.memory_space<vmem>>) semaphore(%arg21 : memref<!tpu.dma_semaphore, #tpu.memory_space<semaphore_mem>>) {add = true}
        %add3A_194 = arith.constant 2 : i32
        %add3A_195 = arith.addi %add3A_174, %add3A_194 : i32
        %lt3A_196 = arith.constant 125 : i32
        %lt3A_197 = arith.cmpi slt, %add3A_195, %lt3A_196 : i32
        %convert_element_type3A_198 = arith.extui %lt3A_197 : i1 to i32
        %cond3A_199 = arith.constant 0 : i32
        %cond3A_200 = arith.cmpi ne, %convert_element_type3A_198, %cond3A_199 : i32
        scf.if %cond3A_200 {
          %add3A_201 = arith.constant 2 : i32
          %add3A_202 = arith.addi %add3A_174, %add3A_201 : i32
          %mul3A_203 = arith.constant 80 : i32
          %mul3A_204 = arith.muli %add3A_202, %mul3A_203 : i32
          %add3A_205 = arith.addi %multiple_of3A_19, %mul3A_204 : i32
          %multiple_of3A_206 = tpu.assume_multiple %add3A_205, 8 : i32
          %mul3A_207 = arith.constant 80 : i32
          %mul3A_208 = arith.muli %add3A_202, %mul3A_207 : i32
          %multiple_of3A_209 = tpu.assume_multiple %mul3A_208, 8 : i32
          %dma_start3A_210 = tpu.memref_slice %arg5[%multiple_of3A_206] : memref<160000xi32, #tpu.memory_space<hbm>> -> memref<80xi32, #tpu.memory_space<hbm>>
          %dma_start3A_211 = tpu.memref_slice %arg5[%multiple_of3A_206] : memref<160000xi32, #tpu.memory_space<hbm>> -> memref<80xi32, #tpu.memory_space<hbm>>
          tpu.enqueue_dma source(%dma_start3A_211 : memref<80xi32, #tpu.memory_space<hbm>>) target(%arg9 : memref<80xi32, #tpu.memory_space<vmem>>) target_semaphore(%arg17 : memref<!tpu.dma_semaphore, #tpu.memory_space<semaphore_mem>>)
          %dma_start3A_212 = tpu.memref_slice %arg8[%multiple_of3A_209] : memref<10000xi32, #tpu.memory_space<vmem>> -> memref<80xi32, #tpu.memory_space<vmem>>
          %dma_start3A_213 = arith.constant 0 : i32
          %dma_start3A_214 = arith.constant 0 : i32
          %dma_start3A_215 = tpu.memref_slice %arg3[%dma_start3A_213, %dma_start3A_214] : memref<10000x128xf32, #tpu.memory_space<hbm>> -> memref<10000x128xf32, #tpu.memory_space<hbm>>
          tpu.enqueue_indirect_dma source(%dma_start3A_215 : memref<10000x128xf32, #tpu.memory_space<hbm>>) target(%arg12 : memref<80x128xf32, #tpu.memory_space<vmem>>) offsets(%dma_start3A_212 : memref<80xi32, #tpu.memory_space<vmem>>) semaphore(%arg17 : memref<!tpu.dma_semaphore, #tpu.memory_space<semaphore_mem>>)
        } else {
        }
      }
      %scan3A_105 = arith.constant 41 : i32
      %dma_wait3A_106 = arith.constant 0 : i32
      %dma_wait3A_107 = arith.constant 0 : i32
      %dma_wait3A_108 = tpu.memref_slice %arg16[%dma_wait3A_106, %dma_wait3A_107] : memref<10000x128xf32, #tpu.memory_space<vmem_shared>> -> memref<10000x128xf32, #tpu.memory_space<vmem_shared>>
      tpu.wait_indirect_dma semaphore(%arg21 : memref<!tpu.dma_semaphore, #tpu.memory_space<semaphore_mem>>) src(%arg13 : memref<80x128xf32, #tpu.memory_space<vmem>>) dst(%dma_wait3A_108 : memref<10000x128xf32, #tpu.memory_space<vmem_shared>>)
      %barrier3A_109 = arith.constant 0 : index
      tpu.barrier barrier_id(%barrier3A_109)
      "tpu.region"() ({
        %run_scoped3A = tpu.sem_alloc : memref<!tpu.dma_semaphore, #tpu.memory_space<semaphore_mem>>
        %dma_start3A_115 = arith.constant 0 : i32
        %dma_start3A_116 = tpu.memref_slice %arg7[%multiple_of3A, %dma_start3A_115] : memref<10000x128xf32, #tpu.memory_space<hbm>> -> memref<624x128xf32, #tpu.memory_space<hbm>>
        %dma_start3A_117 = arith.constant 0 : i32
        %dma_start3A_118 = tpu.memref_slice %arg16[%multiple_of3A, %dma_start3A_117] : memref<10000x128xf32, #tpu.memory_space<vmem_shared>> -> memref<624x128xf32, #tpu.memory_space<vmem_shared>>
        tpu.enqueue_dma source(%dma_start3A_118 : memref<624x128xf32, #tpu.memory_space<vmem_shared>>) target(%dma_start3A_116 : memref<624x128xf32, #tpu.memory_space<hbm>>) target_semaphore(%run_scoped3A : memref<!tpu.dma_semaphore, #tpu.memory_space<semaphore_mem>>)
        %dma_wait3A_119 = arith.constant 0 : i32
        %dma_wait3A_120 = tpu.memref_slice %arg7[%multiple_of3A, %dma_wait3A_119] : memref<10000x128xf32, #tpu.memory_space<hbm>> -> memref<624x128xf32, #tpu.memory_space<hbm>>
        %dma_wait3A_121 = arith.constant 0 : i32
        %dma_wait3A_122 = tpu.memref_slice %arg16[%multiple_of3A, %dma_wait3A_121] : memref<10000x128xf32, #tpu.memory_space<vmem_shared>> -> memref<624x128xf32, #tpu.memory_space<vmem_shared>>
        tpu.wait_dma2 semaphore(%run_scoped3A : memref<!tpu.dma_semaphore, #tpu.memory_space<semaphore_mem>>) src(%dma_wait3A_122 : memref<624x128xf32, #tpu.memory_space<vmem_shared>>) dst(%dma_wait3A_120 : memref<624x128xf32, #tpu.memory_space<hbm>>)
        tpu.yield
      }) : () -> ()
      %eq3A_110 = arith.constant 15 : i32
      %eq3A_111 = arith.cmpi eq, %arg1, %eq3A_110 : i32
      %convert_element_type3A_112 = arith.extui %eq3A_111 : i1 to i32
      %cond3A_113 = arith.constant 0 : i32
      %cond3A_114 = arith.cmpi ne, %convert_element_type3A_112, %cond3A_113 : i32
      scf.if %cond3A_114 {
        "tpu.region"() ({
          %run_scoped3A = tpu.sem_alloc : memref<!tpu.dma_semaphore, #tpu.memory_space<semaphore_mem>>
          %dma_start3A_115 = arith.constant 9984 : i32
          %dma_start3A_116 = arith.constant 0 : i32
          %dma_start3A_117 = tpu.memref_slice %arg7[%dma_start3A_115, %dma_start3A_116] : memref<10000x128xf32, #tpu.memory_space<hbm>> -> memref<16x128xf32, #tpu.memory_space<hbm>>
          %dma_start3A_118 = arith.constant 9984 : i32
          %dma_start3A_119 = arith.constant 0 : i32
          %dma_start3A_120 = tpu.memref_slice %arg16[%dma_start3A_118, %dma_start3A_119] : memref<10000x128xf32, #tpu.memory_space<vmem_shared>> -> memref<16x128xf32, #tpu.memory_space<vmem_shared>>
          tpu.enqueue_dma source(%dma_start3A_120 : memref<16x128xf32, #tpu.memory_space<vmem_shared>>) target(%dma_start3A_117 : memref<16x128xf32, #tpu.memory_space<hbm>>) target_semaphore(%run_scoped3A : memref<!tpu.dma_semaphore, #tpu.memory_space<semaphore_mem>>)
          %dma_wait3A_121 = arith.constant 9984 : i32
          %dma_wait3A_122 = arith.constant 0 : i32
          %dma_wait3A_123 = tpu.memref_slice %arg7[%dma_wait3A_121, %dma_wait3A_122] : memref<10000x128xf32, #tpu.memory_space<hbm>> -> memref<16x128xf32, #tpu.memory_space<hbm>>
          %dma_wait3A_124 = arith.constant 9984 : i32
          %dma_wait3A_125 = arith.constant 0 : i32
          %dma_wait3A_126 = tpu.memref_slice %arg16[%dma_wait3A_124, %dma_wait3A_125] : memref<10000x128xf32, #tpu.memory_space<vmem_shared>> -> memref<16x128xf32, #tpu.memory_space<vmem_shared>>
          tpu.wait_dma2 semaphore(%run_scoped3A : memref<!tpu.dma_semaphore, #tpu.memory_space<semaphore_mem>>) src(%dma_wait3A_126 : memref<16x128xf32, #tpu.memory_space<vmem_shared>>) dst(%dma_wait3A_123 : memref<16x128xf32, #tpu.memory_space<hbm>>)
          tpu.yield
        }) : () -> ()
      } else {
      }
    } else {
    }
    return
  }
}

#map = affine_map<(d0, d1) -> (0, 0)>
#map1 = affine_map<(d0, d1) -> (0)>
module attributes {stable_mosaic.version = 14 : i64} {
  func.func @_row_body(%arg0: i32, %arg1: i32, %arg2: memref<10000x128xf32, #tpu.memory_space<hbm>>, %arg3: memref<10000x128xf32, #tpu.memory_space<hbm>>, %arg4: memref<160000xi32, #tpu.memory_space<hbm>>, %arg5: memref<160000xi32, #tpu.memory_space<hbm>>, %arg6: memref<10000x128xf32, #tpu.memory_space<hbm>>, %arg7: memref<10000x128xf32, #tpu.memory_space<hbm>>, %arg8: memref<10000xi32, #tpu.memory_space<vmem>>, %arg9: memref<80xi32, #tpu.memory_space<vmem>>, %arg10: memref<80xi32, #tpu.memory_space<vmem>>, %arg11: memref<80xi32, #tpu.memory_space<vmem>>, %arg12: memref<80x128xf32, #tpu.memory_space<vmem>>, %arg13: memref<80x128xf32, #tpu.memory_space<vmem>>, %arg14: memref<80x128xf32, #tpu.memory_space<vmem>>, %arg15: memref<16x128xf32, #tpu.memory_space<vmem>>, %arg16: memref<10000x128xf32, #tpu.memory_space<vmem_shared>>, %arg17: memref<!tpu.dma_semaphore, #tpu.memory_space<semaphore_mem>>, %arg18: memref<!tpu.dma_semaphore, #tpu.memory_space<semaphore_mem>>, %arg19: memref<!tpu.dma_semaphore, #tpu.memory_space<semaphore_mem>>, %arg20: memref<!tpu.dma_semaphore, #tpu.memory_space<semaphore_mem>>, %arg21: memref<!tpu.dma_semaphore, #tpu.memory_space<semaphore_mem>>, %arg22: memref<!tpu.dma_semaphore, #tpu.memory_space<semaphore_mem>>) attributes {dimension_semantics = [#tpu.dimension_semantics<core_parallel>, #tpu.dimension_semantics<subcore_parallel>], iteration_bounds = array<i64: 2, 16>, scalar_prefetch = 0 : i64, scratch_operands = 15 : i64, tpu.core_type = #tpu.core_type<sc_vector_subcore>, window_params = [{transform_indices = #map}, {transform_indices = #map}, {transform_indices = #map1}, {transform_indices = #map1}, {transform_indices = #map}, {transform_indices = #map}]} {
    %scan3A = arith.constant 0 : i32
    %scan3A_0 = arith.constant 0 : i32
    %scan3A_1 = arith.constant 16 : i32
    %scan3A_2 = arith.addi %scan3A_0, %scan3A_1 : i32
    %scan3A_3 = arith.constant 1 : i32
    scf.for %scan3A_28 = %scan3A_0 to %scan3A_2 step %scan3A_3  : i32 {
      %broadcast_in_dim3A = arith.constant 0.000000e+00 : f32
      %broadcast_in_dim3A_29 = vector.broadcast %broadcast_in_dim3A : f32 to vector<16xf32>
      %swap3A = arith.index_cast %scan3A_28 : i32 to index
      %swap3A_30 = arith.constant 0 : index
      %swap3A_31 = tpu.vector_load %arg15[%swap3A, %swap3A_30] {strides = array<i32>} : memref<16x128xf32, #tpu.memory_space<vmem>>, vector<1x16xf32>,
      %swap3A_32 = vector.shape_cast %swap3A_31 : vector<1x16xf32> to vector<16xf32>
      %swap3A_33 = vector.shape_cast %broadcast_in_dim3A_29 : vector<16xf32> to vector<1x16xf32>
      tpu.vector_store %arg15[%swap3A, %swap3A_30], %swap3A_33 {strides = array<i32>} : memref<16x128xf32, #tpu.memory_space<vmem>>, vector<1x16xf32>,
      %broadcast_in_dim3A_34 = arith.constant 0.000000e+00 : f32
      %broadcast_in_dim3A_35 = vector.broadcast %broadcast_in_dim3A_34 : f32 to vector<16xf32>
      %swap3A_36 = arith.index_cast %scan3A_28 : i32 to index
      %swap3A_37 = arith.constant 16 : index
      %swap3A_38 = tpu.vector_load %arg15[%swap3A_36, %swap3A_37] {strides = array<i32>} : memref<16x128xf32, #tpu.memory_space<vmem>>, vector<1x16xf32>,
      %swap3A_39 = vector.shape_cast %swap3A_38 : vector<1x16xf32> to vector<16xf32>
      %swap3A_40 = vector.shape_cast %broadcast_in_dim3A_35 : vector<16xf32> to vector<1x16xf32>
      tpu.vector_store %arg15[%swap3A_36, %swap3A_37], %swap3A_40 {strides = array<i32>} : memref<16x128xf32, #tpu.memory_space<vmem>>, vector<1x16xf32>,
      %broadcast_in_dim3A_41 = arith.constant 0.000000e+00 : f32
      %broadcast_in_dim3A_42 = vector.broadcast %broadcast_in_dim3A_41 : f32 to vector<16xf32>
      %swap3A_43 = arith.index_cast %scan3A_28 : i32 to index
      %swap3A_44 = arith.constant 32 : index
      %swap3A_45 = tpu.vector_load %arg15[%swap3A_43, %swap3A_44] {strides = array<i32>} : memref<16x128xf32, #tpu.memory_space<vmem>>, vector<1x16xf32>,
      %swap3A_46 = vector.shape_cast %swap3A_45 : vector<1x16xf32> to vector<16xf32>
      %swap3A_47 = vector.shape_cast %broadcast_in_dim3A_42 : vector<16xf32> to vector<1x16xf32>
      tpu.vector_store %arg15[%swap3A_43, %swap3A_44], %swap3A_47 {strides = array<i32>} : memref<16x128xf32, #tpu.memory_space<vmem>>, vector<1x16xf32>,
      %broadcast_in_dim3A_48 = arith.constant 0.000000e+00 : f32
      %broadcast_in_dim3A_49 = vector.broadcast %broadcast_in_dim3A_48 : f32 to vector<16xf32>
      %swap3A_50 = arith.index_cast %scan3A_28 : i32 to index
      %swap3A_51 = arith.constant 48 : index
      %swap3A_52 = tpu.vector_load %arg15[%swap3A_50, %swap3A_51] {strides = array<i32>} : memref<16x128xf32, #tpu.memory_space<vmem>>, vector<1x16xf32>,
      %swap3A_53 = vector.shape_cast %swap3A_52 : vector<1x16xf32> to vector<16xf32>
      %swap3A_54 = vector.shape_cast %broadcast_in_dim3A_49 : vector<16xf32> to vector<1x16xf32>
      tpu.vector_store %arg15[%swap3A_50, %swap3A_51], %swap3A_54 {strides = array<i32>} : memref<16x128xf32, #tpu.memory_space<vmem>>, vector<1x16xf32>,
      %broadcast_in_dim3A_55 = arith.constant 0.000000e+00 : f32
      %broadcast_in_dim3A_56 = vector.broadcast %broadcast_in_dim3A_55 : f32 to vector<16xf32>
      %swap3A_57 = arith.index_cast %scan3A_28 : i32 to index
      %swap3A_58 = arith.constant 64 : index
      %swap3A_59 = tpu.vector_load %arg15[%swap3A_57, %swap3A_58] {strides = array<i32>} : memref<16x128xf32, #tpu.memory_space<vmem>>, vector<1x16xf32>,
      %swap3A_60 = vector.shape_cast %swap3A_59 : vector<1x16xf32> to vector<16xf32>
      %swap3A_61 = vector.shape_cast %broadcast_in_dim3A_56 : vector<16xf32> to vector<1x16xf32>
      tpu.vector_store %arg15[%swap3A_57, %swap3A_58], %swap3A_61 {strides = array<i32>} : memref<16x128xf32, #tpu.memory_space<vmem>>, vector<1x16xf32>,
      %broadcast_in_dim3A_62 = arith.constant 0.000000e+00 : f32
      %broadcast_in_dim3A_63 = vector.broadcast %broadcast_in_dim3A_62 : f32 to vector<16xf32>
      %swap3A_64 = arith.index_cast %scan3A_28 : i32 to index
      %swap3A_65 = arith.constant 80 : index
      %swap3A_66 = tpu.vector_load %arg15[%swap3A_64, %swap3A_65] {strides = array<i32>} : memref<16x128xf32, #tpu.memory_space<vmem>>, vector<1x16xf32>,
      %swap3A_67 = vector.shape_cast %swap3A_66 : vector<1x16xf32> to vector<16xf32>
      %swap3A_68 = vector.shape_cast %broadcast_in_dim3A_63 : vector<16xf32> to vector<1x16xf32>
      tpu.vector_store %arg15[%swap3A_64, %swap3A_65], %swap3A_68 {strides = array<i32>} : memref<16x128xf32, #tpu.memory_space<vmem>>, vector<1x16xf32>,
      %broadcast_in_dim3A_69 = arith.constant 0.000000e+00 : f32
      %broadcast_in_dim3A_70 = vector.broadcast %broadcast_in_dim3A_69 : f32 to vector<16xf32>
      %swap3A_71 = arith.index_cast %scan3A_28 : i32 to index
      %swap3A_72 = arith.constant 96 : index
      %swap3A_73 = tpu.vector_load %arg15[%swap3A_71, %swap3A_72] {strides = array<i32>} : memref<16x128xf32, #tpu.memory_space<vmem>>, vector<1x16xf32>,
      %swap3A_74 = vector.shape_cast %swap3A_73 : vector<1x16xf32> to vector<16xf32>
      %swap3A_75 = vector.shape_cast %broadcast_in_dim3A_70 : vector<16xf32> to vector<1x16xf32>
      tpu.vector_store %arg15[%swap3A_71, %swap3A_72], %swap3A_75 {strides = array<i32>} : memref<16x128xf32, #tpu.memory_space<vmem>>, vector<1x16xf32>,
      %broadcast_in_dim3A_76 = arith.constant 0.000000e+00 : f32
      %broadcast_in_dim3A_77 = vector.broadcast %broadcast_in_dim3A_76 : f32 to vector<16xf32>
      %swap3A_78 = arith.index_cast %scan3A_28 : i32 to index
      %swap3A_79 = arith.constant 112 : index
      %swap3A_80 = tpu.vector_load %arg15[%swap3A_78, %swap3A_79] {strides = array<i32>} : memref<16x128xf32, #tpu.memory_space<vmem>>, vector<1x16xf32>,
      %swap3A_81 = vector.shape_cast %swap3A_80 : vector<1x16xf32> to vector<16xf32>
      %swap3A_82 = vector.shape_cast %broadcast_in_dim3A_77 : vector<16xf32> to vector<1x16xf32>
      tpu.vector_store %arg15[%swap3A_78, %swap3A_79], %swap3A_82 {strides = array<i32>} : memref<16x128xf32, #tpu.memory_space<vmem>>, vector<1x16xf32>,
    }
    %scan3A_4 = arith.constant 16 : i32
    %mul3A = arith.constant 624 : i32
    %mul3A_5 = arith.muli %arg1, %mul3A : i32
    %multiple_of3A = tpu.assume_multiple %mul3A_5, 8 : i32
    %eq3A = arith.constant 15 : i32
    %eq3A_6 = arith.cmpi eq, %arg1, %eq3A : i32
    %jit3A = arith.constant 40 : i32
    %jit3A_7 = arith.constant 39 : i32
    %select_n3A = arith.select %eq3A_6, %jit3A, %jit3A_7 : i32
    %while3A = arith.constant 0 : i32
    %while3A_8 = arith.constant 0 : i32
    %while3A_9 = arith.subi %select_n3A, %while3A_8 : i32
    %while3A_10 = arith.addi %while3A_8, %while3A_9 : i32
    %while3A_11 = arith.constant 1 : i32
    %while3A_12 = arith.divsi %while3A_9, %while3A_11 : i32
    %while3A_13 = arith.muli %while3A_12, %while3A_11 : i32
    %while3A_14 = arith.addi %while3A_8, %while3A_13 : i32
    %while3A_15 = arith.constant 1 : i32
    scf.for %while3A_28 = %while3A_8 to %while3A_14 step %while3A_15  : i32 {
      %mul3A_29 = arith.constant 16 : i32
      %mul3A_30 = arith.muli %while3A_28, %mul3A_29 : i32
      %add3A = arith.addi %multiple_of3A, %mul3A_30 : i32
      "tpu.region"() ({
        %run_scoped3A = tpu.sem_alloc : memref<!tpu.dma_semaphore, #tpu.memory_space<semaphore_mem>>
        %dma_start3A = arith.constant 0 : i32
        %dma_start3A_31 = tpu.memref_slice %arg16[%add3A, %dma_start3A] : memref<10000x128xf32, #tpu.memory_space<vmem_shared>> -> memref<16x128xf32, #tpu.memory_space<vmem_shared>>
        %dma_start3A_32 = arith.constant 0 : i32
        %dma_start3A_33 = tpu.memref_slice %arg16[%add3A, %dma_start3A_32] : memref<10000x128xf32, #tpu.memory_space<vmem_shared>> -> memref<16x128xf32, #tpu.memory_space<vmem_shared>>
        tpu.enqueue_dma source(%arg15 : memref<16x128xf32, #tpu.memory_space<vmem>>) target(%dma_start3A_33 : memref<16x128xf32, #tpu.memory_space<vmem_shared>>) target_semaphore(%run_scoped3A : memref<!tpu.dma_semaphore, #tpu.memory_space<semaphore_mem>>)
        %dma_wait3A = arith.constant 0 : i32
        %dma_wait3A_34 = tpu.memref_slice %arg16[%add3A, %dma_wait3A] : memref<10000x128xf32, #tpu.memory_space<vmem_shared>> -> memref<16x128xf32, #tpu.memory_space<vmem_shared>>
        %dma_wait3A_35 = arith.constant 0 : i32
        %dma_wait3A_36 = tpu.memref_slice %arg16[%add3A, %dma_wait3A_35] : memref<10000x128xf32, #tpu.memory_space<vmem_shared>> -> memref<16x128xf32, #tpu.memory_space<vmem_shared>>
        tpu.wait_dma2 semaphore(%run_scoped3A : memref<!tpu.dma_semaphore, #tpu.memory_space<semaphore_mem>>) src(%arg15 : memref<16x128xf32, #tpu.memory_space<vmem>>) dst(%dma_wait3A_36 : memref<16x128xf32, #tpu.memory_space<vmem_shared>>)
        tpu.yield
      }) : () -> ()
    }
    %while3A_16 = arith.constant 1 : i32
    scf.for %while3A_28 = %while3A_14 to %while3A_10 step %while3A_16  : i32 {
      %mul3A_29 = arith.constant 16 : i32
      %mul3A_30 = arith.muli %while3A_28, %mul3A_29 : i32
      %add3A = arith.addi %multiple_of3A, %mul3A_30 : i32
      "tpu.region"() ({
        %run_scoped3A = tpu.sem_alloc : memref<!tpu.dma_semaphore, #tpu.memory_space<semaphore_mem>>
        %dma_start3A = arith.constant 0 : i32
        %dma_start3A_31 = tpu.memref_slice %arg16[%add3A, %dma_start3A] : memref<10000x128xf32, #tpu.memory_space<vmem_shared>> -> memref<16x128xf32, #tpu.memory_space<vmem_shared>>
        %dma_start3A_32 = arith.constant 0 : i32
        %dma_start3A_33 = tpu.memref_slice %arg16[%add3A, %dma_start3A_32] : memref<10000x128xf32, #tpu.memory_space<vmem_shared>> -> memref<16x128xf32, #tpu.memory_space<vmem_shared>>
        tpu.enqueue_dma source(%arg15 : memref<16x128xf32, #tpu.memory_space<vmem>>) target(%dma_start3A_33 : memref<16x128xf32, #tpu.memory_space<vmem_shared>>) target_semaphore(%run_scoped3A : memref<!tpu.dma_semaphore, #tpu.memory_space<semaphore_mem>>)
        %dma_wait3A = arith.constant 0 : i32
        %dma_wait3A_34 = tpu.memref_slice %arg16[%add3A, %dma_wait3A] : memref<10000x128xf32, #tpu.memory_space<vmem_shared>> -> memref<16x128xf32, #tpu.memory_space<vmem_shared>>
        %dma_wait3A_35 = arith.constant 0 : i32
        %dma_wait3A_36 = tpu.memref_slice %arg16[%add3A, %dma_wait3A_35] : memref<10000x128xf32, #tpu.memory_space<vmem_shared>> -> memref<16x128xf32, #tpu.memory_space<vmem_shared>>
        tpu.wait_dma2 semaphore(%run_scoped3A : memref<!tpu.dma_semaphore, #tpu.memory_space<semaphore_mem>>) src(%arg15 : memref<16x128xf32, #tpu.memory_space<vmem>>) dst(%dma_wait3A_36 : memref<16x128xf32, #tpu.memory_space<vmem_shared>>)
        tpu.yield
      }) : () -> ()
    }
    %mul3A_17 = arith.constant 10000 : i32
    %mul3A_18 = arith.muli %arg1, %mul3A_17 : i32
    %multiple_of3A_19 = tpu.assume_multiple %mul3A_18, 8 : i32
    "tpu.region"() ({
      %run_scoped3A = tpu.sem_alloc : memref<!tpu.dma_semaphore, #tpu.memory_space<semaphore_mem>>
      %dma_start3A = tpu.memref_slice %arg4[%multiple_of3A_19] : memref<160000xi32, #tpu.memory_space<hbm>> -> memref<10000xi32, #tpu.memory_space<hbm>>
      %dma_start3A_28 = tpu.memref_slice %arg4[%multiple_of3A_19] : memref<160000xi32, #tpu.memory_space<hbm>> -> memref<10000xi32, #tpu.memory_space<hbm>>
      tpu.enqueue_dma source(%dma_start3A_28 : memref<10000xi32, #tpu.memory_space<hbm>>) target(%arg8 : memref<10000xi32, #tpu.memory_space<vmem>>) target_semaphore(%run_scoped3A : memref<!tpu.dma_semaphore, #tpu.memory_space<semaphore_mem>>)
      %dma_wait3A = tpu.memref_slice %arg4[%multiple_of3A_19] : memref<160000xi32, #tpu.memory_space<hbm>> -> memref<10000xi32, #tpu.memory_space<hbm>>
      %dma_wait3A_29 = tpu.memref_slice %arg4[%multiple_of3A_19] : memref<160000xi32, #tpu.memory_space<hbm>> -> memref<10000xi32, #tpu.memory_space<hbm>>
      tpu.wait_dma2 semaphore(%run_scoped3A : memref<!tpu.dma_semaphore, #tpu.memory_space<semaphore_mem>>) src(%dma_wait3A_29 : memref<10000xi32, #tpu.memory_space<hbm>>) dst(%arg8 : memref<10000xi32, #tpu.memory_space<vmem>>)
      tpu.yield
    }) : () -> ()
    %barrier3A = arith.constant 0 : index
    tpu.barrier barrier_id(%barrier3A)
    %eq3A_20 = arith.constant 0 : i32
    %eq3A_21 = arith.cmpi eq, %arg0, %eq3A_20 : i32
    %convert_element_type3A = arith.extui %eq3A_21 : i1 to i32
    %cond3A = arith.constant 0 : i32
    %cond3A_22 = arith.cmpi ne, %convert_element_type3A, %cond3A : i32
    scf.if %cond3A_22 {
      %add3A = arith.constant 0 : i32
      %add3A_28 = arith.addi %multiple_of3A_19, %add3A : i32
      %multiple_of3A_29 = tpu.assume_multiple %add3A_28, 8 : i32
      %multiple_of3A_30 = arith.constant 0 : i32
      %multiple_of3A_31 = tpu.assume_multiple %multiple_of3A_30, 8 : i32
      %dma_start3A = tpu.memref_slice %arg5[%multiple_of3A_29] : memref<160000xi32, #tpu.memory_space<hbm>> -> memref<80xi32, #tpu.memory_space<hbm>>
      %dma_start3A_32 = tpu.memref_slice %arg5[%multiple_of3A_29] : memref<160000xi32, #tpu.memory_space<hbm>> -> memref<80xi32, #tpu.memory_space<hbm>>
      tpu.enqueue_dma source(%dma_start3A_32 : memref<80xi32, #tpu.memory_space<hbm>>) target(%arg9 : memref<80xi32, #tpu.memory_space<vmem>>) target_semaphore(%arg17 : memref<!tpu.dma_semaphore, #tpu.memory_space<semaphore_mem>>)
      %dma_start3A_33 = tpu.memref_slice %arg8[%multiple_of3A_31] : memref<10000xi32, #tpu.memory_space<vmem>> -> memref<80xi32, #tpu.memory_space<vmem>>
      %dma_start3A_34 = arith.constant 0 : i32
      %dma_start3A_35 = arith.constant 0 : i32
      %dma_start3A_36 = tpu.memref_slice %arg2[%dma_start3A_34, %dma_start3A_35] : memref<10000x128xf32, #tpu.memory_space<hbm>> -> memref<10000x128xf32, #tpu.memory_space<hbm>>
      tpu.enqueue_indirect_dma source(%dma_start3A_36 : memref<10000x128xf32, #tpu.memory_space<hbm>>) target(%arg12 : memref<80x128xf32, #tpu.memory_space<vmem>>) offsets(%dma_start3A_33 : memref<80xi32, #tpu.memory_space<vmem>>) semaphore(%arg17 : memref<!tpu.dma_semaphore, #tpu.memory_space<semaphore_mem>>)
      %add3A_37 = arith.constant 80 : i32
      %add3A_38 = arith.addi %multiple_of3A_19, %add3A_37 : i32
      %multiple_of3A_39 = tpu.assume_multiple %add3A_38, 8 : i32
      %multiple_of3A_40 = arith.constant 80 : i32
      %multiple_of3A_41 = tpu.assume_multiple %multiple_of3A_40, 8 : i32
      %dma_start3A_42 = tpu.memref_slice %arg5[%multiple_of3A_39] : memref<160000xi32, #tpu.memory_space<hbm>> -> memref<80xi32, #tpu.memory_space<hbm>>
      %dma_start3A_43 = tpu.memref_slice %arg5[%multiple_of3A_39] : memref<160000xi32, #tpu.memory_space<hbm>> -> memref<80xi32, #tpu.memory_space<hbm>>
      tpu.enqueue_dma source(%dma_start3A_43 : memref<80xi32, #tpu.memory_space<hbm>>) target(%arg10 : memref<80xi32, #tpu.memory_space<vmem>>) target_semaphore(%arg18 : memref<!tpu.dma_semaphore, #tpu.memory_space<semaphore_mem>>)
      %dma_start3A_44 = tpu.memref_slice %arg8[%multiple_of3A_41] : memref<10000xi32, #tpu.memory_space<vmem>> -> memref<80xi32, #tpu.memory_space<vmem>>
      %dma_start3A_45 = arith.constant 0 : i32
      %dma_start3A_46 = arith.constant 0 : i32
      %dma_start3A_47 = tpu.memref_slice %arg2[%dma_start3A_45, %dma_start3A_46] : memref<10000x128xf32, #tpu.memory_space<hbm>> -> memref<10000x128xf32, #tpu.memory_space<hbm>>
      tpu.enqueue_indirect_dma source(%dma_start3A_47 : memref<10000x128xf32, #tpu.memory_space<hbm>>) target(%arg13 : memref<80x128xf32, #tpu.memory_space<vmem>>) offsets(%dma_start3A_44 : memref<80xi32, #tpu.memory_space<vmem>>) semaphore(%arg18 : memref<!tpu.dma_semaphore, #tpu.memory_space<semaphore_mem>>)
      %add3A_48 = arith.constant 0 : i32
      %add3A_49 = arith.addi %multiple_of3A_19, %add3A_48 : i32
      %multiple_of3A_50 = tpu.assume_multiple %add3A_49, 8 : i32
      %multiple_of3A_51 = arith.constant 0 : i32
      %multiple_of3A_52 = tpu.assume_multiple %multiple_of3A_51, 8 : i32
      %dma_wait3A = tpu.memref_slice %arg5[%multiple_of3A_50] : memref<160000xi32, #tpu.memory_space<hbm>> -> memref<80xi32, #tpu.memory_space<hbm>>
      %dma_wait3A_53 = tpu.memref_slice %arg5[%multiple_of3A_50] : memref<160000xi32, #tpu.memory_space<hbm>> -> memref<80xi32, #tpu.memory_space<hbm>>
      tpu.wait_dma2 semaphore(%arg17 : memref<!tpu.dma_semaphore, #tpu.memory_space<semaphore_mem>>) src(%dma_wait3A_53 : memref<80xi32, #tpu.memory_space<hbm>>) dst(%arg9 : memref<80xi32, #tpu.memory_space<vmem>>)
      %dma_wait3A_54 = tpu.memref_slice %arg8[%multiple_of3A_52] : memref<10000xi32, #tpu.memory_space<vmem>> -> memref<80xi32, #tpu.memory_space<vmem>>
      %dma_wait3A_55 = arith.constant 0 : i32
      %dma_wait3A_56 = arith.constant 0 : i32
      %dma_wait3A_57 = tpu.memref_slice %arg2[%dma_wait3A_55, %dma_wait3A_56] : memref<10000x128xf32, #tpu.memory_space<hbm>> -> memref<10000x128xf32, #tpu.memory_space<hbm>>
      tpu.wait_indirect_dma semaphore(%arg17 : memref<!tpu.dma_semaphore, #tpu.memory_space<semaphore_mem>>) src(%dma_wait3A_57 : memref<10000x128xf32, #tpu.memory_space<hbm>>) dst(%arg12 : memref<80x128xf32, #tpu.memory_space<vmem>>)
      %dma_start3A_58 = arith.constant 0 : i32
      %dma_start3A_59 = arith.constant 0 : i32
      %dma_start3A_60 = tpu.memref_slice %arg16[%dma_start3A_58, %dma_start3A_59] : memref<10000x128xf32, #tpu.memory_space<vmem_shared>> -> memref<10000x128xf32, #tpu.memory_space<vmem_shared>>
      tpu.enqueue_indirect_dma source(%arg12 : memref<80x128xf32, #tpu.memory_space<vmem>>) target(%dma_start3A_60 : memref<10000x128xf32, #tpu.memory_space<vmem_shared>>) offsets(%arg9 : memref<80xi32, #tpu.memory_space<vmem>>) semaphore(%arg20 : memref<!tpu.dma_semaphore, #tpu.memory_space<semaphore_mem>>) {add = true}
      %add3A_61 = arith.constant 160 : i32
      %add3A_62 = arith.addi %multiple_of3A_19, %add3A_61 : i32
      %multiple_of3A_63 = tpu.assume_multiple %add3A_62, 8 : i32
      %multiple_of3A_64 = arith.constant 160 : i32
      %multiple_of3A_65 = tpu.assume_multiple %multiple_of3A_64, 8 : i32
      %dma_start3A_66 = tpu.memref_slice %arg5[%multiple_of3A_63] : memref<160000xi32, #tpu.memory_space<hbm>> -> memref<80xi32, #tpu.memory_space<hbm>>
      %dma_start3A_67 = tpu.memref_slice %arg5[%multiple_of3A_63] : memref<160000xi32, #tpu.memory_space<hbm>> -> memref<80xi32, #tpu.memory_space<hbm>>
      tpu.enqueue_dma source(%dma_start3A_67 : memref<80xi32, #tpu.memory_space<hbm>>) target(%arg11 : memref<80xi32, #tpu.memory_space<vmem>>) target_semaphore(%arg19 : memref<!tpu.dma_semaphore, #tpu.memory_space<semaphore_mem>>)
      %dma_start3A_68 = tpu.memref_slice %arg8[%multiple_of3A_65] : memref<10000xi32, #tpu.memory_space<vmem>> -> memref<80xi32, #tpu.memory_space<vmem>>
      %dma_start3A_69 = arith.constant 0 : i32
      %dma_start3A_70 = arith.constant 0 : i32
      %dma_start3A_71 = tpu.memref_slice %arg2[%dma_start3A_69, %dma_start3A_70] : memref<10000x128xf32, #tpu.memory_space<hbm>> -> memref<10000x128xf32, #tpu.memory_space<hbm>>
      tpu.enqueue_indirect_dma source(%dma_start3A_71 : memref<10000x128xf32, #tpu.memory_space<hbm>>) target(%arg14 : memref<80x128xf32, #tpu.memory_space<vmem>>) offsets(%dma_start3A_68 : memref<80xi32, #tpu.memory_space<vmem>>) semaphore(%arg19 : memref<!tpu.dma_semaphore, #tpu.memory_space<semaphore_mem>>)
      %add3A_72 = arith.constant 80 : i32
      %add3A_73 = arith.addi %multiple_of3A_19, %add3A_72 : i32
      %multiple_of3A_74 = tpu.assume_multiple %add3A_73, 8 : i32
      %multiple_of3A_75 = arith.constant 80 : i32
      %multiple_of3A_76 = tpu.assume_multiple %multiple_of3A_75, 8 : i32
      %dma_wait3A_77 = tpu.memref_slice %arg5[%multiple_of3A_74] : memref<160000xi32, #tpu.memory_space<hbm>> -> memref<80xi32, #tpu.memory_space<hbm>>
      %dma_wait3A_78 = tpu.memref_slice %arg5[%multiple_of3A_74] : memref<160000xi32, #tpu.memory_space<hbm>> -> memref<80xi32, #tpu.memory_space<hbm>>
      tpu.wait_dma2 semaphore(%arg18 : memref<!tpu.dma_semaphore, #tpu.memory_space<semaphore_mem>>) src(%dma_wait3A_78 : memref<80xi32, #tpu.memory_space<hbm>>) dst(%arg10 : memref<80xi32, #tpu.memory_space<vmem>>)
      %dma_wait3A_79 = tpu.memref_slice %arg8[%multiple_of3A_76] : memref<10000xi32, #tpu.memory_space<vmem>> -> memref<80xi32, #tpu.memory_space<vmem>>
      %dma_wait3A_80 = arith.constant 0 : i32
      %dma_wait3A_81 = arith.constant 0 : i32
      %dma_wait3A_82 = tpu.memref_slice %arg2[%dma_wait3A_80, %dma_wait3A_81] : memref<10000x128xf32, #tpu.memory_space<hbm>> -> memref<10000x128xf32, #tpu.memory_space<hbm>>
      tpu.wait_indirect_dma semaphore(%arg18 : memref<!tpu.dma_semaphore, #tpu.memory_space<semaphore_mem>>) src(%dma_wait3A_82 : memref<10000x128xf32, #tpu.memory_space<hbm>>) dst(%arg13 : memref<80x128xf32, #tpu.memory_space<vmem>>)
      %dma_wait3A_83 = arith.constant 0 : i32
      %dma_wait3A_84 = arith.constant 0 : i32
      %dma_wait3A_85 = tpu.memref_slice %arg16[%dma_wait3A_83, %dma_wait3A_84] : memref<10000x128xf32, #tpu.memory_space<vmem_shared>> -> memref<10000x128xf32, #tpu.memory_space<vmem_shared>>
      tpu.wait_indirect_dma semaphore(%arg20 : memref<!tpu.dma_semaphore, #tpu.memory_space<semaphore_mem>>) src(%arg12 : memref<80x128xf32, #tpu.memory_space<vmem>>) dst(%dma_wait3A_85 : memref<10000x128xf32, #tpu.memory_space<vmem_shared>>)
      %dma_start3A_86 = arith.constant 0 : i32
      %dma_start3A_87 = arith.constant 0 : i32
      %dma_start3A_88 = tpu.memref_slice %arg16[%dma_start3A_86, %dma_start3A_87] : memref<10000x128xf32, #tpu.memory_space<vmem_shared>> -> memref<10000x128xf32, #tpu.memory_space<vmem_shared>>
      tpu.enqueue_indirect_dma source(%arg13 : memref<80x128xf32, #tpu.memory_space<vmem>>) target(%dma_start3A_88 : memref<10000x128xf32, #tpu.memory_space<vmem_shared>>) offsets(%arg10 : memref<80xi32, #tpu.memory_space<vmem>>) semaphore(%arg21 : memref<!tpu.dma_semaphore, #tpu.memory_space<semaphore_mem>>) {add = true}
      %add3A_89 = arith.constant 240 : i32
      %add3A_90 = arith.addi %multiple_of3A_19, %add3A_89 : i32
      %multiple_of3A_91 = tpu.assume_multiple %add3A_90, 8 : i32
      %multiple_of3A_92 = arith.constant 240 : i32
      %multiple_of3A_93 = tpu.assume_multiple %multiple_of3A_92, 8 : i32
      %dma_start3A_94 = tpu.memref_slice %arg5[%multiple_of3A_91] : memref<160000xi32, #tpu.memory_space<hbm>> -> memref<80xi32, #tpu.memory_space<hbm>>
      %dma_start3A_95 = tpu.memref_slice %arg5[%multiple_of3A_91] : memref<160000xi32, #tpu.memory_space<hbm>> -> memref<80xi32, #tpu.memory_space<hbm>>
      tpu.enqueue_dma source(%dma_start3A_95 : memref<80xi32, #tpu.memory_space<hbm>>) target(%arg9 : memref<80xi32, #tpu.memory_space<vmem>>) target_semaphore(%arg17 : memref<!tpu.dma_semaphore, #tpu.memory_space<semaphore_mem>>)
      %dma_start3A_96 = tpu.memref_slice %arg8[%multiple_of3A_93] : memref<10000xi32, #tpu.memory_space<vmem>> -> memref<80xi32, #tpu.memory_space<vmem>>
      %dma_start3A_97 = arith.constant 0 : i32
      %dma_start3A_98 = arith.constant 0 : i32
      %dma_start3A_99 = tpu.memref_slice %arg2[%dma_start3A_97, %dma_start3A_98] : memref<10000x128xf32, #tpu.memory_space<hbm>> -> memref<10000x128xf32, #tpu.memory_space<hbm>>
      tpu.enqueue_indirect_dma source(%dma_start3A_99 : memref<10000x128xf32, #tpu.memory_space<hbm>>) target(%arg12 : memref<80x128xf32, #tpu.memory_space<vmem>>) offsets(%dma_start3A_96 : memref<80xi32, #tpu.memory_space<vmem>>) semaphore(%arg17 : memref<!tpu.dma_semaphore, #tpu.memory_space<semaphore_mem>>)
      %scan3A_100 = arith.constant 0 : i32
      %scan3A_101 = arith.constant 0 : i32
      %scan3A_102 = arith.constant 41 : i32
      %scan3A_103 = arith.addi %scan3A_101, %scan3A_102 : i32
      %scan3A_104 = arith.constant 1 : i32
      scf.for %scan3A_115 = %scan3A_101 to %scan3A_103 step %scan3A_104  : i32 {
        %mul3A_116 = arith.constant 3 : i32
        %mul3A_117 = arith.muli %mul3A_116, %scan3A_115 : i32
        %add3A_118 = arith.constant 2 : i32
        %add3A_119 = arith.addi %mul3A_117, %add3A_118 : i32
        %mul3A_120 = arith.constant 80 : i32
        %mul3A_121 = arith.muli %add3A_119, %mul3A_120 : i32
        %add3A_122 = arith.addi %multiple_of3A_19, %mul3A_121 : i32
        %multiple_of3A_123 = tpu.assume_multiple %add3A_122, 8 : i32
        %mul3A_124 = arith.constant 80 : i32
        %mul3A_125 = arith.muli %add3A_119, %mul3A_124 : i32
        %multiple_of3A_126 = tpu.assume_multiple %mul3A_125, 8 : i32
        %dma_wait3A_127 = tpu.memref_slice %arg5[%multiple_of3A_123] : memref<160000xi32, #tpu.memory_space<hbm>> -> memref<80xi32, #tpu.memory_space<hbm>>
        %dma_wait3A_128 = tpu.memref_slice %arg5[%multiple_of3A_123] : memref<160000xi32, #tpu.memory_space<hbm>> -> memref<80xi32, #tpu.memory_space<hbm>>
        tpu.wait_dma2 semaphore(%arg19 : memref<!tpu.dma_semaphore, #tpu.memory_space<semaphore_mem>>) src(%dma_wait3A_128 : memref<80xi32, #tpu.memory_space<hbm>>) dst(%arg11 : memref<80xi32, #tpu.memory_space<vmem>>)
        %dma_wait3A_129 = tpu.memref_slice %arg8[%multiple_of3A_126] : memref<10000xi32, #tpu.memory_space<vmem>> -> memref<80xi32, #tpu.memory_space<vmem>>
        %dma_wait3A_130 = arith.constant 0 : i32
        %dma_wait3A_131 = arith.constant 0 : i32
        %dma_wait3A_132 = tpu.memref_slice %arg2[%dma_wait3A_130, %dma_wait3A_131] : memref<10000x128xf32, #tpu.memory_space<hbm>> -> memref<10000x128xf32, #tpu.memory_space<hbm>>
        tpu.wait_indirect_dma semaphore(%arg19 : memref<!tpu.dma_semaphore, #tpu.memory_space<semaphore_mem>>) src(%dma_wait3A_132 : memref<10000x128xf32, #tpu.memory_space<hbm>>) dst(%arg14 : memref<80x128xf32, #tpu.memory_space<vmem>>)
        %dma_wait3A_133 = arith.constant 0 : i32
        %dma_wait3A_134 = arith.constant 0 : i32
        %dma_wait3A_135 = tpu.memref_slice %arg16[%dma_wait3A_133, %dma_wait3A_134] : memref<10000x128xf32, #tpu.memory_space<vmem_shared>> -> memref<10000x128xf32, #tpu.memory_space<vmem_shared>>
        tpu.wait_indirect_dma semaphore(%arg21 : memref<!tpu.dma_semaphore, #tpu.memory_space<semaphore_mem>>) src(%arg13 : memref<80x128xf32, #tpu.memory_space<vmem>>) dst(%dma_wait3A_135 : memref<10000x128xf32, #tpu.memory_space<vmem_shared>>)
        %dma_start3A_136 = arith.constant 0 : i32
        %dma_start3A_137 = arith.constant 0 : i32
        %dma_start3A_138 = tpu.memref_slice %arg16[%dma_start3A_136, %dma_start3A_137] : memref<10000x128xf32, #tpu.memory_space<vmem_shared>> -> memref<10000x128xf32, #tpu.memory_space<vmem_shared>>
        tpu.enqueue_indirect_dma source(%arg14 : memref<80x128xf32, #tpu.memory_space<vmem>>) target(%dma_start3A_138 : memref<10000x128xf32, #tpu.memory_space<vmem_shared>>) offsets(%arg11 : memref<80xi32, #tpu.memory_space<vmem>>) semaphore(%arg22 : memref<!tpu.dma_semaphore, #tpu.memory_space<semaphore_mem>>) {add = true}
        %add3A_139 = arith.constant 2 : i32
        %add3A_140 = arith.addi %add3A_119, %add3A_139 : i32
        %lt3A = arith.constant 125 : i32
        %lt3A_141 = arith.cmpi slt, %add3A_140, %lt3A : i32
        %convert_element_type3A_142 = arith.extui %lt3A_141 : i1 to i32
        %cond3A_143 = arith.constant 0 : i32
        %cond3A_144 = arith.cmpi ne, %convert_element_type3A_142, %cond3A_143 : i32
        scf.if %cond3A_144 {
          %add3A_201 = arith.constant 2 : i32
          %add3A_202 = arith.addi %add3A_119, %add3A_201 : i32
          %mul3A_203 = arith.constant 80 : i32
          %mul3A_204 = arith.muli %add3A_202, %mul3A_203 : i32
          %add3A_205 = arith.addi %multiple_of3A_19, %mul3A_204 : i32
          %multiple_of3A_206 = tpu.assume_multiple %add3A_205, 8 : i32
          %mul3A_207 = arith.constant 80 : i32
          %mul3A_208 = arith.muli %add3A_202, %mul3A_207 : i32
          %multiple_of3A_209 = tpu.assume_multiple %mul3A_208, 8 : i32
          %dma_start3A_210 = tpu.memref_slice %arg5[%multiple_of3A_206] : memref<160000xi32, #tpu.memory_space<hbm>> -> memref<80xi32, #tpu.memory_space<hbm>>
          %dma_start3A_211 = tpu.memref_slice %arg5[%multiple_of3A_206] : memref<160000xi32, #tpu.memory_space<hbm>> -> memref<80xi32, #tpu.memory_space<hbm>>
          tpu.enqueue_dma source(%dma_start3A_211 : memref<80xi32, #tpu.memory_space<hbm>>) target(%arg10 : memref<80xi32, #tpu.memory_space<vmem>>) target_semaphore(%arg18 : memref<!tpu.dma_semaphore, #tpu.memory_space<semaphore_mem>>)
          %dma_start3A_212 = tpu.memref_slice %arg8[%multiple_of3A_209] : memref<10000xi32, #tpu.memory_space<vmem>> -> memref<80xi32, #tpu.memory_space<vmem>>
          %dma_start3A_213 = arith.constant 0 : i32
          %dma_start3A_214 = arith.constant 0 : i32
          %dma_start3A_215 = tpu.memref_slice %arg2[%dma_start3A_213, %dma_start3A_214] : memref<10000x128xf32, #tpu.memory_space<hbm>> -> memref<10000x128xf32, #tpu.memory_space<hbm>>
          tpu.enqueue_indirect_dma source(%dma_start3A_215 : memref<10000x128xf32, #tpu.memory_space<hbm>>) target(%arg13 : memref<80x128xf32, #tpu.memory_space<vmem>>) offsets(%dma_start3A_212 : memref<80xi32, #tpu.memory_space<vmem>>) semaphore(%arg18 : memref<!tpu.dma_semaphore, #tpu.memory_space<semaphore_mem>>)
        } else {
        }
        %add3A_145 = arith.constant 1 : i32
        %add3A_146 = arith.addi %add3A_119, %add3A_145 : i32
        %mul3A_147 = arith.constant 80 : i32
        %mul3A_148 = arith.muli %add3A_146, %mul3A_147 : i32
        %add3A_149 = arith.addi %multiple_of3A_19, %mul3A_148 : i32
        %multiple_of3A_150 = tpu.assume_multiple %add3A_149, 8 : i32
        %mul3A_151 = arith.constant 80 : i32
        %mul3A_152 = arith.muli %add3A_146, %mul3A_151 : i32
        %multiple_of3A_153 = tpu.assume_multiple %mul3A_152, 8 : i32
        %dma_wait3A_154 = tpu.memref_slice %arg5[%multiple_of3A_150] : memref<160000xi32, #tpu.memory_space<hbm>> -> memref<80xi32, #tpu.memory_space<hbm>>
        %dma_wait3A_155 = tpu.memref_slice %arg5[%multiple_of3A_150] : memref<160000xi32, #tpu.memory_space<hbm>> -> memref<80xi32, #tpu.memory_space<hbm>>
        tpu.wait_dma2 semaphore(%arg17 : memref<!tpu.dma_semaphore, #tpu.memory_space<semaphore_mem>>) src(%dma_wait3A_155 : memref<80xi32, #tpu.memory_space<hbm>>) dst(%arg9 : memref<80xi32, #tpu.memory_space<vmem>>)
        %dma_wait3A_156 = tpu.memref_slice %arg8[%multiple_of3A_153] : memref<10000xi32, #tpu.memory_space<vmem>> -> memref<80xi32, #tpu.memory_space<vmem>>
        %dma_wait3A_157 = arith.constant 0 : i32
        %dma_wait3A_158 = arith.constant 0 : i32
        %dma_wait3A_159 = tpu.memref_slice %arg2[%dma_wait3A_157, %dma_wait3A_158] : memref<10000x128xf32, #tpu.memory_space<hbm>> -> memref<10000x128xf32, #tpu.memory_space<hbm>>
        tpu.wait_indirect_dma semaphore(%arg17 : memref<!tpu.dma_semaphore, #tpu.memory_space<semaphore_mem>>) src(%dma_wait3A_159 : memref<10000x128xf32, #tpu.memory_space<hbm>>) dst(%arg12 : memref<80x128xf32, #tpu.memory_space<vmem>>)
        %dma_wait3A_160 = arith.constant 0 : i32
        %dma_wait3A_161 = arith.constant 0 : i32
        %dma_wait3A_162 = tpu.memref_slice %arg16[%dma_wait3A_160, %dma_wait3A_161] : memref<10000x128xf32, #tpu.memory_space<vmem_shared>> -> memref<10000x128xf32, #tpu.memory_space<vmem_shared>>
        tpu.wait_indirect_dma semaphore(%arg22 : memref<!tpu.dma_semaphore, #tpu.memory_space<semaphore_mem>>) src(%arg14 : memref<80x128xf32, #tpu.memory_space<vmem>>) dst(%dma_wait3A_162 : memref<10000x128xf32, #tpu.memory_space<vmem_shared>>)
        %dma_start3A_163 = arith.constant 0 : i32
        %dma_start3A_164 = arith.constant 0 : i32
        %dma_start3A_165 = tpu.memref_slice %arg16[%dma_start3A_163, %dma_start3A_164] : memref<10000x128xf32, #tpu.memory_space<vmem_shared>> -> memref<10000x128xf32, #tpu.memory_space<vmem_shared>>
        tpu.enqueue_indirect_dma source(%arg12 : memref<80x128xf32, #tpu.memory_space<vmem>>) target(%dma_start3A_165 : memref<10000x128xf32, #tpu.memory_space<vmem_shared>>) offsets(%arg9 : memref<80xi32, #tpu.memory_space<vmem>>) semaphore(%arg20 : memref<!tpu.dma_semaphore, #tpu.memory_space<semaphore_mem>>) {add = true}
        %add3A_166 = arith.constant 2 : i32
        %add3A_167 = arith.addi %add3A_146, %add3A_166 : i32
        %lt3A_168 = arith.constant 125 : i32
        %lt3A_169 = arith.cmpi slt, %add3A_167, %lt3A_168 : i32
        %convert_element_type3A_170 = arith.extui %lt3A_169 : i1 to i32
        %cond3A_171 = arith.constant 0 : i32
        %cond3A_172 = arith.cmpi ne, %convert_element_type3A_170, %cond3A_171 : i32
        scf.if %cond3A_172 {
          %add3A_201 = arith.constant 2 : i32
          %add3A_202 = arith.addi %add3A_146, %add3A_201 : i32
          %mul3A_203 = arith.constant 80 : i32
          %mul3A_204 = arith.muli %add3A_202, %mul3A_203 : i32
          %add3A_205 = arith.addi %multiple_of3A_19, %mul3A_204 : i32
          %multiple_of3A_206 = tpu.assume_multiple %add3A_205, 8 : i32
          %mul3A_207 = arith.constant 80 : i32
          %mul3A_208 = arith.muli %add3A_202, %mul3A_207 : i32
          %multiple_of3A_209 = tpu.assume_multiple %mul3A_208, 8 : i32
          %dma_start3A_210 = tpu.memref_slice %arg5[%multiple_of3A_206] : memref<160000xi32, #tpu.memory_space<hbm>> -> memref<80xi32, #tpu.memory_space<hbm>>
          %dma_start3A_211 = tpu.memref_slice %arg5[%multiple_of3A_206] : memref<160000xi32, #tpu.memory_space<hbm>> -> memref<80xi32, #tpu.memory_space<hbm>>
          tpu.enqueue_dma source(%dma_start3A_211 : memref<80xi32, #tpu.memory_space<hbm>>) target(%arg11 : memref<80xi32, #tpu.memory_space<vmem>>) target_semaphore(%arg19 : memref<!tpu.dma_semaphore, #tpu.memory_space<semaphore_mem>>)
          %dma_start3A_212 = tpu.memref_slice %arg8[%multiple_of3A_209] : memref<10000xi32, #tpu.memory_space<vmem>> -> memref<80xi32, #tpu.memory_space<vmem>>
          %dma_start3A_213 = arith.constant 0 : i32
          %dma_start3A_214 = arith.constant 0 : i32
          %dma_start3A_215 = tpu.memref_slice %arg2[%dma_start3A_213, %dma_start3A_214] : memref<10000x128xf32, #tpu.memory_space<hbm>> -> memref<10000x128xf32, #tpu.memory_space<hbm>>
          tpu.enqueue_indirect_dma source(%dma_start3A_215 : memref<10000x128xf32, #tpu.memory_space<hbm>>) target(%arg14 : memref<80x128xf32, #tpu.memory_space<vmem>>) offsets(%dma_start3A_212 : memref<80xi32, #tpu.memory_space<vmem>>) semaphore(%arg19 : memref<!tpu.dma_semaphore, #tpu.memory_space<semaphore_mem>>)
        } else {
        }
        %add3A_173 = arith.constant 2 : i32
        %add3A_174 = arith.addi %add3A_119, %add3A_173 : i32
        %mul3A_175 = arith.constant 80 : i32
        %mul3A_176 = arith.muli %add3A_174, %mul3A_175 : i32
        %add3A_177 = arith.addi %multiple_of3A_19, %mul3A_176 : i32
        %multiple_of3A_178 = tpu.assume_multiple %add3A_177, 8 : i32
        %mul3A_179 = arith.constant 80 : i32
        %mul3A_180 = arith.muli %add3A_174, %mul3A_179 : i32
        %multiple_of3A_181 = tpu.assume_multiple %mul3A_180, 8 : i32
        %dma_wait3A_182 = tpu.memref_slice %arg5[%multiple_of3A_178] : memref<160000xi32, #tpu.memory_space<hbm>> -> memref<80xi32, #tpu.memory_space<hbm>>
        %dma_wait3A_183 = tpu.memref_slice %arg5[%multiple_of3A_178] : memref<160000xi32, #tpu.memory_space<hbm>> -> memref<80xi32, #tpu.memory_space<hbm>>
        tpu.wait_dma2 semaphore(%arg18 : memref<!tpu.dma_semaphore, #tpu.memory_space<semaphore_mem>>) src(%dma_wait3A_183 : memref<80xi32, #tpu.memory_space<hbm>>) dst(%arg10 : memref<80xi32, #tpu.memory_space<vmem>>)
        %dma_wait3A_184 = tpu.memref_slice %arg8[%multiple_of3A_181] : memref<10000xi32, #tpu.memory_space<vmem>> -> memref<80xi32, #tpu.memory_space<vmem>>
        %dma_wait3A_185 = arith.constant 0 : i32
        %dma_wait3A_186 = arith.constant 0 : i32
        %dma_wait3A_187 = tpu.memref_slice %arg2[%dma_wait3A_185, %dma_wait3A_186] : memref<10000x128xf32, #tpu.memory_space<hbm>> -> memref<10000x128xf32, #tpu.memory_space<hbm>>
        tpu.wait_indirect_dma semaphore(%arg18 : memref<!tpu.dma_semaphore, #tpu.memory_space<semaphore_mem>>) src(%dma_wait3A_187 : memref<10000x128xf32, #tpu.memory_space<hbm>>) dst(%arg13 : memref<80x128xf32, #tpu.memory_space<vmem>>)
        %dma_wait3A_188 = arith.constant 0 : i32
        %dma_wait3A_189 = arith.constant 0 : i32
        %dma_wait3A_190 = tpu.memref_slice %arg16[%dma_wait3A_188, %dma_wait3A_189] : memref<10000x128xf32, #tpu.memory_space<vmem_shared>> -> memref<10000x128xf32, #tpu.memory_space<vmem_shared>>
        tpu.wait_indirect_dma semaphore(%arg20 : memref<!tpu.dma_semaphore, #tpu.memory_space<semaphore_mem>>) src(%arg12 : memref<80x128xf32, #tpu.memory_space<vmem>>) dst(%dma_wait3A_190 : memref<10000x128xf32, #tpu.memory_space<vmem_shared>>)
        %dma_start3A_191 = arith.constant 0 : i32
        %dma_start3A_192 = arith.constant 0 : i32
        %dma_start3A_193 = tpu.memref_slice %arg16[%dma_start3A_191, %dma_start3A_192] : memref<10000x128xf32, #tpu.memory_space<vmem_shared>> -> memref<10000x128xf32, #tpu.memory_space<vmem_shared>>
        tpu.enqueue_indirect_dma source(%arg13 : memref<80x128xf32, #tpu.memory_space<vmem>>) target(%dma_start3A_193 : memref<10000x128xf32, #tpu.memory_space<vmem_shared>>) offsets(%arg10 : memref<80xi32, #tpu.memory_space<vmem>>) semaphore(%arg21 : memref<!tpu.dma_semaphore, #tpu.memory_space<semaphore_mem>>) {add = true}
        %add3A_194 = arith.constant 2 : i32
        %add3A_195 = arith.addi %add3A_174, %add3A_194 : i32
        %lt3A_196 = arith.constant 125 : i32
        %lt3A_197 = arith.cmpi slt, %add3A_195, %lt3A_196 : i32
        %convert_element_type3A_198 = arith.extui %lt3A_197 : i1 to i32
        %cond3A_199 = arith.constant 0 : i32
        %cond3A_200 = arith.cmpi ne, %convert_element_type3A_198, %cond3A_199 : i32
        scf.if %cond3A_200 {
          %add3A_201 = arith.constant 2 : i32
          %add3A_202 = arith.addi %add3A_174, %add3A_201 : i32
          %mul3A_203 = arith.constant 80 : i32
          %mul3A_204 = arith.muli %add3A_202, %mul3A_203 : i32
          %add3A_205 = arith.addi %multiple_of3A_19, %mul3A_204 : i32
          %multiple_of3A_206 = tpu.assume_multiple %add3A_205, 8 : i32
          %mul3A_207 = arith.constant 80 : i32
          %mul3A_208 = arith.muli %add3A_202, %mul3A_207 : i32
          %multiple_of3A_209 = tpu.assume_multiple %mul3A_208, 8 : i32
          %dma_start3A_210 = tpu.memref_slice %arg5[%multiple_of3A_206] : memref<160000xi32, #tpu.memory_space<hbm>> -> memref<80xi32, #tpu.memory_space<hbm>>
          %dma_start3A_211 = tpu.memref_slice %arg5[%multiple_of3A_206] : memref<160000xi32, #tpu.memory_space<hbm>> -> memref<80xi32, #tpu.memory_space<hbm>>
          tpu.enqueue_dma source(%dma_start3A_211 : memref<80xi32, #tpu.memory_space<hbm>>) target(%arg9 : memref<80xi32, #tpu.memory_space<vmem>>) target_semaphore(%arg17 : memref<!tpu.dma_semaphore, #tpu.memory_space<semaphore_mem>>)
          %dma_start3A_212 = tpu.memref_slice %arg8[%multiple_of3A_209] : memref<10000xi32, #tpu.memory_space<vmem>> -> memref<80xi32, #tpu.memory_space<vmem>>
          %dma_start3A_213 = arith.constant 0 : i32
          %dma_start3A_214 = arith.constant 0 : i32
          %dma_start3A_215 = tpu.memref_slice %arg2[%dma_start3A_213, %dma_start3A_214] : memref<10000x128xf32, #tpu.memory_space<hbm>> -> memref<10000x128xf32, #tpu.memory_space<hbm>>
          tpu.enqueue_indirect_dma source(%dma_start3A_215 : memref<10000x128xf32, #tpu.memory_space<hbm>>) target(%arg12 : memref<80x128xf32, #tpu.memory_space<vmem>>) offsets(%dma_start3A_212 : memref<80xi32, #tpu.memory_space<vmem>>) semaphore(%arg17 : memref<!tpu.dma_semaphore, #tpu.memory_space<semaphore_mem>>)
        } else {
        }
      }
      %scan3A_105 = arith.constant 41 : i32
      %dma_wait3A_106 = arith.constant 0 : i32
      %dma_wait3A_107 = arith.constant 0 : i32
      %dma_wait3A_108 = tpu.memref_slice %arg16[%dma_wait3A_106, %dma_wait3A_107] : memref<10000x128xf32, #tpu.memory_space<vmem_shared>> -> memref<10000x128xf32, #tpu.memory_space<vmem_shared>>
      tpu.wait_indirect_dma semaphore(%arg21 : memref<!tpu.dma_semaphore, #tpu.memory_space<semaphore_mem>>) src(%arg13 : memref<80x128xf32, #tpu.memory_space<vmem>>) dst(%dma_wait3A_108 : memref<10000x128xf32, #tpu.memory_space<vmem_shared>>)
      %barrier3A_109 = arith.constant 0 : index
      tpu.barrier barrier_id(%barrier3A_109)
      "tpu.region"() ({
        %run_scoped3A = tpu.sem_alloc : memref<!tpu.dma_semaphore, #tpu.memory_space<semaphore_mem>>
        %dma_start3A_115 = arith.constant 0 : i32
        %dma_start3A_116 = tpu.memref_slice %arg6[%multiple_of3A, %dma_start3A_115] : memref<10000x128xf32, #tpu.memory_space<hbm>> -> memref<624x128xf32, #tpu.memory_space<hbm>>
        %dma_start3A_117 = arith.constant 0 : i32
        %dma_start3A_118 = tpu.memref_slice %arg16[%multiple_of3A, %dma_start3A_117] : memref<10000x128xf32, #tpu.memory_space<vmem_shared>> -> memref<624x128xf32, #tpu.memory_space<vmem_shared>>
        tpu.enqueue_dma source(%dma_start3A_118 : memref<624x128xf32, #tpu.memory_space<vmem_shared>>) target(%dma_start3A_116 : memref<624x128xf32, #tpu.memory_space<hbm>>) target_semaphore(%run_scoped3A : memref<!tpu.dma_semaphore, #tpu.memory_space<semaphore_mem>>)
        %dma_wait3A_119 = arith.constant 0 : i32
        %dma_wait3A_120 = tpu.memref_slice %arg6[%multiple_of3A, %dma_wait3A_119] : memref<10000x128xf32, #tpu.memory_space<hbm>> -> memref<624x128xf32, #tpu.memory_space<hbm>>
        %dma_wait3A_121 = arith.constant 0 : i32
        %dma_wait3A_122 = tpu.memref_slice %arg16[%multiple_of3A, %dma_wait3A_121] : memref<10000x128xf32, #tpu.memory_space<vmem_shared>> -> memref<624x128xf32, #tpu.memory_space<vmem_shared>>
        tpu.wait_dma2 semaphore(%run_scoped3A : memref<!tpu.dma_semaphore, #tpu.memory_space<semaphore_mem>>) src(%dma_wait3A_122 : memref<624x128xf32, #tpu.memory_space<vmem_shared>>) dst(%dma_wait3A_120 : memref<624x128xf32, #tpu.memory_space<hbm>>)
        tpu.yield
      }) : () -> ()
      %eq3A_110 = arith.constant 15 : i32
      %eq3A_111 = arith.cmpi eq, %arg1, %eq3A_110 : i32
      %convert_element_type3A_112 = arith.extui %eq3A_111 : i1 to i32
      %cond3A_113 = arith.constant 0 : i32
      %cond3A_114 = arith.cmpi ne, %convert_element_type3A_112, %cond3A_113 : i32
      scf.if %cond3A_114 {
        "tpu.region"() ({
          %run_scoped3A = tpu.sem_alloc : memref<!tpu.dma_semaphore, #tpu.memory_space<semaphore_mem>>
          %dma_start3A_115 = arith.constant 9984 : i32
          %dma_start3A_116 = arith.constant 0 : i32
          %dma_start3A_117 = tpu.memref_slice %arg6[%dma_start3A_115, %dma_start3A_116] : memref<10000x128xf32, #tpu.memory_space<hbm>> -> memref<16x128xf32, #tpu.memory_space<hbm>>
          %dma_start3A_118 = arith.constant 9984 : i32
          %dma_start3A_119 = arith.constant 0 : i32
          %dma_start3A_120 = tpu.memref_slice %arg16[%dma_start3A_118, %dma_start3A_119] : memref<10000x128xf32, #tpu.memory_space<vmem_shared>> -> memref<16x128xf32, #tpu.memory_space<vmem_shared>>
          tpu.enqueue_dma source(%dma_start3A_120 : memref<16x128xf32, #tpu.memory_space<vmem_shared>>) target(%dma_start3A_117 : memref<16x128xf32, #tpu.memory_space<hbm>>) target_semaphore(%run_scoped3A : memref<!tpu.dma_semaphore, #tpu.memory_space<semaphore_mem>>)
          %dma_wait3A_121 = arith.constant 9984 : i32
          %dma_wait3A_122 = arith.constant 0 : i32
          %dma_wait3A_123 = tpu.memref_slice %arg6[%dma_wait3A_121, %dma_wait3A_122] : memref<10000x128xf32, #tpu.memory_space<hbm>> -> memref<16x128xf32, #tpu.memory_space<hbm>>
          %dma_wait3A_124 = arith.constant 9984 : i32
          %dma_wait3A_125 = arith.constant 0 : i32
          %dma_wait3A_126 = tpu.memref_slice %arg16[%dma_wait3A_124, %dma_wait3A_125] : memref<10000x128xf32, #tpu.memory_space<vmem_shared>> -> memref<16x128xf32, #tpu.memory_space<vmem_shared>>
          tpu.wait_dma2 semaphore(%run_scoped3A : memref<!tpu.dma_semaphore, #tpu.memory_space<semaphore_mem>>) src(%dma_wait3A_126 : memref<16x128xf32, #tpu.memory_space<vmem_shared>>) dst(%dma_wait3A_123 : memref<16x128xf32, #tpu.memory_space<hbm>>)
          tpu.yield
        }) : () -> ()
      } else {
      }
    } else {
    }
    %eq3A_23 = arith.constant 1 : i32
    %eq3A_24 = arith.cmpi eq, %arg0, %eq3A_23 : i32
    %convert_element_type3A_25 = arith.extui %eq3A_24 : i1 to i32
    %cond3A_26 = arith.constant 0 : i32
    %cond3A_27 = arith.cmpi ne, %convert_element_type3A_25, %cond3A_26 : i32
    scf.if %cond3A_27 {
      %add3A = arith.constant 0 : i32
      %add3A_28 = arith.addi %multiple_of3A_19, %add3A : i32
      %multiple_of3A_29 = tpu.assume_multiple %add3A_28, 8 : i32
      %multiple_of3A_30 = arith.constant 0 : i32
      %multiple_of3A_31 = tpu.assume_multiple %multiple_of3A_30, 8 : i32
      %dma_start3A = tpu.memref_slice %arg5[%multiple_of3A_29] : memref<160000xi32, #tpu.memory_space<hbm>> -> memref<80xi32, #tpu.memory_space<hbm>>
      %dma_start3A_32 = tpu.memref_slice %arg5[%multiple_of3A_29] : memref<160000xi32, #tpu.memory_space<hbm>> -> memref<80xi32, #tpu.memory_space<hbm>>
      tpu.enqueue_dma source(%dma_start3A_32 : memref<80xi32, #tpu.memory_space<hbm>>) target(%arg9 : memref<80xi32, #tpu.memory_space<vmem>>) target_semaphore(%arg17 : memref<!tpu.dma_semaphore, #tpu.memory_space<semaphore_mem>>)
      %dma_start3A_33 = tpu.memref_slice %arg8[%multiple_of3A_31] : memref<10000xi32, #tpu.memory_space<vmem>> -> memref<80xi32, #tpu.memory_space<vmem>>
      %dma_start3A_34 = arith.constant 0 : i32
      %dma_start3A_35 = arith.constant 0 : i32
      %dma_start3A_36 = tpu.memref_slice %arg3[%dma_start3A_34, %dma_start3A_35] : memref<10000x128xf32, #tpu.memory_space<hbm>> -> memref<10000x128xf32, #tpu.memory_space<hbm>>
      tpu.enqueue_indirect_dma source(%dma_start3A_36 : memref<10000x128xf32, #tpu.memory_space<hbm>>) target(%arg12 : memref<80x128xf32, #tpu.memory_space<vmem>>) offsets(%dma_start3A_33 : memref<80xi32, #tpu.memory_space<vmem>>) semaphore(%arg17 : memref<!tpu.dma_semaphore, #tpu.memory_space<semaphore_mem>>)
      %add3A_37 = arith.constant 80 : i32
      %add3A_38 = arith.addi %multiple_of3A_19, %add3A_37 : i32
      %multiple_of3A_39 = tpu.assume_multiple %add3A_38, 8 : i32
      %multiple_of3A_40 = arith.constant 80 : i32
      %multiple_of3A_41 = tpu.assume_multiple %multiple_of3A_40, 8 : i32
      %dma_start3A_42 = tpu.memref_slice %arg5[%multiple_of3A_39] : memref<160000xi32, #tpu.memory_space<hbm>> -> memref<80xi32, #tpu.memory_space<hbm>>
      %dma_start3A_43 = tpu.memref_slice %arg5[%multiple_of3A_39] : memref<160000xi32, #tpu.memory_space<hbm>> -> memref<80xi32, #tpu.memory_space<hbm>>
      tpu.enqueue_dma source(%dma_start3A_43 : memref<80xi32, #tpu.memory_space<hbm>>) target(%arg10 : memref<80xi32, #tpu.memory_space<vmem>>) target_semaphore(%arg18 : memref<!tpu.dma_semaphore, #tpu.memory_space<semaphore_mem>>)
      %dma_start3A_44 = tpu.memref_slice %arg8[%multiple_of3A_41] : memref<10000xi32, #tpu.memory_space<vmem>> -> memref<80xi32, #tpu.memory_space<vmem>>
      %dma_start3A_45 = arith.constant 0 : i32
      %dma_start3A_46 = arith.constant 0 : i32
      %dma_start3A_47 = tpu.memref_slice %arg3[%dma_start3A_45, %dma_start3A_46] : memref<10000x128xf32, #tpu.memory_space<hbm>> -> memref<10000x128xf32, #tpu.memory_space<hbm>>
      tpu.enqueue_indirect_dma source(%dma_start3A_47 : memref<10000x128xf32, #tpu.memory_space<hbm>>) target(%arg13 : memref<80x128xf32, #tpu.memory_space<vmem>>) offsets(%dma_start3A_44 : memref<80xi32, #tpu.memory_space<vmem>>) semaphore(%arg18 : memref<!tpu.dma_semaphore, #tpu.memory_space<semaphore_mem>>)
      %add3A_48 = arith.constant 0 : i32
      %add3A_49 = arith.addi %multiple_of3A_19, %add3A_48 : i32
      %multiple_of3A_50 = tpu.assume_multiple %add3A_49, 8 : i32
      %multiple_of3A_51 = arith.constant 0 : i32
      %multiple_of3A_52 = tpu.assume_multiple %multiple_of3A_51, 8 : i32
      %dma_wait3A = tpu.memref_slice %arg5[%multiple_of3A_50] : memref<160000xi32, #tpu.memory_space<hbm>> -> memref<80xi32, #tpu.memory_space<hbm>>
      %dma_wait3A_53 = tpu.memref_slice %arg5[%multiple_of3A_50] : memref<160000xi32, #tpu.memory_space<hbm>> -> memref<80xi32, #tpu.memory_space<hbm>>
      tpu.wait_dma2 semaphore(%arg17 : memref<!tpu.dma_semaphore, #tpu.memory_space<semaphore_mem>>) src(%dma_wait3A_53 : memref<80xi32, #tpu.memory_space<hbm>>) dst(%arg9 : memref<80xi32, #tpu.memory_space<vmem>>)
      %dma_wait3A_54 = tpu.memref_slice %arg8[%multiple_of3A_52] : memref<10000xi32, #tpu.memory_space<vmem>> -> memref<80xi32, #tpu.memory_space<vmem>>
      %dma_wait3A_55 = arith.constant 0 : i32
      %dma_wait3A_56 = arith.constant 0 : i32
      %dma_wait3A_57 = tpu.memref_slice %arg3[%dma_wait3A_55, %dma_wait3A_56] : memref<10000x128xf32, #tpu.memory_space<hbm>> -> memref<10000x128xf32, #tpu.memory_space<hbm>>
      tpu.wait_indirect_dma semaphore(%arg17 : memref<!tpu.dma_semaphore, #tpu.memory_space<semaphore_mem>>) src(%dma_wait3A_57 : memref<10000x128xf32, #tpu.memory_space<hbm>>) dst(%arg12 : memref<80x128xf32, #tpu.memory_space<vmem>>)
      %dma_start3A_58 = arith.constant 0 : i32
      %dma_start3A_59 = arith.constant 0 : i32
      %dma_start3A_60 = tpu.memref_slice %arg16[%dma_start3A_58, %dma_start3A_59] : memref<10000x128xf32, #tpu.memory_space<vmem_shared>> -> memref<10000x128xf32, #tpu.memory_space<vmem_shared>>
      tpu.enqueue_indirect_dma source(%arg12 : memref<80x128xf32, #tpu.memory_space<vmem>>) target(%dma_start3A_60 : memref<10000x128xf32, #tpu.memory_space<vmem_shared>>) offsets(%arg9 : memref<80xi32, #tpu.memory_space<vmem>>) semaphore(%arg20 : memref<!tpu.dma_semaphore, #tpu.memory_space<semaphore_mem>>) {add = true}
      %add3A_61 = arith.constant 160 : i32
      %add3A_62 = arith.addi %multiple_of3A_19, %add3A_61 : i32
      %multiple_of3A_63 = tpu.assume_multiple %add3A_62, 8 : i32
      %multiple_of3A_64 = arith.constant 160 : i32
      %multiple_of3A_65 = tpu.assume_multiple %multiple_of3A_64, 8 : i32
      %dma_start3A_66 = tpu.memref_slice %arg5[%multiple_of3A_63] : memref<160000xi32, #tpu.memory_space<hbm>> -> memref<80xi32, #tpu.memory_space<hbm>>
      %dma_start3A_67 = tpu.memref_slice %arg5[%multiple_of3A_63] : memref<160000xi32, #tpu.memory_space<hbm>> -> memref<80xi32, #tpu.memory_space<hbm>>
      tpu.enqueue_dma source(%dma_start3A_67 : memref<80xi32, #tpu.memory_space<hbm>>) target(%arg11 : memref<80xi32, #tpu.memory_space<vmem>>) target_semaphore(%arg19 : memref<!tpu.dma_semaphore, #tpu.memory_space<semaphore_mem>>)
      %dma_start3A_68 = tpu.memref_slice %arg8[%multiple_of3A_65] : memref<10000xi32, #tpu.memory_space<vmem>> -> memref<80xi32, #tpu.memory_space<vmem>>
      %dma_start3A_69 = arith.constant 0 : i32
      %dma_start3A_70 = arith.constant 0 : i32
      %dma_start3A_71 = tpu.memref_slice %arg3[%dma_start3A_69, %dma_start3A_70] : memref<10000x128xf32, #tpu.memory_space<hbm>> -> memref<10000x128xf32, #tpu.memory_space<hbm>>
      tpu.enqueue_indirect_dma source(%dma_start3A_71 : memref<10000x128xf32, #tpu.memory_space<hbm>>) target(%arg14 : memref<80x128xf32, #tpu.memory_space<vmem>>) offsets(%dma_start3A_68 : memref<80xi32, #tpu.memory_space<vmem>>) semaphore(%arg19 : memref<!tpu.dma_semaphore, #tpu.memory_space<semaphore_mem>>)
      %add3A_72 = arith.constant 80 : i32
      %add3A_73 = arith.addi %multiple_of3A_19, %add3A_72 : i32
      %multiple_of3A_74 = tpu.assume_multiple %add3A_73, 8 : i32
      %multiple_of3A_75 = arith.constant 80 : i32
      %multiple_of3A_76 = tpu.assume_multiple %multiple_of3A_75, 8 : i32
      %dma_wait3A_77 = tpu.memref_slice %arg5[%multiple_of3A_74] : memref<160000xi32, #tpu.memory_space<hbm>> -> memref<80xi32, #tpu.memory_space<hbm>>
      %dma_wait3A_78 = tpu.memref_slice %arg5[%multiple_of3A_74] : memref<160000xi32, #tpu.memory_space<hbm>> -> memref<80xi32, #tpu.memory_space<hbm>>
      tpu.wait_dma2 semaphore(%arg18 : memref<!tpu.dma_semaphore, #tpu.memory_space<semaphore_mem>>) src(%dma_wait3A_78 : memref<80xi32, #tpu.memory_space<hbm>>) dst(%arg10 : memref<80xi32, #tpu.memory_space<vmem>>)
      %dma_wait3A_79 = tpu.memref_slice %arg8[%multiple_of3A_76] : memref<10000xi32, #tpu.memory_space<vmem>> -> memref<80xi32, #tpu.memory_space<vmem>>
      %dma_wait3A_80 = arith.constant 0 : i32
      %dma_wait3A_81 = arith.constant 0 : i32
      %dma_wait3A_82 = tpu.memref_slice %arg3[%dma_wait3A_80, %dma_wait3A_81] : memref<10000x128xf32, #tpu.memory_space<hbm>> -> memref<10000x128xf32, #tpu.memory_space<hbm>>
      tpu.wait_indirect_dma semaphore(%arg18 : memref<!tpu.dma_semaphore, #tpu.memory_space<semaphore_mem>>) src(%dma_wait3A_82 : memref<10000x128xf32, #tpu.memory_space<hbm>>) dst(%arg13 : memref<80x128xf32, #tpu.memory_space<vmem>>)
      %dma_wait3A_83 = arith.constant 0 : i32
      %dma_wait3A_84 = arith.constant 0 : i32
      %dma_wait3A_85 = tpu.memref_slice %arg16[%dma_wait3A_83, %dma_wait3A_84] : memref<10000x128xf32, #tpu.memory_space<vmem_shared>> -> memref<10000x128xf32, #tpu.memory_space<vmem_shared>>
      tpu.wait_indirect_dma semaphore(%arg20 : memref<!tpu.dma_semaphore, #tpu.memory_space<semaphore_mem>>) src(%arg12 : memref<80x128xf32, #tpu.memory_space<vmem>>) dst(%dma_wait3A_85 : memref<10000x128xf32, #tpu.memory_space<vmem_shared>>)
      %dma_start3A_86 = arith.constant 0 : i32
      %dma_start3A_87 = arith.constant 0 : i32
      %dma_start3A_88 = tpu.memref_slice %arg16[%dma_start3A_86, %dma_start3A_87] : memref<10000x128xf32, #tpu.memory_space<vmem_shared>> -> memref<10000x128xf32, #tpu.memory_space<vmem_shared>>
      tpu.enqueue_indirect_dma source(%arg13 : memref<80x128xf32, #tpu.memory_space<vmem>>) target(%dma_start3A_88 : memref<10000x128xf32, #tpu.memory_space<vmem_shared>>) offsets(%arg10 : memref<80xi32, #tpu.memory_space<vmem>>) semaphore(%arg21 : memref<!tpu.dma_semaphore, #tpu.memory_space<semaphore_mem>>) {add = true}
      %add3A_89 = arith.constant 240 : i32
      %add3A_90 = arith.addi %multiple_of3A_19, %add3A_89 : i32
      %multiple_of3A_91 = tpu.assume_multiple %add3A_90, 8 : i32
      %multiple_of3A_92 = arith.constant 240 : i32
      %multiple_of3A_93 = tpu.assume_multiple %multiple_of3A_92, 8 : i32
      %dma_start3A_94 = tpu.memref_slice %arg5[%multiple_of3A_91] : memref<160000xi32, #tpu.memory_space<hbm>> -> memref<80xi32, #tpu.memory_space<hbm>>
      %dma_start3A_95 = tpu.memref_slice %arg5[%multiple_of3A_91] : memref<160000xi32, #tpu.memory_space<hbm>> -> memref<80xi32, #tpu.memory_space<hbm>>
      tpu.enqueue_dma source(%dma_start3A_95 : memref<80xi32, #tpu.memory_space<hbm>>) target(%arg9 : memref<80xi32, #tpu.memory_space<vmem>>) target_semaphore(%arg17 : memref<!tpu.dma_semaphore, #tpu.memory_space<semaphore_mem>>)
      %dma_start3A_96 = tpu.memref_slice %arg8[%multiple_of3A_93] : memref<10000xi32, #tpu.memory_space<vmem>> -> memref<80xi32, #tpu.memory_space<vmem>>
      %dma_start3A_97 = arith.constant 0 : i32
      %dma_start3A_98 = arith.constant 0 : i32
      %dma_start3A_99 = tpu.memref_slice %arg3[%dma_start3A_97, %dma_start3A_98] : memref<10000x128xf32, #tpu.memory_space<hbm>> -> memref<10000x128xf32, #tpu.memory_space<hbm>>
      tpu.enqueue_indirect_dma source(%dma_start3A_99 : memref<10000x128xf32, #tpu.memory_space<hbm>>) target(%arg12 : memref<80x128xf32, #tpu.memory_space<vmem>>) offsets(%dma_start3A_96 : memref<80xi32, #tpu.memory_space<vmem>>) semaphore(%arg17 : memref<!tpu.dma_semaphore, #tpu.memory_space<semaphore_mem>>)
      %scan3A_100 = arith.constant 0 : i32
      %scan3A_101 = arith.constant 0 : i32
      %scan3A_102 = arith.constant 41 : i32
      %scan3A_103 = arith.addi %scan3A_101, %scan3A_102 : i32
      %scan3A_104 = arith.constant 1 : i32
      scf.for %scan3A_115 = %scan3A_101 to %scan3A_103 step %scan3A_104  : i32 {
        %mul3A_116 = arith.constant 3 : i32
        %mul3A_117 = arith.muli %mul3A_116, %scan3A_115 : i32
        %add3A_118 = arith.constant 2 : i32
        %add3A_119 = arith.addi %mul3A_117, %add3A_118 : i32
        %mul3A_120 = arith.constant 80 : i32
        %mul3A_121 = arith.muli %add3A_119, %mul3A_120 : i32
        %add3A_122 = arith.addi %multiple_of3A_19, %mul3A_121 : i32
        %multiple_of3A_123 = tpu.assume_multiple %add3A_122, 8 : i32
        %mul3A_124 = arith.constant 80 : i32
        %mul3A_125 = arith.muli %add3A_119, %mul3A_124 : i32
        %multiple_of3A_126 = tpu.assume_multiple %mul3A_125, 8 : i32
        %dma_wait3A_127 = tpu.memref_slice %arg5[%multiple_of3A_123] : memref<160000xi32, #tpu.memory_space<hbm>> -> memref<80xi32, #tpu.memory_space<hbm>>
        %dma_wait3A_128 = tpu.memref_slice %arg5[%multiple_of3A_123] : memref<160000xi32, #tpu.memory_space<hbm>> -> memref<80xi32, #tpu.memory_space<hbm>>
        tpu.wait_dma2 semaphore(%arg19 : memref<!tpu.dma_semaphore, #tpu.memory_space<semaphore_mem>>) src(%dma_wait3A_128 : memref<80xi32, #tpu.memory_space<hbm>>) dst(%arg11 : memref<80xi32, #tpu.memory_space<vmem>>)
        %dma_wait3A_129 = tpu.memref_slice %arg8[%multiple_of3A_126] : memref<10000xi32, #tpu.memory_space<vmem>> -> memref<80xi32, #tpu.memory_space<vmem>>
        %dma_wait3A_130 = arith.constant 0 : i32
        %dma_wait3A_131 = arith.constant 0 : i32
        %dma_wait3A_132 = tpu.memref_slice %arg3[%dma_wait3A_130, %dma_wait3A_131] : memref<10000x128xf32, #tpu.memory_space<hbm>> -> memref<10000x128xf32, #tpu.memory_space<hbm>>
        tpu.wait_indirect_dma semaphore(%arg19 : memref<!tpu.dma_semaphore, #tpu.memory_space<semaphore_mem>>) src(%dma_wait3A_132 : memref<10000x128xf32, #tpu.memory_space<hbm>>) dst(%arg14 : memref<80x128xf32, #tpu.memory_space<vmem>>)
        %dma_wait3A_133 = arith.constant 0 : i32
        %dma_wait3A_134 = arith.constant 0 : i32
        %dma_wait3A_135 = tpu.memref_slice %arg16[%dma_wait3A_133, %dma_wait3A_134] : memref<10000x128xf32, #tpu.memory_space<vmem_shared>> -> memref<10000x128xf32, #tpu.memory_space<vmem_shared>>
        tpu.wait_indirect_dma semaphore(%arg21 : memref<!tpu.dma_semaphore, #tpu.memory_space<semaphore_mem>>) src(%arg13 : memref<80x128xf32, #tpu.memory_space<vmem>>) dst(%dma_wait3A_135 : memref<10000x128xf32, #tpu.memory_space<vmem_shared>>)
        %dma_start3A_136 = arith.constant 0 : i32
        %dma_start3A_137 = arith.constant 0 : i32
        %dma_start3A_138 = tpu.memref_slice %arg16[%dma_start3A_136, %dma_start3A_137] : memref<10000x128xf32, #tpu.memory_space<vmem_shared>> -> memref<10000x128xf32, #tpu.memory_space<vmem_shared>>
        tpu.enqueue_indirect_dma source(%arg14 : memref<80x128xf32, #tpu.memory_space<vmem>>) target(%dma_start3A_138 : memref<10000x128xf32, #tpu.memory_space<vmem_shared>>) offsets(%arg11 : memref<80xi32, #tpu.memory_space<vmem>>) semaphore(%arg22 : memref<!tpu.dma_semaphore, #tpu.memory_space<semaphore_mem>>) {add = true}
        %add3A_139 = arith.constant 2 : i32
        %add3A_140 = arith.addi %add3A_119, %add3A_139 : i32
        %lt3A = arith.constant 125 : i32
        %lt3A_141 = arith.cmpi slt, %add3A_140, %lt3A : i32
        %convert_element_type3A_142 = arith.extui %lt3A_141 : i1 to i32
        %cond3A_143 = arith.constant 0 : i32
        %cond3A_144 = arith.cmpi ne, %convert_element_type3A_142, %cond3A_143 : i32
        scf.if %cond3A_144 {
          %add3A_201 = arith.constant 2 : i32
          %add3A_202 = arith.addi %add3A_119, %add3A_201 : i32
          %mul3A_203 = arith.constant 80 : i32
          %mul3A_204 = arith.muli %add3A_202, %mul3A_203 : i32
          %add3A_205 = arith.addi %multiple_of3A_19, %mul3A_204 : i32
          %multiple_of3A_206 = tpu.assume_multiple %add3A_205, 8 : i32
          %mul3A_207 = arith.constant 80 : i32
          %mul3A_208 = arith.muli %add3A_202, %mul3A_207 : i32
          %multiple_of3A_209 = tpu.assume_multiple %mul3A_208, 8 : i32
          %dma_start3A_210 = tpu.memref_slice %arg5[%multiple_of3A_206] : memref<160000xi32, #tpu.memory_space<hbm>> -> memref<80xi32, #tpu.memory_space<hbm>>
          %dma_start3A_211 = tpu.memref_slice %arg5[%multiple_of3A_206] : memref<160000xi32, #tpu.memory_space<hbm>> -> memref<80xi32, #tpu.memory_space<hbm>>
          tpu.enqueue_dma source(%dma_start3A_211 : memref<80xi32, #tpu.memory_space<hbm>>) target(%arg10 : memref<80xi32, #tpu.memory_space<vmem>>) target_semaphore(%arg18 : memref<!tpu.dma_semaphore, #tpu.memory_space<semaphore_mem>>)
          %dma_start3A_212 = tpu.memref_slice %arg8[%multiple_of3A_209] : memref<10000xi32, #tpu.memory_space<vmem>> -> memref<80xi32, #tpu.memory_space<vmem>>
          %dma_start3A_213 = arith.constant 0 : i32
          %dma_start3A_214 = arith.constant 0 : i32
          %dma_start3A_215 = tpu.memref_slice %arg3[%dma_start3A_213, %dma_start3A_214] : memref<10000x128xf32, #tpu.memory_space<hbm>> -> memref<10000x128xf32, #tpu.memory_space<hbm>>
          tpu.enqueue_indirect_dma source(%dma_start3A_215 : memref<10000x128xf32, #tpu.memory_space<hbm>>) target(%arg13 : memref<80x128xf32, #tpu.memory_space<vmem>>) offsets(%dma_start3A_212 : memref<80xi32, #tpu.memory_space<vmem>>) semaphore(%arg18 : memref<!tpu.dma_semaphore, #tpu.memory_space<semaphore_mem>>)
        } else {
        }
        %add3A_145 = arith.constant 1 : i32
        %add3A_146 = arith.addi %add3A_119, %add3A_145 : i32
        %mul3A_147 = arith.constant 80 : i32
        %mul3A_148 = arith.muli %add3A_146, %mul3A_147 : i32
        %add3A_149 = arith.addi %multiple_of3A_19, %mul3A_148 : i32
        %multiple_of3A_150 = tpu.assume_multiple %add3A_149, 8 : i32
        %mul3A_151 = arith.constant 80 : i32
        %mul3A_152 = arith.muli %add3A_146, %mul3A_151 : i32
        %multiple_of3A_153 = tpu.assume_multiple %mul3A_152, 8 : i32
        %dma_wait3A_154 = tpu.memref_slice %arg5[%multiple_of3A_150] : memref<160000xi32, #tpu.memory_space<hbm>> -> memref<80xi32, #tpu.memory_space<hbm>>
        %dma_wait3A_155 = tpu.memref_slice %arg5[%multiple_of3A_150] : memref<160000xi32, #tpu.memory_space<hbm>> -> memref<80xi32, #tpu.memory_space<hbm>>
        tpu.wait_dma2 semaphore(%arg17 : memref<!tpu.dma_semaphore, #tpu.memory_space<semaphore_mem>>) src(%dma_wait3A_155 : memref<80xi32, #tpu.memory_space<hbm>>) dst(%arg9 : memref<80xi32, #tpu.memory_space<vmem>>)
        %dma_wait3A_156 = tpu.memref_slice %arg8[%multiple_of3A_153] : memref<10000xi32, #tpu.memory_space<vmem>> -> memref<80xi32, #tpu.memory_space<vmem>>
        %dma_wait3A_157 = arith.constant 0 : i32
        %dma_wait3A_158 = arith.constant 0 : i32
        %dma_wait3A_159 = tpu.memref_slice %arg3[%dma_wait3A_157, %dma_wait3A_158] : memref<10000x128xf32, #tpu.memory_space<hbm>> -> memref<10000x128xf32, #tpu.memory_space<hbm>>
        tpu.wait_indirect_dma semaphore(%arg17 : memref<!tpu.dma_semaphore, #tpu.memory_space<semaphore_mem>>) src(%dma_wait3A_159 : memref<10000x128xf32, #tpu.memory_space<hbm>>) dst(%arg12 : memref<80x128xf32, #tpu.memory_space<vmem>>)
        %dma_wait3A_160 = arith.constant 0 : i32
        %dma_wait3A_161 = arith.constant 0 : i32
        %dma_wait3A_162 = tpu.memref_slice %arg16[%dma_wait3A_160, %dma_wait3A_161] : memref<10000x128xf32, #tpu.memory_space<vmem_shared>> -> memref<10000x128xf32, #tpu.memory_space<vmem_shared>>
        tpu.wait_indirect_dma semaphore(%arg22 : memref<!tpu.dma_semaphore, #tpu.memory_space<semaphore_mem>>) src(%arg14 : memref<80x128xf32, #tpu.memory_space<vmem>>) dst(%dma_wait3A_162 : memref<10000x128xf32, #tpu.memory_space<vmem_shared>>)
        %dma_start3A_163 = arith.constant 0 : i32
        %dma_start3A_164 = arith.constant 0 : i32
        %dma_start3A_165 = tpu.memref_slice %arg16[%dma_start3A_163, %dma_start3A_164] : memref<10000x128xf32, #tpu.memory_space<vmem_shared>> -> memref<10000x128xf32, #tpu.memory_space<vmem_shared>>
        tpu.enqueue_indirect_dma source(%arg12 : memref<80x128xf32, #tpu.memory_space<vmem>>) target(%dma_start3A_165 : memref<10000x128xf32, #tpu.memory_space<vmem_shared>>) offsets(%arg9 : memref<80xi32, #tpu.memory_space<vmem>>) semaphore(%arg20 : memref<!tpu.dma_semaphore, #tpu.memory_space<semaphore_mem>>) {add = true}
        %add3A_166 = arith.constant 2 : i32
        %add3A_167 = arith.addi %add3A_146, %add3A_166 : i32
        %lt3A_168 = arith.constant 125 : i32
        %lt3A_169 = arith.cmpi slt, %add3A_167, %lt3A_168 : i32
        %convert_element_type3A_170 = arith.extui %lt3A_169 : i1 to i32
        %cond3A_171 = arith.constant 0 : i32
        %cond3A_172 = arith.cmpi ne, %convert_element_type3A_170, %cond3A_171 : i32
        scf.if %cond3A_172 {
          %add3A_201 = arith.constant 2 : i32
          %add3A_202 = arith.addi %add3A_146, %add3A_201 : i32
          %mul3A_203 = arith.constant 80 : i32
          %mul3A_204 = arith.muli %add3A_202, %mul3A_203 : i32
          %add3A_205 = arith.addi %multiple_of3A_19, %mul3A_204 : i32
          %multiple_of3A_206 = tpu.assume_multiple %add3A_205, 8 : i32
          %mul3A_207 = arith.constant 80 : i32
          %mul3A_208 = arith.muli %add3A_202, %mul3A_207 : i32
          %multiple_of3A_209 = tpu.assume_multiple %mul3A_208, 8 : i32
          %dma_start3A_210 = tpu.memref_slice %arg5[%multiple_of3A_206] : memref<160000xi32, #tpu.memory_space<hbm>> -> memref<80xi32, #tpu.memory_space<hbm>>
          %dma_start3A_211 = tpu.memref_slice %arg5[%multiple_of3A_206] : memref<160000xi32, #tpu.memory_space<hbm>> -> memref<80xi32, #tpu.memory_space<hbm>>
          tpu.enqueue_dma source(%dma_start3A_211 : memref<80xi32, #tpu.memory_space<hbm>>) target(%arg11 : memref<80xi32, #tpu.memory_space<vmem>>) target_semaphore(%arg19 : memref<!tpu.dma_semaphore, #tpu.memory_space<semaphore_mem>>)
          %dma_start3A_212 = tpu.memref_slice %arg8[%multiple_of3A_209] : memref<10000xi32, #tpu.memory_space<vmem>> -> memref<80xi32, #tpu.memory_space<vmem>>
          %dma_start3A_213 = arith.constant 0 : i32
          %dma_start3A_214 = arith.constant 0 : i32
          %dma_start3A_215 = tpu.memref_slice %arg3[%dma_start3A_213, %dma_start3A_214] : memref<10000x128xf32, #tpu.memory_space<hbm>> -> memref<10000x128xf32, #tpu.memory_space<hbm>>
          tpu.enqueue_indirect_dma source(%dma_start3A_215 : memref<10000x128xf32, #tpu.memory_space<hbm>>) target(%arg14 : memref<80x128xf32, #tpu.memory_space<vmem>>) offsets(%dma_start3A_212 : memref<80xi32, #tpu.memory_space<vmem>>) semaphore(%arg19 : memref<!tpu.dma_semaphore, #tpu.memory_space<semaphore_mem>>)
        } else {
        }
        %add3A_173 = arith.constant 2 : i32
        %add3A_174 = arith.addi %add3A_119, %add3A_173 : i32
        %mul3A_175 = arith.constant 80 : i32
        %mul3A_176 = arith.muli %add3A_174, %mul3A_175 : i32
        %add3A_177 = arith.addi %multiple_of3A_19, %mul3A_176 : i32
        %multiple_of3A_178 = tpu.assume_multiple %add3A_177, 8 : i32
        %mul3A_179 = arith.constant 80 : i32
        %mul3A_180 = arith.muli %add3A_174, %mul3A_179 : i32
        %multiple_of3A_181 = tpu.assume_multiple %mul3A_180, 8 : i32
        %dma_wait3A_182 = tpu.memref_slice %arg5[%multiple_of3A_178] : memref<160000xi32, #tpu.memory_space<hbm>> -> memref<80xi32, #tpu.memory_space<hbm>>
        %dma_wait3A_183 = tpu.memref_slice %arg5[%multiple_of3A_178] : memref<160000xi32, #tpu.memory_space<hbm>> -> memref<80xi32, #tpu.memory_space<hbm>>
        tpu.wait_dma2 semaphore(%arg18 : memref<!tpu.dma_semaphore, #tpu.memory_space<semaphore_mem>>) src(%dma_wait3A_183 : memref<80xi32, #tpu.memory_space<hbm>>) dst(%arg10 : memref<80xi32, #tpu.memory_space<vmem>>)
        %dma_wait3A_184 = tpu.memref_slice %arg8[%multiple_of3A_181] : memref<10000xi32, #tpu.memory_space<vmem>> -> memref<80xi32, #tpu.memory_space<vmem>>
        %dma_wait3A_185 = arith.constant 0 : i32
        %dma_wait3A_186 = arith.constant 0 : i32
        %dma_wait3A_187 = tpu.memref_slice %arg3[%dma_wait3A_185, %dma_wait3A_186] : memref<10000x128xf32, #tpu.memory_space<hbm>> -> memref<10000x128xf32, #tpu.memory_space<hbm>>
        tpu.wait_indirect_dma semaphore(%arg18 : memref<!tpu.dma_semaphore, #tpu.memory_space<semaphore_mem>>) src(%dma_wait3A_187 : memref<10000x128xf32, #tpu.memory_space<hbm>>) dst(%arg13 : memref<80x128xf32, #tpu.memory_space<vmem>>)
        %dma_wait3A_188 = arith.constant 0 : i32
        %dma_wait3A_189 = arith.constant 0 : i32
        %dma_wait3A_190 = tpu.memref_slice %arg16[%dma_wait3A_188, %dma_wait3A_189] : memref<10000x128xf32, #tpu.memory_space<vmem_shared>> -> memref<10000x128xf32, #tpu.memory_space<vmem_shared>>
        tpu.wait_indirect_dma semaphore(%arg20 : memref<!tpu.dma_semaphore, #tpu.memory_space<semaphore_mem>>) src(%arg12 : memref<80x128xf32, #tpu.memory_space<vmem>>) dst(%dma_wait3A_190 : memref<10000x128xf32, #tpu.memory_space<vmem_shared>>)
        %dma_start3A_191 = arith.constant 0 : i32
        %dma_start3A_192 = arith.constant 0 : i32
        %dma_start3A_193 = tpu.memref_slice %arg16[%dma_start3A_191, %dma_start3A_192] : memref<10000x128xf32, #tpu.memory_space<vmem_shared>> -> memref<10000x128xf32, #tpu.memory_space<vmem_shared>>
        tpu.enqueue_indirect_dma source(%arg13 : memref<80x128xf32, #tpu.memory_space<vmem>>) target(%dma_start3A_193 : memref<10000x128xf32, #tpu.memory_space<vmem_shared>>) offsets(%arg10 : memref<80xi32, #tpu.memory_space<vmem>>) semaphore(%arg21 : memref<!tpu.dma_semaphore, #tpu.memory_space<semaphore_mem>>) {add = true}
        %add3A_194 = arith.constant 2 : i32
        %add3A_195 = arith.addi %add3A_174, %add3A_194 : i32
        %lt3A_196 = arith.constant 125 : i32
        %lt3A_197 = arith.cmpi slt, %add3A_195, %lt3A_196 : i32
        %convert_element_type3A_198 = arith.extui %lt3A_197 : i1 to i32
        %cond3A_199 = arith.constant 0 : i32
        %cond3A_200 = arith.cmpi ne, %convert_element_type3A_198, %cond3A_199 : i32
        scf.if %cond3A_200 {
          %add3A_201 = arith.constant 2 : i32
          %add3A_202 = arith.addi %add3A_174, %add3A_201 : i32
          %mul3A_203 = arith.constant 80 : i32
          %mul3A_204 = arith.muli %add3A_202, %mul3A_203 : i32
          %add3A_205 = arith.addi %multiple_of3A_19, %mul3A_204 : i32
          %multiple_of3A_206 = tpu.assume_multiple %add3A_205, 8 : i32
          %mul3A_207 = arith.constant 80 : i32
          %mul3A_208 = arith.muli %add3A_202, %mul3A_207 : i32
          %multiple_of3A_209 = tpu.assume_multiple %mul3A_208, 8 : i32
          %dma_start3A_210 = tpu.memref_slice %arg5[%multiple_of3A_206] : memref<160000xi32, #tpu.memory_space<hbm>> -> memref<80xi32, #tpu.memory_space<hbm>>
          %dma_start3A_211 = tpu.memref_slice %arg5[%multiple_of3A_206] : memref<160000xi32, #tpu.memory_space<hbm>> -> memref<80xi32, #tpu.memory_space<hbm>>
          tpu.enqueue_dma source(%dma_start3A_211 : memref<80xi32, #tpu.memory_space<hbm>>) target(%arg9 : memref<80xi32, #tpu.memory_space<vmem>>) target_semaphore(%arg17 : memref<!tpu.dma_semaphore, #tpu.memory_space<semaphore_mem>>)
          %dma_start3A_212 = tpu.memref_slice %arg8[%multiple_of3A_209] : memref<10000xi32, #tpu.memory_space<vmem>> -> memref<80xi32, #tpu.memory_space<vmem>>
          %dma_start3A_213 = arith.constant 0 : i32
          %dma_start3A_214 = arith.constant 0 : i32
          %dma_start3A_215 = tpu.memref_slice %arg3[%dma_start3A_213, %dma_start3A_214] : memref<10000x128xf32, #tpu.memory_space<hbm>> -> memref<10000x128xf32, #tpu.memory_space<hbm>>
          tpu.enqueue_indirect_dma source(%dma_start3A_215 : memref<10000x128xf32, #tpu.memory_space<hbm>>) target(%arg12 : memref<80x128xf32, #tpu.memory_space<vmem>>) offsets(%dma_start3A_212 : memref<80xi32, #tpu.memory_space<vmem>>) semaphore(%arg17 : memref<!tpu.dma_semaphore, #tpu.memory_space<semaphore_mem>>)
        } else {
        }
      }
      %scan3A_105 = arith.constant 41 : i32
      %dma_wait3A_106 = arith.constant 0 : i32
      %dma_wait3A_107 = arith.constant 0 : i32
      %dma_wait3A_108 = tpu.memref_slice %arg16[%dma_wait3A_106, %dma_wait3A_107] : memref<10000x128xf32, #tpu.memory_space<vmem_shared>> -> memref<10000x128xf32, #tpu.memory_space<vmem_shared>>
      tpu.wait_indirect_dma semaphore(%arg21 : memref<!tpu.dma_semaphore, #tpu.memory_space<semaphore_mem>>) src(%arg13 : memref<80x128xf32, #tpu.memory_space<vmem>>) dst(%dma_wait3A_108 : memref<10000x128xf32, #tpu.memory_space<vmem_shared>>)
      %barrier3A_109 = arith.constant 0 : index
      tpu.barrier barrier_id(%barrier3A_109)
      "tpu.region"() ({
        %run_scoped3A = tpu.sem_alloc : memref<!tpu.dma_semaphore, #tpu.memory_space<semaphore_mem>>
        %dma_start3A_115 = arith.constant 0 : i32
        %dma_start3A_116 = tpu.memref_slice %arg7[%multiple_of3A, %dma_start3A_115] : memref<10000x128xf32, #tpu.memory_space<hbm>> -> memref<624x128xf32, #tpu.memory_space<hbm>>
        %dma_start3A_117 = arith.constant 0 : i32
        %dma_start3A_118 = tpu.memref_slice %arg16[%multiple_of3A, %dma_start3A_117] : memref<10000x128xf32, #tpu.memory_space<vmem_shared>> -> memref<624x128xf32, #tpu.memory_space<vmem_shared>>
        tpu.enqueue_dma source(%dma_start3A_118 : memref<624x128xf32, #tpu.memory_space<vmem_shared>>) target(%dma_start3A_116 : memref<624x128xf32, #tpu.memory_space<hbm>>) target_semaphore(%run_scoped3A : memref<!tpu.dma_semaphore, #tpu.memory_space<semaphore_mem>>)
        %dma_wait3A_119 = arith.constant 0 : i32
        %dma_wait3A_120 = tpu.memref_slice %arg7[%multiple_of3A, %dma_wait3A_119] : memref<10000x128xf32, #tpu.memory_space<hbm>> -> memref<624x128xf32, #tpu.memory_space<hbm>>
        %dma_wait3A_121 = arith.constant 0 : i32
        %dma_wait3A_122 = tpu.memref_slice %arg16[%multiple_of3A, %dma_wait3A_121] : memref<10000x128xf32, #tpu.memory_space<vmem_shared>> -> memref<624x128xf32, #tpu.memory_space<vmem_shared>>
        tpu.wait_dma2 semaphore(%run_scoped3A : memref<!tpu.dma_semaphore, #tpu.memory_space<semaphore_mem>>) src(%dma_wait3A_122 : memref<624x128xf32, #tpu.memory_space<vmem_shared>>) dst(%dma_wait3A_120 : memref<624x128xf32, #tpu.memory_space<hbm>>)
        tpu.yield
      }) : () -> ()
      %eq3A_110 = arith.constant 15 : i32
      %eq3A_111 = arith.cmpi eq, %arg1, %eq3A_110 : i32
      %convert_element_type3A_112 = arith.extui %eq3A_111 : i1 to i32
      %cond3A_113 = arith.constant 0 : i32
      %cond3A_114 = arith.cmpi ne, %convert_element_type3A_112, %cond3A_113 : i32
      scf.if %cond3A_114 {
        "tpu.region"() ({
          %run_scoped3A = tpu.sem_alloc : memref<!tpu.dma_semaphore, #tpu.memory_space<semaphore_mem>>
          %dma_start3A_115 = arith.constant 9984 : i32
          %dma_start3A_116 = arith.constant 0 : i32
          %dma_start3A_117 = tpu.memref_slice %arg7[%dma_start3A_115, %dma_start3A_116] : memref<10000x128xf32, #tpu.memory_space<hbm>> -> memref<16x128xf32, #tpu.memory_space<hbm>>
          %dma_start3A_118 = arith.constant 9984 : i32
          %dma_start3A_119 = arith.constant 0 : i32
          %dma_start3A_120 = tpu.memref_slice %arg16[%dma_start3A_118, %dma_start3A_119] : memref<10000x128xf32, #tpu.memory_space<vmem_shared>> -> memref<16x128xf32, #tpu.memory_space<vmem_shared>>
          tpu.enqueue_dma source(%dma_start3A_120 : memref<16x128xf32, #tpu.memory_space<vmem_shared>>) target(%dma_start3A_117 : memref<16x128xf32, #tpu.memory_space<hbm>>) target_semaphore(%run_scoped3A : memref<!tpu.dma_semaphore, #tpu.memory_space<semaphore_mem>>)
          %dma_wait3A_121 = arith.constant 9984 : i32
          %dma_wait3A_122 = arith.constant 0 : i32
          %dma_wait3A_123 = tpu.memref_slice %arg7[%dma_wait3A_121, %dma_wait3A_122] : memref<10000x128xf32, #tpu.memory_space<hbm>> -> memref<16x128xf32, #tpu.memory_space<hbm>>
          %dma_wait3A_124 = arith.constant 9984 : i32
          %dma_wait3A_125 = arith.constant 0 : i32
          %dma_wait3A_126 = tpu.memref_slice %arg16[%dma_wait3A_124, %dma_wait3A_125] : memref<10000x128xf32, #tpu.memory_space<vmem_shared>> -> memref<16x128xf32, #tpu.memory_space<vmem_shared>>
          tpu.wait_dma2 semaphore(%run_scoped3A : memref<!tpu.dma_semaphore, #tpu.memory_space<semaphore_mem>>) src(%dma_wait3A_126 : memref<16x128xf32, #tpu.memory_space<vmem_shared>>) dst(%dma_wait3A_123 : memref<16x128xf32, #tpu.memory_space<hbm>>)
          tpu.yield
        }) : () -> ()
      } else {
      }
    } else {
    }
    return
  }
}

module attributes {stable_mosaic.version = 14 : i64} {
  func.func @_tc_scale_body(%arg0: i32, %arg1: memref<1000x256xf32, #tpu.memory_space<vmem>>, %arg2: memref<256x256xf32, #tpu.memory_space<vmem>>, %arg3: memref<2x1000x128xf32, #tpu.memory_space<vmem>>, %arg4: memref<1000x128xf32, #tpu.memory_space<vmem>>, %arg5: memref<1000x128xf32, #tpu.memory_space<vmem>>, %arg6: memref<1000x128xf32, #tpu.memory_space<vmem>>) attributes {dimension_semantics = [#tpu.dimension_semantics<arbitrary>], iteration_bounds = array<i64: 10>, scalar_prefetch = 0 : i64, scratch_operands = 0 : i64, tpu.core_type = #tpu.core_type<tc>, window_params = [{transform_indices = @transform_0, window_bounds = array<i64: 1000, 256>}, {pipeline_mode = #tpu.pipeline_mode<synchronous>, transform_indices = @transform_1, window_bounds = array<i64: 256, 256>}, {transform_indices = @transform_2, window_bounds = array<i64: 2, 1000, 128>}, {transform_indices = @transform_3, window_bounds = array<i64: 1000, 128>}, {transform_indices = @transform_4, window_bounds = array<i64: 1000, 128>}, {transform_indices = @transform_5, window_bounds = array<i64: 1000, 128>}]} {
    %get3A = arith.constant 0 : index
    %get3A_0 = arith.constant 0 : index
    %get3A_1 = arith.constant 0 : index
    %get3A_2 = vector.load %arg3[%get3A, %get3A_0, %get3A_1] : memref<2x1000x128xf32, #tpu.memory_space<vmem>>, vector<2x1000x128xf32>
    %slice3A = vector.extract_strided_slice %get3A_2 {offsets = [0, 0, 0], sizes = [1, 1000, 128], strides = [1, 1, 1]} : vector<2x1000x128xf32> to vector<1x1000x128xf32>
    %squeeze3A = vector.shape_cast %slice3A : vector<1x1000x128xf32> to vector<1000x128xf32>
    %slice3A_3 = vector.extract_strided_slice %squeeze3A {offsets = [0, 0], sizes = [1000, 1], strides = [1, 1]} : vector<1000x128xf32> to vector<1000x1xf32>
    %slice3A_4 = vector.extract_strided_slice %get3A_2 {offsets = [1, 0, 0], sizes = [1, 1000, 128], strides = [1, 1, 1]} : vector<2x1000x128xf32> to vector<1x1000x128xf32>
    %squeeze3A_5 = vector.shape_cast %slice3A_4 : vector<1x1000x128xf32> to vector<1000x128xf32>
    %slice3A_6 = vector.extract_strided_slice %squeeze3A_5 {offsets = [0, 0], sizes = [1000, 1], strides = [1, 1]} : vector<1000x128xf32> to vector<1000x1xf32>
    %add3A = arith.addf %slice3A_3, %slice3A_6 : vector<1000x1xf32>
    %add3A_7 = arith.constant 1.000000e+00 : f32
    %add3A_8 = vector.broadcast %add3A_7 : f32 to vector<1000x1xf32>
    %add3A_9 = arith.addf %add3A, %add3A_8 : vector<1000x1xf32>
    %rsqrt3A = math.rsqrt %add3A_9 : vector<1000x1xf32>
    %get3A_10 = arith.constant 0 : index
    %get3A_11 = arith.constant 0 : index
    %get3A_12 = vector.load %arg1[%get3A_10, %get3A_11] : memref<1000x256xf32, #tpu.memory_space<vmem>>, vector<1000x256xf32>
    %get3A_13 = arith.constant 0 : index
    %get3A_14 = arith.constant 0 : index
    %get3A_15 = vector.load %arg2[%get3A_13, %get3A_14] : memref<256x256xf32, #tpu.memory_space<vmem>>, vector<256x256xf32>
    %dot_general3A = arith.constant dense<0.000000e+00> : vector<1000x256xf32>
    %dot_general3A_16 = tpu.matmul %get3A_12, %get3A_15, %dot_general3A {dimension_numbers = #tpu.dot_dimension_numbers<[1], [1], [0], [0], [0, 0, 1, 0], [], []>, transpose_lhs_hint = false} : vector<1000x256xf32>, vector<256x256xf32>, vector<1000x256xf32> -> vector<1000x256xf32>
    %mul3A = vector.broadcast %rsqrt3A : vector<1000x1xf32> to vector<1000x256xf32>
    %mul3A_17 = arith.mulf %dot_general3A_16, %mul3A : vector<1000x256xf32>
    %broadcast_in_dim3A = vector.shape_cast %rsqrt3A : vector<1000x1xf32> to vector<1000x1xf32>
    %broadcast_in_dim3A_18 = vector.broadcast %broadcast_in_dim3A : vector<1000x1xf32> to vector<1000x128xf32>
    %swap3A = arith.constant 0 : index
    %swap3A_19 = arith.constant 0 : index
    %swap3A_20 = vector.load %arg4[%swap3A, %swap3A_19] : memref<1000x128xf32, #tpu.memory_space<vmem>>, vector<1000x128xf32>
    tpu.vector_store %arg4[%swap3A, %swap3A_19], %broadcast_in_dim3A_18 {strides = array<i32>} : memref<1000x128xf32, #tpu.memory_space<vmem>>, vector<1000x128xf32>,
    %slice3A_21 = vector.extract_strided_slice %mul3A_17 {offsets = [0, 0], sizes = [1000, 128], strides = [1, 1]} : vector<1000x256xf32> to vector<1000x128xf32>
    %swap3A_22 = arith.constant 0 : index
    %swap3A_23 = arith.constant 0 : index
    %swap3A_24 = vector.load %arg5[%swap3A_22, %swap3A_23] : memref<1000x128xf32, #tpu.memory_space<vmem>>, vector<1000x128xf32>
    tpu.vector_store %arg5[%swap3A_22, %swap3A_23], %slice3A_21 {strides = array<i32>} : memref<1000x128xf32, #tpu.memory_space<vmem>>, vector<1000x128xf32>,
    %slice3A_25 = vector.extract_strided_slice %mul3A_17 {offsets = [0, 128], sizes = [1000, 128], strides = [1, 1]} : vector<1000x256xf32> to vector<1000x128xf32>
    %swap3A_26 = arith.constant 0 : index
    %swap3A_27 = arith.constant 0 : index
    %swap3A_28 = vector.load %arg6[%swap3A_26, %swap3A_27] : memref<1000x128xf32, #tpu.memory_space<vmem>>, vector<1000x128xf32>
    tpu.vector_store %arg6[%swap3A_26, %swap3A_27], %slice3A_25 {strides = array<i32>} : memref<1000x128xf32, #tpu.memory_space<vmem>>, vector<1000x128xf32>,
    return
  }
  func.func @transform_0(%arg0: i32) -> (i32, i32) {
    %c0_i32 = arith.constant 0 : i32
    %c0_i32_0 = arith.constant 0 : i32
    return %arg0, %c0_i32 : i32, i32
  }
  func.func @transform_1(%arg0: i32) -> (i32, i32) {
    %c0_i32 = arith.constant 0 : i32
    %c0_i32_0 = arith.constant 0 : i32
    %c0_i32_1 = arith.constant 0 : i32
    return %c0_i32, %c0_i32_0 : i32, i32
  }
  func.func @transform_2(%arg0: i32) -> (i32, i32, i32) {
    %c0_i32 = arith.constant 0 : i32
    %c0_i32_0 = arith.constant 0 : i32
    %c0_i32_1 = arith.constant 0 : i32
    return %c0_i32, %arg0, %c0_i32_0 : i32, i32, i32
  }
  func.func @transform_3(%arg0: i32) -> (i32, i32) {
    %c0_i32 = arith.constant 0 : i32
    %c0_i32_0 = arith.constant 0 : i32
    return %arg0, %c0_i32 : i32, i32
  }
  func.func @transform_4(%arg0: i32) -> (i32, i32) {
    %c0_i32 = arith.constant 0 : i32
    %c0_i32_0 = arith.constant 0 : i32
    return %arg0, %c0_i32 : i32, i32
  }
  func.func @transform_5(%arg0: i32) -> (i32, i32) {
    %c0_i32 = arith.constant 0 : i32
    %c0_i32_0 = arith.constant 0 : i32
    return %arg0, %c0_i32 : i32, i32
  }
}

module attributes {stable_mosaic.version = 14 : i64} {
  func.func @_tc_h0_body(%arg0: i32, %arg1: memref<1000x256xf32, #tpu.memory_space<vmem>>, %arg2: memref<256x256xf32, #tpu.memory_space<vmem>>, %arg3: memref<1x256xf32, #tpu.memory_space<vmem>>, %arg4: memref<1000x256xf32, #tpu.memory_space<vmem>>) attributes {dimension_semantics = [#tpu.dimension_semantics<arbitrary>], iteration_bounds = array<i64: 10>, scalar_prefetch = 0 : i64, scratch_operands = 0 : i64, tpu.core_type = #tpu.core_type<tc>, window_params = [{transform_indices = @transform_0, window_bounds = array<i64: 1000, 256>}, {pipeline_mode = #tpu.pipeline_mode<synchronous>, transform_indices = @transform_1, window_bounds = array<i64: 256, 256>}, {pipeline_mode = #tpu.pipeline_mode<synchronous>, transform_indices = @transform_2, window_bounds = array<i64: 1, 256>}, {transform_indices = @transform_3, window_bounds = array<i64: 1000, 256>}]} {
    %get3A = arith.constant 0 : index
    %get3A_0 = arith.constant 0 : index
    %get3A_1 = vector.load %arg1[%get3A, %get3A_0] : memref<1000x256xf32, #tpu.memory_space<vmem>>, vector<1000x256xf32>
    %get3A_2 = arith.constant 0 : index
    %get3A_3 = arith.constant 0 : index
    %get3A_4 = vector.load %arg2[%get3A_2, %get3A_3] : memref<256x256xf32, #tpu.memory_space<vmem>>, vector<256x256xf32>
    %dot_general3A = arith.constant dense<0.000000e+00> : vector<1000x256xf32>
    %dot_general3A_5 = tpu.matmul %get3A_1, %get3A_4, %dot_general3A {dimension_numbers = #tpu.dot_dimension_numbers<[1], [1], [0], [0], [0, 0, 1, 0], [], []>, transpose_lhs_hint = false} : vector<1000x256xf32>, vector<256x256xf32>, vector<1000x256xf32> -> vector<1000x256xf32>
    %get3A_6 = arith.constant 0 : index
    %get3A_7 = arith.constant 0 : index
    %get3A_8 = vector.load %arg3[%get3A_6, %get3A_7] : memref<1x256xf32, #tpu.memory_space<vmem>>, vector<1x256xf32>
    %add3A = vector.broadcast %get3A_8 : vector<1x256xf32> to vector<1000x256xf32>
    %add3A_9 = arith.addf %dot_general3A_5, %add3A : vector<1000x256xf32>
    %max3A = arith.constant 0.000000e+00 : f32
    %max3A_10 = vector.broadcast %max3A : f32 to vector<1000x256xf32>
    %max3A_11 = arith.maximumf %add3A_9, %max3A_10 : vector<1000x256xf32>
    %swap3A = arith.constant 0 : index
    %swap3A_12 = arith.constant 0 : index
    %swap3A_13 = vector.load %arg4[%swap3A, %swap3A_12] : memref<1000x256xf32, #tpu.memory_space<vmem>>, vector<1000x256xf32>
    tpu.vector_store %arg4[%swap3A, %swap3A_12], %max3A_11 {strides = array<i32>} : memref<1000x256xf32, #tpu.memory_space<vmem>>, vector<1000x256xf32>,
    return
  }
  func.func @transform_0(%arg0: i32) -> (i32, i32) {
    %c0_i32 = arith.constant 0 : i32
    %c0_i32_0 = arith.constant 0 : i32
    return %arg0, %c0_i32 : i32, i32
  }
  func.func @transform_1(%arg0: i32) -> (i32, i32) {
    %c0_i32 = arith.constant 0 : i32
    %c0_i32_0 = arith.constant 0 : i32
    %c0_i32_1 = arith.constant 0 : i32
    return %c0_i32, %c0_i32_0 : i32, i32
  }
  func.func @transform_2(%arg0: i32) -> (i32, i32) {
    %c0_i32 = arith.constant 0 : i32
    %c0_i32_0 = arith.constant 0 : i32
    %c0_i32_1 = arith.constant 0 : i32
    return %c0_i32, %c0_i32_0 : i32, i32
  }
  func.func @transform_3(%arg0: i32) -> (i32, i32) {
    %c0_i32 = arith.constant 0 : i32
    %c0_i32_0 = arith.constant 0 : i32
    return %arg0, %c0_i32 : i32, i32
  }
}

module attributes {stable_mosaic.version = 14 : i64} {
  func.func @_tc_mid_body(%arg0: i32, %arg1: memref<1000x128xf32, #tpu.memory_space<vmem>>, %arg2: memref<1000x128xf32, #tpu.memory_space<vmem>>, %arg3: memref<1000x128xf32, #tpu.memory_space<vmem>>, %arg4: memref<1000x128xf32, #tpu.memory_space<vmem>>, %arg5: memref<1000x128xf32, #tpu.memory_space<vmem>>, %arg6: memref<1000x256xf32, #tpu.memory_space<vmem>>, %arg7: memref<1x256xf32, #tpu.memory_space<vmem>>, %arg8: memref<1x256xf32, #tpu.memory_space<vmem>>, %arg9: memref<1x256xf32, #tpu.memory_space<vmem>>, %arg10: memref<256x256xf32, #tpu.memory_space<vmem>>, %arg11: memref<1000x256xf32, #tpu.memory_space<vmem>>, %arg12: memref<1000x128xf32, #tpu.memory_space<vmem>>, %arg13: memref<1000x128xf32, #tpu.memory_space<vmem>>) attributes {dimension_semantics = [#tpu.dimension_semantics<arbitrary>], iteration_bounds = array<i64: 10>, scalar_prefetch = 0 : i64, scratch_operands = 0 : i64, tpu.core_type = #tpu.core_type<tc>, window_params = [{transform_indices = @transform_0, window_bounds = array<i64: 1000, 128>}, {transform_indices = @transform_1, window_bounds = array<i64: 1000, 128>}, {transform_indices = @transform_2, window_bounds = array<i64: 1000, 128>}, {transform_indices = @transform_3, window_bounds = array<i64: 1000, 128>}, {transform_indices = @transform_4, window_bounds = array<i64: 1000, 128>}, {transform_indices = @transform_5, window_bounds = array<i64: 1000, 256>}, {pipeline_mode = #tpu.pipeline_mode<synchronous>, transform_indices = @transform_6, window_bounds = array<i64: 1, 256>}, {pipeline_mode = #tpu.pipeline_mode<synchronous>, transform_indices = @transform_7, window_bounds = array<i64: 1, 256>}, {pipeline_mode = #tpu.pipeline_mode<synchronous>, transform_indices = @transform_8, window_bounds = array<i64: 1, 256>}, {pipeline_mode = #tpu.pipeline_mode<synchronous>, transform_indices = @transform_9, window_bounds = array<i64: 256, 256>}, {transform_indices = @transform_10, window_bounds = array<i64: 1000, 256>}, {transform_indices = @transform_11, window_bounds = array<i64: 1000, 128>}, {transform_indices = @transform_12, window_bounds = array<i64: 1000, 128>}]} {
    %get3A = arith.constant 0 : index
    %get3A_0 = arith.constant 0 : index
    %get3A_1 = vector.load %arg5[%get3A, %get3A_0] : memref<1000x128xf32, #tpu.memory_space<vmem>>, vector<1000x128xf32>
    %slice3A = vector.extract_strided_slice %get3A_1 {offsets = [0, 0], sizes = [1000, 1], strides = [1, 1]} : vector<1000x128xf32> to vector<1000x1xf32>
    %get3A_2 = arith.constant 0 : index
    %get3A_3 = arith.constant 0 : index
    %get3A_4 = vector.load %arg1[%get3A_2, %get3A_3] : memref<1000x128xf32, #tpu.memory_space<vmem>>, vector<1000x128xf32>
    %get3A_5 = arith.constant 0 : index
    %get3A_6 = arith.constant 0 : index
    %get3A_7 = vector.load %arg2[%get3A_5, %get3A_6] : memref<1000x128xf32, #tpu.memory_space<vmem>>, vector<1000x128xf32>
    %get3A_8 = arith.constant 0 : index
    %get3A_9 = arith.constant 0 : index
    %get3A_10 = vector.load %arg3[%get3A_8, %get3A_9] : memref<1000x128xf32, #tpu.memory_space<vmem>>, vector<1000x128xf32>
    %get3A_11 = arith.constant 0 : index
    %get3A_12 = arith.constant 0 : index
    %get3A_13 = vector.load %arg4[%get3A_11, %get3A_12] : memref<1000x128xf32, #tpu.memory_space<vmem>>, vector<1000x128xf32>
    %get3A_14 = arith.constant 0 : index
    %get3A_15 = arith.constant 0 : index
    %get3A_16 = vector.load %arg6[%get3A_14, %get3A_15] : memref<1000x256xf32, #tpu.memory_space<vmem>>, vector<1000x256xf32>
    %get3A_17 = arith.constant 0 : index
    %get3A_18 = arith.constant 0 : index
    %get3A_19 = vector.load %arg7[%get3A_17, %get3A_18] : memref<1x256xf32, #tpu.memory_space<vmem>>, vector<1x256xf32>
    %get3A_20 = arith.constant 0 : index
    %get3A_21 = arith.constant 0 : index
    %get3A_22 = vector.load %arg8[%get3A_20, %get3A_21] : memref<1x256xf32, #tpu.memory_space<vmem>>, vector<1x256xf32>
    %get3A_23 = arith.constant 0 : index
    %get3A_24 = arith.constant 0 : index
    %get3A_25 = vector.load %arg9[%get3A_23, %get3A_24] : memref<1x256xf32, #tpu.memory_space<vmem>>, vector<1x256xf32>
    %add3A = arith.addf %get3A_4, %get3A_10 : vector<1000x128xf32>
    %add3A_26 = arith.addf %get3A_7, %get3A_13 : vector<1000x128xf32>
    %concatenate3A = tpu.concatenate %add3A, %add3A_26 in 1 : vector<1000x128xf32>, vector<1000x128xf32> -> vector<1000x256xf32>
    %mul3A = vector.broadcast %slice3A : vector<1000x1xf32> to vector<1000x256xf32>
    %mul3A_27 = arith.mulf %concatenate3A, %mul3A : vector<1000x256xf32>
    %add3A_28 = vector.broadcast %get3A_19 : vector<1x256xf32> to vector<1000x256xf32>
    %add3A_29 = arith.addf %mul3A_27, %add3A_28 : vector<1000x256xf32>
    %max3A = arith.constant 0.000000e+00 : f32
    %max3A_30 = vector.broadcast %max3A : f32 to vector<1000x256xf32>
    %max3A_31 = arith.maximumf %add3A_29, %max3A_30 : vector<1000x256xf32>
    %add3A_32 = arith.addf %get3A_16, %max3A_31 : vector<1000x256xf32>
    %reduce_sum3A = arith.constant dense<0.000000e+00> : vector<1000xf32>
    %reduce_sum3A_33 = vector.multi_reduction <add>, %add3A_32, %reduce_sum3A [1] : vector<1000x256xf32> to vector<1000xf32>
    %broadcast_in_dim3A = vector.shape_cast %reduce_sum3A_33 : vector<1000xf32> to vector<1000x1xf32>
    %div3A = arith.constant 2.560000e+02 : f32
    %div3A_34 = vector.broadcast %div3A : f32 to vector<1000x1xf32>
    %div3A_35 = arith.divf %broadcast_in_dim3A, %div3A_34 : vector<1000x1xf32>
    %sub3A = vector.broadcast %div3A_35 : vector<1000x1xf32> to vector<1000x256xf32>
    %sub3A_36 = arith.subf %add3A_32, %sub3A : vector<1000x256xf32>
    %integer_pow3A = arith.mulf %sub3A_36, %sub3A_36 : vector<1000x256xf32>
    %reduce_sum3A_37 = arith.constant dense<0.000000e+00> : vector<1000xf32>
    %reduce_sum3A_38 = vector.multi_reduction <add>, %integer_pow3A, %reduce_sum3A_37 [1] : vector<1000x256xf32> to vector<1000xf32>
    %broadcast_in_dim3A_39 = vector.shape_cast %reduce_sum3A_38 : vector<1000xf32> to vector<1000x1xf32>
    %div3A_40 = arith.constant 2.560000e+02 : f32
    %div3A_41 = vector.broadcast %div3A_40 : f32 to vector<1000x1xf32>
    %div3A_42 = arith.divf %broadcast_in_dim3A_39, %div3A_41 : vector<1000x1xf32>
    %sub3A_43 = vector.broadcast %div3A_35 : vector<1000x1xf32> to vector<1000x256xf32>
    %sub3A_44 = arith.subf %add3A_32, %sub3A_43 : vector<1000x256xf32>
    %add3A_45 = arith.constant 9.99999974E-6 : f32
    %add3A_46 = vector.broadcast %add3A_45 : f32 to vector<1000x1xf32>
    %add3A_47 = arith.addf %div3A_42, %add3A_46 : vector<1000x1xf32>
    %rsqrt3A = math.rsqrt %add3A_47 : vector<1000x1xf32>
    %mul3A_48 = vector.broadcast %rsqrt3A : vector<1000x1xf32> to vector<1000x256xf32>
    %mul3A_49 = arith.mulf %sub3A_44, %mul3A_48 : vector<1000x256xf32>
    %mul3A_50 = vector.broadcast %get3A_22 : vector<1x256xf32> to vector<1000x256xf32>
    %mul3A_51 = arith.mulf %mul3A_49, %mul3A_50 : vector<1000x256xf32>
    %add3A_52 = vector.broadcast %get3A_25 : vector<1x256xf32> to vector<1000x256xf32>
    %add3A_53 = arith.addf %mul3A_51, %add3A_52 : vector<1000x256xf32>
    %swap3A = arith.constant 0 : index
    %swap3A_54 = arith.constant 0 : index
    %swap3A_55 = vector.load %arg11[%swap3A, %swap3A_54] : memref<1000x256xf32, #tpu.memory_space<vmem>>, vector<1000x256xf32>
    tpu.vector_store %arg11[%swap3A, %swap3A_54], %add3A_53 {strides = array<i32>} : memref<1000x256xf32, #tpu.memory_space<vmem>>, vector<1000x256xf32>,
    %get3A_56 = arith.constant 0 : index
    %get3A_57 = arith.constant 0 : index
    %get3A_58 = vector.load %arg10[%get3A_56, %get3A_57] : memref<256x256xf32, #tpu.memory_space<vmem>>, vector<256x256xf32>
    %dot_general3A = arith.constant dense<0.000000e+00> : vector<1000x256xf32>
    %dot_general3A_59 = tpu.matmul %add3A_53, %get3A_58, %dot_general3A {dimension_numbers = #tpu.dot_dimension_numbers<[1], [1], [0], [0], [0, 0, 1, 0], [], []>, transpose_lhs_hint = false} : vector<1000x256xf32>, vector<256x256xf32>, vector<1000x256xf32> -> vector<1000x256xf32>
    %mul3A_60 = vector.broadcast %slice3A : vector<1000x1xf32> to vector<1000x256xf32>
    %mul3A_61 = arith.mulf %dot_general3A_59, %mul3A_60 : vector<1000x256xf32>
    %slice3A_62 = vector.extract_strided_slice %mul3A_61 {offsets = [0, 0], sizes = [1000, 128], strides = [1, 1]} : vector<1000x256xf32> to vector<1000x128xf32>
    %swap3A_63 = arith.constant 0 : index
    %swap3A_64 = arith.constant 0 : index
    %swap3A_65 = vector.load %arg12[%swap3A_63, %swap3A_64] : memref<1000x128xf32, #tpu.memory_space<vmem>>, vector<1000x128xf32>
    tpu.vector_store %arg12[%swap3A_63, %swap3A_64], %slice3A_62 {strides = array<i32>} : memref<1000x128xf32, #tpu.memory_space<vmem>>, vector<1000x128xf32>,
    %slice3A_66 = vector.extract_strided_slice %mul3A_61 {offsets = [0, 128], sizes = [1000, 128], strides = [1, 1]} : vector<1000x256xf32> to vector<1000x128xf32>
    %swap3A_67 = arith.constant 0 : index
    %swap3A_68 = arith.constant 0 : index
    %swap3A_69 = vector.load %arg13[%swap3A_67, %swap3A_68] : memref<1000x128xf32, #tpu.memory_space<vmem>>, vector<1000x128xf32>
    tpu.vector_store %arg13[%swap3A_67, %swap3A_68], %slice3A_66 {strides = array<i32>} : memref<1000x128xf32, #tpu.memory_space<vmem>>, vector<1000x128xf32>,
    return
  }
  func.func @transform_0(%arg0: i32) -> (i32, i32) {
    %c0_i32 = arith.constant 0 : i32
    %c0_i32_0 = arith.constant 0 : i32
    return %arg0, %c0_i32 : i32, i32
  }
  func.func @transform_1(%arg0: i32) -> (i32, i32) {
    %c0_i32 = arith.constant 0 : i32
    %c0_i32_0 = arith.constant 0 : i32
    return %arg0, %c0_i32 : i32, i32
  }
  func.func @transform_2(%arg0: i32) -> (i32, i32) {
    %c0_i32 = arith.constant 0 : i32
    %c0_i32_0 = arith.constant 0 : i32
    return %arg0, %c0_i32 : i32, i32
  }
  func.func @transform_3(%arg0: i32) -> (i32, i32) {
    %c0_i32 = arith.constant 0 : i32
    %c0_i32_0 = arith.constant 0 : i32
    return %arg0, %c0_i32 : i32, i32
  }
  func.func @transform_4(%arg0: i32) -> (i32, i32) {
    %c0_i32 = arith.constant 0 : i32
    %c0_i32_0 = arith.constant 0 : i32
    return %arg0, %c0_i32 : i32, i32
  }
  func.func @transform_5(%arg0: i32) -> (i32, i32) {
    %c0_i32 = arith.constant 0 : i32
    %c0_i32_0 = arith.constant 0 : i32
    return %arg0, %c0_i32 : i32, i32
  }
  func.func @transform_6(%arg0: i32) -> (i32, i32) {
    %c0_i32 = arith.constant 0 : i32
    %c0_i32_0 = arith.constant 0 : i32
    %c0_i32_1 = arith.constant 0 : i32
    return %c0_i32, %c0_i32_0 : i32, i32
  }
  func.func @transform_7(%arg0: i32) -> (i32, i32) {
    %c0_i32 = arith.constant 0 : i32
    %c0_i32_0 = arith.constant 0 : i32
    %c0_i32_1 = arith.constant 0 : i32
    return %c0_i32, %c0_i32_0 : i32, i32
  }
  func.func @transform_8(%arg0: i32) -> (i32, i32) {
    %c0_i32 = arith.constant 0 : i32
    %c0_i32_0 = arith.constant 0 : i32
    %c0_i32_1 = arith.constant 0 : i32
    return %c0_i32, %c0_i32_0 : i32, i32
  }
  func.func @transform_9(%arg0: i32) -> (i32, i32) {
    %c0_i32 = arith.constant 0 : i32
    %c0_i32_0 = arith.constant 0 : i32
    %c0_i32_1 = arith.constant 0 : i32
    return %c0_i32, %c0_i32_0 : i32, i32
  }
  func.func @transform_10(%arg0: i32) -> (i32, i32) {
    %c0_i32 = arith.constant 0 : i32
    %c0_i32_0 = arith.constant 0 : i32
    return %arg0, %c0_i32 : i32, i32
  }
  func.func @transform_11(%arg0: i32) -> (i32, i32) {
    %c0_i32 = arith.constant 0 : i32
    %c0_i32_0 = arith.constant 0 : i32
    return %arg0, %c0_i32 : i32, i32
  }
  func.func @transform_12(%arg0: i32) -> (i32, i32) {
    %c0_i32 = arith.constant 0 : i32
    %c0_i32_0 = arith.constant 0 : i32
    return %arg0, %c0_i32 : i32, i32
  }
}

module attributes {stable_mosaic.version = 14 : i64} {
  func.func @_tc_fin_body(%arg0: i32, %arg1: memref<1000x128xf32, #tpu.memory_space<vmem>>, %arg2: memref<1000x128xf32, #tpu.memory_space<vmem>>, %arg3: memref<1000x128xf32, #tpu.memory_space<vmem>>, %arg4: memref<1000x128xf32, #tpu.memory_space<vmem>>, %arg5: memref<1000x128xf32, #tpu.memory_space<vmem>>, %arg6: memref<1000x256xf32, #tpu.memory_space<vmem>>, %arg7: memref<1x256xf32, #tpu.memory_space<vmem>>, %arg8: memref<1x256xf32, #tpu.memory_space<vmem>>, %arg9: memref<1x256xf32, #tpu.memory_space<vmem>>, %arg10: memref<256x256xf32, #tpu.memory_space<vmem>>, %arg11: memref<1x256xf32, #tpu.memory_space<vmem>>, %arg12: memref<1000x256xf32, #tpu.memory_space<vmem>>) attributes {dimension_semantics = [#tpu.dimension_semantics<arbitrary>], iteration_bounds = array<i64: 10>, scalar_prefetch = 0 : i64, scratch_operands = 0 : i64, tpu.core_type = #tpu.core_type<tc>, window_params = [{transform_indices = @transform_0, window_bounds = array<i64: 1000, 128>}, {transform_indices = @transform_1, window_bounds = array<i64: 1000, 128>}, {transform_indices = @transform_2, window_bounds = array<i64: 1000, 128>}, {transform_indices = @transform_3, window_bounds = array<i64: 1000, 128>}, {transform_indices = @transform_4, window_bounds = array<i64: 1000, 128>}, {transform_indices = @transform_5, window_bounds = array<i64: 1000, 256>}, {pipeline_mode = #tpu.pipeline_mode<synchronous>, transform_indices = @transform_6, window_bounds = array<i64: 1, 256>}, {pipeline_mode = #tpu.pipeline_mode<synchronous>, transform_indices = @transform_7, window_bounds = array<i64: 1, 256>}, {pipeline_mode = #tpu.pipeline_mode<synchronous>, transform_indices = @transform_8, window_bounds = array<i64: 1, 256>}, {pipeline_mode = #tpu.pipeline_mode<synchronous>, transform_indices = @transform_9, window_bounds = array<i64: 256, 256>}, {pipeline_mode = #tpu.pipeline_mode<synchronous>, transform_indices = @transform_10, window_bounds = array<i64: 1, 256>}, {transform_indices = @transform_11, window_bounds = array<i64: 1000, 256>}]} {
    %get3A = arith.constant 0 : index
    %get3A_0 = arith.constant 0 : index
    %get3A_1 = vector.load %arg5[%get3A, %get3A_0] : memref<1000x128xf32, #tpu.memory_space<vmem>>, vector<1000x128xf32>
    %slice3A = vector.extract_strided_slice %get3A_1 {offsets = [0, 0], sizes = [1000, 1], strides = [1, 1]} : vector<1000x128xf32> to vector<1000x1xf32>
    %get3A_2 = arith.constant 0 : index
    %get3A_3 = arith.constant 0 : index
    %get3A_4 = vector.load %arg1[%get3A_2, %get3A_3] : memref<1000x128xf32, #tpu.memory_space<vmem>>, vector<1000x128xf32>
    %get3A_5 = arith.constant 0 : index
    %get3A_6 = arith.constant 0 : index
    %get3A_7 = vector.load %arg2[%get3A_5, %get3A_6] : memref<1000x128xf32, #tpu.memory_space<vmem>>, vector<1000x128xf32>
    %get3A_8 = arith.constant 0 : index
    %get3A_9 = arith.constant 0 : index
    %get3A_10 = vector.load %arg3[%get3A_8, %get3A_9] : memref<1000x128xf32, #tpu.memory_space<vmem>>, vector<1000x128xf32>
    %get3A_11 = arith.constant 0 : index
    %get3A_12 = arith.constant 0 : index
    %get3A_13 = vector.load %arg4[%get3A_11, %get3A_12] : memref<1000x128xf32, #tpu.memory_space<vmem>>, vector<1000x128xf32>
    %get3A_14 = arith.constant 0 : index
    %get3A_15 = arith.constant 0 : index
    %get3A_16 = vector.load %arg6[%get3A_14, %get3A_15] : memref<1000x256xf32, #tpu.memory_space<vmem>>, vector<1000x256xf32>
    %get3A_17 = arith.constant 0 : index
    %get3A_18 = arith.constant 0 : index
    %get3A_19 = vector.load %arg7[%get3A_17, %get3A_18] : memref<1x256xf32, #tpu.memory_space<vmem>>, vector<1x256xf32>
    %get3A_20 = arith.constant 0 : index
    %get3A_21 = arith.constant 0 : index
    %get3A_22 = vector.load %arg8[%get3A_20, %get3A_21] : memref<1x256xf32, #tpu.memory_space<vmem>>, vector<1x256xf32>
    %get3A_23 = arith.constant 0 : index
    %get3A_24 = arith.constant 0 : index
    %get3A_25 = vector.load %arg9[%get3A_23, %get3A_24] : memref<1x256xf32, #tpu.memory_space<vmem>>, vector<1x256xf32>
    %add3A = arith.addf %get3A_4, %get3A_10 : vector<1000x128xf32>
    %add3A_26 = arith.addf %get3A_7, %get3A_13 : vector<1000x128xf32>
    %concatenate3A = tpu.concatenate %add3A, %add3A_26 in 1 : vector<1000x128xf32>, vector<1000x128xf32> -> vector<1000x256xf32>
    %mul3A = vector.broadcast %slice3A : vector<1000x1xf32> to vector<1000x256xf32>
    %mul3A_27 = arith.mulf %concatenate3A, %mul3A : vector<1000x256xf32>
    %add3A_28 = vector.broadcast %get3A_19 : vector<1x256xf32> to vector<1000x256xf32>
    %add3A_29 = arith.addf %mul3A_27, %add3A_28 : vector<1000x256xf32>
    %max3A = arith.constant 0.000000e+00 : f32
    %max3A_30 = vector.broadcast %max3A : f32 to vector<1000x256xf32>
    %max3A_31 = arith.maximumf %add3A_29, %max3A_30 : vector<1000x256xf32>
    %add3A_32 = arith.addf %get3A_16, %max3A_31 : vector<1000x256xf32>
    %reduce_sum3A = arith.constant dense<0.000000e+00> : vector<1000xf32>
    %reduce_sum3A_33 = vector.multi_reduction <add>, %add3A_32, %reduce_sum3A [1] : vector<1000x256xf32> to vector<1000xf32>
    %broadcast_in_dim3A = vector.shape_cast %reduce_sum3A_33 : vector<1000xf32> to vector<1000x1xf32>
    %div3A = arith.constant 2.560000e+02 : f32
    %div3A_34 = vector.broadcast %div3A : f32 to vector<1000x1xf32>
    %div3A_35 = arith.divf %broadcast_in_dim3A, %div3A_34 : vector<1000x1xf32>
    %sub3A = vector.broadcast %div3A_35 : vector<1000x1xf32> to vector<1000x256xf32>
    %sub3A_36 = arith.subf %add3A_32, %sub3A : vector<1000x256xf32>
    %integer_pow3A = arith.mulf %sub3A_36, %sub3A_36 : vector<1000x256xf32>
    %reduce_sum3A_37 = arith.constant dense<0.000000e+00> : vector<1000xf32>
    %reduce_sum3A_38 = vector.multi_reduction <add>, %integer_pow3A, %reduce_sum3A_37 [1] : vector<1000x256xf32> to vector<1000xf32>
    %broadcast_in_dim3A_39 = vector.shape_cast %reduce_sum3A_38 : vector<1000xf32> to vector<1000x1xf32>
    %div3A_40 = arith.constant 2.560000e+02 : f32
    %div3A_41 = vector.broadcast %div3A_40 : f32 to vector<1000x1xf32>
    %div3A_42 = arith.divf %broadcast_in_dim3A_39, %div3A_41 : vector<1000x1xf32>
    %sub3A_43 = vector.broadcast %div3A_35 : vector<1000x1xf32> to vector<1000x256xf32>
    %sub3A_44 = arith.subf %add3A_32, %sub3A_43 : vector<1000x256xf32>
    %add3A_45 = arith.constant 9.99999974E-6 : f32
    %add3A_46 = vector.broadcast %add3A_45 : f32 to vector<1000x1xf32>
    %add3A_47 = arith.addf %div3A_42, %add3A_46 : vector<1000x1xf32>
    %rsqrt3A = math.rsqrt %add3A_47 : vector<1000x1xf32>
    %mul3A_48 = vector.broadcast %rsqrt3A : vector<1000x1xf32> to vector<1000x256xf32>
    %mul3A_49 = arith.mulf %sub3A_44, %mul3A_48 : vector<1000x256xf32>
    %mul3A_50 = vector.broadcast %get3A_22 : vector<1x256xf32> to vector<1000x256xf32>
    %mul3A_51 = arith.mulf %mul3A_49, %mul3A_50 : vector<1000x256xf32>
    %add3A_52 = vector.broadcast %get3A_25 : vector<1x256xf32> to vector<1000x256xf32>
    %add3A_53 = arith.addf %mul3A_51, %add3A_52 : vector<1000x256xf32>
    %get3A_54 = arith.constant 0 : index
    %get3A_55 = arith.constant 0 : index
    %get3A_56 = vector.load %arg10[%get3A_54, %get3A_55] : memref<256x256xf32, #tpu.memory_space<vmem>>, vector<256x256xf32>
    %dot_general3A = arith.constant dense<0.000000e+00> : vector<1000x256xf32>
    %dot_general3A_57 = tpu.matmul %add3A_53, %get3A_56, %dot_general3A {dimension_numbers = #tpu.dot_dimension_numbers<[1], [1], [0], [0], [0, 0, 1, 0], [], []>, transpose_lhs_hint = false} : vector<1000x256xf32>, vector<256x256xf32>, vector<1000x256xf32> -> vector<1000x256xf32>
    %get3A_58 = arith.constant 0 : index
    %get3A_59 = arith.constant 0 : index
    %get3A_60 = vector.load %arg11[%get3A_58, %get3A_59] : memref<1x256xf32, #tpu.memory_space<vmem>>, vector<1x256xf32>
    %add3A_61 = vector.broadcast %get3A_60 : vector<1x256xf32> to vector<1000x256xf32>
    %add3A_62 = arith.addf %dot_general3A_57, %add3A_61 : vector<1000x256xf32>
    %swap3A = arith.constant 0 : index
    %swap3A_63 = arith.constant 0 : index
    %swap3A_64 = vector.load %arg12[%swap3A, %swap3A_63] : memref<1000x256xf32, #tpu.memory_space<vmem>>, vector<1000x256xf32>
    tpu.vector_store %arg12[%swap3A, %swap3A_63], %add3A_62 {strides = array<i32>} : memref<1000x256xf32, #tpu.memory_space<vmem>>, vector<1000x256xf32>,
    return
  }
  func.func @transform_0(%arg0: i32) -> (i32, i32) {
    %c0_i32 = arith.constant 0 : i32
    %c0_i32_0 = arith.constant 0 : i32
    return %arg0, %c0_i32 : i32, i32
  }
  func.func @transform_1(%arg0: i32) -> (i32, i32) {
    %c0_i32 = arith.constant 0 : i32
    %c0_i32_0 = arith.constant 0 : i32
    return %arg0, %c0_i32 : i32, i32
  }
  func.func @transform_2(%arg0: i32) -> (i32, i32) {
    %c0_i32 = arith.constant 0 : i32
    %c0_i32_0 = arith.constant 0 : i32
    return %arg0, %c0_i32 : i32, i32
  }
  func.func @transform_3(%arg0: i32) -> (i32, i32) {
    %c0_i32 = arith.constant 0 : i32
    %c0_i32_0 = arith.constant 0 : i32
    return %arg0, %c0_i32 : i32, i32
  }
  func.func @transform_4(%arg0: i32) -> (i32, i32) {
    %c0_i32 = arith.constant 0 : i32
    %c0_i32_0 = arith.constant 0 : i32
    return %arg0, %c0_i32 : i32, i32
  }
  func.func @transform_5(%arg0: i32) -> (i32, i32) {
    %c0_i32 = arith.constant 0 : i32
    %c0_i32_0 = arith.constant 0 : i32
    return %arg0, %c0_i32 : i32, i32
  }
  func.func @transform_6(%arg0: i32) -> (i32, i32) {
    %c0_i32 = arith.constant 0 : i32
    %c0_i32_0 = arith.constant 0 : i32
    %c0_i32_1 = arith.constant 0 : i32
    return %c0_i32, %c0_i32_0 : i32, i32
  }
  func.func @transform_7(%arg0: i32) -> (i32, i32) {
    %c0_i32 = arith.constant 0 : i32
    %c0_i32_0 = arith.constant 0 : i32
    %c0_i32_1 = arith.constant 0 : i32
    return %c0_i32, %c0_i32_0 : i32, i32
  }
  func.func @transform_8(%arg0: i32) -> (i32, i32) {
    %c0_i32 = arith.constant 0 : i32
    %c0_i32_0 = arith.constant 0 : i32
    %c0_i32_1 = arith.constant 0 : i32
    return %c0_i32, %c0_i32_0 : i32, i32
  }
  func.func @transform_9(%arg0: i32) -> (i32, i32) {
    %c0_i32 = arith.constant 0 : i32
    %c0_i32_0 = arith.constant 0 : i32
    %c0_i32_1 = arith.constant 0 : i32
    return %c0_i32, %c0_i32_0 : i32, i32
  }
  func.func @transform_10(%arg0: i32) -> (i32, i32) {
    %c0_i32 = arith.constant 0 : i32
    %c0_i32_0 = arith.constant 0 : i32
    %c0_i32_1 = arith.constant 0 : i32
    return %c0_i32, %c0_i32_0 : i32, i32
  }
  func.func @transform_11(%arg0: i32) -> (i32, i32) {
    %c0_i32 = arith.constant 0 : i32
    %c0_i32_0 = arith.constant 0 : i32
    return %arg0, %c0_i32 : i32, i32
  }
}

</mosaic_0001>

<sc_bundles>
// kernel: kernel.12.cloned.1.call-start
scs
__scs_entry_jumppad:
0x0: {  	(pc) =	sbr.rel $0x88, $3  }
0x1: {  	(tag) =	ssettag $0x0;
	lr =	simm.s32 $0x1  }
0x2: {  	[smem:$0x3F93] =	sst lr;
	_ =	strace $0xD0000000  }
0x3: {  	_ = 	snop  }
0x4: {  	_ = 	snop  }
0x5: {  	_ = 	snop  }
0x6: {  	_ = 	snop  }
0x7: {  	_ = 	snop  }
__scs_overlays_trampoline_lowered:
0x8: {  	[smem:$0x3FA2] =	sst s0  }
0x9: {  	[smem:$0x3FA3] =	sst s1  }
0xa: {  	[smem:$0x3FA4] =	sst s2  }
0xb: {  	[smem:$0x3FA5] =	sst s3  }
0xc: {  	[smem:$0x3FA6] =	sst s4  }
0xd: {  	[smem:$0x3FA7] =	sst s5  }
0xe: {  	[smem:$0x3FA8] =	sst s6  }
0xf: {  	[smem:$0x3FA9] =	sst s7  }
0x10: {  	[smem:$0x3FAA] =	sst s8  }
0x11: {  	[smem:$0x3FAB] =	sst s9;
	s0 =	simm.s32 @!p0 $0x0  }
0x12: {  	s1 =	sld [smem:$0x3F91];
	s0 =	simm.s32 @p0 $0x1  }
0x13: {  	[smem:$0x3FAC] =	sst s0;
	s0 =	simm.s32 @!p1 $0x0  }
0x14: {  	s2 =	sld [smem:$0x3F90];
	s0 =	simm.s32 @p1 $0x1  }
0x15: {  	[smem:$0x3FAD] =	sst s0;
	s0 =	simm.s32 @!p2 $0x0  }
0x16: {  	s3 =	sld [smem:$0x3FDB];
	s0 =	simm.s32 @p2 $0x1  }
0x17: {  	s4 =	simm.s32 $0x1BF5;
	[smem:$0x3FAF] =	sst s0  }
0x18: {  	s0 =	sld [smem:$0x3F92];
	_ =	swait.ge [sflag:s4], $0x0  }
0x19: {  	s7 =	sld [smem:$0x3F93]  }
0x1a: {  	s8 =	sadd.s32 $0xFFFFE003, lr  }
0x1b: {  	s9 =	sadd.s32 $0xFFFFFEF7, lr;
	s5 =	simm.s32 $0xFFFFFFFF;
	p2 =	slt.u32 s8, $0xFFFFF086  }
0x1c: {  	p1 =	slt.u32 s9, $0xF7A;
	s5 =	simm.s32 @!p2 $0x0  }
0x1d: {  	s5 =	simm.s32 @p1 $0x1;
	p0 =	seq.s32 s7, s2  }
0x1e: {  	s7 =	smul.u32 @!p0 $0xF7A, s2;
	p2 =	seq.s32 @!p0 s5, $0x0  }
0x1f: {  	s9 =	smul.u32 $0xF7A, s1;
	s8 =	simm.s32 @!p0 $0x1BF5;
	p2 =	por !p2, p0  }
0x20: {  	[sflag:s8] =	ssyncset.s32 @!p0 $0xFFFFF086;
	s6 =	sadd.s32 @!p0 s3, s7;
	s7 =	simm.s32 @!p0 $0x108  }
0x21: {  	s3 =	sadd.s32 s3, s9;
	s6 =	sadd.s32 @!p0 $0x88, s6;
	s7 =	simm.s32 @p2 $0x1082  }
0x22: {  	[simem:s7], [sflag:s8] =	dma.local @!p0 [hbm:s6], $0xF7A  }
0x23: {  	s9 =	sor.u32 $0xD0000000, s2;
	s6 =	simm.s32 $0x108;
	_ =	swait.ge @!p0 [sflag:s8], $0x0  }
0x24: {  	s3 =	sadd.s32 $0x88, s3;
	s6 =	simm.s32 @!p1 $0x1082;
	[sflag:s4] =	ssyncset.s32 $0xFFFFF086  }
0x25: {  	[simem:s6], [sflag:s4] =	dma.local [hbm:s3], $0xF7A  }
0x26: {  	[smem:$0x3F93] =	sst s1;
	(tag) =	ssettag s2;
	_ =	strace s9  }
0x27: {  	s1 =	sld [smem:$0x3FA3]  }
0x28: {  	s2 =	sld [smem:$0x3FA4]  }
0x29: {  	s4 =	sld [smem:$0x3FA6]  }
0x2a: {  	p0 =	seq.s32 s5, $0x0;
	s5 =	sld [smem:$0x3FA7]  }
0x2b: {  	s6 =	sld [smem:$0x3FA8]  }
0x2c: {  	s7 =	sld [smem:$0x3FA9]  }
0x2d: {  	s3 =	simm.s32 $0x108;
	s8 =	sld [smem:$0x3FAA]  }
0x2e: {  	s3 =	simm.s32 @!p0 $0x1082;
	s9 =	sld [smem:$0x3FAB]  }
0x2f: {  	lr =	sadd.s32 s0, s3;
	s0 =	sld [smem:$0x3FA2]  }
0x30: {  	s3 =	sld [smem:$0x3FA5]  }
0x31: {  	[smem:$0x3FAE] =	sst s10  }
0x32: {  	s10 =	sld [smem:$0x3FAC];
	_ =	sdelay $0x3  }
0x33: {  	p0 =	seq.s32 s10, $0x1;
	s10 =	sld [smem:$0x3FAE];
	_ =	sdelay $0x3  }
0x34: {  	[smem:$0x3FAE] =	sst s10  }
0x35: {  	s10 =	sld [smem:$0x3FAD];
	_ =	sdelay $0x3  }
0x36: {  	p1 =	seq.s32 s10, $0x1;
	s10 =	sld [smem:$0x3FAE];
	_ =	sdelay $0x3  }
0x37: {  	[smem:$0x3FAE] =	sst s10  }
0x38: {  	s10 =	sld [smem:$0x3FAF]  }
0x39: {  	_ = 	snop;
	(pc) =	sbr.ind lr, $3  }
0x3a: {  	_ = 	snop  }
0x3b: {  	_ = 	snop  }
0x3c: {  	p2 =	seq.s32 s10, $0x1;
	s10 =	sld [smem:$0x3FAE]  }
0x3d: {  	_ =	shalt  }
0x3e: {  	_ =	shalt  }
0x3f: {  	_ =	shalt  }
0x40: {  	_ =	shalt  }
0x41: {  	_ =	shalt  }
0x42: {  	_ =	shalt  }
0x43: {  	_ =	shalt  }
0x44: {  	_ =	shalt  }
0x45: {  	_ =	shalt  }
0x46: {  	_ =	shalt  }
0x47: {  	_ =	shalt  }
0x48: {  	_ =	shalt  }
0x49: {  	_ =	shalt  }
0x4a: {  	_ =	shalt  }
0x4b: {  	_ =	shalt  }
0x4c: {  	_ =	shalt  }
0x4d: {  	_ =	shalt  }
0x4e: {  	_ =	shalt  }
0x4f: {  	_ =	shalt  }
0x50: {  	_ =	shalt  }
0x51: {  	_ =	shalt  }
0x52: {  	_ =	shalt  }
0x53: {  	_ =	shalt  }
0x54: {  	_ =	shalt  }
0x55: {  	_ =	shalt  }
0x56: {  	_ =	shalt  }
0x57: {  	_ =	shalt  }
0x58: {  	_ =	shalt  }
0x59: {  	_ =	shalt  }
0x5a: {  	_ =	shalt  }
0x5b: {  	_ =	shalt  }
0x5c: {  	_ =	shalt  }
0x5d: {  	_ =	shalt  }
0x5e: {  	_ =	shalt  }
0x5f: {  	_ =	shalt  }
0x60: {  	_ =	shalt  }
0x61: {  	_ =	shalt  }
0x62: {  	_ =	shalt  }
0x63: {  	_ =	shalt  }
0x64: {  	_ =	shalt  }
0x65: {  	_ =	shalt  }
0x66: {  	_ =	shalt  }
0x67: {  	_ =	shalt  }
0x68: {  	_ =	shalt  }
0x69: {  	_ =	shalt  }
0x6a: {  	_ =	shalt  }
0x6b: {  	_ =	shalt  }
0x6c: {  	_ =	shalt  }
0x6d: {  	_ =	shalt  }
0x6e: {  	_ =	shalt  }
0x6f: {  	_ =	shalt  }
0x70: {  	_ =	shalt  }
0x71: {  	_ =	shalt  }
0x72: {  	_ =	shalt  }
0x73: {  	_ =	shalt  }
0x74: {  	_ =	shalt  }
0x75: {  	_ =	shalt  }
0x76: {  	_ =	shalt  }
0x77: {  	_ =	shalt  }
0x78: {  	_ =	shalt  }
0x79: {  	_ =	shalt  }
0x7a: {  	_ =	shalt  }
0x7b: {  	_ =	shalt  }
0x7c: {  	_ =	shalt  }
0x7d: {  	_ =	shalt  }
0x7e: {  	_ =	shalt  }
0x7f: {  	_ =	shalt  }
0x80: {  	_ =	shalt  }
0x81: {  	_ =	shalt  }
0x82: {  	_ =	shalt  }
0x83: {  	_ =	shalt  }
0x84: {  	_ =	shalt  }
0x85: {  	_ =	shalt  }
0x86: {  	_ =	shalt  }
0x87: {  	_ =	shalt  }
.Lfunc_end0:
.L_simem_size_0:
called_computation.1_lowered:
.L_overlay_start_0:
0x88: {  	s2 =	sld [smem:$0x3FD9]  }
0x89: {  	s3 =	sld [smem:$0x3FFE];
	_ =	sdelay $0x1  }
0x8a: {  	s1 =	srdreg.scid  }
0x8b: {  	s0 =	sand.u32 $0x1, s1  }
0x8c: {  	s16 =	sshll.u32 s0, $0xA;
	s2 =	sadd.s32 s3, s2  }
0x8d: {  	s2 =	sadd.s32 s2, s16  }
0x8e: {  	[smem:$0x3FBA] =	sst s2  }
0x8f: {  	_ = 	snop  }
0x90: {  	(tm) =	ssettm $0x1  }
0x91: {  	s17 =	sld [smem:$0x3FFB];
	_ =	sdelay $0x3  }
0x92: {  	_ =	strace s17  }
0x93: {  	s2 =	sld [smem:$0x3FFC];
	_ =	sdelay $0x3  }
0x94: {  	_ =	strace s2  }
0x95: {  	s2 =	sld [smem:$0x3FFD];
	_ =	sdelay $0x3  }
0x96: {  	_ =	strace s2  }
0x97: {  	_ =	strace $0x8FFFFFFF  }
0x98: {  	s18 =	sld [smem:$0x3FDB];
	_ =	sdelay $0x1  }
0x99: {  	s19 =	simm.s32 $_scs_section_size  }
0x9a: {  	s4 =	simm.s32 $_size__tile_overlayer_lowered;
	s5 =	simm.s32 $_tile_overlayer_lowered  }
0x9b: {  	s22 =	simm.s32 $0x1BFF;
	s21 =	sshll.u32 s5, $0x1;
	s2 =	sadd.s32 s19, s18  }
0x9c: {  	s6 =	simm.s32 $0x0;
	s20 =	sshll.u32 s4, $0x1;
	s4 =	sadd.s32 s21, s2  }
0x9d: {  	[timem:s6], [sflag:s22] =	dma.local [hbm:s4], s20  }
0x9e: {  	_ =	swait.ge [sflag:s22], s20  }
0x9f: {  	s3 =	ssub.s32 $0x0, s20;
	[sflag:s22] =	ssyncset.done $0x0  }
0xa0: {  	[sflag:s22] =	ssyncadd.s32 s3;
	_ =	sdelay $0x1  }
0xa1: {  	s23 =	simm.s32 $0x1B8B  }
0xa2: {  	_ =	swait.ge [sflag:s23], $0x1  }
0xa3: {  	[sflag:s23] =	ssyncset.done $0x0  }
0xa4: {  	s25 =	simm.s32 $0x1B8E;
	s24 =	sld [smem:$0x3FFE];
	[sflag:s23] =	ssyncadd.s32 $0xFFFFFFFF  }
0xa5: {  	s26 =	simm.s32 $execute0_lowered;
	[smem:$0x3FD2] =	sst s25  }
0xa6: {  	s4 =	sshll.u32 s26, $0x1;
	_ =	strace $0x80000049;
	[dreg:$0x1] =	wrdreg $0xFFFFFFFF  }
0xa7: {  	s28 =	simm.s32 $_size_execute0_lowered;
	s2 =	sadd.s32 s2, s4;
	[dreg:$0x0] =	wrdreg $0x0  }
0xa8: {  	s4 =	sshll.u32 s28, $0x1;
	[dreg:$0x2] =	wrdreg s2  }
0xa9: {  	[dreg:$0x3] =	wrdreg s4  }
0xaa: {  	[dreg:$0x4] =	wrdreg $0xC0  }
0xab: {  	_ =	task [dreg:s6], $0x5FFFF  }
0xac: {  	[dreg:$0x1] =	wrdreg $0xFFFFFFFF  }
0xad: {  	[dreg:$0x0] =	wrdreg $0x60  }
0xae: {  	[dreg:$0x2] =	wrdreg s24  }
0xaf: {  	[dreg:$0x3] =	wrdreg $0xA9000  }
0xb0: {  	[dreg:$0x4] =	wrdreg $0x9  }
0xb1: {  	_ =	task.clear_ibuf [dreg:s6], $0x5FFFF;
	_ =	strace $0x90000049  }
0xb2: {  	s29 =	simm.s32 $0x9;
	_ =	strace $0x8000004B  }
0xb3: {  	_ =	swait.ge [sflag:s29], $0x1  }
0xb4: {  	[sflag:s29] =	ssyncadd.s32 $0xFFFFFFFF  }
0xb5: {  	_ =	strace $0x9000004B  }
0xb6: {  	_ =	sfence  }
0xb7: {  	s30 =	sld [smem:$0x0];
	_ =	sdelay $0x2  }
0xb8: {  	s31 =	sshll.u32 s1, $0xD;
	s1 =	sshrl.u32 s1, $0x2  }
0xb9: {  	s3 =	sand.u32 $0x4000, s31;
	s1 =	sadd.s32 s1, s30  }
0xba: {  	s0 =	sor.u32 s3, s0;
	s1 =	sshll.u32 s1, $0x11  }
0xbb: {  	s0 =	sor.u32 s1, s0  }
0xbc: {  	s0 =	sadd.s32 $0x8F2B, s0  }
0xbd: {  	[sflag:s0] =	ssyncadd.remote.s32 $0x1  }
0xbe: {  	_ =	sfence.sel $0xFFFF  }
0xbf: {  	[dreg:$0x0] =	wrdreg $0xFFFFFFFF;
	(pc) =	sbr.abs _section_cstart, $3  }
0xc0: {  	[dreg:$0x1] =	wrdreg $0xFFFFFFFF  }
0xc1: {  	_ =	task.clear_ibuf [dreg:s6], $0x2FFFF;
	_ =	strace $0x9FFFFFFF  }
0xc2: {  	(tm) =	ssettm $0x7FFFFFFF  }
0xc3: {  	_ =	shalt  }
tec
execute0_lowered:
.L_overlay_start_1:
0x0: {  	(tag) =	ssettag $0x1  }
0x1: {  	s0 =	rddreg [dreg:$0x0]  }
0x2: {  	s2 =	rddreg [dreg:$0x1];
	s3 =	simm.s32 $0x0;
	s12 =	stileid.u32  }
0x3: {  	s6 =	srdreg.scid;
	s8 =	simm.s32 $0x28;
	s19 =	simm.s32 $0xA100  }
0x4: {  	s28 =	simm.s32 $0x1;
	s29 =	simm.s32 $0x2880;
	s31 =	simm.s32 $0x7900  }
0x5: {  	s30 =	simm.s32 $0x5;
	[smem:$0x7FF] =	sst s3;
	s1 =	smul.u32 $0x2710, s12  }
0x6: {  	s4 =	sadd.s32 $0xEC00, s0;
	s5 =	sadd.s32 $0x35E00, s0;
	s6 =	sand.u32 $0x1, s6  }
0x7: {  	s10 =	sadd.s32 $0x9C00, s0;
	s11 =	smul.u32 $0x4E000, s12;
	s15 =	sadd.s32 $0x84200, s0  }
0x8: {  	s16 =	sadd.s32 $0xAB400, s0;
	p0 =	seq.s32 s12, $0xF;
	s21 =	smul.u32 $0x2700, s12  }
0x9: {  	s24 =	smul.u32 $0x4E2, s12;
	s25 =	sadd.s32 $0x138000, s2;
	p2 =	sne.s32 s12, $0xF  }
0xa: {  	_ =	strace $0x8000004A;
	s9 =	ssub.s32 $0x2, s6;
	[dreg:$0x3] =	wrdreg s15  }
0xb: {  	s8 =	simm.s32 @!p0 $0x27;
	p1 =	seq.s32 s6, $0x1;
	[dreg:$0x4] =	wrdreg s16  }
0xc: {  	s26 =	sshrl.u32 s25, $0x3;
	s6 =	simm.s32 $0x3;
	s1 =	sshrl.u32 s1, $0x3  }
0xd: {  	s20 =	sshrl.u32 s9, $0x1;
	s11 =	sshrl.u32 s11, $0x2;
	s23 =	sadd.s32 s15, s21  }
0xe: {  	s18 =	sadd.s32 s24, s10;
	s24 =	simm.s32 $0x2800;
	[dreg:$0x9] =	wrdreg s26  }
0xf: {  	s26 =	simm.s32 $0x5100;
	s15 =	simm.s32 $0x4;
	s7 =	sadd.s32 s1, s0  }
0x10: {  	s0 =	ssub.s32 s9, s20;
	s9 =	sadd.s32 s11, s2;
	s11 =	sadd.s32 s10, s1  }
0x11: {  	[dreg:$0x7] =	wrdreg s23;
	s1 =	sadd.s32 s16, s21;
	s20 =	simm.s32 $0x7  }
.Ltmp0:
0x12: {  	s21 =	simm.s32 $0x2780;
	s23 =	simm.s32 $0x2900;
	(pc) =	sbr.rel .LBB2_1-.Ltmp0, $4  }
0x13: {  	s16 =	simm.s32 $0x0;
	s7 =	sadd.s32 $0x4C00, s7;
	s22 =	sadd.s32 $0xA, s11  }
0x14: {  	s13 =	sadd.s32 $0x14, s11;
	s14 =	sadd.s32 $0x1E, s11;
	[dreg:$0x8] =	wrdreg s1  }
0x15: {  	s17 =	smax.u32 s0, $0x1;
	s0 =	simm.s32 $0x2;
	[dreg:$0x5] =	wrdreg s7  }
0x16: {  	v0 =	vimm.f32 $0.0e+00;
	[dreg:$0x6] =	wrdreg s22;
	s22 =	simm.s32 $0x50;
	s7 =	simm.s32 $0x6  }
.LBB2_14:
0x17: {  	s10 =	sadd.s32 $0x27000, s10;
	s12 =	rddreg [dreg:$0x9]  }
0x18: {  	[hbm:s10], [sflag:s1] =	dma.local [spmem:s12], $0x100  }
0x19: {  	_ =	swait.ge [sflag:s20], $0x100  }
0x1a: {  	[sflag:s20] =	ssyncset.done $0x0  }
0x1b: {  	[sflag:s20] =	ssyncadd.s32 $0xFFFFFF00  }
.LBB2_15:
0x1c: {  	s16 =	sadd.s32 $0x1, s16  }
0x1d: {  	p3 =	sne.s32 s16, s17  }
.Ltmp1:
0x1e: {  	_ = 	snop;
	(pc) =	sbr.rel @!p3 .LBB2_16-.Ltmp1, $1  }
0x1f: {  	_ =	sdelay $0x3  }
.LBB2_1:
0x20: {  	s1 =	simm.s32 $0x0;
	s10 =	simm.s32 $0x200  }
.LBB2_2:
0x21: {  	p3 =	sne.s32 s10, $0x1E00;
	[tilespmem:s1+$0xA170] =	vst v0  }
0x22: {  	[tilespmem:s1+$0xA100] =	vst v0  }
0x23: {  	[tilespmem:s1+$0xA110] =	vst v0  }
.Ltmp2:
0x24: {  	[tilespmem:s1+$0xA120] =	vst v0;
	(pc) =	sbr.rel @p3 .LBB2_2-.Ltmp2, $4  }
0x25: {  	[tilespmem:s1+$0xA130] =	vst v0  }
0x26: {  	[tilespmem:s1+$0xA140] =	vst v0  }
0x27: {  	[tilespmem:s1+$0xA150] =	vst v0  }
0x28: {  	[tilespmem:s1+$0xA160] =	vst v0;
	s1 =	sshra.s32 s10, $0x2;
	s10 =	sadd.s32 $0x200, s10  }
0x29: {  	[tilespmem:s1+$0xA170] =	vst v0  }
0x2a: {  	[tilespmem:s1+$0xA100] =	vst v0  }
0x2b: {  	[tilespmem:s1+$0xA110] =	vst v0  }
0x2c: {  	[tilespmem:s1+$0xA120] =	vst v0  }
0x2d: {  	[tilespmem:s1+$0xA130] =	vst v0  }
0x2e: {  	[tilespmem:s1+$0xA140] =	vst v0;
	p3 =	sne.s32 s8, $0x1  }
.Ltmp3:
0x2f: {  	[tilespmem:s1+$0xA150] =	vst v0;
	(pc) =	sbr.rel @!p3 .LBB2_5-.Ltmp3, $4  }
0x30: {  	[tilespmem:s1+$0xA160] =	vst v0  }
0x31: {  	[spmem:s9] =	stream.linear.scatter [tilespmem:s19], [sflag:$0x7], $0x800, $0x38;
	[tilespmem:$0x1E180] =	vst v63  }
0x32: {  	_ =	swait.ge [sflag:s20], $0x800  }
0x33: {  	s1 =	sadd.s32 $0xFFFFFFFF, s8;
	s10 =	smov.u32 s9;
	[sflag:s20] =	ssyncset.done $0x0  }
.LBB2_4:
0x34: {  	p3 =	sne.s32 s1, $0x1;
	[sflag:s20] =	ssyncadd.s32 $0xFFFFF800;
	s10 =	sadd.s32 $0x800, s10  }
.Ltmp4:
0x35: {  	s1 =	sadd.s32 $0xFFFFFFFF, s1;
	(pc) =	sbr.rel @p3 .LBB2_4-.Ltmp4, $4  }
0x36: {  	_ = 	snop  }
0x37: {  	[spmem:s10] =	stream.linear.scatter [tilespmem:s19], [sflag:$0x7], $0x800, $0x38;
	[tilespmem:$0x1E180] =	vst v63  }
0x38: {  	_ =	swait.ge [sflag:s20], $0x800  }
0x39: {  	[sflag:s20] =	ssyncset.done $0x0  }
.LBB2_5:
0x3a: {  	[sflag:s20] =	ssyncadd.s32 $0xFFFFF800;
	s1 =	rddreg [dreg:$0x5]  }
0x3b: {  	[tilespmem:s3], [sflag:$0x7] =	stream.linear.gather [hbm4b:s1+s3], $0x2710, $0x38;
	[tilespmem:$0x1E180] =	vst v63  }
.Ltmp5:
0x3c: {  	_ =	swait.ge [sflag:s20], $0x2710;
	(pc) =	sbr.rel @!p1 .LBB2_6-.Ltmp5, $4  }
0x3d: {  	[sflag:s20] =	ssyncset.done $0x0  }
0x3e: {  	[sflag:s20] =	ssyncadd.s32 $0xFFFFD8F0  }
0x3f: {  	s25 =	simm.s32 $0x0;
	[bflag:$0x0] =	sbarrier.arrive $0xFFFF  }
0x40: {  	[tilespmem:s21], [sflag:$0x1] =	stream.linear.gather [hbm4b:s11+s3], $0x50, $0x38;
	[tilespmem:$0x1E180] =	vst v63  }
0x41: {  	[tilespmem:s23], [sflag:$0x1] =	stream.indirect.gather [hbm4b:s5+s22], $0x80, s25, s22, $0xb8;
	[tilespmem:$0x1E180] =	vst v63  }
0x42: {  	s1 =	rddreg [dreg:$0x6]  }
0x43: {  	[tilespmem:s24], [sflag:$0x2] =	stream.linear.gather [hbm4b:s1+s25], $0x50, $0x38;
	[tilespmem:$0x1E180] =	vst v63  }
0x44: {  	_ = 	snop  }
0x45: {  	[tilespmem:s26], [sflag:$0x2] =	stream.indirect.gather [hbm4b:s5+s22], $0x80, s22, s22, $0xb8;
	[tilespmem:$0x1E180] =	vst v63  }
0x46: {  	_ =	swait.ge [sflag:s28], $0x50  }
0x47: {  	[sflag:s28] =	ssyncset.done $0x0  }
0x48: {  	[sflag:s28] =	ssyncadd.s32 $0xFFFFFFB0  }
0x49: {  	_ =	swait.ge [sflag:s28], $0x2800  }
0x4a: {  	[sflag:s28] =	ssyncset.done $0x0  }
0x4b: {  	[sflag:s28] =	ssyncadd.s32 $0xFFFFD800  }
0x4c: {  	[spmem:s2] =	stream.indirect.scatter.add.f32 [tilespmem:s23], [sflag:$0x4], $0x80, s21, s22, $0xb8;
	[tilespmem:$0x1E180] =	vst v63  }
0x4d: {  	_ = 	snop  }
0x4e: {  	[tilespmem:s29], [sflag:$0x3] =	stream.linear.gather [hbm4b:s13+s25], $0x50, $0x38;
	[tilespmem:$0x1E180] =	vst v63  }
0x4f: {  	s10 =	simm.s32 $0xA0  }
0x50: {  	[tilespmem:s31], [sflag:$0x3] =	stream.indirect.gather [hbm4b:s5+s22], $0x80, s10, s22, $0xb8;
	[tilespmem:$0x1E180] =	vst v63  }
0x51: {  	_ =	swait.ge [sflag:s0], $0x50  }
0x52: {  	[sflag:s0] =	ssyncset.done $0x0  }
0x53: {  	[sflag:s0] =	ssyncadd.s32 $0xFFFFFFB0  }
0x54: {  	_ =	swait.ge [sflag:s0], $0x2800  }
0x55: {  	[sflag:s0] =	ssyncset.done $0x0  }
0x56: {  	[sflag:s0] =	ssyncadd.s32 $0xFFFFD800  }
0x57: {  	_ =	swait.ge [sflag:s15], $0x2800  }
0x58: {  	[sflag:s15] =	ssyncset.done $0x0  }
0x59: {  	[sflag:s15] =	ssyncadd.s32 $0xFFFFD800  }
0x5a: {  	[spmem:s2] =	stream.indirect.scatter.add.f32 [tilespmem:s26], [sflag:$0x5], $0x80, s24, s22, $0xb8;
	[tilespmem:$0x1E180] =	vst v63  }
0x5b: {  	_ = 	snop  }
0x5c: {  	[tilespmem:s21], [sflag:$0x1] =	stream.linear.gather [hbm4b:s14+s25], $0x50, $0x38;
	[tilespmem:$0x1E180] =	vst v63  }
0x5d: {  	s12 =	simm.s32 $0xF0;
	s1 =	simm.s32 $0x1E0  }
0x5e: {  	[tilespmem:s23], [sflag:$0x1] =	stream.indirect.gather [hbm4b:s5+s22], $0x80, s12, s22, $0xb8;
	[tilespmem:$0x1E180] =	vst v63  }
.LBB2_11:
0x5f: {  	_ =	swait.ge [sflag:s6], $0x50  }
0x60: {  	[sflag:s6] =	ssyncset.done $0x0  }
0x61: {  	[sflag:s6] =	ssyncadd.s32 $0xFFFFFFB0  }
0x62: {  	_ =	swait.ge [sflag:s6], $0x2800  }
0x63: {  	[sflag:s6] =	ssyncset.done $0x0  }
0x64: {  	[sflag:s6] =	ssyncadd.s32 $0xFFFFD800  }
0x65: {  	_ =	swait.ge [sflag:s30], $0x2800  }
0x66: {  	[sflag:s30] =	ssyncset.done $0x0  }
0x67: {  	s10 =	sadd.s32 s25, s18;
	[sflag:s30] =	ssyncadd.s32 $0xFFFFD800  }
0x68: {  	[spmem:s2] =	stream.indirect.scatter.add.f32 [tilespmem:s31], [sflag:$0x6], $0x80, s29, s22, $0xb8;
	[tilespmem:$0x1E180] =	vst v63  }
0x69: {  	s12 =	sadd.s32 $0x28, s10  }
0x6a: {  	[tilespmem:s24], [sflag:$0x2] =	stream.linear.gather [hbm4b:s12+s3], $0x50, $0x38;
	[tilespmem:$0x1E180] =	vst v63  }
0x6b: {  	s12 =	sadd.s32 $0xFFFFFF60, s1  }
0x6c: {  	[tilespmem:s26], [sflag:$0x2] =	stream.indirect.gather [hbm4b:s5+s22], $0x80, s12, s22, $0xb8;
	[tilespmem:$0x1E180] =	vst v63  }
0x6d: {  	_ =	swait.ge [sflag:s28], $0x50  }
0x6e: {  	[sflag:s28] =	ssyncset.done $0x0  }
0x6f: {  	[sflag:s28] =	ssyncadd.s32 $0xFFFFFFB0  }
0x70: {  	_ =	swait.ge [sflag:s28], $0x2800  }
0x71: {  	p3 =	seq.s32 s25, $0x4B0;
	[sflag:s28] =	ssyncset.done $0x0  }
.Ltmp6:
0x72: {  	[sflag:s28] =	ssyncadd.s32 $0xFFFFD800;
	(pc) =	sbr.rel @p3 .LBB2_13-.Ltmp6, $4  }
0x73: {  	_ =	swait.ge [sflag:s7], $0x2800  }
0x74: {  	[sflag:s7] =	ssyncset.done $0x0  }
0x75: {  	[sflag:s7] =	ssyncadd.s32 $0xFFFFD800  }
0x76: {  	[spmem:s2] =	stream.indirect.scatter.add.f32 [tilespmem:s23], [sflag:$0x4], $0x80, s21, s22, $0xb8;
	[tilespmem:$0x1E180] =	vst v63  }
0x77: {  	s12 =	sadd.s32 $0x32, s10  }
0x78: {  	[tilespmem:s29], [sflag:$0x3] =	stream.linear.gather [hbm4b:s12+s3], $0x50, $0x38;
	[tilespmem:$0x1E180] =	vst v63  }
0x79: {  	s12 =	sadd.s32 $0xFFFFFFB0, s1  }
0x7a: {  	[tilespmem:s31], [sflag:$0x3] =	stream.indirect.gather [hbm4b:s5+s22], $0x80, s12, s22, $0xb8;
	[tilespmem:$0x1E180] =	vst v63  }
0x7b: {  	_ =	swait.ge [sflag:s0], $0x50  }
0x7c: {  	[sflag:s0] =	ssyncset.done $0x0  }
0x7d: {  	[sflag:s0] =	ssyncadd.s32 $0xFFFFFFB0  }
0x7e: {  	_ =	swait.ge [sflag:s0], $0x2800  }
0x7f: {  	[sflag:s0] =	ssyncset.done $0x0  }
0x80: {  	[sflag:s0] =	ssyncadd.s32 $0xFFFFD800  }
0x81: {  	_ =	swait.ge [sflag:s15], $0x2800  }
0x82: {  	[sflag:s15] =	ssyncset.done $0x0  }
0x83: {  	[sflag:s15] =	ssyncadd.s32 $0xFFFFD800  }
0x84: {  	[spmem:s2] =	stream.indirect.scatter.add.f32 [tilespmem:s26], [sflag:$0x5], $0x80, s24, s22, $0xb8;
	[tilespmem:$0x1E180] =	vst v63  }
.Ltmp7:
0x85: {  	s12 =	sadd.s32 $0x3C, s10;
	(pc) =	sbr.rel .LBB2_11-.Ltmp7, $4  }
0x86: {  	[tilespmem:s21], [sflag:$0x1] =	stream.linear.gather [hbm4b:s12+s3], $0x50, $0x38;
	[tilespmem:$0x1E180] =	vst v63  }
0x87: {  	_ = 	snop  }
0x88: {  	[tilespmem:s23], [sflag:$0x1] =	stream.indirect.gather [hbm4b:s5+s22], $0x80, s1, s22, $0xb8;
	[tilespmem:$0x1E180] =	vst v63  }
0x89: {  	s25 =	sadd.s32 $0x1E, s25;
	s1 =	sadd.s32 $0xF0, s1  }
.LBB2_6:
0x8a: {  	[tilespmem:s23], [sflag:$0x1] =	stream.indirect.gather [hbm4b:s4+s22], $0x80, s25, s22, $0xb8;
	[tilespmem:$0x1E180] =	vst v63  }
0x8b: {  	s1 =	rddreg [dreg:$0x6]  }
0x8c: {  	[tilespmem:s24], [sflag:$0x2] =	stream.linear.gather [hbm4b:s1+s25], $0x50, $0x38;
	[tilespmem:$0x1E180] =	vst v63  }
0x8d: {  	_ = 	snop  }
0x8e: {  	[tilespmem:s26], [sflag:$0x2] =	stream.indirect.gather [hbm4b:s4+s22], $0x80, s22, s22, $0xb8;
	[tilespmem:$0x1E180] =	vst v63  }
0x8f: {  	_ =	swait.ge [sflag:s28], $0x50  }
0x90: {  	[sflag:s28] =	ssyncset.done $0x0  }
0x91: {  	[sflag:s28] =	ssyncadd.s32 $0xFFFFFFB0  }
0x92: {  	_ =	swait.ge [sflag:s28], $0x2800  }
0x93: {  	[sflag:s28] =	ssyncset.done $0x0  }
0x94: {  	[sflag:s28] =	ssyncadd.s32 $0xFFFFD800  }
0x95: {  	[spmem:s2] =	stream.indirect.scatter.add.f32 [tilespmem:s23], [sflag:$0x4], $0x80, s21, s22, $0xb8;
	[tilespmem:$0x1E180] =	vst v63  }
0x96: {  	_ = 	snop  }
0x97: {  	[tilespmem:s29], [sflag:$0x3] =	stream.linear.gather [hbm4b:s13+s25], $0x50, $0x38;
	[tilespmem:$0x1E180] =	vst v63  }
0x98: {  	s10 =	simm.s32 $0xA0  }
0x99: {  	[tilespmem:s31], [sflag:$0x3] =	stream.indirect.gather [hbm4b:s4+s22], $0x80, s10, s22, $0xb8;
	[tilespmem:$0x1E180] =	vst v63  }
0x9a: {  	_ =	swait.ge [sflag:s0], $0x50  }
0x9b: {  	[sflag:s0] =	ssyncset.done $0x0  }
0x9c: {  	[sflag:s0] =	ssyncadd.s32 $0xFFFFFFB0  }
0x9d: {  	_ =	swait.ge [sflag:s0], $0x2800  }
0x9e: {  	[sflag:s0] =	ssyncset.done $0x0  }
0x9f: {  	[sflag:s0] =	ssyncadd.s32 $0xFFFFD800  }
0xa0: {  	_ =	swait.ge [sflag:s15], $0x2800  }
0xa1: {  	[sflag:s15] =	ssyncset.done $0x0  }
0xa2: {  	[sflag:s15] =	ssyncadd.s32 $0xFFFFD800  }
0xa3: {  	[spmem:s2] =	stream.indirect.scatter.add.f32 [tilespmem:s26], [sflag:$0x5], $0x80, s24, s22, $0xb8;
	[tilespmem:$0x1E180] =	vst v63  }
0xa4: {  	_ = 	snop  }
0xa5: {  	[tilespmem:s21], [sflag:$0x1] =	stream.linear.gather [hbm4b:s14+s25], $0x50, $0x38;
	[tilespmem:$0x1E180] =	vst v63  }
0xa6: {  	s12 =	simm.s32 $0xF0;
	s1 =	simm.s32 $0x1E0  }
0xa7: {  	[tilespmem:s23], [sflag:$0x1] =	stream.indirect.gather [hbm4b:s4+s22], $0x80, s12, s22, $0xb8;
	[tilespmem:$0x1E180] =	vst v63  }
.LBB2_7:
0xa8: {  	_ =	swait.ge [sflag:s6], $0x50  }
0xa9: {  	[sflag:s6] =	ssyncset.done $0x0  }
0xaa: {  	[sflag:s6] =	ssyncadd.s32 $0xFFFFFFB0  }
0xab: {  	_ =	swait.ge [sflag:s6], $0x2800  }
0xac: {  	[sflag:s6] =	ssyncset.done $0x0  }
0xad: {  	[sflag:s6] =	ssyncadd.s32 $0xFFFFD800  }
0xae: {  	_ =	swait.ge [sflag:s30], $0x2800  }
0xaf: {  	[sflag:s30] =	ssyncset.done $0x0  }
0xb0: {  	s10 =	sadd.s32 s25, s18;
	[sflag:s30] =	ssyncadd.s32 $0xFFFFD800  }
0xb1: {  	[spmem:s2] =	stream.indirect.scatter.add.f32 [tilespmem:s31], [sflag:$0x6], $0x80, s29, s22, $0xb8;
	[tilespmem:$0x1E180] =	vst v63  }
0xb2: {  	s12 =	sadd.s32 $0x28, s10  }
0xb3: {  	[tilespmem:s24], [sflag:$0x2] =	stream.linear.gather [hbm4b:s12+s3], $0x50, $0x38;
	[tilespmem:$0x1E180] =	vst v63  }
0xb4: {  	s12 =	sadd.s32 $0xFFFFFF60, s1  }
0xb5: {  	[tilespmem:s26], [sflag:$0x2] =	stream.indirect.gather [hbm4b:s4+s22], $0x80, s12, s22, $0xb8;
	[tilespmem:$0x1E180] =	vst v63  }
0xb6: {  	_ =	swait.ge [sflag:s28], $0x50  }
0xb7: {  	[sflag:s28] =	ssyncset.done $0x0  }
0xb8: {  	[sflag:s28] =	ssyncadd.s32 $0xFFFFFFB0  }
0xb9: {  	_ =	swait.ge [sflag:s28], $0x2800  }
0xba: {  	p3 =	seq.s32 s25, $0x4B0;
	[sflag:s28] =	ssyncset.done $0x0  }
.Ltmp8:
0xbb: {  	[sflag:s28] =	ssyncadd.s32 $0xFFFFD800;
	(pc) =	sbr.rel @p3 .LBB2_9-.Ltmp8, $4  }
0xbc: {  	_ =	swait.ge [sflag:s7], $0x2800  }
0xbd: {  	[sflag:s7] =	ssyncset.done $0x0  }
0xbe: {  	[sflag:s7] =	ssyncadd.s32 $0xFFFFD800  }
0xbf: {  	[spmem:s2] =	stream.indirect.scatter.add.f32 [tilespmem:s23], [sflag:$0x4], $0x80, s21, s22, $0xb8;
	[tilespmem:$0x1E180] =	vst v63  }
0xc0: {  	s12 =	sadd.s32 $0x32, s10  }
0xc1: {  	[tilespmem:s29], [sflag:$0x3] =	stream.linear.gather [hbm4b:s12+s3], $0x50, $0x38;
	[tilespmem:$0x1E180] =	vst v63  }
0xc2: {  	s12 =	sadd.s32 $0xFFFFFFB0, s1  }
0xc3: {  	[tilespmem:s31], [sflag:$0x3] =	stream.indirect.gather [hbm4b:s4+s22], $0x80, s12, s22, $0xb8;
	[tilespmem:$0x1E180] =	vst v63  }
0xc4: {  	_ =	swait.ge [sflag:s0], $0x50  }
0xc5: {  	[sflag:s0] =	ssyncset.done $0x0  }
0xc6: {  	[sflag:s0] =	ssyncadd.s32 $0xFFFFFFB0  }
0xc7: {  	_ =	swait.ge [sflag:s0], $0x2800  }
0xc8: {  	[sflag:s0] =	ssyncset.done $0x0  }
0xc9: {  	[sflag:s0] =	ssyncadd.s32 $0xFFFFD800  }
0xca: {  	_ =	swait.ge [sflag:s15], $0x2800  }
0xcb: {  	[sflag:s15] =	ssyncset.done $0x0  }
0xcc: {  	[sflag:s15] =	ssyncadd.s32 $0xFFFFD800  }
0xcd: {  	[spmem:s2] =	stream.indirect.scatter.add.f32 [tilespmem:s26], [sflag:$0x5], $0x80, s24, s22, $0xb8;
	[tilespmem:$0x1E180] =	vst v63  }
.Ltmp9:
0xce: {  	s12 =	sadd.s32 $0x3C, s10;
	(pc) =	sbr.rel .LBB2_7-.Ltmp9, $4  }
0xcf: {  	[tilespmem:s21], [sflag:$0x1] =	stream.linear.gather [hbm4b:s12+s3], $0x50, $0x38;
	[tilespmem:$0x1E180] =	vst v63  }
0xd0: {  	_ = 	snop  }
0xd1: {  	[tilespmem:s23], [sflag:$0x1] =	stream.indirect.gather [hbm4b:s4+s22], $0x80, s1, s22, $0xb8;
	[tilespmem:$0x1E180] =	vst v63  }
0xd2: {  	s25 =	sadd.s32 $0x1E, s25;
	s1 =	sadd.s32 $0xF0, s1  }
.LBB2_13:
0xd3: {  	_ =	swait.ge [sflag:s0], $0x50  }
0xd4: {  	[sflag:s0] =	ssyncset.done $0x0  }
0xd5: {  	[sflag:s0] =	ssyncadd.s32 $0xFFFFFFB0  }
0xd6: {  	_ =	swait.ge [sflag:s0], $0x2800  }
0xd7: {  	[sflag:s0] =	ssyncset.done $0x0  }
0xd8: {  	[sflag:s0] =	ssyncadd.s32 $0xFFFFD800  }
0xd9: {  	_ =	swait.ge [sflag:s15], $0x2800  }
0xda: {  	[sflag:s15] =	ssyncset.done $0x0  }
0xdb: {  	[sflag:s15] =	ssyncadd.s32 $0xFFFFD800  }
0xdc: {  	[spmem:s2] =	stream.indirect.scatter.add.f32 [tilespmem:s26], [sflag:$0x5], $0x80, s24, s22, $0xb8;
	[tilespmem:$0x1E180] =	vst v63  }
0xdd: {  	_ =	swait.ge [sflag:s30], $0x2800  }
0xde: {  	[sflag:s30] =	ssyncset.done $0x0  }
0xdf: {  	s1 =	stileid.u32;
	[sflag:s30] =	ssyncadd.s32 $0xFFFFD800  }
0xe0: {  	s1 =	sshll.u32 s1, $0x6;
	[bflag:$0x0] =	sbarrier.arrive $0xFFFF  }
0xe1: {  	s10 =	sshrl.u32 s9, $0x3;
	s1 =	sor.u32 $0x1C07, s1;
	s12 =	rddreg [dreg:$0x8]  }
0xe2: {  	[hbm:s12], [sflag:s1] =	dma.local [spmem:s10], $0x2700  }
.Ltmp10:
0xe3: {  	_ = 	snop;
	(pc) =	sbr.rel @p2 .LBB2_15-.Ltmp10, $4  }
.Ltmp11:
0xe4: {  	_ = 	snop;
	(pc) =	sbr.rel @!p2 .LBB2_14-.Ltmp11, $4  }
0xe5: {  	_ =	swait.ge [sflag:s20], $0x2700  }
0xe6: {  	[sflag:s20] =	ssyncset.done $0x0  }
0xe7: {  	s10 =	rddreg [dreg:$0x4];
	[sflag:s20] =	ssyncadd.s32 $0xFFFFD900  }
0xe8: {  	_ = 	snop  }
.LBB2_9:
0xe9: {  	_ =	swait.ge [sflag:s0], $0x50  }
0xea: {  	[sflag:s0] =	ssyncset.done $0x0  }
0xeb: {  	[sflag:s0] =	ssyncadd.s32 $0xFFFFFFB0  }
0xec: {  	_ =	swait.ge [sflag:s0], $0x2800  }
0xed: {  	[sflag:s0] =	ssyncset.done $0x0  }
0xee: {  	[sflag:s0] =	ssyncadd.s32 $0xFFFFD800  }
0xef: {  	_ =	swait.ge [sflag:s15], $0x2800  }
0xf0: {  	[sflag:s15] =	ssyncset.done $0x0  }
0xf1: {  	[sflag:s15] =	ssyncadd.s32 $0xFFFFD800  }
0xf2: {  	[spmem:s2] =	stream.indirect.scatter.add.f32 [tilespmem:s26], [sflag:$0x5], $0x80, s24, s22, $0xb8;
	[tilespmem:$0x1E180] =	vst v63  }
0xf3: {  	_ =	swait.ge [sflag:s30], $0x2800  }
0xf4: {  	[sflag:s30] =	ssyncset.done $0x0  }
0xf5: {  	s1 =	stileid.u32;
	[sflag:s30] =	ssyncadd.s32 $0xFFFFD800  }
0xf6: {  	s1 =	sshll.u32 s1, $0x6;
	[bflag:$0x0] =	sbarrier.arrive $0xFFFF  }
0xf7: {  	s10 =	sshrl.u32 s9, $0x3;
	s1 =	sor.u32 $0x1C07, s1;
	s12 =	rddreg [dreg:$0x7]  }
0xf8: {  	[hbm:s12], [sflag:s1] =	dma.local [spmem:s10], $0x2700  }
.Ltmp12:
0xf9: {  	_ = 	snop;
	(pc) =	sbr.rel @p0 .LBB2_14-.Ltmp12, $4  }
.Ltmp13:
0xfa: {  	_ = 	snop;
	(pc) =	sbr.rel @!p0 .LBB2_15-.Ltmp13, $4  }
0xfb: {  	_ =	swait.ge [sflag:s20], $0x2700  }
0xfc: {  	[sflag:s20] =	ssyncset.done $0x0  }
0xfd: {  	s10 =	rddreg [dreg:$0x3];
	[sflag:s20] =	ssyncadd.s32 $0xFFFFD900  }
0xfe: {  	_ = 	snop  }
.LBB2_16:
0xff: {  	_ =	sfence.sel $0x180000  }
0x100: {  	[bflag:$0x0] =	sbarrier.arrive $0xFFFF  }
0x101: {  	_ =	strace $0x9000004A  }
0x102: {  	s0 =	stileid.u32;
	[bflag:$0x2] =	sbarrier.arrive $0xFFFF  }
0x103: {  	p0 =	sne.s32 s0, $0x0;
	s0 =	rddreg [dreg:$0x2]  }
0x104: {  	s0 =	sadd.s32 @!p0 $0x100000, s0  }
0x105: {  	[sflag:s0] =	ssyncadd.tile.s32 @!p0 $0x1;
	_ =	shalt  }
.Lfunc_end2:
_tile_overlayer_lowered:
.L_overlay_start_2:
0x106: {  	(tag) =	ssettag $0x2  }
0x107: {  	s0 =	rddreg [dreg:$0x0];
	s2 =	stileid.u32  }
0x108: {  	s1 =	rddreg [dreg:$0x1];
	p0 =	sne.s32 s2, $0x0  }
0x109: {  	s3 =	rddreg [dreg:$0x2];
	[bflag:$0x3] =	sbarrier.arrive $0xFFFF;
	s2 =	simm.s32 @!p0 $0x1C07  }
0x10a: {  	[timem:s3], [sflag:s2] =	dma.local @!p0 [hbm:s0], s1  }
0x10b: {  	s0 =	simm.s32 @!p0 $0x7  }
0x10c: {  	_ =	swait.ge @!p0 [sflag:s0], s1  }
0x10d: {  	s1 =	ssub.s32 @!p0 $0x0, s1;
	[sflag:s0] =	ssyncset.done @!p0 $0x0  }
0x10e: {  	[sflag:s0] =	ssyncadd.s32 @!p0 s1  }
0x10f: {  	[bflag:$0x3] =	sbarrier.arrive $0xFFFF  }
0x110: {  	_ =	shalt  }

// kernel: kernel.15.cloned.1.call-start
scs
__scs_entry_jumppad:
0x0: {  	(pc) =	sbr.rel $0x88, $3  }
0x1: {  	(tag) =	ssettag $0x0;
	lr =	simm.s32 $0x1  }
0x2: {  	[smem:$0x3F93] =	sst lr;
	_ =	strace $0xD0000000  }
0x3: {  	_ = 	snop  }
0x4: {  	_ = 	snop  }
0x5: {  	_ = 	snop  }
0x6: {  	_ = 	snop  }
0x7: {  	_ = 	snop  }
__scs_overlays_trampoline_lowered:
0x8: {  	[smem:$0x3FA2] =	sst s0  }
0x9: {  	[smem:$0x3FA3] =	sst s1  }
0xa: {  	[smem:$0x3FA4] =	sst s2  }
0xb: {  	[smem:$0x3FA5] =	sst s3  }
0xc: {  	[smem:$0x3FA6] =	sst s4  }
0xd: {  	[smem:$0x3FA7] =	sst s5  }
0xe: {  	[smem:$0x3FA8] =	sst s6  }
0xf: {  	[smem:$0x3FA9] =	sst s7  }
0x10: {  	[smem:$0x3FAA] =	sst s8  }
0x11: {  	[smem:$0x3FAB] =	sst s9;
	s0 =	simm.s32 @!p0 $0x0  }
0x12: {  	s1 =	sld [smem:$0x3F91];
	s0 =	simm.s32 @p0 $0x1  }
0x13: {  	[smem:$0x3FAC] =	sst s0;
	s0 =	simm.s32 @!p1 $0x0  }
0x14: {  	s2 =	sld [smem:$0x3F90];
	s0 =	simm.s32 @p1 $0x1  }
0x15: {  	[smem:$0x3FAD] =	sst s0;
	s0 =	simm.s32 @!p2 $0x0  }
0x16: {  	s3 =	sld [smem:$0x3FDB];
	s0 =	simm.s32 @p2 $0x1  }
0x17: {  	s4 =	simm.s32 $0x1BF5;
	[smem:$0x3FAF] =	sst s0  }
0x18: {  	s0 =	sld [smem:$0x3F92];
	_ =	swait.ge [sflag:s4], $0x0  }
0x19: {  	s7 =	sld [smem:$0x3F93]  }
0x1a: {  	s8 =	sadd.s32 $0xFFFFE003, lr  }
0x1b: {  	s9 =	sadd.s32 $0xFFFFFEF7, lr;
	s5 =	simm.s32 $0xFFFFFFFF;
	p2 =	slt.u32 s8, $0xFFFFF086  }
0x1c: {  	p1 =	slt.u32 s9, $0xF7A;
	s5 =	simm.s32 @!p2 $0x0  }
0x1d: {  	s5 =	simm.s32 @p1 $0x1;
	p0 =	seq.s32 s7, s2  }
0x1e: {  	s7 =	smul.u32 @!p0 $0xF7A, s2;
	p2 =	seq.s32 @!p0 s5, $0x0  }
0x1f: {  	s9 =	smul.u32 $0xF7A, s1;
	s8 =	simm.s32 @!p0 $0x1BF5;
	p2 =	por !p2, p0  }
0x20: {  	[sflag:s8] =	ssyncset.s32 @!p0 $0xFFFFF086;
	s6 =	sadd.s32 @!p0 s3, s7;
	s7 =	simm.s32 @!p0 $0x108  }
0x21: {  	s3 =	sadd.s32 s3, s9;
	s6 =	sadd.s32 @!p0 $0x88, s6;
	s7 =	simm.s32 @p2 $0x1082  }
0x22: {  	[simem:s7], [sflag:s8] =	dma.local @!p0 [hbm:s6], $0xF7A  }
0x23: {  	s9 =	sor.u32 $0xD0000000, s2;
	s6 =	simm.s32 $0x108;
	_ =	swait.ge @!p0 [sflag:s8], $0x0  }
0x24: {  	s3 =	sadd.s32 $0x88, s3;
	s6 =	simm.s32 @!p1 $0x1082;
	[sflag:s4] =	ssyncset.s32 $0xFFFFF086  }
0x25: {  	[simem:s6], [sflag:s4] =	dma.local [hbm:s3], $0xF7A  }
0x26: {  	[smem:$0x3F93] =	sst s1;
	(tag) =	ssettag s2;
	_ =	strace s9  }
0x27: {  	s1 =	sld [smem:$0x3FA3]  }
0x28: {  	s2 =	sld [smem:$0x3FA4]  }
0x29: {  	s4 =	sld [smem:$0x3FA6]  }
0x2a: {  	p0 =	seq.s32 s5, $0x0;
	s5 =	sld [smem:$0x3FA7]  }
0x2b: {  	s6 =	sld [smem:$0x3FA8]  }
0x2c: {  	s7 =	sld [smem:$0x3FA9]  }
0x2d: {  	s3 =	simm.s32 $0x108;
	s8 =	sld [smem:$0x3FAA]  }
0x2e: {  	s3 =	simm.s32 @!p0 $0x1082;
	s9 =	sld [smem:$0x3FAB]  }
0x2f: {  	lr =	sadd.s32 s0, s3;
	s0 =	sld [smem:$0x3FA2]  }
0x30: {  	s3 =	sld [smem:$0x3FA5]  }
0x31: {  	[smem:$0x3FAE] =	sst s10  }
0x32: {  	s10 =	sld [smem:$0x3FAC];
	_ =	sdelay $0x3  }
0x33: {  	p0 =	seq.s32 s10, $0x1;
	s10 =	sld [smem:$0x3FAE];
	_ =	sdelay $0x3  }
0x34: {  	[smem:$0x3FAE] =	sst s10  }
0x35: {  	s10 =	sld [smem:$0x3FAD];
	_ =	sdelay $0x3  }
0x36: {  	p1 =	seq.s32 s10, $0x1;
	s10 =	sld [smem:$0x3FAE];
	_ =	sdelay $0x3  }
0x37: {  	[smem:$0x3FAE] =	sst s10  }
0x38: {  	s10 =	sld [smem:$0x3FAF]  }
0x39: {  	_ = 	snop;
	(pc) =	sbr.ind lr, $3  }
0x3a: {  	_ = 	snop  }
0x3b: {  	_ = 	snop  }
0x3c: {  	p2 =	seq.s32 s10, $0x1;
	s10 =	sld [smem:$0x3FAE]  }
0x3d: {  	_ =	shalt  }
0x3e: {  	_ =	shalt  }
0x3f: {  	_ =	shalt  }
0x40: {  	_ =	shalt  }
0x41: {  	_ =	shalt  }
0x42: {  	_ =	shalt  }
0x43: {  	_ =	shalt  }
0x44: {  	_ =	shalt  }
0x45: {  	_ =	shalt  }
0x46: {  	_ =	shalt  }
0x47: {  	_ =	shalt  }
0x48: {  	_ =	shalt  }
0x49: {  	_ =	shalt  }
0x4a: {  	_ =	shalt  }
0x4b: {  	_ =	shalt  }
0x4c: {  	_ =	shalt  }
0x4d: {  	_ =	shalt  }
0x4e: {  	_ =	shalt  }
0x4f: {  	_ =	shalt  }
0x50: {  	_ =	shalt  }
0x51: {  	_ =	shalt  }
0x52: {  	_ =	shalt  }
0x53: {  	_ =	shalt  }
0x54: {  	_ =	shalt  }
0x55: {  	_ =	shalt  }
0x56: {  	_ =	shalt  }
0x57: {  	_ =	shalt  }
0x58: {  	_ =	shalt  }
0x59: {  	_ =	shalt  }
0x5a: {  	_ =	shalt  }
0x5b: {  	_ =	shalt  }
0x5c: {  	_ =	shalt  }
0x5d: {  	_ =	shalt  }
0x5e: {  	_ =	shalt  }
0x5f: {  	_ =	shalt  }
0x60: {  	_ =	shalt  }
0x61: {  	_ =	shalt  }
0x62: {  	_ =	shalt  }
0x63: {  	_ =	shalt  }
0x64: {  	_ =	shalt  }
0x65: {  	_ =	shalt  }
0x66: {  	_ =	shalt  }
0x67: {  	_ =	shalt  }
0x68: {  	_ =	shalt  }
0x69: {  	_ =	shalt  }
0x6a: {  	_ =	shalt  }
0x6b: {  	_ =	shalt  }
0x6c: {  	_ =	shalt  }
0x6d: {  	_ =	shalt  }
0x6e: {  	_ =	shalt  }
0x6f: {  	_ =	shalt  }
0x70: {  	_ =	shalt  }
0x71: {  	_ =	shalt  }
0x72: {  	_ =	shalt  }
0x73: {  	_ =	shalt  }
0x74: {  	_ =	shalt  }
0x75: {  	_ =	shalt  }
0x76: {  	_ =	shalt  }
0x77: {  	_ =	shalt  }
0x78: {  	_ =	shalt  }
0x79: {  	_ =	shalt  }
0x7a: {  	_ =	shalt  }
0x7b: {  	_ =	shalt  }
0x7c: {  	_ =	shalt  }
0x7d: {  	_ =	shalt  }
0x7e: {  	_ =	shalt  }
0x7f: {  	_ =	shalt  }
0x80: {  	_ =	shalt  }
0x81: {  	_ =	shalt  }
0x82: {  	_ =	shalt  }
0x83: {  	_ =	shalt  }
0x84: {  	_ =	shalt  }
0x85: {  	_ =	shalt  }
0x86: {  	_ =	shalt  }
0x87: {  	_ =	shalt  }
.Lfunc_end0:
.L_simem_size_0:
called_computation.2_lowered:
.L_overlay_start_0:
0x88: {  	s2 =	sld [smem:$0x3FD9]  }
0x89: {  	s3 =	sld [smem:$0x3FFE];
	_ =	sdelay $0x1  }
0x8a: {  	s1 =	srdreg.scid  }
0x8b: {  	s0 =	sand.u32 $0x1, s1  }
0x8c: {  	s17 =	sshll.u32 s0, $0xA;
	s2 =	sadd.s32 s3, s2  }
0x8d: {  	s2 =	sadd.s32 s2, s17  }
0x8e: {  	[smem:$0x3FBA] =	sst s2  }
0x8f: {  	_ = 	snop  }
0x90: {  	s2 =	sld [smem:$0x3FD0];
	(tm) =	ssettm $0x1  }
0x91: {  	s18 =	sld [smem:$0x3FFB];
	_ =	sdelay $0x3  }
0x92: {  	_ =	strace s18  }
0x93: {  	s3 =	sld [smem:$0x3FFC];
	_ =	sdelay $0x3  }
0x94: {  	_ =	strace s3  }
0x95: {  	s3 =	sld [smem:$0x3FFD];
	_ =	sdelay $0x3  }
0x96: {  	_ =	strace s3  }
0x97: {  	_ =	strace $0x8FFFFFFF  }
0x98: {  	s19 =	sld [smem:$0x3FDB];
	_ =	sdelay $0x1  }
0x99: {  	s4 =	simm.s32 $_scs_section_size  }
0x9a: {  	s5 =	simm.s32 $_size__tile_overlayer_lowered;
	s6 =	simm.s32 $_tile_overlayer_lowered  }
0x9b: {  	s22 =	simm.s32 $0x1BFF;
	s21 =	sshll.u32 s6, $0x1;
	s3 =	sadd.s32 s4, s19  }
0x9c: {  	s7 =	simm.s32 $0x0;
	s20 =	sshll.u32 s5, $0x1;
	s5 =	sadd.s32 s21, s3  }
0x9d: {  	[timem:s7], [sflag:s22] =	dma.local [hbm:s5], s20  }
0x9e: {  	_ =	swait.ge [sflag:s22], s20  }
0x9f: {  	s4 =	ssub.s32 $0x0, s20;
	[sflag:s22] =	ssyncset.done $0x0  }
0xa0: {  	[sflag:s22] =	ssyncadd.s32 s4;
	_ =	sdelay $0x1  }
0xa1: {  	s23 =	simm.s32 $0x1B8B  }
0xa2: {  	_ =	swait.ge [sflag:s23], $0x1  }
0xa3: {  	[sflag:s23] =	ssyncset.done $0x0  }
0xa4: {  	s25 =	simm.s32 $0x1B8E;
	s24 =	sld [smem:$0x3FFE];
	[sflag:s23] =	ssyncadd.s32 $0xFFFFFFFF  }
0xa5: {  	s26 =	simm.s32 $execute0_lowered;
	[smem:$0x3FD2] =	sst s25  }
0xa6: {  	s5 =	sshll.u32 s26, $0x1;
	_ =	strace $0x8000004C;
	[dreg:$0x1] =	wrdreg $0xFFFFFFFF  }
0xa7: {  	s28 =	simm.s32 $_size_execute0_lowered;
	s3 =	sadd.s32 s3, s5;
	[dreg:$0x0] =	wrdreg $0x0  }
0xa8: {  	s5 =	sshll.u32 s28, $0x1;
	[dreg:$0x2] =	wrdreg s3  }
0xa9: {  	[dreg:$0x3] =	wrdreg s5  }
0xaa: {  	[dreg:$0x4] =	wrdreg $0xC0  }
0xab: {  	_ =	task [dreg:s7], $0x5FFFF  }
0xac: {  	[dreg:$0x1] =	wrdreg $0xFFFFFFFF  }
0xad: {  	[dreg:$0x0] =	wrdreg $0x60  }
0xae: {  	[dreg:$0x2] =	wrdreg s2  }
0xaf: {  	[dreg:$0x3] =	wrdreg s24  }
0xb0: {  	[dreg:$0x4] =	wrdreg $0xA9000  }
0xb1: {  	[dreg:$0x5] =	wrdreg $0x9  }
0xb2: {  	_ =	task.clear_ibuf [dreg:s7], $0x6FFFF;
	_ =	strace $0x9000004C  }
0xb3: {  	s29 =	simm.s32 $0x9;
	_ =	strace $0x8000004E  }
0xb4: {  	_ =	swait.ge [sflag:s29], $0x1  }
0xb5: {  	[sflag:s29] =	ssyncadd.s32 $0xFFFFFFFF  }
0xb6: {  	_ =	strace $0x9000004E  }
0xb7: {  	_ =	sfence  }
0xb8: {  	s30 =	sld [smem:$0x0];
	_ =	sdelay $0x2  }
0xb9: {  	s31 =	sshll.u32 s1, $0xD;
	s1 =	sshrl.u32 s1, $0x2  }
0xba: {  	s3 =	sand.u32 $0x4000, s31;
	s1 =	sadd.s32 s1, s30  }
0xbb: {  	s0 =	sor.u32 s3, s0;
	s1 =	sshll.u32 s1, $0x11  }
0xbc: {  	s0 =	sor.u32 s1, s0  }
0xbd: {  	s0 =	sadd.s32 $0x8F2B, s0  }
0xbe: {  	[sflag:s0] =	ssyncadd.remote.s32 $0x1  }
0xbf: {  	_ =	sfence.sel $0xFFFF  }
0xc0: {  	[dreg:$0x0] =	wrdreg $0xFFFFFFFF;
	(pc) =	sbr.abs _section_cstart, $3  }
0xc1: {  	[dreg:$0x1] =	wrdreg $0xFFFFFFFF  }
0xc2: {  	_ =	task.clear_ibuf [dreg:s7], $0x2FFFF;
	_ =	strace $0x9FFFFFFF  }
0xc3: {  	(tm) =	ssettm $0x7FFFFFFF  }
tec
execute0_lowered:
.L_overlay_start_1:
0x0: {  	(tag) =	ssettag $0x1  }
0x1: {  	s2 =	rddreg [dreg:$0x0]  }
0x2: {  	s0 =	rddreg [dreg:$0x1]  }
0x3: {  	s3 =	rddreg [dreg:$0x2];
	s12 =	stileid.u32  }
0x4: {  	s4 =	simm.s32 $0x0;
	s6 =	srdreg.scid;
	s8 =	simm.s32 $0x28  }
0x5: {  	s19 =	simm.s32 $0xA100;
	s28 =	simm.s32 $0x1;
	s29 =	simm.s32 $0x2880  }
0x6: {  	s31 =	simm.s32 $0x7900;
	s30 =	simm.s32 $0x5;
	s1 =	smul.u32 $0x2710, s12  }
0x7: {  	[smem:$0x7FF] =	sst s4;
	s5 =	sadd.s32 $0xEC00, s0;
	s6 =	sand.u32 $0x1, s6  }
0x8: {  	s10 =	sadd.s32 $0x9C00, s0;
	s11 =	smul.u32 $0x4E000, s12;
	s15 =	sadd.s32 $0x35E00, s0  }
0x9: {  	s16 =	sadd.s32 $0xD2400, s0;
	p0 =	seq.s32 s12, $0xF;
	s21 =	smul.u32 $0x2700, s12  }
0xa: {  	s24 =	smul.u32 $0x4E2, s12;
	s25 =	sadd.s32 $0x138000, s3;
	p2 =	sne.s32 s12, $0xF  }
0xb: {  	_ =	strace $0x8000004D;
	s9 =	ssub.s32 $0x2, s6;
	[dreg:$0x4] =	wrdreg s15  }
0xc: {  	s8 =	simm.s32 @!p0 $0x27;
	p1 =	seq.s32 s6, $0x1;
	[dreg:$0x5] =	wrdreg s16  }
0xd: {  	s26 =	sshrl.u32 s25, $0x3;
	s6 =	simm.s32 $0x3;
	s1 =	sshrl.u32 s1, $0x3  }
0xe: {  	s20 =	sshrl.u32 s9, $0x1;
	s11 =	sshrl.u32 s11, $0x2;
	s23 =	sadd.s32 s15, s21  }
0xf: {  	s18 =	sadd.s32 s24, s10;
	s24 =	simm.s32 $0x2800;
	[dreg:$0xa] =	wrdreg s26  }
0x10: {  	s26 =	simm.s32 $0x5100;
	s15 =	simm.s32 $0x4;
	s7 =	sadd.s32 s1, s0  }
0x11: {  	s0 =	ssub.s32 s9, s20;
	s9 =	sadd.s32 s11, s3;
	s11 =	sadd.s32 s10, s1  }
0x12: {  	[dreg:$0x8] =	wrdreg s23;
	s1 =	sadd.s32 s16, s21;
	s20 =	simm.s32 $0x7  }
.Ltmp0:
0x13: {  	s21 =	simm.s32 $0x2780;
	s23 =	simm.s32 $0x2900;
	(pc) =	sbr.rel .LBB2_1-.Ltmp0, $4  }
0x14: {  	s16 =	simm.s32 $0x0;
	s7 =	sadd.s32 $0x4C00, s7;
	s22 =	sadd.s32 $0xA, s11  }
0x15: {  	s13 =	sadd.s32 $0x14, s11;
	s14 =	sadd.s32 $0x1E, s11;
	[dreg:$0x9] =	wrdreg s1  }
0x16: {  	s17 =	smax.u32 s0, $0x1;
	s0 =	simm.s32 $0x2;
	[dreg:$0x6] =	wrdreg s7  }
0x17: {  	v0 =	vimm.f32 $0.0e+00;
	[dreg:$0x7] =	wrdreg s22;
	s22 =	simm.s32 $0x50;
	s7 =	simm.s32 $0x6  }
.LBB2_14:
0x18: {  	s10 =	sadd.s32 $0x27000, s10;
	s12 =	rddreg [dreg:$0xa]  }
0x19: {  	[hbm:s10], [sflag:s1] =	dma.local [spmem:s12], $0x100  }
0x1a: {  	_ =	swait.ge [sflag:s20], $0x100  }
0x1b: {  	[sflag:s20] =	ssyncset.done $0x0  }
0x1c: {  	[sflag:s20] =	ssyncadd.s32 $0xFFFFFF00  }
.LBB2_15:
0x1d: {  	s16 =	sadd.s32 $0x1, s16  }
0x1e: {  	p3 =	sne.s32 s16, s17  }
.Ltmp1:
0x1f: {  	_ = 	snop;
	(pc) =	sbr.rel @!p3 .LBB2_16-.Ltmp1, $1  }
0x20: {  	_ =	sdelay $0x3  }
.LBB2_1:
0x21: {  	s1 =	simm.s32 $0x0;
	s10 =	simm.s32 $0x200  }
.LBB2_2:
0x22: {  	p3 =	sne.s32 s10, $0x1E00;
	[tilespmem:s1+$0xA170] =	vst v0  }
0x23: {  	[tilespmem:s1+$0xA100] =	vst v0  }
0x24: {  	[tilespmem:s1+$0xA110] =	vst v0  }
.Ltmp2:
0x25: {  	[tilespmem:s1+$0xA120] =	vst v0;
	(pc) =	sbr.rel @p3 .LBB2_2-.Ltmp2, $4  }
0x26: {  	[tilespmem:s1+$0xA130] =	vst v0  }
0x27: {  	[tilespmem:s1+$0xA140] =	vst v0  }
0x28: {  	[tilespmem:s1+$0xA150] =	vst v0  }
0x29: {  	[tilespmem:s1+$0xA160] =	vst v0;
	s1 =	sshra.s32 s10, $0x2;
	s10 =	sadd.s32 $0x200, s10  }
0x2a: {  	[tilespmem:s1+$0xA170] =	vst v0  }
0x2b: {  	[tilespmem:s1+$0xA100] =	vst v0  }
0x2c: {  	[tilespmem:s1+$0xA110] =	vst v0  }
0x2d: {  	[tilespmem:s1+$0xA120] =	vst v0  }
0x2e: {  	[tilespmem:s1+$0xA130] =	vst v0  }
0x2f: {  	[tilespmem:s1+$0xA140] =	vst v0;
	p3 =	sne.s32 s8, $0x1  }
.Ltmp3:
0x30: {  	[tilespmem:s1+$0xA150] =	vst v0;
	(pc) =	sbr.rel @!p3 .LBB2_5-.Ltmp3, $4  }
0x31: {  	[tilespmem:s1+$0xA160] =	vst v0  }
0x32: {  	[spmem:s9] =	stream.linear.scatter [tilespmem:s19], [sflag:$0x7], $0x800, $0x38;
	[tilespmem:$0x1E180] =	vst v63  }
0x33: {  	_ =	swait.ge [sflag:s20], $0x800  }
0x34: {  	s1 =	sadd.s32 $0xFFFFFFFF, s8;
	s10 =	smov.u32 s9;
	[sflag:s20] =	ssyncset.done $0x0  }
.LBB2_4:
0x35: {  	p3 =	sne.s32 s1, $0x1;
	[sflag:s20] =	ssyncadd.s32 $0xFFFFF800;
	s10 =	sadd.s32 $0x800, s10  }
.Ltmp4:
0x36: {  	s1 =	sadd.s32 $0xFFFFFFFF, s1;
	(pc) =	sbr.rel @p3 .LBB2_4-.Ltmp4, $4  }
0x37: {  	_ = 	snop  }
0x38: {  	[spmem:s10] =	stream.linear.scatter [tilespmem:s19], [sflag:$0x7], $0x800, $0x38;
	[tilespmem:$0x1E180] =	vst v63  }
0x39: {  	_ =	swait.ge [sflag:s20], $0x800  }
0x3a: {  	[sflag:s20] =	ssyncset.done $0x0  }
.LBB2_5:
0x3b: {  	[sflag:s20] =	ssyncadd.s32 $0xFFFFF800;
	s1 =	rddreg [dreg:$0x6]  }
0x3c: {  	[tilespmem:s4], [sflag:$0x7] =	stream.linear.gather [hbm4b:s1+s4], $0x2710, $0x38;
	[tilespmem:$0x1E180] =	vst v63  }
.Ltmp5:
0x3d: {  	_ =	swait.ge [sflag:s20], $0x2710;
	(pc) =	sbr.rel @!p1 .LBB2_6-.Ltmp5, $4  }
0x3e: {  	[sflag:s20] =	ssyncset.done $0x0  }
0x3f: {  	[sflag:s20] =	ssyncadd.s32 $0xFFFFD8F0  }
0x40: {  	s25 =	simm.s32 $0x0;
	[bflag:$0x0] =	sbarrier.arrive $0xFFFF  }
0x41: {  	[tilespmem:s21], [sflag:$0x1] =	stream.linear.gather [hbm4b:s11+s4], $0x50, $0x38;
	[tilespmem:$0x1E180] =	vst v63  }
0x42: {  	[tilespmem:s23], [sflag:$0x1] =	stream.indirect.gather [hbm4b:s5+s22], $0x80, s25, s22, $0xb8;
	[tilespmem:$0x1E180] =	vst v63  }
0x43: {  	s1 =	rddreg [dreg:$0x7]  }
0x44: {  	[tilespmem:s24], [sflag:$0x2] =	stream.linear.gather [hbm4b:s1+s25], $0x50, $0x38;
	[tilespmem:$0x1E180] =	vst v63  }
0x45: {  	_ = 	snop  }
0x46: {  	[tilespmem:s26], [sflag:$0x2] =	stream.indirect.gather [hbm4b:s5+s22], $0x80, s22, s22, $0xb8;
	[tilespmem:$0x1E180] =	vst v63  }
0x47: {  	_ =	swait.ge [sflag:s28], $0x50  }
0x48: {  	[sflag:s28] =	ssyncset.done $0x0  }
0x49: {  	[sflag:s28] =	ssyncadd.s32 $0xFFFFFFB0  }
0x4a: {  	_ =	swait.ge [sflag:s28], $0x2800  }
0x4b: {  	[sflag:s28] =	ssyncset.done $0x0  }
0x4c: {  	[sflag:s28] =	ssyncadd.s32 $0xFFFFD800  }
0x4d: {  	[spmem:s3] =	stream.indirect.scatter.add.f32 [tilespmem:s23], [sflag:$0x4], $0x80, s21, s22, $0xb8;
	[tilespmem:$0x1E180] =	vst v63  }
0x4e: {  	_ = 	snop  }
0x4f: {  	[tilespmem:s29], [sflag:$0x3] =	stream.linear.gather [hbm4b:s13+s25], $0x50, $0x38;
	[tilespmem:$0x1E180] =	vst v63  }
0x50: {  	s10 =	simm.s32 $0xA0  }
0x51: {  	[tilespmem:s31], [sflag:$0x3] =	stream.indirect.gather [hbm4b:s5+s22], $0x80, s10, s22, $0xb8;
	[tilespmem:$0x1E180] =	vst v63  }
0x52: {  	_ =	swait.ge [sflag:s0], $0x50  }
0x53: {  	[sflag:s0] =	ssyncset.done $0x0  }
0x54: {  	[sflag:s0] =	ssyncadd.s32 $0xFFFFFFB0  }
0x55: {  	_ =	swait.ge [sflag:s0], $0x2800  }
0x56: {  	[sflag:s0] =	ssyncset.done $0x0  }
0x57: {  	[sflag:s0] =	ssyncadd.s32 $0xFFFFD800  }
0x58: {  	_ =	swait.ge [sflag:s15], $0x2800  }
0x59: {  	[sflag:s15] =	ssyncset.done $0x0  }
0x5a: {  	[sflag:s15] =	ssyncadd.s32 $0xFFFFD800  }
0x5b: {  	[spmem:s3] =	stream.indirect.scatter.add.f32 [tilespmem:s26], [sflag:$0x5], $0x80, s24, s22, $0xb8;
	[tilespmem:$0x1E180] =	vst v63  }
0x5c: {  	_ = 	snop  }
0x5d: {  	[tilespmem:s21], [sflag:$0x1] =	stream.linear.gather [hbm4b:s14+s25], $0x50, $0x38;
	[tilespmem:$0x1E180] =	vst v63  }
0x5e: {  	s12 =	simm.s32 $0xF0;
	s1 =	simm.s32 $0x1E0  }
0x5f: {  	[tilespmem:s23], [sflag:$0x1] =	stream.indirect.gather [hbm4b:s5+s22], $0x80, s12, s22, $0xb8;
	[tilespmem:$0x1E180] =	vst v63  }
.LBB2_11:
0x60: {  	_ =	swait.ge [sflag:s6], $0x50  }
0x61: {  	[sflag:s6] =	ssyncset.done $0x0  }
0x62: {  	[sflag:s6] =	ssyncadd.s32 $0xFFFFFFB0  }
0x63: {  	_ =	swait.ge [sflag:s6], $0x2800  }
0x64: {  	[sflag:s6] =	ssyncset.done $0x0  }
0x65: {  	[sflag:s6] =	ssyncadd.s32 $0xFFFFD800  }
0x66: {  	_ =	swait.ge [sflag:s30], $0x2800  }
0x67: {  	[sflag:s30] =	ssyncset.done $0x0  }
0x68: {  	s10 =	sadd.s32 s25, s18;
	[sflag:s30] =	ssyncadd.s32 $0xFFFFD800  }
0x69: {  	[spmem:s3] =	stream.indirect.scatter.add.f32 [tilespmem:s31], [sflag:$0x6], $0x80, s29, s22, $0xb8;
	[tilespmem:$0x1E180] =	vst v63  }
0x6a: {  	s12 =	sadd.s32 $0x28, s10  }
0x6b: {  	[tilespmem:s24], [sflag:$0x2] =	stream.linear.gather [hbm4b:s12+s4], $0x50, $0x38;
	[tilespmem:$0x1E180] =	vst v63  }
0x6c: {  	s12 =	sadd.s32 $0xFFFFFF60, s1  }
0x6d: {  	[tilespmem:s26], [sflag:$0x2] =	stream.indirect.gather [hbm4b:s5+s22], $0x80, s12, s22, $0xb8;
	[tilespmem:$0x1E180] =	vst v63  }
0x6e: {  	_ =	swait.ge [sflag:s28], $0x50  }
0x6f: {  	[sflag:s28] =	ssyncset.done $0x0  }
0x70: {  	[sflag:s28] =	ssyncadd.s32 $0xFFFFFFB0  }
0x71: {  	_ =	swait.ge [sflag:s28], $0x2800  }
0x72: {  	p3 =	seq.s32 s25, $0x4B0;
	[sflag:s28] =	ssyncset.done $0x0  }
.Ltmp6:
0x73: {  	[sflag:s28] =	ssyncadd.s32 $0xFFFFD800;
	(pc) =	sbr.rel @p3 .LBB2_13-.Ltmp6, $4  }
0x74: {  	_ =	swait.ge [sflag:s7], $0x2800  }
0x75: {  	[sflag:s7] =	ssyncset.done $0x0  }
0x76: {  	[sflag:s7] =	ssyncadd.s32 $0xFFFFD800  }
0x77: {  	[spmem:s3] =	stream.indirect.scatter.add.f32 [tilespmem:s23], [sflag:$0x4], $0x80, s21, s22, $0xb8;
	[tilespmem:$0x1E180] =	vst v63  }
0x78: {  	s12 =	sadd.s32 $0x32, s10  }
0x79: {  	[tilespmem:s29], [sflag:$0x3] =	stream.linear.gather [hbm4b:s12+s4], $0x50, $0x38;
	[tilespmem:$0x1E180] =	vst v63  }
0x7a: {  	s12 =	sadd.s32 $0xFFFFFFB0, s1  }
0x7b: {  	[tilespmem:s31], [sflag:$0x3] =	stream.indirect.gather [hbm4b:s5+s22], $0x80, s12, s22, $0xb8;
	[tilespmem:$0x1E180] =	vst v63  }
0x7c: {  	_ =	swait.ge [sflag:s0], $0x50  }
0x7d: {  	[sflag:s0] =	ssyncset.done $0x0  }
0x7e: {  	[sflag:s0] =	ssyncadd.s32 $0xFFFFFFB0  }
0x7f: {  	_ =	swait.ge [sflag:s0], $0x2800  }
0x80: {  	[sflag:s0] =	ssyncset.done $0x0  }
0x81: {  	[sflag:s0] =	ssyncadd.s32 $0xFFFFD800  }
0x82: {  	_ =	swait.ge [sflag:s15], $0x2800  }
0x83: {  	[sflag:s15] =	ssyncset.done $0x0  }
0x84: {  	[sflag:s15] =	ssyncadd.s32 $0xFFFFD800  }
0x85: {  	[spmem:s3] =	stream.indirect.scatter.add.f32 [tilespmem:s26], [sflag:$0x5], $0x80, s24, s22, $0xb8;
	[tilespmem:$0x1E180] =	vst v63  }
.Ltmp7:
0x86: {  	s12 =	sadd.s32 $0x3C, s10;
	(pc) =	sbr.rel .LBB2_11-.Ltmp7, $4  }
0x87: {  	[tilespmem:s21], [sflag:$0x1] =	stream.linear.gather [hbm4b:s12+s4], $0x50, $0x38;
	[tilespmem:$0x1E180] =	vst v63  }
0x88: {  	_ = 	snop  }
0x89: {  	[tilespmem:s23], [sflag:$0x1] =	stream.indirect.gather [hbm4b:s5+s22], $0x80, s1, s22, $0xb8;
	[tilespmem:$0x1E180] =	vst v63  }
0x8a: {  	s25 =	sadd.s32 $0x1E, s25;
	s1 =	sadd.s32 $0xF0, s1  }
.LBB2_6:
0x8b: {  	[tilespmem:s23], [sflag:$0x1] =	stream.indirect.gather [hbm4b:s2+s22], $0x80, s25, s22, $0xb8;
	[tilespmem:$0x1E180] =	vst v63  }
0x8c: {  	s1 =	rddreg [dreg:$0x7]  }
0x8d: {  	[tilespmem:s24], [sflag:$0x2] =	stream.linear.gather [hbm4b:s1+s25], $0x50, $0x38;
	[tilespmem:$0x1E180] =	vst v63  }
0x8e: {  	_ = 	snop  }
0x8f: {  	[tilespmem:s26], [sflag:$0x2] =	stream.indirect.gather [hbm4b:s2+s22], $0x80, s22, s22, $0xb8;
	[tilespmem:$0x1E180] =	vst v63  }
0x90: {  	_ =	swait.ge [sflag:s28], $0x50  }
0x91: {  	[sflag:s28] =	ssyncset.done $0x0  }
0x92: {  	[sflag:s28] =	ssyncadd.s32 $0xFFFFFFB0  }
0x93: {  	_ =	swait.ge [sflag:s28], $0x2800  }
0x94: {  	[sflag:s28] =	ssyncset.done $0x0  }
0x95: {  	[sflag:s28] =	ssyncadd.s32 $0xFFFFD800  }
0x96: {  	[spmem:s3] =	stream.indirect.scatter.add.f32 [tilespmem:s23], [sflag:$0x4], $0x80, s21, s22, $0xb8;
	[tilespmem:$0x1E180] =	vst v63  }
0x97: {  	_ = 	snop  }
0x98: {  	[tilespmem:s29], [sflag:$0x3] =	stream.linear.gather [hbm4b:s13+s25], $0x50, $0x38;
	[tilespmem:$0x1E180] =	vst v63  }
0x99: {  	s10 =	simm.s32 $0xA0  }
0x9a: {  	[tilespmem:s31], [sflag:$0x3] =	stream.indirect.gather [hbm4b:s2+s22], $0x80, s10, s22, $0xb8;
	[tilespmem:$0x1E180] =	vst v63  }
0x9b: {  	_ =	swait.ge [sflag:s0], $0x50  }
0x9c: {  	[sflag:s0] =	ssyncset.done $0x0  }
0x9d: {  	[sflag:s0] =	ssyncadd.s32 $0xFFFFFFB0  }
0x9e: {  	_ =	swait.ge [sflag:s0], $0x2800  }
0x9f: {  	[sflag:s0] =	ssyncset.done $0x0  }
0xa0: {  	[sflag:s0] =	ssyncadd.s32 $0xFFFFD800  }
0xa1: {  	_ =	swait.ge [sflag:s15], $0x2800  }
0xa2: {  	[sflag:s15] =	ssyncset.done $0x0  }
0xa3: {  	[sflag:s15] =	ssyncadd.s32 $0xFFFFD800  }
0xa4: {  	[spmem:s3] =	stream.indirect.scatter.add.f32 [tilespmem:s26], [sflag:$0x5], $0x80, s24, s22, $0xb8;
	[tilespmem:$0x1E180] =	vst v63  }
0xa5: {  	_ = 	snop  }
0xa6: {  	[tilespmem:s21], [sflag:$0x1] =	stream.linear.gather [hbm4b:s14+s25], $0x50, $0x38;
	[tilespmem:$0x1E180] =	vst v63  }
0xa7: {  	s12 =	simm.s32 $0xF0;
	s1 =	simm.s32 $0x1E0  }
0xa8: {  	[tilespmem:s23], [sflag:$0x1] =	stream.indirect.gather [hbm4b:s2+s22], $0x80, s12, s22, $0xb8;
	[tilespmem:$0x1E180] =	vst v63  }
.LBB2_7:
0xa9: {  	_ =	swait.ge [sflag:s6], $0x50  }
0xaa: {  	[sflag:s6] =	ssyncset.done $0x0  }
0xab: {  	[sflag:s6] =	ssyncadd.s32 $0xFFFFFFB0  }
0xac: {  	_ =	swait.ge [sflag:s6], $0x2800  }
0xad: {  	[sflag:s6] =	ssyncset.done $0x0  }
0xae: {  	[sflag:s6] =	ssyncadd.s32 $0xFFFFD800  }
0xaf: {  	_ =	swait.ge [sflag:s30], $0x2800  }
0xb0: {  	[sflag:s30] =	ssyncset.done $0x0  }
0xb1: {  	s10 =	sadd.s32 s25, s18;
	[sflag:s30] =	ssyncadd.s32 $0xFFFFD800  }
0xb2: {  	[spmem:s3] =	stream.indirect.scatter.add.f32 [tilespmem:s31], [sflag:$0x6], $0x80, s29, s22, $0xb8;
	[tilespmem:$0x1E180] =	vst v63  }
0xb3: {  	s12 =	sadd.s32 $0x28, s10  }
0xb4: {  	[tilespmem:s24], [sflag:$0x2] =	stream.linear.gather [hbm4b:s12+s4], $0x50, $0x38;
	[tilespmem:$0x1E180] =	vst v63  }
0xb5: {  	s12 =	sadd.s32 $0xFFFFFF60, s1  }
0xb6: {  	[tilespmem:s26], [sflag:$0x2] =	stream.indirect.gather [hbm4b:s2+s22], $0x80, s12, s22, $0xb8;
	[tilespmem:$0x1E180] =	vst v63  }
0xb7: {  	_ =	swait.ge [sflag:s28], $0x50  }
0xb8: {  	[sflag:s28] =	ssyncset.done $0x0  }
0xb9: {  	[sflag:s28] =	ssyncadd.s32 $0xFFFFFFB0  }
0xba: {  	_ =	swait.ge [sflag:s28], $0x2800  }
0xbb: {  	p3 =	seq.s32 s25, $0x4B0;
	[sflag:s28] =	ssyncset.done $0x0  }
.Ltmp8:
0xbc: {  	[sflag:s28] =	ssyncadd.s32 $0xFFFFD800;
	(pc) =	sbr.rel @p3 .LBB2_9-.Ltmp8, $4  }
0xbd: {  	_ =	swait.ge [sflag:s7], $0x2800  }
0xbe: {  	[sflag:s7] =	ssyncset.done $0x0  }
0xbf: {  	[sflag:s7] =	ssyncadd.s32 $0xFFFFD800  }
0xc0: {  	[spmem:s3] =	stream.indirect.scatter.add.f32 [tilespmem:s23], [sflag:$0x4], $0x80, s21, s22, $0xb8;
	[tilespmem:$0x1E180] =	vst v63  }
0xc1: {  	s12 =	sadd.s32 $0x32, s10  }
0xc2: {  	[tilespmem:s29], [sflag:$0x3] =	stream.linear.gather [hbm4b:s12+s4], $0x50, $0x38;
	[tilespmem:$0x1E180] =	vst v63  }
0xc3: {  	s12 =	sadd.s32 $0xFFFFFFB0, s1  }
0xc4: {  	[tilespmem:s31], [sflag:$0x3] =	stream.indirect.gather [hbm4b:s2+s22], $0x80, s12, s22, $0xb8;
	[tilespmem:$0x1E180] =	vst v63  }
0xc5: {  	_ =	swait.ge [sflag:s0], $0x50  }
0xc6: {  	[sflag:s0] =	ssyncset.done $0x0  }
0xc7: {  	[sflag:s0] =	ssyncadd.s32 $0xFFFFFFB0  }
0xc8: {  	_ =	swait.ge [sflag:s0], $0x2800  }
0xc9: {  	[sflag:s0] =	ssyncset.done $0x0  }
0xca: {  	[sflag:s0] =	ssyncadd.s32 $0xFFFFD800  }
0xcb: {  	_ =	swait.ge [sflag:s15], $0x2800  }
0xcc: {  	[sflag:s15] =	ssyncset.done $0x0  }
0xcd: {  	[sflag:s15] =	ssyncadd.s32 $0xFFFFD800  }
0xce: {  	[spmem:s3] =	stream.indirect.scatter.add.f32 [tilespmem:s26], [sflag:$0x5], $0x80, s24, s22, $0xb8;
	[tilespmem:$0x1E180] =	vst v63  }
.Ltmp9:
0xcf: {  	s12 =	sadd.s32 $0x3C, s10;
	(pc) =	sbr.rel .LBB2_7-.Ltmp9, $4  }
0xd0: {  	[tilespmem:s21], [sflag:$0x1] =	stream.linear.gather [hbm4b:s12+s4], $0x50, $0x38;
	[tilespmem:$0x1E180] =	vst v63  }
0xd1: {  	_ = 	snop  }
0xd2: {  	[tilespmem:s23], [sflag:$0x1] =	stream.indirect.gather [hbm4b:s2+s22], $0x80, s1, s22, $0xb8;
	[tilespmem:$0x1E180] =	vst v63  }
0xd3: {  	s25 =	sadd.s32 $0x1E, s25;
	s1 =	sadd.s32 $0xF0, s1  }
.LBB2_13:
0xd4: {  	_ =	swait.ge [sflag:s0], $0x50  }
0xd5: {  	[sflag:s0] =	ssyncset.done $0x0  }
0xd6: {  	[sflag:s0] =	ssyncadd.s32 $0xFFFFFFB0  }
0xd7: {  	_ =	swait.ge [sflag:s0], $0x2800  }
0xd8: {  	[sflag:s0] =	ssyncset.done $0x0  }
0xd9: {  	[sflag:s0] =	ssyncadd.s32 $0xFFFFD800  }
0xda: {  	_ =	swait.ge [sflag:s15], $0x2800  }
0xdb: {  	[sflag:s15] =	ssyncset.done $0x0  }
0xdc: {  	[sflag:s15] =	ssyncadd.s32 $0xFFFFD800  }
0xdd: {  	[spmem:s3] =	stream.indirect.scatter.add.f32 [tilespmem:s26], [sflag:$0x5], $0x80, s24, s22, $0xb8;
	[tilespmem:$0x1E180] =	vst v63  }
0xde: {  	_ =	swait.ge [sflag:s30], $0x2800  }
0xdf: {  	[sflag:s30] =	ssyncset.done $0x0  }
0xe0: {  	s1 =	stileid.u32;
	[sflag:s30] =	ssyncadd.s32 $0xFFFFD800  }
0xe1: {  	s1 =	sshll.u32 s1, $0x6;
	[bflag:$0x0] =	sbarrier.arrive $0xFFFF  }
0xe2: {  	s10 =	sshrl.u32 s9, $0x3;
	s1 =	sor.u32 $0x1C07, s1;
	s12 =	rddreg [dreg:$0x9]  }
0xe3: {  	[hbm:s12], [sflag:s1] =	dma.local [spmem:s10], $0x2700  }
.Ltmp10:
0xe4: {  	_ = 	snop;
	(pc) =	sbr.rel @p2 .LBB2_15-.Ltmp10, $4  }
.Ltmp11:
0xe5: {  	_ = 	snop;
	(pc) =	sbr.rel @!p2 .LBB2_14-.Ltmp11, $4  }
0xe6: {  	_ =	swait.ge [sflag:s20], $0x2700  }
0xe7: {  	[sflag:s20] =	ssyncset.done $0x0  }
0xe8: {  	s10 =	rddreg [dreg:$0x5];
	[sflag:s20] =	ssyncadd.s32 $0xFFFFD900  }
0xe9: {  	_ = 	snop  }
.LBB2_9:
0xea: {  	_ =	swait.ge [sflag:s0], $0x50  }
0xeb: {  	[sflag:s0] =	ssyncset.done $0x0  }
0xec: {  	[sflag:s0] =	ssyncadd.s32 $0xFFFFFFB0  }
0xed: {  	_ =	swait.ge [sflag:s0], $0x2800  }
0xee: {  	[sflag:s0] =	ssyncset.done $0x0  }
0xef: {  	[sflag:s0] =	ssyncadd.s32 $0xFFFFD800  }
0xf0: {  	_ =	swait.ge [sflag:s15], $0x2800  }
0xf1: {  	[sflag:s15] =	ssyncset.done $0x0  }
0xf2: {  	[sflag:s15] =	ssyncadd.s32 $0xFFFFD800  }
0xf3: {  	[spmem:s3] =	stream.indirect.scatter.add.f32 [tilespmem:s26], [sflag:$0x5], $0x80, s24, s22, $0xb8;
	[tilespmem:$0x1E180] =	vst v63  }
0xf4: {  	_ =	swait.ge [sflag:s30], $0x2800  }
0xf5: {  	[sflag:s30] =	ssyncset.done $0x0  }
0xf6: {  	s1 =	stileid.u32;
	[sflag:s30] =	ssyncadd.s32 $0xFFFFD800  }
0xf7: {  	s1 =	sshll.u32 s1, $0x6;
	[bflag:$0x0] =	sbarrier.arrive $0xFFFF  }
0xf8: {  	s10 =	sshrl.u32 s9, $0x3;
	s1 =	sor.u32 $0x1C07, s1;
	s12 =	rddreg [dreg:$0x8]  }
0xf9: {  	[hbm:s12], [sflag:s1] =	dma.local [spmem:s10], $0x2700  }
.Ltmp12:
0xfa: {  	_ = 	snop;
	(pc) =	sbr.rel @p0 .LBB2_14-.Ltmp12, $4  }
.Ltmp13:
0xfb: {  	_ = 	snop;
	(pc) =	sbr.rel @!p0 .LBB2_15-.Ltmp13, $4  }
0xfc: {  	_ =	swait.ge [sflag:s20], $0x2700  }
0xfd: {  	[sflag:s20] =	ssyncset.done $0x0  }
0xfe: {  	s10 =	rddreg [dreg:$0x4];
	[sflag:s20] =	ssyncadd.s32 $0xFFFFD900  }
0xff: {  	_ = 	snop  }
.LBB2_16:
0x100: {  	_ =	sfence.sel $0x180000  }
0x101: {  	[bflag:$0x0] =	sbarrier.arrive $0xFFFF  }
0x102: {  	_ =	strace $0x9000004D  }
0x103: {  	s0 =	stileid.u32;
	[bflag:$0x2] =	sbarrier.arrive $0xFFFF  }
0x104: {  	p0 =	sne.s32 s0, $0x0;
	s0 =	rddreg [dreg:$0x3]  }
0x105: {  	s0 =	sadd.s32 @!p0 $0x100000, s0  }
0x106: {  	[sflag:s0] =	ssyncadd.tile.s32 @!p0 $0x1;
	_ =	shalt  }
.Lfunc_end2:
_tile_overlayer_lowered:
.L_overlay_start_2:
0x107: {  	(tag) =	ssettag $0x2  }
0x108: {  	s0 =	rddreg [dreg:$0x0];
	s2 =	stileid.u32  }
0x109: {  	s1 =	rddreg [dreg:$0x1];
	p0 =	sne.s32 s2, $0x0  }
0x10a: {  	s3 =	rddreg [dreg:$0x2];
	[bflag:$0x3] =	sbarrier.arrive $0xFFFF;
	s2 =	simm.s32 @!p0 $0x1C07  }
0x10b: {  	[timem:s3], [sflag:s2] =	dma.local @!p0 [hbm:s0], s1  }
0x10c: {  	s0 =	simm.s32 @!p0 $0x7  }
0x10d: {  	_ =	swait.ge @!p0 [sflag:s0], s1  }
0x10e: {  	s1 =	ssub.s32 @!p0 $0x0, s1;
	[sflag:s0] =	ssyncset.done @!p0 $0x0  }
0x10f: {  	[sflag:s0] =	ssyncadd.s32 @!p0 s1  }
0x110: {  	[bflag:$0x3] =	sbarrier.arrive $0xFFFF  }
0x111: {  	_ =	shalt  }

// kernel: kernel.9.cloned.1.call-start
scs
__scs_entry_jumppad:
0x0: {  	(pc) =	sbr.rel $0x88, $3  }
0x1: {  	(tag) =	ssettag $0x0;
	lr =	simm.s32 $0x1  }
0x2: {  	[smem:$0x3F93] =	sst lr;
	_ =	strace $0xD0000000  }
0x3: {  	_ = 	snop  }
0x4: {  	_ = 	snop  }
0x5: {  	_ = 	snop  }
0x6: {  	_ = 	snop  }
0x7: {  	_ = 	snop  }
__scs_overlays_trampoline_lowered:
0x8: {  	[smem:$0x3FA2] =	sst s0  }
0x9: {  	[smem:$0x3FA3] =	sst s1  }
0xa: {  	[smem:$0x3FA4] =	sst s2  }
0xb: {  	[smem:$0x3FA5] =	sst s3  }
0xc: {  	[smem:$0x3FA6] =	sst s4  }
0xd: {  	[smem:$0x3FA7] =	sst s5  }
0xe: {  	[smem:$0x3FA8] =	sst s6  }
0xf: {  	[smem:$0x3FA9] =	sst s7  }
0x10: {  	[smem:$0x3FAA] =	sst s8  }
0x11: {  	[smem:$0x3FAB] =	sst s9;
	s0 =	simm.s32 @!p0 $0x0  }
0x12: {  	s1 =	sld [smem:$0x3F91];
	s0 =	simm.s32 @p0 $0x1  }
0x13: {  	[smem:$0x3FAC] =	sst s0;
	s0 =	simm.s32 @!p1 $0x0  }
0x14: {  	s2 =	sld [smem:$0x3F90];
	s0 =	simm.s32 @p1 $0x1  }
0x15: {  	[smem:$0x3FAD] =	sst s0;
	s0 =	simm.s32 @!p2 $0x0  }
0x16: {  	s3 =	sld [smem:$0x3FDB];
	s0 =	simm.s32 @p2 $0x1  }
0x17: {  	s4 =	simm.s32 $0x1BF5;
	[smem:$0x3FAF] =	sst s0  }
0x18: {  	s0 =	sld [smem:$0x3F92];
	_ =	swait.ge [sflag:s4], $0x0  }
0x19: {  	s7 =	sld [smem:$0x3F93]  }
0x1a: {  	s8 =	sadd.s32 $0xFFFFE003, lr  }
0x1b: {  	s9 =	sadd.s32 $0xFFFFFEF7, lr;
	s5 =	simm.s32 $0xFFFFFFFF;
	p2 =	slt.u32 s8, $0xFFFFF086  }
0x1c: {  	p1 =	slt.u32 s9, $0xF7A;
	s5 =	simm.s32 @!p2 $0x0  }
0x1d: {  	s5 =	simm.s32 @p1 $0x1;
	p0 =	seq.s32 s7, s2  }
0x1e: {  	s7 =	smul.u32 @!p0 $0xF7A, s2;
	p2 =	seq.s32 @!p0 s5, $0x0  }
0x1f: {  	s9 =	smul.u32 $0xF7A, s1;
	s8 =	simm.s32 @!p0 $0x1BF5;
	p2 =	por !p2, p0  }
0x20: {  	[sflag:s8] =	ssyncset.s32 @!p0 $0xFFFFF086;
	s6 =	sadd.s32 @!p0 s3, s7;
	s7 =	simm.s32 @!p0 $0x108  }
0x21: {  	s3 =	sadd.s32 s3, s9;
	s6 =	sadd.s32 @!p0 $0x88, s6;
	s7 =	simm.s32 @p2 $0x1082  }
0x22: {  	[simem:s7], [sflag:s8] =	dma.local @!p0 [hbm:s6], $0xF7A  }
0x23: {  	s9 =	sor.u32 $0xD0000000, s2;
	s6 =	simm.s32 $0x108;
	_ =	swait.ge @!p0 [sflag:s8], $0x0  }
0x24: {  	s3 =	sadd.s32 $0x88, s3;
	s6 =	simm.s32 @!p1 $0x1082;
	[sflag:s4] =	ssyncset.s32 $0xFFFFF086  }
0x25: {  	[simem:s6], [sflag:s4] =	dma.local [hbm:s3], $0xF7A  }
0x26: {  	[smem:$0x3F93] =	sst s1;
	(tag) =	ssettag s2;
	_ =	strace s9  }
0x27: {  	s1 =	sld [smem:$0x3FA3]  }
0x28: {  	s2 =	sld [smem:$0x3FA4]  }
0x29: {  	s4 =	sld [smem:$0x3FA6]  }
0x2a: {  	p0 =	seq.s32 s5, $0x0;
	s5 =	sld [smem:$0x3FA7]  }
0x2b: {  	s6 =	sld [smem:$0x3FA8]  }
0x2c: {  	s7 =	sld [smem:$0x3FA9]  }
0x2d: {  	s3 =	simm.s32 $0x108;
	s8 =	sld [smem:$0x3FAA]  }
0x2e: {  	s3 =	simm.s32 @!p0 $0x1082;
	s9 =	sld [smem:$0x3FAB]  }
0x2f: {  	lr =	sadd.s32 s0, s3;
	s0 =	sld [smem:$0x3FA2]  }
0x30: {  	s3 =	sld [smem:$0x3FA5]  }
0x31: {  	[smem:$0x3FAE] =	sst s10  }
0x32: {  	s10 =	sld [smem:$0x3FAC];
	_ =	sdelay $0x3  }
0x33: {  	p0 =	seq.s32 s10, $0x1;
	s10 =	sld [smem:$0x3FAE];
	_ =	sdelay $0x3  }
0x34: {  	[smem:$0x3FAE] =	sst s10  }
0x35: {  	s10 =	sld [smem:$0x3FAD];
	_ =	sdelay $0x3  }
0x36: {  	p1 =	seq.s32 s10, $0x1;
	s10 =	sld [smem:$0x3FAE];
	_ =	sdelay $0x3  }
0x37: {  	[smem:$0x3FAE] =	sst s10  }
0x38: {  	s10 =	sld [smem:$0x3FAF]  }
0x39: {  	_ = 	snop;
	(pc) =	sbr.ind lr, $3  }
0x3a: {  	_ = 	snop  }
0x3b: {  	_ = 	snop  }
0x3c: {  	p2 =	seq.s32 s10, $0x1;
	s10 =	sld [smem:$0x3FAE]  }
0x3d: {  	_ =	shalt  }
0x3e: {  	_ =	shalt  }
0x3f: {  	_ =	shalt  }
0x40: {  	_ =	shalt  }
0x41: {  	_ =	shalt  }
0x42: {  	_ =	shalt  }
0x43: {  	_ =	shalt  }
0x44: {  	_ =	shalt  }
0x45: {  	_ =	shalt  }
0x46: {  	_ =	shalt  }
0x47: {  	_ =	shalt  }
0x48: {  	_ =	shalt  }
0x49: {  	_ =	shalt  }
0x4a: {  	_ =	shalt  }
0x4b: {  	_ =	shalt  }
0x4c: {  	_ =	shalt  }
0x4d: {  	_ =	shalt  }
0x4e: {  	_ =	shalt  }
0x4f: {  	_ =	shalt  }
0x50: {  	_ =	shalt  }
0x51: {  	_ =	shalt  }
0x52: {  	_ =	shalt  }
0x53: {  	_ =	shalt  }
0x54: {  	_ =	shalt  }
0x55: {  	_ =	shalt  }
0x56: {  	_ =	shalt  }
0x57: {  	_ =	shalt  }
0x58: {  	_ =	shalt  }
0x59: {  	_ =	shalt  }
0x5a: {  	_ =	shalt  }
0x5b: {  	_ =	shalt  }
0x5c: {  	_ =	shalt  }
0x5d: {  	_ =	shalt  }
0x5e: {  	_ =	shalt  }
0x5f: {  	_ =	shalt  }
0x60: {  	_ =	shalt  }
0x61: {  	_ =	shalt  }
0x62: {  	_ =	shalt  }
0x63: {  	_ =	shalt  }
0x64: {  	_ =	shalt  }
0x65: {  	_ =	shalt  }
0x66: {  	_ =	shalt  }
0x67: {  	_ =	shalt  }
0x68: {  	_ =	shalt  }
0x69: {  	_ =	shalt  }
0x6a: {  	_ =	shalt  }
0x6b: {  	_ =	shalt  }
0x6c: {  	_ =	shalt  }
0x6d: {  	_ =	shalt  }
0x6e: {  	_ =	shalt  }
0x6f: {  	_ =	shalt  }
0x70: {  	_ =	shalt  }
0x71: {  	_ =	shalt  }
0x72: {  	_ =	shalt  }
0x73: {  	_ =	shalt  }
0x74: {  	_ =	shalt  }
0x75: {  	_ =	shalt  }
0x76: {  	_ =	shalt  }
0x77: {  	_ =	shalt  }
0x78: {  	_ =	shalt  }
0x79: {  	_ =	shalt  }
0x7a: {  	_ =	shalt  }
0x7b: {  	_ =	shalt  }
0x7c: {  	_ =	shalt  }
0x7d: {  	_ =	shalt  }
0x7e: {  	_ =	shalt  }
0x7f: {  	_ =	shalt  }
0x80: {  	_ =	shalt  }
0x81: {  	_ =	shalt  }
0x82: {  	_ =	shalt  }
0x83: {  	_ =	shalt  }
0x84: {  	_ =	shalt  }
0x85: {  	_ =	shalt  }
0x86: {  	_ =	shalt  }
0x87: {  	_ =	shalt  }
.Lfunc_end0:
.L_simem_size_0:
called_computation_lowered:
.L_overlay_start_0:
0x88: {  	s2 =	sld [smem:$0x3FD9]  }
0x89: {  	s3 =	sld [smem:$0x3FFE];
	_ =	sdelay $0x1  }
0x8a: {  	s1 =	srdreg.scid  }
0x8b: {  	s0 =	sand.u32 $0x1, s1  }
0x8c: {  	s16 =	sshll.u32 s0, $0xA;
	s2 =	sadd.s32 s3, s2  }
0x8d: {  	s2 =	sadd.s32 s2, s16  }
0x8e: {  	[smem:$0x3FBA] =	sst s2  }
0x8f: {  	_ = 	snop  }
0x90: {  	(tm) =	ssettm $0x1  }
0x91: {  	s17 =	sld [smem:$0x3FFB];
	_ =	sdelay $0x3  }
0x92: {  	_ =	strace s17  }
0x93: {  	s2 =	sld [smem:$0x3FFC];
	_ =	sdelay $0x3  }
0x94: {  	_ =	strace s2  }
0x95: {  	s2 =	sld [smem:$0x3FFD];
	_ =	sdelay $0x3  }
0x96: {  	_ =	strace s2  }
0x97: {  	_ =	strace $0x8FFFFFFF  }
0x98: {  	s18 =	sld [smem:$0x3FDB];
	_ =	sdelay $0x1  }
0x99: {  	s19 =	simm.s32 $_scs_section_size  }
0x9a: {  	s4 =	simm.s32 $_size__tile_overlayer_lowered;
	s5 =	simm.s32 $_tile_overlayer_lowered  }
0x9b: {  	s22 =	simm.s32 $0x1BFF;
	s21 =	sshll.u32 s5, $0x1;
	s2 =	sadd.s32 s19, s18  }
0x9c: {  	s6 =	simm.s32 $0x0;
	s20 =	sshll.u32 s4, $0x1;
	s4 =	sadd.s32 s21, s2  }
0x9d: {  	[timem:s6], [sflag:s22] =	dma.local [hbm:s4], s20  }
0x9e: {  	_ =	swait.ge [sflag:s22], s20  }
0x9f: {  	s3 =	ssub.s32 $0x0, s20;
	[sflag:s22] =	ssyncset.done $0x0  }
0xa0: {  	[sflag:s22] =	ssyncadd.s32 s3;
	_ =	sdelay $0x1  }
0xa1: {  	s23 =	simm.s32 $0x1B8B  }
0xa2: {  	_ =	swait.ge [sflag:s23], $0x1  }
0xa3: {  	[sflag:s23] =	ssyncset.done $0x0  }
0xa4: {  	s25 =	simm.s32 $0x1B8E;
	s24 =	sld [smem:$0x3FFE];
	[sflag:s23] =	ssyncadd.s32 $0xFFFFFFFF  }
0xa5: {  	s26 =	simm.s32 $execute0_lowered;
	[smem:$0x3FD2] =	sst s25  }
0xa6: {  	s4 =	sshll.u32 s26, $0x1;
	_ =	strace $0x80000046;
	[dreg:$0x1] =	wrdreg $0xFFFFFFFF  }
0xa7: {  	s28 =	simm.s32 $_size_execute0_lowered;
	s2 =	sadd.s32 s2, s4;
	[dreg:$0x0] =	wrdreg $0x0  }
0xa8: {  	s4 =	sshll.u32 s28, $0x1;
	[dreg:$0x2] =	wrdreg s2  }
0xa9: {  	[dreg:$0x3] =	wrdreg s4  }
0xaa: {  	[dreg:$0x4] =	wrdreg $0xC0  }
0xab: {  	_ =	task [dreg:s6], $0x5FFFF  }
0xac: {  	[dreg:$0x1] =	wrdreg $0xFFFFFFFF  }
0xad: {  	[dreg:$0x0] =	wrdreg $0x60  }
0xae: {  	[dreg:$0x2] =	wrdreg s24  }
0xaf: {  	[dreg:$0x3] =	wrdreg $0x4D800  }
0xb0: {  	[dreg:$0x4] =	wrdreg $0x9  }
0xb1: {  	_ =	task.clear_ibuf [dreg:s6], $0x5FFFF;
	_ =	strace $0x90000046  }
0xb2: {  	s29 =	simm.s32 $0x9;
	_ =	strace $0x80000048  }
0xb3: {  	_ =	swait.ge [sflag:s29], $0x1  }
0xb4: {  	[sflag:s29] =	ssyncadd.s32 $0xFFFFFFFF  }
0xb5: {  	_ =	strace $0x90000048  }
0xb6: {  	_ =	sfence  }
0xb7: {  	s30 =	sld [smem:$0x0];
	_ =	sdelay $0x2  }
0xb8: {  	s31 =	sshll.u32 s1, $0xD;
	s1 =	sshrl.u32 s1, $0x2  }
0xb9: {  	s3 =	sand.u32 $0x4000, s31;
	s1 =	sadd.s32 s1, s30  }
0xba: {  	s0 =	sor.u32 s3, s0;
	s1 =	sshll.u32 s1, $0x11  }
0xbb: {  	s0 =	sor.u32 s1, s0  }
0xbc: {  	s0 =	sadd.s32 $0x8F2B, s0  }
0xbd: {  	[sflag:s0] =	ssyncadd.remote.s32 $0x1  }
0xbe: {  	_ =	sfence.sel $0xFFFF  }
0xbf: {  	[dreg:$0x0] =	wrdreg $0xFFFFFFFF;
	(pc) =	sbr.abs _section_cstart, $3  }
0xc0: {  	[dreg:$0x1] =	wrdreg $0xFFFFFFFF  }
0xc1: {  	_ =	task.clear_ibuf [dreg:s6], $0x2FFFF;
	_ =	strace $0x9FFFFFFF  }
0xc2: {  	(tm) =	ssettm $0x7FFFFFFF  }
0xc3: {  	_ =	shalt  }
tec
execute0_lowered:
.L_overlay_start_1:
0x0: {  	(tag) =	ssettag $0x1  }
0x1: {  	s0 =	rddreg [dreg:$0x0]  }
0x2: {  	s1 =	rddreg [dreg:$0x1];
	s3 =	simm.s32 $0x0  }
0x3: {  	s4 =	srdreg.scid;
	s2 =	stileid.u32;
	s16 =	simm.s32 $0x4580  }
0x4: {  	s17 =	simm.s32 $0x5;
	s18 =	simm.s32 $0x1;
	s19 =	simm.s32 $0x80  }
0x5: {  	s20 =	simm.s32 $0x180;
	s21 =	simm.s32 $0x2;
	s22 =	simm.s32 $0x3  }
0x6: {  	s23 =	simm.s32 $0x4;
	s28 =	simm.s32 $0x4180;
	s10 =	smul.u32 $0x2700, s2  }
0x7: {  	s29 =	simm.s32 $0x0;
	[smem:$0x7FF] =	sst s3;
	s6 =	smul.u32 $0x4E000, s2  }
0x8: {  	s7 =	sand.u32 $0x1, s4;
	s4 =	sadd.s32 $0x9C00, s0;
	s14 =	smul.u32 $0x2710, s2  }
0x9: {  	s0 =	sadd.s32 $0xEC00, s0;
	p0 =	seq.s32 s2, $0xF;
	s11 =	smul.u32 $0x27100, s7  }
0xa: {  	s24 =	sshll.u32 s2, $0x1;
	_ =	strace $0x80000047;
	s13 =	smul.u32 $0x138800, s7  }
0xb: {  	s5 =	ssub.s32 $0x2, s7;
	s8 =	sor.u32 s7, s24;
	s15 =	smul.u32 $0x1388, s7  }
0xc: {  	s24 =	simm.s32 $0x100;
	s9 =	sshrl.u32 s5, $0x1;
	s8 =	smul.u32 $0x1388, s8  }
0xd: {  	s25 =	sshrl.u32 s6, $0x2;
	s12 =	ssub.s32 s5, s9;
	s5 =	simm.s32 $0x28  }
0xe: {  	s7 =	sadd.s32 s25, s1;
	s10 =	sadd.s32 s10, s11;
	s26 =	sshrl.u32 s13, $0x3  }
0xf: {  	s15 =	sadd.s32 s15, s14;
	s25 =	sadd.s32 $0x138000, s1;
	s5 =	simm.s32 @!p0 $0x27  }
0x10: {  	s8 =	sshrl.u32 s8, $0x3;
	s10 =	sadd.s32 s0, s10;
	s0 =	sadd.s32 s0, s26  }
0x11: {  	s30 =	sadd.s32 $0x180, s15;
	s12 =	smax.u32 s12, $0x1;
	s15 =	sadd.s32 $0x100, s15  }
0x12: {  	p0 =	sne.s32 s2, $0xF;
	s6 =	sadd.s32 s4, s8;
	s11 =	sadd.s32 $0x27000, s0  }
0x13: {  	s31 =	sshrl.u32 s30, $0x3;
	s25 =	sshrl.u32 @!p0 s25, $0x3;
	s8 =	sadd.s32 $0x10, s6  }
0x14: {  	v0 =	vimm.f32 $0.0e+00;
	v1 =	vimm.f32 $1.000000000e+00;
	s9 =	sadd.s32 $0x270, s6;
	s13 =	sadd.s32 $0x260, s6;
	s14 =	sadd.s32 s31, s4  }
.LBB2_1:
0x15: {  	s30 =	simm.s32 $0x0;
	s31 =	simm.s32 $0x200  }
.LBB2_2:
0x16: {  	p1 =	sne.s32 s31, $0x1E00;
	[tilespmem:s30+$0x45F0] =	vst v0  }
0x17: {  	[tilespmem:s30+$0x4580] =	vst v0  }
0x18: {  	[tilespmem:s30+$0x4590] =	vst v0  }
.Ltmp0:
0x19: {  	[tilespmem:s30+$0x45A0] =	vst v0;
	(pc) =	sbr.rel @p1 .LBB2_2-.Ltmp0, $4  }
0x1a: {  	[tilespmem:s30+$0x45B0] =	vst v0  }
0x1b: {  	[tilespmem:s30+$0x45C0] =	vst v0  }
0x1c: {  	[tilespmem:s30+$0x45D0] =	vst v0  }
0x1d: {  	[tilespmem:s30+$0x45E0] =	vst v0;
	s30 =	sshra.s32 s31, $0x2;
	s31 =	sadd.s32 $0x200, s31  }
0x1e: {  	[tilespmem:s30+$0x45F0] =	vst v0  }
0x1f: {  	[tilespmem:s30+$0x4580] =	vst v0  }
0x20: {  	[tilespmem:s30+$0x4590] =	vst v0  }
0x21: {  	[tilespmem:s30+$0x45A0] =	vst v0  }
0x22: {  	[tilespmem:s30+$0x45B0] =	vst v0  }
0x23: {  	[tilespmem:s30+$0x45C0] =	vst v0  }
0x24: {  	[tilespmem:s30+$0x45D0] =	vst v0  }
0x25: {  	[tilespmem:s30+$0x45E0] =	vst v0;
	s30 =	simm.s32 $0x0;
	s31 =	simm.s32 $0x200  }
.LBB2_4:
0x26: {  	p1 =	sne.s32 s31, $0xFE00;
	[tilespmem:s30+$0x1F0] =	vst v1  }
0x27: {  	[tilespmem:s30+$0x180] =	vst v1  }
0x28: {  	[tilespmem:s30+$0x190] =	vst v1  }
.Ltmp1:
0x29: {  	[tilespmem:s30+$0x1A0] =	vst v1;
	(pc) =	sbr.rel @p1 .LBB2_4-.Ltmp1, $4  }
0x2a: {  	[tilespmem:s30+$0x1B0] =	vst v1  }
0x2b: {  	[tilespmem:s30+$0x1C0] =	vst v1  }
0x2c: {  	[tilespmem:s30+$0x1D0] =	vst v1  }
0x2d: {  	[tilespmem:s30+$0x1E0] =	vst v1;
	s30 =	sshra.s32 s31, $0x2;
	s31 =	sadd.s32 $0x200, s31  }
0x2e: {  	[tilespmem:s30+$0x1F0] =	vst v1  }
0x2f: {  	[tilespmem:s30+$0x180] =	vst v1  }
0x30: {  	[tilespmem:s30+$0x190] =	vst v1  }
0x31: {  	[tilespmem:s30+$0x1A0] =	vst v1  }
0x32: {  	[tilespmem:s30+$0x1B0] =	vst v1  }
0x33: {  	[tilespmem:s30+$0x1C0] =	vst v1  }
0x34: {  	[tilespmem:s30+$0x1D0] =	vst v1  }
0x35: {  	[tilespmem:s30+$0x1E0] =	vst v1  }
0x36: {  	[tilespmem:$0x4180] =	vst v1  }
0x37: {  	[tilespmem:$0x4190] =	vst v1  }
0x38: {  	[tilespmem:$0x41A0] =	vst v1  }
0x39: {  	[tilespmem:$0x41B0] =	vst v1  }
0x3a: {  	[tilespmem:$0x41C0] =	vst v1  }
0x3b: {  	[tilespmem:$0x41D0] =	vst v1  }
0x3c: {  	[tilespmem:$0x41E0] =	vst v1  }
0x3d: {  	[tilespmem:$0x41F0] =	vst v1  }
0x3e: {  	[tilespmem:$0x4200] =	vst v1  }
0x3f: {  	[tilespmem:$0x4210] =	vst v1  }
0x40: {  	[tilespmem:$0x4220] =	vst v1  }
0x41: {  	[tilespmem:$0x4230] =	vst v1  }
0x42: {  	[tilespmem:$0x4240] =	vst v1  }
0x43: {  	[tilespmem:$0x4250] =	vst v1  }
0x44: {  	[tilespmem:$0x4260] =	vst v1  }
0x45: {  	[tilespmem:$0x4270] =	vst v1  }
0x46: {  	[tilespmem:$0x4280] =	vst v1  }
0x47: {  	[tilespmem:$0x4290] =	vst v1  }
0x48: {  	[tilespmem:$0x42A0] =	vst v1  }
0x49: {  	[tilespmem:$0x42B0] =	vst v1  }
0x4a: {  	[tilespmem:$0x42C0] =	vst v1  }
0x4b: {  	[tilespmem:$0x42D0] =	vst v1  }
0x4c: {  	[tilespmem:$0x42E0] =	vst v1  }
0x4d: {  	[tilespmem:$0x42F0] =	vst v1  }
0x4e: {  	[tilespmem:$0x4300] =	vst v1  }
0x4f: {  	[tilespmem:$0x4310] =	vst v1  }
0x50: {  	[tilespmem:$0x4320] =	vst v1  }
0x51: {  	[tilespmem:$0x4330] =	vst v1  }
0x52: {  	[tilespmem:$0x4340] =	vst v1  }
0x53: {  	[tilespmem:$0x4350] =	vst v1  }
0x54: {  	[tilespmem:$0x4360] =	vst v1  }
0x55: {  	[tilespmem:$0x4370] =	vst v1  }
0x56: {  	[tilespmem:$0x4380] =	vst v1  }
0x57: {  	[tilespmem:$0x4390] =	vst v1  }
0x58: {  	[tilespmem:$0x43A0] =	vst v1  }
0x59: {  	[tilespmem:$0x43B0] =	vst v1  }
0x5a: {  	[tilespmem:$0x43C0] =	vst v1  }
0x5b: {  	[tilespmem:$0x43D0] =	vst v1  }
0x5c: {  	[tilespmem:$0x43E0] =	vst v1  }
0x5d: {  	[tilespmem:$0x43F0] =	vst v1  }
0x5e: {  	[tilespmem:$0x4400] =	vst v1  }
0x5f: {  	[tilespmem:$0x4410] =	vst v1  }
0x60: {  	[tilespmem:$0x4420] =	vst v1  }
0x61: {  	[tilespmem:$0x4430] =	vst v1  }
0x62: {  	[tilespmem:$0x4440] =	vst v1  }
0x63: {  	[tilespmem:$0x4450] =	vst v1  }
0x64: {  	[tilespmem:$0x4460] =	vst v1  }
0x65: {  	[tilespmem:$0x4470] =	vst v1  }
0x66: {  	[tilespmem:$0x4480] =	vst v1  }
0x67: {  	[tilespmem:$0x4490] =	vst v1  }
0x68: {  	[tilespmem:$0x44A0] =	vst v1  }
0x69: {  	[tilespmem:$0x44B0] =	vst v1  }
0x6a: {  	[tilespmem:$0x44C0] =	vst v1  }
0x6b: {  	[tilespmem:$0x44D0] =	vst v1  }
0x6c: {  	[tilespmem:$0x44E0] =	vst v1  }
0x6d: {  	[tilespmem:$0x44F0] =	vst v1  }
0x6e: {  	[tilespmem:$0x4500] =	vst v1  }
0x6f: {  	[tilespmem:$0x4510] =	vst v1  }
0x70: {  	[tilespmem:$0x4520] =	vst v1  }
0x71: {  	[tilespmem:$0x4530] =	vst v1  }
0x72: {  	[tilespmem:$0x4540] =	vst v1  }
0x73: {  	p1 =	sne.s32 s5, $0x1;
	[tilespmem:$0x4550] =	vst v1  }
.Ltmp2:
0x74: {  	[tilespmem:$0x4560] =	vst v1;
	(pc) =	sbr.rel @!p1 .LBB2_7-.Ltmp2, $4  }
0x75: {  	[tilespmem:$0x4570] =	vst v1  }
0x76: {  	[spmem:s7] =	stream.linear.scatter [tilespmem:s16], [sflag:$0x5], $0x800, $0x38;
	[tilespmem:$0x18600] =	vst v63  }
0x77: {  	_ =	swait.ge [sflag:s17], $0x800  }
0x78: {  	s30 =	sadd.s32 $0xFFFFFFFF, s5;
	s31 =	smov.u32 s7;
	[sflag:s17] =	ssyncset.done $0x0  }
.LBB2_6:
0x79: {  	p1 =	sne.s32 s30, $0x1;
	[sflag:s17] =	ssyncadd.s32 $0xFFFFF800;
	s31 =	sadd.s32 $0x800, s31  }
.Ltmp3:
0x7a: {  	s30 =	sadd.s32 $0xFFFFFFFF, s30;
	(pc) =	sbr.rel @p1 .LBB2_6-.Ltmp3, $4  }
0x7b: {  	_ = 	snop  }
0x7c: {  	[spmem:s31] =	stream.linear.scatter [tilespmem:s16], [sflag:$0x5], $0x800, $0x38;
	[tilespmem:$0x18600] =	vst v63  }
0x7d: {  	_ =	swait.ge [sflag:s17], $0x800  }
0x7e: {  	[sflag:s17] =	ssyncset.done $0x0  }
.LBB2_7:
0x7f: {  	[sflag:s17] =	ssyncadd.s32 $0xFFFFF800  }
0x80: {  	s0 =	simm.s32 $0x0;
	[bflag:$0x0] =	sbarrier.arrive $0xFFFF  }
0x81: {  	[tilespmem:s0], [sflag:$0x1] =	stream.linear.gather [hbm4b:s6+s0], $0x80, $0x38;
	[tilespmem:$0x18600] =	vst v63  }
0x82: {  	_ =	swait.ge [sflag:s18], $0x80  }
0x83: {  	[sflag:s18] =	ssyncset.done $0x0  }
0x84: {  	[sflag:s18] =	ssyncadd.s32 $0xFFFFFF80  }
0x85: {  	[spmem:s1] =	stream.indirect.scatter.add.f32 [tilespmem:s20], [sflag:$0x3], $0x80, s0, s19, $0xb8;
	[tilespmem:$0x18600] =	vst v63  }
0x86: {  	_ = 	snop  }
0x87: {  	[tilespmem:s19], [sflag:$0x2] =	stream.linear.gather [hbm4b:s8+s0], $0x80, $0x38;
	[tilespmem:$0x18600] =	vst v63  }
0x88: {  	_ =	swait.ge [sflag:s21], $0x80  }
0x89: {  	[sflag:s21] =	ssyncset.done $0x0  }
0x8a: {  	[sflag:s21] =	ssyncadd.s32 $0xFFFFFF80  }
0x8b: {  	_ =	swait.ge [sflag:s22], $0x4000  }
0x8c: {  	[sflag:s22] =	ssyncset.done $0x0  }
0x8d: {  	s26 =	sshrl.u32 s15, $0x3;
	[sflag:s22] =	ssyncadd.s32 $0xFFFFC000  }
0x8e: {  	[spmem:s1] =	stream.indirect.scatter.add.f32 [tilespmem:s20], [sflag:$0x4], $0x80, s19, s19, $0xb8;
	[tilespmem:$0x18600] =	vst v63  }
0x8f: {  	s0 =	sadd.s32 s4, s26  }
0x90: {  	[tilespmem:s3], [sflag:$0x1] =	stream.linear.gather [hbm4b:s0+s3], $0x80, $0x38;
	[tilespmem:$0x18600] =	vst v63  }
0x91: {  	_ =	swait.ge [sflag:s18], $0x80  }
0x92: {  	[sflag:s18] =	ssyncset.done $0x0  }
0x93: {  	[sflag:s18] =	ssyncadd.s32 $0xFFFFFF80  }
0x94: {  	_ =	swait.ge [sflag:s23], $0x4000  }
0x95: {  	s30 =	simm.s32 $0x20;
	[sflag:s23] =	ssyncset.done $0x0  }
0x96: {  	s31 =	sadd.s32 $0x100, s15;
	s0 =	sadd.s32 $0x0, s14;
	[sflag:s23] =	ssyncadd.s32 $0xFFFFC000  }
0x97: {  	[spmem:s1] =	stream.indirect.scatter.add.f32 [tilespmem:s20], [sflag:$0x3], $0x80, s3, s19, $0xb8;
	[tilespmem:$0x18600] =	vst v63  }
.LBB2_8:
0x98: {  	[tilespmem:s19], [sflag:$0x2] =	stream.linear.gather [hbm4b:s0+s3], $0x80, $0x38;
	[tilespmem:$0x18600] =	vst v63  }
0x99: {  	s0 =	smov.u32 s30  }
0x9a: {  	p1 =	sne.s32 s30, $0x220;
	s30 =	sadd.s32 $0x20, s30;
	_ =	swait.ge [sflag:s21], $0x80  }
0x9b: {  	[sflag:s21] =	ssyncset.done $0x0  }
0x9c: {  	[sflag:s21] =	ssyncadd.s32 $0xFFFFFF80  }
0x9d: {  	_ =	swait.ge [sflag:s22], $0x4000  }
0x9e: {  	[sflag:s22] =	ssyncset.done $0x0  }
0x9f: {  	s26 =	sshrl.u32 s31, $0x3;
	[sflag:s22] =	ssyncadd.s32 $0xFFFFC000  }
0xa0: {  	[spmem:s1] =	stream.indirect.scatter.add.f32 [tilespmem:s20], [sflag:$0x4], $0x80, s19, s19, $0xb8;
	[tilespmem:$0x18600] =	vst v63  }
0xa1: {  	s26 =	sadd.s32 s4, s26  }
0xa2: {  	[tilespmem:s3], [sflag:$0x1] =	stream.linear.gather [hbm4b:s26+s3], $0x80, $0x38;
	[tilespmem:$0x18600] =	vst v63  }
0xa3: {  	_ =	swait.ge [sflag:s18], $0x80  }
0xa4: {  	[sflag:s18] =	ssyncset.done $0x0  }
0xa5: {  	[sflag:s18] =	ssyncadd.s32 $0xFFFFFF80  }
.Ltmp4:
0xa6: {  	_ =	swait.ge [sflag:s23], $0x4000;
	(pc) =	sbr.rel @p1 .LBB2_8-.Ltmp4, $4  }
0xa7: {  	[sflag:s23] =	ssyncset.done $0x0  }
0xa8: {  	[sflag:s23] =	ssyncadd.s32 $0xFFFFC000  }
0xa9: {  	[spmem:s1] =	stream.indirect.scatter.add.f32 [tilespmem:s20], [sflag:$0x3], $0x80, s3, s19, $0xb8;
	[tilespmem:$0x18600] =	vst v63  }
0xaa: {  	s31 =	sadd.s32 $0x100, s31;
	s0 =	sadd.s32 s0, s14  }
0xab: {  	[tilespmem:s19], [sflag:$0x2] =	stream.linear.gather [hbm4b:s0+s3], $0x80, $0x38;
	[tilespmem:$0x18600] =	vst v63  }
0xac: {  	_ =	swait.ge [sflag:s21], $0x80  }
0xad: {  	[sflag:s21] =	ssyncset.done $0x0  }
0xae: {  	[sflag:s21] =	ssyncadd.s32 $0xFFFFFF80  }
0xaf: {  	_ =	swait.ge [sflag:s22], $0x4000  }
0xb0: {  	[sflag:s22] =	ssyncset.done $0x0  }
0xb1: {  	[sflag:s22] =	ssyncadd.s32 $0xFFFFC000  }
0xb2: {  	[spmem:s1] =	stream.indirect.scatter.add.f32 [tilespmem:s20], [sflag:$0x4], $0x80, s19, s19, $0xb8;
	[tilespmem:$0x18600] =	vst v63  }
0xb3: {  	_ = 	snop  }
0xb4: {  	[tilespmem:s3], [sflag:$0x1] =	stream.linear.gather [hbm4b:s13+s3], $0x80, $0x38;
	[tilespmem:$0x18600] =	vst v63  }
0xb5: {  	_ =	swait.ge [sflag:s18], $0x80  }
0xb6: {  	[sflag:s18] =	ssyncset.done $0x0  }
0xb7: {  	[sflag:s18] =	ssyncadd.s32 $0xFFFFFF80  }
0xb8: {  	_ =	swait.ge [sflag:s23], $0x4000  }
0xb9: {  	[sflag:s23] =	ssyncset.done $0x0  }
0xba: {  	[sflag:s23] =	ssyncadd.s32 $0xFFFFC000  }
0xbb: {  	[spmem:s1] =	stream.indirect.scatter.add.f32 [tilespmem:s20], [sflag:$0x3], $0x80, s3, s19, $0xb8;
	[tilespmem:$0x18600] =	vst v63  }
0xbc: {  	_ =	swait.ge [sflag:s22], $0x4000  }
0xbd: {  	[sflag:s22] =	ssyncset.done $0x0  }
0xbe: {  	[sflag:s22] =	ssyncadd.s32 $0xFFFFC000  }
0xbf: {  	[tilespmem:s24], [sflag:$0x5] =	stream.linear.gather [hbm4b:s9+s3], $0x8, $0x38;
	[tilespmem:$0x18600] =	vst v63  }
0xc0: {  	_ =	swait.ge [sflag:s17], $0x8  }
0xc1: {  	[sflag:s17] =	ssyncset.done $0x0  }
0xc2: {  	s30 =	simm.s32 $0x8;
	[sflag:s17] =	ssyncadd.s32 $0xFFFFFFF8  }
0xc3: {  	[spmem:s1] =	stream.indirect.scatter.add.f32 [tilespmem:s28], [sflag:$0x5], $0x80, s24, s30, $0xb8;
	[tilespmem:$0x18600] =	vst v63  }
0xc4: {  	_ =	swait.ge [sflag:s17], $0x400  }
0xc5: {  	[sflag:s17] =	ssyncset.done $0x0  }
0xc6: {  	s31 =	sshll.u32 s2, $0x6;
	[sflag:s17] =	ssyncadd.s32 $0xFFFFFC00  }
0xc7: {  	s26 =	sshrl.u32 s7, $0x3;
	s0 =	sor.u32 $0x1C05, s31;
	[bflag:$0x0] =	sbarrier.arrive $0xFFFF  }
0xc8: {  	[hbm:s10], [sflag:s0] =	dma.local [spmem:s26], $0x2700  }
0xc9: {  	_ =	swait.ge [sflag:s17], $0x2700  }
0xca: {  	s29 =	sadd.s32 $0x1, s29;
	[sflag:s17] =	ssyncset.done $0x0  }
0xcb: {  	p1 =	sne.s32 s29, s12;
	[sflag:s17] =	ssyncadd.s32 $0xFFFFD900  }
0xcc: {  	[hbm:s11], [sflag:s0] =	dma.local @!p0 [spmem:s25], $0x100  }
.Ltmp5:
0xcd: {  	_ = 	snop;
	(pc) =	sbr.rel @p1 .LBB2_1-.Ltmp5, $4  }
0xce: {  	s0 =	simm.s32 @!p0 $0x5  }
0xcf: {  	_ =	swait.ge @!p0 [sflag:s0], $0x100  }
0xd0: {  	[sflag:s0] =	ssyncset.done @!p0 $0x0  }
0xd1: {  	[sflag:s0] =	ssyncadd.s32 @!p0 $0xFFFFFF00  }
0xd2: {  	_ =	sfence.sel $0x180000  }
0xd3: {  	[bflag:$0x0] =	sbarrier.arrive $0xFFFF  }
0xd4: {  	_ =	strace $0x90000047  }
0xd5: {  	[bflag:$0x2] =	sbarrier.arrive $0xFFFF  }
0xd6: {  	p0 =	sne.s32 s2, $0x0;
	s0 =	rddreg [dreg:$0x2]  }
0xd7: {  	s0 =	sadd.s32 @!p0 $0x100000, s0  }
0xd8: {  	[sflag:s0] =	ssyncadd.tile.s32 @!p0 $0x1;
	_ =	shalt  }
.Lfunc_end2:
_tile_overlayer_lowered:
.L_overlay_start_2:
0xd9: {  	(tag) =	ssettag $0x2  }
0xda: {  	s0 =	rddreg [dreg:$0x0];
	s2 =	stileid.u32  }
0xdb: {  	s1 =	rddreg [dreg:$0x1];
	p0 =	sne.s32 s2, $0x0  }
0xdc: {  	s3 =	rddreg [dreg:$0x2];
	[bflag:$0x3] =	sbarrier.arrive $0xFFFF;
	s2 =	simm.s32 @!p0 $0x1C05  }
0xdd: {  	[timem:s3], [sflag:s2] =	dma.local @!p0 [hbm:s0], s1  }
0xde: {  	s0 =	simm.s32 @!p0 $0x5  }
0xdf: {  	_ =	swait.ge @!p0 [sflag:s0], s1  }
0xe0: {  	s1 =	ssub.s32 @!p0 $0x0, s1;
	[sflag:s0] =	ssyncset.done @!p0 $0x0  }
0xe1: {  	[sflag:s0] =	ssyncadd.s32 @!p0 s1  }
0xe2: {  	[bflag:$0x3] =	sbarrier.arrive $0xFFFF  }
0xe3: {  	_ =	shalt  }

</sc_bundles>
